<compile_context>
chip_gen: v7x
topology: tpu7x:2x2x1
jax: 0.10.2.dev20260603
libtpu: 0.0.44.dev20260713+nightly
codegen_flags: <defaults>
</compile_context>

<pallas_src>
import functools

import jax
import jax.numpy as jnp
import numpy as np
from jax import lax
from jax.experimental import pallas as pl
from jax.experimental.pallas import tpu as pltpu
from jax.experimental.pallas import tpu_sc as plsc

B, T, ENC, FIL = 4, 2048, 768, 256
TOK = B * T



def _ln(h, g, b):
    mu = jnp.mean(h, axis=-1, keepdims=True)
    var = jnp.mean((h - mu) ** 2, axis=-1, keepdims=True)
    return (h - mu) / jnp.sqrt(var + 1e-5) * g + b


def _shift_add(y0, y1, y2):
    z = jnp.zeros((1, y0.shape[1]), jnp.float32)
    return (y1 + jnp.concatenate([z, y0[:-1]], axis=0)
            + jnp.concatenate([y2[1:], z], axis=0))


def _conv3(h, W):
    y0 = jnp.dot(h, W[0], preferred_element_type=jnp.float32)
    y1 = jnp.dot(h, W[1], preferred_element_type=jnp.float32)
    y2 = jnp.dot(h, W[2], preferred_element_type=jnp.float32)
    return _shift_add(y0, y1, y2)


def _stage2(hh, W2, b2, g2, be2, Wo, bo):
    h2 = _conv3(hh, W2)
    h2 = jnp.maximum(h2 + b2[None, :], 0.0)
    wo = Wo[:, 0]
    gwo = g2 * wo
    sg = jnp.dot(h2, gwo[:, None], preferred_element_type=jnp.float32)[:, 0]
    mu = jnp.mean(h2, axis=-1)
    m2 = jnp.mean(h2 * h2, axis=-1)
    var = m2 - mu * mu
    return ((sg - mu * jnp.sum(gwo)) / jnp.sqrt(var + 1e-5)
            + (jnp.sum(be2 * wo) + bo[0]))


def _tc_body(x_ref,
             eW1, eb1, eg1, ebe1, eW2, eb2, eg2, ebe2, eWo, ebo,
             pW1, pb1, pg1, pbe1, pW2, pb2, pg2, pbe2, pWo, pbo,
             eout_ref, pout_ref, W1c_ref):
    @pl.when(pl.program_id(0) == 0)
    def _():
        for k in range(3):
            W1c_ref[k, :, :FIL] = eW1[k]
            W1c_ref[k, :, FIL:] = pW1[k]

    xb = x_ref[0]
    h = _conv3(xb, W1c_ref[:])
    b1 = jnp.concatenate([eb1[:], pb1[:]])
    h = jnp.maximum(h + b1[None, :], 0.0)
    he = _ln(h[:, :FIL], eg1[:][None, :], ebe1[:][None, :])
    hp = _ln(h[:, FIL:], pg1[:][None, :], pbe1[:][None, :])
    eout_ref[0, 0, :] = _stage2(he, eW2[:], eb2[:], eg2[:], ebe2[:],
                                eWo[:], ebo[:])
    pout_ref[0, 0, :] = _stage2(hp, pW2[:], pb2[:], pg2[:], pbe2[:],
                                pWo[:], pbo[:])


def _whole(shape):
    return pl.BlockSpec(shape, lambda b: (0,) * len(shape))


def _tc_predictors(x, ew, pw, *, interpret=False):
    ws = tuple(ew) + tuple(pw)
    w_specs = [_whole(w.shape) for w in ws]
    return pl.pallas_call(
        _tc_body,
        grid=(B,),
        in_specs=[pl.BlockSpec((1, T, ENC), lambda b: (b, 0, 0))] + w_specs,
        out_specs=[pl.BlockSpec((1, 1, T), lambda b: (b, 0, 0)),
                   pl.BlockSpec((1, 1, T), lambda b: (b, 0, 0))],
        out_shape=[jax.ShapeDtypeStruct((B, 1, T), jnp.float32),
                   jax.ShapeDtypeStruct((B, 1, T), jnp.float32)],
        scratch_shapes=[pltpu.VMEM((3, ENC, 2 * FIL), jnp.float32)],
        compiler_params=pltpu.CompilerParams(
            dimension_semantics=("arbitrary",)),
        interpret=interpret,
    )(x, *ws)



_NC, _NS, _L = 2, 16, 16
_NW = _NC * _NS
_TPW = TOK // _NW
_C = 16
_NCH = _TPW // _C

_ESCALE_INV = 128.0


def _quant16(e16, p16, bnd_v):
    ve = (e16 + jnp.float32(1.0)) * jnp.float32(_ESCALE_INV)
    vh = ve + jnp.float32(0.5)
    r = vh.astype(jnp.int32)
    tie = r.astype(jnp.float32) == vh
    odd = (r & 1) == 1
    r = jnp.where(tie & odd, r - 1, r)
    eq = jnp.clip(r, 0, 255)
    vp = (p16 + jnp.float32(1.0)) + jnp.float32(1.0)
    pos = jnp.zeros((16,), jnp.int32)
    for s in (128, 64, 32, 16, 8, 4, 2, 1):
        bv = plsc.load_gather(bnd_v, [pos + (s - 1)])
        pos = jnp.where(bv < vp, pos + s, pos)
    return eq, pos


def _sc_body(et_hbm, pt_hbm, x_hbm, etab_hbm, ptab_hbm, bnd_hbm, out_hbm,
             et_v, pt_v, eq_v, pq_v, bnd_v,
             x_v0, x_v1, x_v2, e_v0, e_v1, e_v2, p_v0, p_v1, p_v2,
             sem_x0, sem_x1, sem_x2, sem_e0, sem_e1, sem_e2,
             sem_p0, sem_p1, sem_p2, sem_o0, sem_o1, sem_o2):
    wid = lax.axis_index("s") * _NC + lax.axis_index("c")
    base = wid * _TPW

    pltpu.sync_copy(bnd_hbm, bnd_v)
    pltpu.sync_copy(et_hbm.at[pl.ds(base, _TPW)], et_v)
    pltpu.sync_copy(pt_hbm.at[pl.ds(base, _TPW)], pt_v)

    def qstep(v, _):
        eq, pq = _quant16(et_v[pl.ds(v * _L, _L)], pt_v[pl.ds(v * _L, _L)],
                          bnd_v)
        eq_v[v, pl.ds(0, _L)] = eq
        pq_v[v, pl.ds(0, _L)] = pq
        return _

    lax.fori_loop(0, _TPW // _L, qstep, 0, unroll=2)

    xv, ev, pv = (x_v0, x_v1, x_v2), (e_v0, e_v1, e_v2), (p_v0, p_v1, p_v2)
    semx = (sem_x0, sem_x1, sem_x2)
    seme = (sem_e0, sem_e1, sem_e2)
    semp = (sem_p0, sem_p1, sem_p2)
    semo = (sem_o0, sem_o1, sem_o2)
    _R = 3

    def issue(c):
        s = c % _R
        tok0 = base + c * _C
        return (
            pltpu.async_copy(x_hbm.at[pl.ds(tok0, _C)], xv[s], semx[s]),
            pltpu.async_copy(etab_hbm.at[eq_v.at[c]], ev[s], seme[s]),
            pltpu.async_copy(ptab_hbm.at[pq_v.at[c]], pv[s], semp[s]),
        )

    out_d = [None] * _NCH
    in_d = {0: issue(0), 1: issue(1)}
    for c in range(_NCH):
        s = c % _R
        if c + 2 < _NCH:
            if c >= 1:
                out_d[c - 1].wait()
            in_d[c + 2] = issue(c + 2)
        for dsc in in_d[c]:
            dsc.wait()
        xs, es, ps = xv[s], ev[s], pv[s]

        def radd(r, _, xs=xs, es=es, ps=ps):
            def jadd(j):
                sl = pl.ds(j * _L, _L)
                xs[r, sl] = xs[r, sl] + es[r, sl] + ps[r, sl]
            plsc.parallel_loop(0, ENC // _L, unroll=8)(jadd)
            return _

        lax.fori_loop(0, _C, radd, 0)
        out_d[c] = pltpu.async_copy(xs, out_hbm.at[pl.ds(base + c * _C, _C)],
                                    semo[s])
    out_d[_NCH - 3].wait()
    out_d[_NCH - 2].wait()
    out_d[_NCH - 1].wait()


def _sc_adapt(et, pt, xf, etab, ptab, bnd):
    mesh = plsc.VectorSubcoreMesh(core_axis_name="c", subcore_axis_name="s")
    return pl.kernel(
        _sc_body,
        out_type=jax.ShapeDtypeStruct((TOK, ENC), jnp.float32),
        mesh=mesh,
        compiler_params=pltpu.CompilerParams(needs_layout_passes=False),
        scratch_types=[
            pltpu.VMEM((_TPW,), jnp.float32),
            pltpu.VMEM((_TPW,), jnp.float32),
            pltpu.VMEM((_NCH, _C), jnp.int32),
            pltpu.VMEM((_NCH, _C), jnp.int32),
            pltpu.VMEM((256,), jnp.float32),
        ] + [pltpu.VMEM((_C, ENC), jnp.float32)] * 9
          + [pltpu.SemaphoreType.DMA] * 12,
    )(et, pt, xf, etab, ptab, bnd)


def _pitch_bounds():
    b = jnp.exp(jnp.linspace(np.log(1.0), np.log(3.0), 255)).astype(jnp.float32)
    return jnp.concatenate([b, jnp.full((1,), 1e30, jnp.float32)])




def kernel(x, energy_target, pitch_target,
           e_W1, e_b1, e_g1, e_be1, e_W2, e_b2, e_g2, e_be2, e_Wo, e_bo,
           p_W1, p_b1, p_g1, p_be1, p_W2, p_b2, p_g2, p_be2, p_Wo, p_bo,
           energy_table, pitch_table):
    ew = (e_W1, e_b1, e_g1, e_be1, e_W2, e_b2, e_g2, e_be2, e_Wo, e_bo)
    pw = (p_W1, p_b1, p_g1, p_be1, p_W2, p_b2, p_g2, p_be2, p_Wo, p_bo)
    adapted = _sc_adapt(energy_target.reshape(TOK), pitch_target.reshape(TOK),
                        x.reshape(TOK, ENC), energy_table, pitch_table,
                        _pitch_bounds())
    energy_out, pitch_out = _tc_predictors(x, ew, pw)
    energy_out = energy_out.reshape(B, T)
    pitch_out = pitch_out.reshape(B, T)
    return adapted.reshape(B, T, ENC), energy_out, pitch_out

# --- scband reference (transcript-rebuilt; emitter-appended) ---
"""Pipeline reference for scband-variance-adaptor-39659728011766 (READ-ONLY COPY).

The authoritative reference and input builder live on the scoring server;
editing this copy changes nothing except your own understanding.
"""

import jax, jax.numpy as jnp
import numpy as np

B, T, ENC, FIL = 4, 2048, 768, 256
ENERGY_MIN, ENERGY_MAX = -1.0, 1.0
PITCH_MIN, PITCH_MAX = -1.0, 1.0
ENERGY_SCALE = (ENERGY_MAX + abs(ENERGY_MIN)) / 256
ENERGY_MEAN = int(ENERGY_MAX + ENERGY_MIN) // 2
PITCH_LOGSPACE = jnp.exp(jnp.linspace(np.log(1.0), np.log(PITCH_MAX + abs(PITCH_MIN) + 1.0), 255)).astype(jnp.float32)

def _layernorm(h, g, b):
    mu = jnp.mean(h, axis=-1, keepdims=True)
    var = jnp.var(h, axis=-1, keepdims=True)
    return (h - mu) / jnp.sqrt(var + 1e-5) * g + b

def _conv1d_same(h, W):
    return jax.lax.conv_general_dilated(h, W, window_strides=(1,), padding='SAME', dimension_numbers=('NWC', 'WIO', 'NWC'))

def _predictor(x, W1, b1, g1, be1, W2, b2, g2, be2, Wo, bo):
    h = jax.nn.relu(_conv1d_same(x, W1) + b1)
    h = _layernorm(h, g1, be1)
    h = jax.nn.relu(_conv1d_same(h, W2) + b2)
    h = _layernorm(h, g2, be2)
    return h @ Wo + bo

def setup_inputs(seed: int = 0):
    key = jax.random.key(seed)
    ks = jax.random.split(key, 16)
    inp = {}
    inp['x'] = jax.random.normal(ks[0], (B, T, ENC), jnp.float32)
    inp['energy_target'] = jax.random.uniform(ks[1], (B, T), dtype=jnp.float32)
    inp['pitch_target'] = jax.random.uniform(ks[2], (B, T), dtype=jnp.float32)
    i = 3
    for pref in ('e', 'p'):
        inp[pref + '_W1'] = jax.random.normal(ks[i], (3, ENC, FIL), jnp.float32) * 0.05; i += 1
        inp[pref + '_b1'] = jnp.zeros((FIL,), jnp.float32)
        inp[pref + '_g1'] = jnp.ones((FIL,), jnp.float32)
        inp[pref + '_be1'] = jnp.zeros((FIL,), jnp.float32)
        inp[pref + '_W2'] = jax.random.normal(ks[i], (3, FIL, FIL), jnp.float32) * 0.05; i += 1
        inp[pref + '_b2'] = jnp.zeros((FIL,), jnp.float32)
        inp[pref + '_g2'] = jnp.ones((FIL,), jnp.float32)
        inp[pref + '_be2'] = jnp.zeros((FIL,), jnp.float32)
        inp[pref + '_Wo'] = jax.random.normal(ks[i], (FIL, 1), jnp.float32) * 0.05; i += 1
        inp[pref + '_bo'] = jnp.zeros((1,), jnp.float32)
    inp['energy_table'] = jax.random.normal(ks[i], (256, ENC), jnp.float32) * 0.02; i += 1
    inp['pitch_table'] = jax.random.normal(ks[i], (256, ENC), jnp.float32) * 0.02
    return inp

def reference(x, energy_target, pitch_target, e_W1, e_b1, e_g1, e_be1, e_W2, e_b2, e_g2, e_be2, e_Wo, e_bo, p_W1, p_b1, p_g1, p_be1, p_W2, p_b2, p_g2, p_be2, p_Wo, p_bo, energy_table, pitch_table):
    pitch_out = jnp.squeeze(_predictor(x, p_W1, p_b1, p_g1, p_be1, p_W2, p_b2, p_g2, p_be2, p_Wo, p_bo), -1)
    energy_out = jnp.squeeze(_predictor(x, e_W1, e_b1, e_g1, e_be1, e_W2, e_b2, e_g2, e_be2, e_Wo, e_bo), -1)
    eq = jnp.clip(jnp.round((energy_target + abs(ENERGY_MIN)) / ENERGY_SCALE) + ENERGY_MEAN, 0, 255).astype(jnp.int32)
    energy_emb = jnp.take(energy_table, eq, axis=0)
    pq = jnp.searchsorted(PITCH_LOGSPACE, pitch_target + abs(PITCH_MIN) + 1.0, side='left')
    pitch_emb = jnp.take(pitch_table, pq, axis=0)
    return (x + energy_emb + pitch_emb, energy_out, pitch_out)

if __name__ == "__main__":
    import jax
    _d = setup_inputs()
    print(jax.jit(kernel)(*tuple(_d.values())))

</pallas_src>

<mosaic_0001>
#map = affine_map<(d0, d1) -> (0)>
#map1 = affine_map<(d0, d1) -> (0, 0)>
module attributes {stable_mosaic.version = 14 : i64} {
  func.func @_sc_body(%arg0: i32, %arg1: i32, %arg2: memref<8192xf32, #tpu.memory_space<hbm>>, %arg3: memref<8192xf32, #tpu.memory_space<hbm>>, %arg4: memref<8192x768xf32, #tpu.memory_space<hbm>>, %arg5: memref<256x768xf32, #tpu.memory_space<hbm>>, %arg6: memref<256x768xf32, #tpu.memory_space<hbm>>, %arg7: memref<256xf32, #tpu.memory_space<hbm>>, %arg8: memref<8192x768xf32, #tpu.memory_space<hbm>>, %arg9: memref<256xf32, #tpu.memory_space<vmem>>, %arg10: memref<256xf32, #tpu.memory_space<vmem>>, %arg11: memref<16x16xi32, #tpu.memory_space<vmem>>, %arg12: memref<16x16xi32, #tpu.memory_space<vmem>>, %arg13: memref<256xf32, #tpu.memory_space<vmem>>, %arg14: memref<16x768xf32, #tpu.memory_space<vmem>>, %arg15: memref<16x768xf32, #tpu.memory_space<vmem>>, %arg16: memref<16x768xf32, #tpu.memory_space<vmem>>, %arg17: memref<16x768xf32, #tpu.memory_space<vmem>>, %arg18: memref<16x768xf32, #tpu.memory_space<vmem>>, %arg19: memref<16x768xf32, #tpu.memory_space<vmem>>, %arg20: memref<16x768xf32, #tpu.memory_space<vmem>>, %arg21: memref<16x768xf32, #tpu.memory_space<vmem>>, %arg22: memref<16x768xf32, #tpu.memory_space<vmem>>, %arg23: memref<!tpu.dma_semaphore, #tpu.memory_space<semaphore_mem>>, %arg24: memref<!tpu.dma_semaphore, #tpu.memory_space<semaphore_mem>>, %arg25: memref<!tpu.dma_semaphore, #tpu.memory_space<semaphore_mem>>, %arg26: memref<!tpu.dma_semaphore, #tpu.memory_space<semaphore_mem>>, %arg27: memref<!tpu.dma_semaphore, #tpu.memory_space<semaphore_mem>>, %arg28: memref<!tpu.dma_semaphore, #tpu.memory_space<semaphore_mem>>, %arg29: memref<!tpu.dma_semaphore, #tpu.memory_space<semaphore_mem>>, %arg30: memref<!tpu.dma_semaphore, #tpu.memory_space<semaphore_mem>>, %arg31: memref<!tpu.dma_semaphore, #tpu.memory_space<semaphore_mem>>, %arg32: memref<!tpu.dma_semaphore, #tpu.memory_space<semaphore_mem>>, %arg33: memref<!tpu.dma_semaphore, #tpu.memory_space<semaphore_mem>>, %arg34: memref<!tpu.dma_semaphore, #tpu.memory_space<semaphore_mem>>) attributes {dimension_semantics = [#tpu.dimension_semantics<core_parallel>, #tpu.dimension_semantics<subcore_parallel>], iteration_bounds = array<i64: 2, 16>, scalar_prefetch = 0 : i64, scratch_operands = 26 : i64, tpu.core_type = #tpu.core_type<sc_vector_subcore>, window_params = [{transform_indices = #map}, {transform_indices = #map}, {transform_indices = #map1}, {transform_indices = #map1}, {transform_indices = #map1}, {transform_indices = #map}, {transform_indices = #map1}]} {
    %mul3A = arith.constant 2 : i32
    %mul3A_0 = arith.muli %arg1, %mul3A : i32
    %add3A = arith.addi %mul3A_0, %arg0 : i32
    %mul3A_1 = arith.constant 256 : i32
    %mul3A_2 = arith.muli %add3A, %mul3A_1 : i32
    "tpu.region"() ({
      %run_scoped3A = tpu.sem_alloc : memref<!tpu.dma_semaphore, #tpu.memory_space<semaphore_mem>>
      tpu.enqueue_dma source(%arg7 : memref<256xf32, #tpu.memory_space<hbm>>) target(%arg13 : memref<256xf32, #tpu.memory_space<vmem>>) target_semaphore(%run_scoped3A : memref<!tpu.dma_semaphore, #tpu.memory_space<semaphore_mem>>)
      tpu.wait_dma2 semaphore(%run_scoped3A : memref<!tpu.dma_semaphore, #tpu.memory_space<semaphore_mem>>) src(%arg7 : memref<256xf32, #tpu.memory_space<hbm>>) dst(%arg13 : memref<256xf32, #tpu.memory_space<vmem>>)
      tpu.yield
    }) : () -> ()
    "tpu.region"() ({
      %run_scoped3A = tpu.sem_alloc : memref<!tpu.dma_semaphore, #tpu.memory_space<semaphore_mem>>
      %dma_start3A_870 = tpu.memref_slice %arg2[%mul3A_2] : memref<8192xf32, #tpu.memory_space<hbm>> -> memref<256xf32, #tpu.memory_space<hbm>>
      %dma_start3A_871 = tpu.memref_slice %arg2[%mul3A_2] : memref<8192xf32, #tpu.memory_space<hbm>> -> memref<256xf32, #tpu.memory_space<hbm>>
      tpu.enqueue_dma source(%dma_start3A_871 : memref<256xf32, #tpu.memory_space<hbm>>) target(%arg9 : memref<256xf32, #tpu.memory_space<vmem>>) target_semaphore(%run_scoped3A : memref<!tpu.dma_semaphore, #tpu.memory_space<semaphore_mem>>)
      %dma_wait3A_872 = tpu.memref_slice %arg2[%mul3A_2] : memref<8192xf32, #tpu.memory_space<hbm>> -> memref<256xf32, #tpu.memory_space<hbm>>
      %dma_wait3A_873 = tpu.memref_slice %arg2[%mul3A_2] : memref<8192xf32, #tpu.memory_space<hbm>> -> memref<256xf32, #tpu.memory_space<hbm>>
      tpu.wait_dma2 semaphore(%run_scoped3A : memref<!tpu.dma_semaphore, #tpu.memory_space<semaphore_mem>>) src(%dma_wait3A_873 : memref<256xf32, #tpu.memory_space<hbm>>) dst(%arg9 : memref<256xf32, #tpu.memory_space<vmem>>)
      tpu.yield
    }) : () -> ()
    "tpu.region"() ({
      %run_scoped3A = tpu.sem_alloc : memref<!tpu.dma_semaphore, #tpu.memory_space<semaphore_mem>>
      %dma_start3A_870 = tpu.memref_slice %arg3[%mul3A_2] : memref<8192xf32, #tpu.memory_space<hbm>> -> memref<256xf32, #tpu.memory_space<hbm>>
      %dma_start3A_871 = tpu.memref_slice %arg3[%mul3A_2] : memref<8192xf32, #tpu.memory_space<hbm>> -> memref<256xf32, #tpu.memory_space<hbm>>
      tpu.enqueue_dma source(%dma_start3A_871 : memref<256xf32, #tpu.memory_space<hbm>>) target(%arg10 : memref<256xf32, #tpu.memory_space<vmem>>) target_semaphore(%run_scoped3A : memref<!tpu.dma_semaphore, #tpu.memory_space<semaphore_mem>>)
      %dma_wait3A_872 = tpu.memref_slice %arg3[%mul3A_2] : memref<8192xf32, #tpu.memory_space<hbm>> -> memref<256xf32, #tpu.memory_space<hbm>>
      %dma_wait3A_873 = tpu.memref_slice %arg3[%mul3A_2] : memref<8192xf32, #tpu.memory_space<hbm>> -> memref<256xf32, #tpu.memory_space<hbm>>
      tpu.wait_dma2 semaphore(%run_scoped3A : memref<!tpu.dma_semaphore, #tpu.memory_space<semaphore_mem>>) src(%dma_wait3A_873 : memref<256xf32, #tpu.memory_space<hbm>>) dst(%arg10 : memref<256xf32, #tpu.memory_space<vmem>>)
      tpu.yield
    }) : () -> ()
    %scan3A = arith.constant 0 : i32
    %scan3A_3 = arith.constant 0 : i32
    %scan3A_4 = arith.constant 16 : i32
    %scan3A_5 = arith.addi %scan3A_3, %scan3A_4 : i32
    %scan3A_6 = arith.constant 2 : i32
    scf.for %scan3A_870 = %scan3A_3 to %scan3A_5 step %scan3A_6  : i32 {
      %mul3A_871 = arith.constant 16 : i32
      %mul3A_872 = arith.muli %scan3A_870, %mul3A_871 : i32
      %get3A = arith.index_cast %mul3A_872 : i32 to index
      %get3A_873 = tpu.vector_load %arg9[%get3A] {strides = array<i32>} : memref<256xf32, #tpu.memory_space<vmem>>, vector<16xf32>,
      %mul3A_874 = arith.constant 16 : i32
      %mul3A_875 = arith.muli %scan3A_870, %mul3A_874 : i32
      %get3A_876 = arith.index_cast %mul3A_875 : i32 to index
      %get3A_877 = tpu.vector_load %arg10[%get3A_876] {strides = array<i32>} : memref<256xf32, #tpu.memory_space<vmem>>, vector<16xf32>,
      %add3A_878 = arith.constant 1.000000e+00 : f32
      %add3A_879 = vector.broadcast %add3A_878 : f32 to vector<16xf32>
      %add3A_880 = arith.addf %get3A_873, %add3A_879 : vector<16xf32>
      %mul3A_881 = arith.constant 1.280000e+02 : f32
      %mul3A_882 = vector.broadcast %mul3A_881 : f32 to vector<16xf32>
      %mul3A_883 = arith.mulf %add3A_880, %mul3A_882 : vector<16xf32>
      %add3A_884 = arith.constant 5.000000e-01 : f32
      %add3A_885 = vector.broadcast %add3A_884 : f32 to vector<16xf32>
      %add3A_886 = arith.addf %mul3A_883, %add3A_885 : vector<16xf32>
      %convert_element_type3A = arith.fptosi %add3A_886 : vector<16xf32> to vector<16xi32>
      %convert_element_type3A_887 = arith.sitofp %convert_element_type3A : vector<16xi32> to vector<16xf32>
      %eq3A = arith.cmpf oeq, %convert_element_type3A_887, %add3A_886 : vector<16xf32>
      %and3A = arith.constant 1 : i32
      %and3A_888 = vector.broadcast %and3A : i32 to vector<16xi32>
      %and3A_889 = arith.andi %convert_element_type3A, %and3A_888 : vector<16xi32>
      %eq3A_890 = arith.constant 1 : i32
      %eq3A_891 = vector.broadcast %eq3A_890 : i32 to vector<16xi32>
      %eq3A_892 = arith.cmpi eq, %and3A_889, %eq3A_891 : vector<16xi32>
      %and3A_893 = arith.andi %eq3A, %eq3A_892 : vector<16xi1>
      %sub3A = arith.constant 1 : i32
      %sub3A_894 = vector.broadcast %sub3A : i32 to vector<16xi32>
      %sub3A_895 = arith.subi %convert_element_type3A, %sub3A_894 : vector<16xi32>
      %select_n3A = arith.select %and3A_893, %sub3A_895, %convert_element_type3A : vector<16xi1>, vector<16xi32>
      %jit3A = arith.constant 0 : i32
      %jit3A_896 = arith.constant 255 : i32
      %max3A = vector.broadcast %jit3A : i32 to vector<16xi32>
      %max3A_897 = arith.maxsi %max3A, %select_n3A : vector<16xi32>
      %min3A = vector.broadcast %jit3A_896 : i32 to vector<16xi32>
      %min3A_898 = arith.minsi %min3A, %max3A_897 : vector<16xi32>
      %add3A_899 = arith.constant 1.000000e+00 : f32
      %add3A_900 = vector.broadcast %add3A_899 : f32 to vector<16xf32>
      %add3A_901 = arith.addf %get3A_877, %add3A_900 : vector<16xf32>
      %add3A_902 = arith.constant 1.000000e+00 : f32
      %add3A_903 = vector.broadcast %add3A_902 : f32 to vector<16xf32>
      %add3A_904 = arith.addf %add3A_901, %add3A_903 : vector<16xf32>
      %broadcast_in_dim3A = arith.constant 0 : i32
      %broadcast_in_dim3A_905 = vector.broadcast %broadcast_in_dim3A : i32 to vector<16xi32>
      %add3A_906 = arith.constant 127 : i32
      %add3A_907 = vector.broadcast %add3A_906 : i32 to vector<16xi32>
      %add3A_908 = arith.addi %broadcast_in_dim3A_905, %add3A_907 : vector<16xi32>
      %gather3A = tpu.vector_load_idx %arg13[%add3A_908] : memref<256xf32, #tpu.memory_space<vmem>>[vector<16xi32>], vector<16xf32>,
      %lt3A = arith.cmpf olt, %gather3A, %add3A_904 : vector<16xf32>
      %add3A_909 = arith.constant 128 : i32
      %add3A_910 = vector.broadcast %add3A_909 : i32 to vector<16xi32>
      %add3A_911 = arith.addi %broadcast_in_dim3A_905, %add3A_910 : vector<16xi32>
      %select_n3A_912 = arith.select %lt3A, %add3A_911, %broadcast_in_dim3A_905 : vector<16xi1>, vector<16xi32>
      %add3A_913 = arith.constant 63 : i32
      %add3A_914 = vector.broadcast %add3A_913 : i32 to vector<16xi32>
      %add3A_915 = arith.addi %select_n3A_912, %add3A_914 : vector<16xi32>
      %gather3A_916 = tpu.vector_load_idx %arg13[%add3A_915] : memref<256xf32, #tpu.memory_space<vmem>>[vector<16xi32>], vector<16xf32>,
      %lt3A_917 = arith.cmpf olt, %gather3A_916, %add3A_904 : vector<16xf32>
      %add3A_918 = arith.constant 64 : i32
      %add3A_919 = vector.broadcast %add3A_918 : i32 to vector<16xi32>
      %add3A_920 = arith.addi %select_n3A_912, %add3A_919 : vector<16xi32>
      %select_n3A_921 = arith.select %lt3A_917, %add3A_920, %select_n3A_912 : vector<16xi1>, vector<16xi32>
      %add3A_922 = arith.constant 31 : i32
      %add3A_923 = vector.broadcast %add3A_922 : i32 to vector<16xi32>
      %add3A_924 = arith.addi %select_n3A_921, %add3A_923 : vector<16xi32>
      %gather3A_925 = tpu.vector_load_idx %arg13[%add3A_924] : memref<256xf32, #tpu.memory_space<vmem>>[vector<16xi32>], vector<16xf32>,
      %lt3A_926 = arith.cmpf olt, %gather3A_925, %add3A_904 : vector<16xf32>
      %add3A_927 = arith.constant 32 : i32
      %add3A_928 = vector.broadcast %add3A_927 : i32 to vector<16xi32>
      %add3A_929 = arith.addi %select_n3A_921, %add3A_928 : vector<16xi32>
      %select_n3A_930 = arith.select %lt3A_926, %add3A_929, %select_n3A_921 : vector<16xi1>, vector<16xi32>
      %add3A_931 = arith.constant 15 : i32
      %add3A_932 = vector.broadcast %add3A_931 : i32 to vector<16xi32>
      %add3A_933 = arith.addi %select_n3A_930, %add3A_932 : vector<16xi32>
      %gather3A_934 = tpu.vector_load_idx %arg13[%add3A_933] : memref<256xf32, #tpu.memory_space<vmem>>[vector<16xi32>], vector<16xf32>,
      %lt3A_935 = arith.cmpf olt, %gather3A_934, %add3A_904 : vector<16xf32>
      %add3A_936 = arith.constant 16 : i32
      %add3A_937 = vector.broadcast %add3A_936 : i32 to vector<16xi32>
      %add3A_938 = arith.addi %select_n3A_930, %add3A_937 : vector<16xi32>
      %select_n3A_939 = arith.select %lt3A_935, %add3A_938, %select_n3A_930 : vector<16xi1>, vector<16xi32>
      %add3A_940 = arith.constant 7 : i32
      %add3A_941 = vector.broadcast %add3A_940 : i32 to vector<16xi32>
      %add3A_942 = arith.addi %select_n3A_939, %add3A_941 : vector<16xi32>
      %gather3A_943 = tpu.vector_load_idx %arg13[%add3A_942] : memref<256xf32, #tpu.memory_space<vmem>>[vector<16xi32>], vector<16xf32>,
      %lt3A_944 = arith.cmpf olt, %gather3A_943, %add3A_904 : vector<16xf32>
      %add3A_945 = arith.constant 8 : i32
      %add3A_946 = vector.broadcast %add3A_945 : i32 to vector<16xi32>
      %add3A_947 = arith.addi %select_n3A_939, %add3A_946 : vector<16xi32>
      %select_n3A_948 = arith.select %lt3A_944, %add3A_947, %select_n3A_939 : vector<16xi1>, vector<16xi32>
      %add3A_949 = arith.constant 3 : i32
      %add3A_950 = vector.broadcast %add3A_949 : i32 to vector<16xi32>
      %add3A_951 = arith.addi %select_n3A_948, %add3A_950 : vector<16xi32>
      %gather3A_952 = tpu.vector_load_idx %arg13[%add3A_951] : memref<256xf32, #tpu.memory_space<vmem>>[vector<16xi32>], vector<16xf32>,
      %lt3A_953 = arith.cmpf olt, %gather3A_952, %add3A_904 : vector<16xf32>
      %add3A_954 = arith.constant 4 : i32
      %add3A_955 = vector.broadcast %add3A_954 : i32 to vector<16xi32>
      %add3A_956 = arith.addi %select_n3A_948, %add3A_955 : vector<16xi32>
      %select_n3A_957 = arith.select %lt3A_953, %add3A_956, %select_n3A_948 : vector<16xi1>, vector<16xi32>
      %add3A_958 = arith.constant 1 : i32
      %add3A_959 = vector.broadcast %add3A_958 : i32 to vector<16xi32>
      %add3A_960 = arith.addi %select_n3A_957, %add3A_959 : vector<16xi32>
      %gather3A_961 = tpu.vector_load_idx %arg13[%add3A_960] : memref<256xf32, #tpu.memory_space<vmem>>[vector<16xi32>], vector<16xf32>,
      %lt3A_962 = arith.cmpf olt, %gather3A_961, %add3A_904 : vector<16xf32>
      %add3A_963 = arith.constant 2 : i32
      %add3A_964 = vector.broadcast %add3A_963 : i32 to vector<16xi32>
      %add3A_965 = arith.addi %select_n3A_957, %add3A_964 : vector<16xi32>
      %select_n3A_966 = arith.select %lt3A_962, %add3A_965, %select_n3A_957 : vector<16xi1>, vector<16xi32>
      %add3A_967 = arith.constant 0 : i32
      %add3A_968 = vector.broadcast %add3A_967 : i32 to vector<16xi32>
      %add3A_969 = arith.addi %select_n3A_966, %add3A_968 : vector<16xi32>
      %gather3A_970 = tpu.vector_load_idx %arg13[%add3A_969] : memref<256xf32, #tpu.memory_space<vmem>>[vector<16xi32>], vector<16xf32>,
      %lt3A_971 = arith.cmpf olt, %gather3A_970, %add3A_904 : vector<16xf32>
      %add3A_972 = arith.constant 1 : i32
      %add3A_973 = vector.broadcast %add3A_972 : i32 to vector<16xi32>
      %add3A_974 = arith.addi %select_n3A_966, %add3A_973 : vector<16xi32>
      %select_n3A_975 = arith.select %lt3A_971, %add3A_974, %select_n3A_966 : vector<16xi1>, vector<16xi32>
      %swap3A = arith.index_cast %scan3A_870 : i32 to index
      %swap3A_976 = arith.constant 0 : index
      %swap3A_977 = tpu.vector_load %arg11[%swap3A, %swap3A_976] {strides = array<i32>} : memref<16x16xi32, #tpu.memory_space<vmem>>, vector<16xi32>,
      tpu.vector_store %arg11[%swap3A, %swap3A_976], %min3A_898 {strides = array<i32>} : memref<16x16xi32, #tpu.memory_space<vmem>>, vector<16xi32>,
      %swap3A_978 = arith.index_cast %scan3A_870 : i32 to index
      %swap3A_979 = arith.constant 0 : index
      %swap3A_980 = tpu.vector_load %arg12[%swap3A_978, %swap3A_979] {strides = array<i32>} : memref<16x16xi32, #tpu.memory_space<vmem>>, vector<16xi32>,
      tpu.vector_store %arg12[%swap3A_978, %swap3A_979], %select_n3A_975 {strides = array<i32>} : memref<16x16xi32, #tpu.memory_space<vmem>>, vector<16xi32>,
      %scan3A_981 = arith.constant 1 : i32
      %scan3A_982 = arith.addi %scan3A_870, %scan3A_981 : i32
      %mul3A_983 = arith.constant 16 : i32
      %mul3A_984 = arith.muli %scan3A_982, %mul3A_983 : i32
      %get3A_985 = arith.index_cast %mul3A_984 : i32 to index
      %get3A_986 = tpu.vector_load %arg9[%get3A_985] {strides = array<i32>} : memref<256xf32, #tpu.memory_space<vmem>>, vector<16xf32>,
      %mul3A_987 = arith.constant 16 : i32
      %mul3A_988 = arith.muli %scan3A_982, %mul3A_987 : i32
      %get3A_989 = arith.index_cast %mul3A_988 : i32 to index
      %get3A_990 = tpu.vector_load %arg10[%get3A_989] {strides = array<i32>} : memref<256xf32, #tpu.memory_space<vmem>>, vector<16xf32>,
      %add3A_991 = arith.constant 1.000000e+00 : f32
      %add3A_992 = vector.broadcast %add3A_991 : f32 to vector<16xf32>
      %add3A_993 = arith.addf %get3A_986, %add3A_992 : vector<16xf32>
      %mul3A_994 = arith.constant 1.280000e+02 : f32
      %mul3A_995 = vector.broadcast %mul3A_994 : f32 to vector<16xf32>
      %mul3A_996 = arith.mulf %add3A_993, %mul3A_995 : vector<16xf32>
      %add3A_997 = arith.constant 5.000000e-01 : f32
      %add3A_998 = vector.broadcast %add3A_997 : f32 to vector<16xf32>
      %add3A_999 = arith.addf %mul3A_996, %add3A_998 : vector<16xf32>
      %convert_element_type3A_1000 = arith.fptosi %add3A_999 : vector<16xf32> to vector<16xi32>
      %convert_element_type3A_1001 = arith.sitofp %convert_element_type3A_1000 : vector<16xi32> to vector<16xf32>
      %eq3A_1002 = arith.cmpf oeq, %convert_element_type3A_1001, %add3A_999 : vector<16xf32>
      %and3A_1003 = arith.constant 1 : i32
      %and3A_1004 = vector.broadcast %and3A_1003 : i32 to vector<16xi32>
      %and3A_1005 = arith.andi %convert_element_type3A_1000, %and3A_1004 : vector<16xi32>
      %eq3A_1006 = arith.constant 1 : i32
      %eq3A_1007 = vector.broadcast %eq3A_1006 : i32 to vector<16xi32>
      %eq3A_1008 = arith.cmpi eq, %and3A_1005, %eq3A_1007 : vector<16xi32>
      %and3A_1009 = arith.andi %eq3A_1002, %eq3A_1008 : vector<16xi1>
      %sub3A_1010 = arith.constant 1 : i32
      %sub3A_1011 = vector.broadcast %sub3A_1010 : i32 to vector<16xi32>
      %sub3A_1012 = arith.subi %convert_element_type3A_1000, %sub3A_1011 : vector<16xi32>
      %select_n3A_1013 = arith.select %and3A_1009, %sub3A_1012, %convert_element_type3A_1000 : vector<16xi1>, vector<16xi32>
      %jit3A_1014 = arith.constant 0 : i32
      %jit3A_1015 = arith.constant 255 : i32
      %max3A_1016 = vector.broadcast %jit3A_1014 : i32 to vector<16xi32>
      %max3A_1017 = arith.maxsi %max3A_1016, %select_n3A_1013 : vector<16xi32>
      %min3A_1018 = vector.broadcast %jit3A_1015 : i32 to vector<16xi32>
      %min3A_1019 = arith.minsi %min3A_1018, %max3A_1017 : vector<16xi32>
      %add3A_1020 = arith.constant 1.000000e+00 : f32
      %add3A_1021 = vector.broadcast %add3A_1020 : f32 to vector<16xf32>
      %add3A_1022 = arith.addf %get3A_990, %add3A_1021 : vector<16xf32>
      %add3A_1023 = arith.constant 1.000000e+00 : f32
      %add3A_1024 = vector.broadcast %add3A_1023 : f32 to vector<16xf32>
      %add3A_1025 = arith.addf %add3A_1022, %add3A_1024 : vector<16xf32>
      %broadcast_in_dim3A_1026 = arith.constant 0 : i32
      %broadcast_in_dim3A_1027 = vector.broadcast %broadcast_in_dim3A_1026 : i32 to vector<16xi32>
      %add3A_1028 = arith.constant 127 : i32
      %add3A_1029 = vector.broadcast %add3A_1028 : i32 to vector<16xi32>
      %add3A_1030 = arith.addi %broadcast_in_dim3A_1027, %add3A_1029 : vector<16xi32>
      %gather3A_1031 = tpu.vector_load_idx %arg13[%add3A_1030] : memref<256xf32, #tpu.memory_space<vmem>>[vector<16xi32>], vector<16xf32>,
      %lt3A_1032 = arith.cmpf olt, %gather3A_1031, %add3A_1025 : vector<16xf32>
      %add3A_1033 = arith.constant 128 : i32
      %add3A_1034 = vector.broadcast %add3A_1033 : i32 to vector<16xi32>
      %add3A_1035 = arith.addi %broadcast_in_dim3A_1027, %add3A_1034 : vector<16xi32>
      %select_n3A_1036 = arith.select %lt3A_1032, %add3A_1035, %broadcast_in_dim3A_1027 : vector<16xi1>, vector<16xi32>
      %add3A_1037 = arith.constant 63 : i32
      %add3A_1038 = vector.broadcast %add3A_1037 : i32 to vector<16xi32>
      %add3A_1039 = arith.addi %select_n3A_1036, %add3A_1038 : vector<16xi32>
      %gather3A_1040 = tpu.vector_load_idx %arg13[%add3A_1039] : memref<256xf32, #tpu.memory_space<vmem>>[vector<16xi32>], vector<16xf32>,
      %lt3A_1041 = arith.cmpf olt, %gather3A_1040, %add3A_1025 : vector<16xf32>
      %add3A_1042 = arith.constant 64 : i32
      %add3A_1043 = vector.broadcast %add3A_1042 : i32 to vector<16xi32>
      %add3A_1044 = arith.addi %select_n3A_1036, %add3A_1043 : vector<16xi32>
      %select_n3A_1045 = arith.select %lt3A_1041, %add3A_1044, %select_n3A_1036 : vector<16xi1>, vector<16xi32>
      %add3A_1046 = arith.constant 31 : i32
      %add3A_1047 = vector.broadcast %add3A_1046 : i32 to vector<16xi32>
      %add3A_1048 = arith.addi %select_n3A_1045, %add3A_1047 : vector<16xi32>
      %gather3A_1049 = tpu.vector_load_idx %arg13[%add3A_1048] : memref<256xf32, #tpu.memory_space<vmem>>[vector<16xi32>], vector<16xf32>,
      %lt3A_1050 = arith.cmpf olt, %gather3A_1049, %add3A_1025 : vector<16xf32>
      %add3A_1051 = arith.constant 32 : i32
      %add3A_1052 = vector.broadcast %add3A_1051 : i32 to vector<16xi32>
      %add3A_1053 = arith.addi %select_n3A_1045, %add3A_1052 : vector<16xi32>
      %select_n3A_1054 = arith.select %lt3A_1050, %add3A_1053, %select_n3A_1045 : vector<16xi1>, vector<16xi32>
      %add3A_1055 = arith.constant 15 : i32
      %add3A_1056 = vector.broadcast %add3A_1055 : i32 to vector<16xi32>
      %add3A_1057 = arith.addi %select_n3A_1054, %add3A_1056 : vector<16xi32>
      %gather3A_1058 = tpu.vector_load_idx %arg13[%add3A_1057] : memref<256xf32, #tpu.memory_space<vmem>>[vector<16xi32>], vector<16xf32>,
      %lt3A_1059 = arith.cmpf olt, %gather3A_1058, %add3A_1025 : vector<16xf32>
      %add3A_1060 = arith.constant 16 : i32
      %add3A_1061 = vector.broadcast %add3A_1060 : i32 to vector<16xi32>
      %add3A_1062 = arith.addi %select_n3A_1054, %add3A_1061 : vector<16xi32>
      %select_n3A_1063 = arith.select %lt3A_1059, %add3A_1062, %select_n3A_1054 : vector<16xi1>, vector<16xi32>
      %add3A_1064 = arith.constant 7 : i32
      %add3A_1065 = vector.broadcast %add3A_1064 : i32 to vector<16xi32>
      %add3A_1066 = arith.addi %select_n3A_1063, %add3A_1065 : vector<16xi32>
      %gather3A_1067 = tpu.vector_load_idx %arg13[%add3A_1066] : memref<256xf32, #tpu.memory_space<vmem>>[vector<16xi32>], vector<16xf32>,
      %lt3A_1068 = arith.cmpf olt, %gather3A_1067, %add3A_1025 : vector<16xf32>
      %add3A_1069 = arith.constant 8 : i32
      %add3A_1070 = vector.broadcast %add3A_1069 : i32 to vector<16xi32>
      %add3A_1071 = arith.addi %select_n3A_1063, %add3A_1070 : vector<16xi32>
      %select_n3A_1072 = arith.select %lt3A_1068, %add3A_1071, %select_n3A_1063 : vector<16xi1>, vector<16xi32>
      %add3A_1073 = arith.constant 3 : i32
      %add3A_1074 = vector.broadcast %add3A_1073 : i32 to vector<16xi32>
      %add3A_1075 = arith.addi %select_n3A_1072, %add3A_1074 : vector<16xi32>
      %gather3A_1076 = tpu.vector_load_idx %arg13[%add3A_1075] : memref<256xf32, #tpu.memory_space<vmem>>[vector<16xi32>], vector<16xf32>,
      %lt3A_1077 = arith.cmpf olt, %gather3A_1076, %add3A_1025 : vector<16xf32>
      %add3A_1078 = arith.constant 4 : i32
      %add3A_1079 = vector.broadcast %add3A_1078 : i32 to vector<16xi32>
      %add3A_1080 = arith.addi %select_n3A_1072, %add3A_1079 : vector<16xi32>
      %select_n3A_1081 = arith.select %lt3A_1077, %add3A_1080, %select_n3A_1072 : vector<16xi1>, vector<16xi32>
      %add3A_1082 = arith.constant 1 : i32
      %add3A_1083 = vector.broadcast %add3A_1082 : i32 to vector<16xi32>
      %add3A_1084 = arith.addi %select_n3A_1081, %add3A_1083 : vector<16xi32>
      %gather3A_1085 = tpu.vector_load_idx %arg13[%add3A_1084] : memref<256xf32, #tpu.memory_space<vmem>>[vector<16xi32>], vector<16xf32>,
      %lt3A_1086 = arith.cmpf olt, %gather3A_1085, %add3A_1025 : vector<16xf32>
      %add3A_1087 = arith.constant 2 : i32
      %add3A_1088 = vector.broadcast %add3A_1087 : i32 to vector<16xi32>
      %add3A_1089 = arith.addi %select_n3A_1081, %add3A_1088 : vector<16xi32>
      %select_n3A_1090 = arith.select %lt3A_1086, %add3A_1089, %select_n3A_1081 : vector<16xi1>, vector<16xi32>
      %add3A_1091 = arith.constant 0 : i32
      %add3A_1092 = vector.broadcast %add3A_1091 : i32 to vector<16xi32>
      %add3A_1093 = arith.addi %select_n3A_1090, %add3A_1092 : vector<16xi32>
      %gather3A_1094 = tpu.vector_load_idx %arg13[%add3A_1093] : memref<256xf32, #tpu.memory_space<vmem>>[vector<16xi32>], vector<16xf32>,
      %lt3A_1095 = arith.cmpf olt, %gather3A_1094, %add3A_1025 : vector<16xf32>
      %add3A_1096 = arith.constant 1 : i32
      %add3A_1097 = vector.broadcast %add3A_1096 : i32 to vector<16xi32>
      %add3A_1098 = arith.addi %select_n3A_1090, %add3A_1097 : vector<16xi32>
      %select_n3A_1099 = arith.select %lt3A_1095, %add3A_1098, %select_n3A_1090 : vector<16xi1>, vector<16xi32>
      %swap3A_1100 = arith.index_cast %scan3A_982 : i32 to index
      %swap3A_1101 = arith.constant 0 : index
      %swap3A_1102 = tpu.vector_load %arg11[%swap3A_1100, %swap3A_1101] {strides = array<i32>} : memref<16x16xi32, #tpu.memory_space<vmem>>, vector<16xi32>,
      tpu.vector_store %arg11[%swap3A_1100, %swap3A_1101], %min3A_1019 {strides = array<i32>} : memref<16x16xi32, #tpu.memory_space<vmem>>, vector<16xi32>,
      %swap3A_1103 = arith.index_cast %scan3A_982 : i32 to index
      %swap3A_1104 = arith.constant 0 : index
      %swap3A_1105 = tpu.vector_load %arg12[%swap3A_1103, %swap3A_1104] {strides = array<i32>} : memref<16x16xi32, #tpu.memory_space<vmem>>, vector<16xi32>,
      tpu.vector_store %arg12[%swap3A_1103, %swap3A_1104], %select_n3A_1099 {strides = array<i32>} : memref<16x16xi32, #tpu.memory_space<vmem>>, vector<16xi32>,
    }
    %scan3A_7 = arith.constant 16 : i32
    %add3A_8 = arith.constant 0 : i32
    %add3A_9 = arith.addi %mul3A_2, %add3A_8 : i32
    %dma_start3A = arith.constant 0 : i32
    %dma_start3A_10 = tpu.memref_slice %arg4[%add3A_9, %dma_start3A] : memref<8192x768xf32, #tpu.memory_space<hbm>> -> memref<16x768xf32, #tpu.memory_space<hbm>>
    %dma_start3A_11 = arith.constant 0 : i32
    %dma_start3A_12 = tpu.memref_slice %arg4[%add3A_9, %dma_start3A_11] : memref<8192x768xf32, #tpu.memory_space<hbm>> -> memref<16x768xf32, #tpu.memory_space<hbm>>
    tpu.enqueue_dma source(%dma_start3A_12 : memref<16x768xf32, #tpu.memory_space<hbm>>) target(%arg14 : memref<16x768xf32, #tpu.memory_space<vmem>>) target_semaphore(%arg23 : memref<!tpu.dma_semaphore, #tpu.memory_space<semaphore_mem>>)
    %dma_start3A_13 = arith.constant 0 : i32
    %dma_start3A_14 = arith.constant 0 : i32
    %dma_start3A_15 = tpu.memref_slice %arg11[%dma_start3A_13, %dma_start3A_14] : memref<16x16xi32, #tpu.memory_space<vmem>> -> memref<1x16xi32, #tpu.memory_space<vmem>>
    %dma_start3A_16 = tpu.memref_squeeze %dma_start3A_15 : memref<1x16xi32, #tpu.memory_space<vmem>> -> memref<16xi32, #tpu.memory_space<vmem>>
    %dma_start3A_17 = arith.constant 0 : i32
    %dma_start3A_18 = arith.constant 0 : i32
    %dma_start3A_19 = tpu.memref_slice %arg5[%dma_start3A_17, %dma_start3A_18] : memref<256x768xf32, #tpu.memory_space<hbm>> -> memref<256x768xf32, #tpu.memory_space<hbm>>
    tpu.enqueue_indirect_dma source(%dma_start3A_19 : memref<256x768xf32, #tpu.memory_space<hbm>>) target(%arg17 : memref<16x768xf32, #tpu.memory_space<vmem>>) offsets(%dma_start3A_16 : memref<16xi32, #tpu.memory_space<vmem>>) semaphore(%arg26 : memref<!tpu.dma_semaphore, #tpu.memory_space<semaphore_mem>>)
    %dma_start3A_20 = arith.constant 0 : i32
    %dma_start3A_21 = arith.constant 0 : i32
    %dma_start3A_22 = tpu.memref_slice %arg12[%dma_start3A_20, %dma_start3A_21] : memref<16x16xi32, #tpu.memory_space<vmem>> -> memref<1x16xi32, #tpu.memory_space<vmem>>
    %dma_start3A_23 = tpu.memref_squeeze %dma_start3A_22 : memref<1x16xi32, #tpu.memory_space<vmem>> -> memref<16xi32, #tpu.memory_space<vmem>>
    %dma_start3A_24 = arith.constant 0 : i32
    %dma_start3A_25 = arith.constant 0 : i32
    %dma_start3A_26 = tpu.memref_slice %arg6[%dma_start3A_24, %dma_start3A_25] : memref<256x768xf32, #tpu.memory_space<hbm>> -> memref<256x768xf32, #tpu.memory_space<hbm>>
    tpu.enqueue_indirect_dma source(%dma_start3A_26 : memref<256x768xf32, #tpu.memory_space<hbm>>) target(%arg20 : memref<16x768xf32, #tpu.memory_space<vmem>>) offsets(%dma_start3A_23 : memref<16xi32, #tpu.memory_space<vmem>>) semaphore(%arg29 : memref<!tpu.dma_semaphore, #tpu.memory_space<semaphore_mem>>)
    %add3A_27 = arith.constant 16 : i32
    %add3A_28 = arith.addi %mul3A_2, %add3A_27 : i32
    %dma_start3A_29 = arith.constant 0 : i32
    %dma_start3A_30 = tpu.memref_slice %arg4[%add3A_28, %dma_start3A_29] : memref<8192x768xf32, #tpu.memory_space<hbm>> -> memref<16x768xf32, #tpu.memory_space<hbm>>
    %dma_start3A_31 = arith.constant 0 : i32
    %dma_start3A_32 = tpu.memref_slice %arg4[%add3A_28, %dma_start3A_31] : memref<8192x768xf32, #tpu.memory_space<hbm>> -> memref<16x768xf32, #tpu.memory_space<hbm>>
    tpu.enqueue_dma source(%dma_start3A_32 : memref<16x768xf32, #tpu.memory_space<hbm>>) target(%arg15 : memref<16x768xf32, #tpu.memory_space<vmem>>) target_semaphore(%arg24 : memref<!tpu.dma_semaphore, #tpu.memory_space<semaphore_mem>>)
    %dma_start3A_33 = arith.constant 1 : i32
    %dma_start3A_34 = arith.constant 0 : i32
    %dma_start3A_35 = tpu.memref_slice %arg11[%dma_start3A_33, %dma_start3A_34] : memref<16x16xi32, #tpu.memory_space<vmem>> -> memref<1x16xi32, #tpu.memory_space<vmem>>
    %dma_start3A_36 = tpu.memref_squeeze %dma_start3A_35 : memref<1x16xi32, #tpu.memory_space<vmem>> -> memref<16xi32, #tpu.memory_space<vmem>>
    %dma_start3A_37 = arith.constant 0 : i32
    %dma_start3A_38 = arith.constant 0 : i32
    %dma_start3A_39 = tpu.memref_slice %arg5[%dma_start3A_37, %dma_start3A_38] : memref<256x768xf32, #tpu.memory_space<hbm>> -> memref<256x768xf32, #tpu.memory_space<hbm>>
    tpu.enqueue_indirect_dma source(%dma_start3A_39 : memref<256x768xf32, #tpu.memory_space<hbm>>) target(%arg18 : memref<16x768xf32, #tpu.memory_space<vmem>>) offsets(%dma_start3A_36 : memref<16xi32, #tpu.memory_space<vmem>>) semaphore(%arg27 : memref<!tpu.dma_semaphore, #tpu.memory_space<semaphore_mem>>)
    %dma_start3A_40 = arith.constant 1 : i32
    %dma_start3A_41 = arith.constant 0 : i32
    %dma_start3A_42 = tpu.memref_slice %arg12[%dma_start3A_40, %dma_start3A_41] : memref<16x16xi32, #tpu.memory_space<vmem>> -> memref<1x16xi32, #tpu.memory_space<vmem>>
    %dma_start3A_43 = tpu.memref_squeeze %dma_start3A_42 : memref<1x16xi32, #tpu.memory_space<vmem>> -> memref<16xi32, #tpu.memory_space<vmem>>
    %dma_start3A_44 = arith.constant 0 : i32
    %dma_start3A_45 = arith.constant 0 : i32
    %dma_start3A_46 = tpu.memref_slice %arg6[%dma_start3A_44, %dma_start3A_45] : memref<256x768xf32, #tpu.memory_space<hbm>> -> memref<256x768xf32, #tpu.memory_space<hbm>>
    tpu.enqueue_indirect_dma source(%dma_start3A_46 : memref<256x768xf32, #tpu.memory_space<hbm>>) target(%arg21 : memref<16x768xf32, #tpu.memory_space<vmem>>) offsets(%dma_start3A_43 : memref<16xi32, #tpu.memory_space<vmem>>) semaphore(%arg30 : memref<!tpu.dma_semaphore, #tpu.memory_space<semaphore_mem>>)
    %add3A_47 = arith.constant 32 : i32
    %add3A_48 = arith.addi %mul3A_2, %add3A_47 : i32
    %dma_start3A_49 = arith.constant 0 : i32
    %dma_start3A_50 = tpu.memref_slice %arg4[%add3A_48, %dma_start3A_49] : memref<8192x768xf32, #tpu.memory_space<hbm>> -> memref<16x768xf32, #tpu.memory_space<hbm>>
    %dma_start3A_51 = arith.constant 0 : i32
    %dma_start3A_52 = tpu.memref_slice %arg4[%add3A_48, %dma_start3A_51] : memref<8192x768xf32, #tpu.memory_space<hbm>> -> memref<16x768xf32, #tpu.memory_space<hbm>>
    tpu.enqueue_dma source(%dma_start3A_52 : memref<16x768xf32, #tpu.memory_space<hbm>>) target(%arg16 : memref<16x768xf32, #tpu.memory_space<vmem>>) target_semaphore(%arg25 : memref<!tpu.dma_semaphore, #tpu.memory_space<semaphore_mem>>)
    %dma_start3A_53 = arith.constant 2 : i32
    %dma_start3A_54 = arith.constant 0 : i32
    %dma_start3A_55 = tpu.memref_slice %arg11[%dma_start3A_53, %dma_start3A_54] : memref<16x16xi32, #tpu.memory_space<vmem>> -> memref<1x16xi32, #tpu.memory_space<vmem>>
    %dma_start3A_56 = tpu.memref_squeeze %dma_start3A_55 : memref<1x16xi32, #tpu.memory_space<vmem>> -> memref<16xi32, #tpu.memory_space<vmem>>
    %dma_start3A_57 = arith.constant 0 : i32
    %dma_start3A_58 = arith.constant 0 : i32
    %dma_start3A_59 = tpu.memref_slice %arg5[%dma_start3A_57, %dma_start3A_58] : memref<256x768xf32, #tpu.memory_space<hbm>> -> memref<256x768xf32, #tpu.memory_space<hbm>>
    tpu.enqueue_indirect_dma source(%dma_start3A_59 : memref<256x768xf32, #tpu.memory_space<hbm>>) target(%arg19 : memref<16x768xf32, #tpu.memory_space<vmem>>) offsets(%dma_start3A_56 : memref<16xi32, #tpu.memory_space<vmem>>) semaphore(%arg28 : memref<!tpu.dma_semaphore, #tpu.memory_space<semaphore_mem>>)
    %dma_start3A_60 = arith.constant 2 : i32
    %dma_start3A_61 = arith.constant 0 : i32
    %dma_start3A_62 = tpu.memref_slice %arg12[%dma_start3A_60, %dma_start3A_61] : memref<16x16xi32, #tpu.memory_space<vmem>> -> memref<1x16xi32, #tpu.memory_space<vmem>>
    %dma_start3A_63 = tpu.memref_squeeze %dma_start3A_62 : memref<1x16xi32, #tpu.memory_space<vmem>> -> memref<16xi32, #tpu.memory_space<vmem>>
    %dma_start3A_64 = arith.constant 0 : i32
    %dma_start3A_65 = arith.constant 0 : i32
    %dma_start3A_66 = tpu.memref_slice %arg6[%dma_start3A_64, %dma_start3A_65] : memref<256x768xf32, #tpu.memory_space<hbm>> -> memref<256x768xf32, #tpu.memory_space<hbm>>
    tpu.enqueue_indirect_dma source(%dma_start3A_66 : memref<256x768xf32, #tpu.memory_space<hbm>>) target(%arg22 : memref<16x768xf32, #tpu.memory_space<vmem>>) offsets(%dma_start3A_63 : memref<16xi32, #tpu.memory_space<vmem>>) semaphore(%arg31 : memref<!tpu.dma_semaphore, #tpu.memory_space<semaphore_mem>>)
    %dma_wait3A = arith.constant 0 : i32
    %dma_wait3A_67 = tpu.memref_slice %arg4[%add3A_9, %dma_wait3A] : memref<8192x768xf32, #tpu.memory_space<hbm>> -> memref<16x768xf32, #tpu.memory_space<hbm>>
    %dma_wait3A_68 = arith.constant 0 : i32
    %dma_wait3A_69 = tpu.memref_slice %arg4[%add3A_9, %dma_wait3A_68] : memref<8192x768xf32, #tpu.memory_space<hbm>> -> memref<16x768xf32, #tpu.memory_space<hbm>>
    tpu.wait_dma2 semaphore(%arg23 : memref<!tpu.dma_semaphore, #tpu.memory_space<semaphore_mem>>) src(%dma_wait3A_69 : memref<16x768xf32, #tpu.memory_space<hbm>>) dst(%arg14 : memref<16x768xf32, #tpu.memory_space<vmem>>)
    %dma_wait3A_70 = arith.constant 0 : i32
    %dma_wait3A_71 = arith.constant 0 : i32
    %dma_wait3A_72 = tpu.memref_slice %arg11[%dma_wait3A_70, %dma_wait3A_71] : memref<16x16xi32, #tpu.memory_space<vmem>> -> memref<1x16xi32, #tpu.memory_space<vmem>>
    %dma_wait3A_73 = tpu.memref_squeeze %dma_wait3A_72 : memref<1x16xi32, #tpu.memory_space<vmem>> -> memref<16xi32, #tpu.memory_space<vmem>>
    %dma_wait3A_74 = arith.constant 0 : i32
    %dma_wait3A_75 = arith.constant 0 : i32
    %dma_wait3A_76 = tpu.memref_slice %arg5[%dma_wait3A_74, %dma_wait3A_75] : memref<256x768xf32, #tpu.memory_space<hbm>> -> memref<256x768xf32, #tpu.memory_space<hbm>>
    tpu.wait_indirect_dma semaphore(%arg26 : memref<!tpu.dma_semaphore, #tpu.memory_space<semaphore_mem>>) src(%dma_wait3A_76 : memref<256x768xf32, #tpu.memory_space<hbm>>) dst(%arg17 : memref<16x768xf32, #tpu.memory_space<vmem>>)
    %dma_wait3A_77 = arith.constant 0 : i32
    %dma_wait3A_78 = arith.constant 0 : i32
    %dma_wait3A_79 = tpu.memref_slice %arg12[%dma_wait3A_77, %dma_wait3A_78] : memref<16x16xi32, #tpu.memory_space<vmem>> -> memref<1x16xi32, #tpu.memory_space<vmem>>
    %dma_wait3A_80 = tpu.memref_squeeze %dma_wait3A_79 : memref<1x16xi32, #tpu.memory_space<vmem>> -> memref<16xi32, #tpu.memory_space<vmem>>
    %dma_wait3A_81 = arith.constant 0 : i32
    %dma_wait3A_82 = arith.constant 0 : i32
    %dma_wait3A_83 = tpu.memref_slice %arg6[%dma_wait3A_81, %dma_wait3A_82] : memref<256x768xf32, #tpu.memory_space<hbm>> -> memref<256x768xf32, #tpu.memory_space<hbm>>
    tpu.wait_indirect_dma semaphore(%arg29 : memref<!tpu.dma_semaphore, #tpu.memory_space<semaphore_mem>>) src(%dma_wait3A_83 : memref<256x768xf32, #tpu.memory_space<hbm>>) dst(%arg20 : memref<16x768xf32, #tpu.memory_space<vmem>>)
    %scan3A_84 = arith.constant 0 : i32
    %scan3A_85 = arith.constant 0 : i32
    %scan3A_86 = arith.constant 16 : i32
    %scan3A_87 = arith.addi %scan3A_85, %scan3A_86 : i32
    %scan3A_88 = arith.constant 1 : i32
    scf.for %scan3A_870 = %scan3A_85 to %scan3A_87 step %scan3A_88  : i32 {
      %parallel_loop3A = arith.constant 0 : i32
      %parallel_loop3A_871 = arith.constant 48 : i32
      %parallel_loop3A_872 = arith.constant 1 : i32
      scf.for %parallel_loop3A_873 = %parallel_loop3A to %parallel_loop3A_871 step %parallel_loop3A_872  : i32 {
        %parallel_loop3A_874 = arith.constant 16 : i32
        %parallel_loop3A_875 = arith.muli %parallel_loop3A_873, %parallel_loop3A_874 : i32
        %parallel_loop3A_876 = arith.index_cast %scan3A_870 : i32 to index
        %parallel_loop3A_877 = arith.index_cast %parallel_loop3A_875 : i32 to index
        %parallel_loop3A_878 = tpu.vector_load %arg14[%parallel_loop3A_876, %parallel_loop3A_877] {strides = array<i32>} : memref<16x768xf32, #tpu.memory_space<vmem>>, vector<16xf32>,
        %parallel_loop3A_879 = arith.index_cast %scan3A_870 : i32 to index
        %parallel_loop3A_880 = arith.index_cast %parallel_loop3A_875 : i32 to index
        %parallel_loop3A_881 = tpu.vector_load %arg17[%parallel_loop3A_879, %parallel_loop3A_880] {strides = array<i32>} : memref<16x768xf32, #tpu.memory_space<vmem>>, vector<16xf32>,
        %parallel_loop3A_882 = arith.addf %parallel_loop3A_878, %parallel_loop3A_881 : vector<16xf32>
        %parallel_loop3A_883 = arith.index_cast %scan3A_870 : i32 to index
        %parallel_loop3A_884 = arith.index_cast %parallel_loop3A_875 : i32 to index
        %parallel_loop3A_885 = tpu.vector_load %arg20[%parallel_loop3A_883, %parallel_loop3A_884] {strides = array<i32>} : memref<16x768xf32, #tpu.memory_space<vmem>>, vector<16xf32>,
        %parallel_loop3A_886 = arith.addf %parallel_loop3A_882, %parallel_loop3A_885 : vector<16xf32>
        %parallel_loop3A_887 = arith.index_cast %scan3A_870 : i32 to index
        %parallel_loop3A_888 = arith.index_cast %parallel_loop3A_875 : i32 to index
        %parallel_loop3A_889 = tpu.vector_load %arg14[%parallel_loop3A_887, %parallel_loop3A_888] {strides = array<i32>} : memref<16x768xf32, #tpu.memory_space<vmem>>, vector<16xf32>,
        tpu.vector_store %arg14[%parallel_loop3A_887, %parallel_loop3A_888], %parallel_loop3A_886 {strides = array<i32>} : memref<16x768xf32, #tpu.memory_space<vmem>>, vector<16xf32>,
      } {sc.loop_unroll_factor = 8 : i64, sc.parallel_access}
    }
    %scan3A_89 = arith.constant 16 : i32
    %add3A_90 = arith.constant 0 : i32
    %add3A_91 = arith.addi %mul3A_2, %add3A_90 : i32
    %dma_start3A_92 = arith.constant 0 : i32
    %dma_start3A_93 = tpu.memref_slice %arg8[%add3A_91, %dma_start3A_92] : memref<8192x768xf32, #tpu.memory_space<hbm>> -> memref<16x768xf32, #tpu.memory_space<hbm>>
    %dma_start3A_94 = arith.constant 0 : i32
    %dma_start3A_95 = tpu.memref_slice %arg8[%add3A_91, %dma_start3A_94] : memref<8192x768xf32, #tpu.memory_space<hbm>> -> memref<16x768xf32, #tpu.memory_space<hbm>>
    tpu.enqueue_dma source(%arg14 : memref<16x768xf32, #tpu.memory_space<vmem>>) target(%dma_start3A_95 : memref<16x768xf32, #tpu.memory_space<hbm>>) target_semaphore(%arg32 : memref<!tpu.dma_semaphore, #tpu.memory_space<semaphore_mem>>)
    %dma_wait3A_96 = arith.constant 0 : i32
    %dma_wait3A_97 = tpu.memref_slice %arg8[%add3A_91, %dma_wait3A_96] : memref<8192x768xf32, #tpu.memory_space<hbm>> -> memref<16x768xf32, #tpu.memory_space<hbm>>
    %dma_wait3A_98 = arith.constant 0 : i32
    %dma_wait3A_99 = tpu.memref_slice %arg8[%add3A_91, %dma_wait3A_98] : memref<8192x768xf32, #tpu.memory_space<hbm>> -> memref<16x768xf32, #tpu.memory_space<hbm>>
    tpu.wait_dma2 semaphore(%arg32 : memref<!tpu.dma_semaphore, #tpu.memory_space<semaphore_mem>>) src(%arg14 : memref<16x768xf32, #tpu.memory_space<vmem>>) dst(%dma_wait3A_99 : memref<16x768xf32, #tpu.memory_space<hbm>>)
    %add3A_100 = arith.constant 48 : i32
    %add3A_101 = arith.addi %mul3A_2, %add3A_100 : i32
    %dma_start3A_102 = arith.constant 0 : i32
    %dma_start3A_103 = tpu.memref_slice %arg4[%add3A_101, %dma_start3A_102] : memref<8192x768xf32, #tpu.memory_space<hbm>> -> memref<16x768xf32, #tpu.memory_space<hbm>>
    %dma_start3A_104 = arith.constant 0 : i32
    %dma_start3A_105 = tpu.memref_slice %arg4[%add3A_101, %dma_start3A_104] : memref<8192x768xf32, #tpu.memory_space<hbm>> -> memref<16x768xf32, #tpu.memory_space<hbm>>
    tpu.enqueue_dma source(%dma_start3A_105 : memref<16x768xf32, #tpu.memory_space<hbm>>) target(%arg14 : memref<16x768xf32, #tpu.memory_space<vmem>>) target_semaphore(%arg23 : memref<!tpu.dma_semaphore, #tpu.memory_space<semaphore_mem>>)
    %dma_start3A_106 = arith.constant 3 : i32
    %dma_start3A_107 = arith.constant 0 : i32
    %dma_start3A_108 = tpu.memref_slice %arg11[%dma_start3A_106, %dma_start3A_107] : memref<16x16xi32, #tpu.memory_space<vmem>> -> memref<1x16xi32, #tpu.memory_space<vmem>>
    %dma_start3A_109 = tpu.memref_squeeze %dma_start3A_108 : memref<1x16xi32, #tpu.memory_space<vmem>> -> memref<16xi32, #tpu.memory_space<vmem>>
    %dma_start3A_110 = arith.constant 0 : i32
    %dma_start3A_111 = arith.constant 0 : i32
    %dma_start3A_112 = tpu.memref_slice %arg5[%dma_start3A_110, %dma_start3A_111] : memref<256x768xf32, #tpu.memory_space<hbm>> -> memref<256x768xf32, #tpu.memory_space<hbm>>
    tpu.enqueue_indirect_dma source(%dma_start3A_112 : memref<256x768xf32, #tpu.memory_space<hbm>>) target(%arg17 : memref<16x768xf32, #tpu.memory_space<vmem>>) offsets(%dma_start3A_109 : memref<16xi32, #tpu.memory_space<vmem>>) semaphore(%arg26 : memref<!tpu.dma_semaphore, #tpu.memory_space<semaphore_mem>>)
    %dma_start3A_113 = arith.constant 3 : i32
    %dma_start3A_114 = arith.constant 0 : i32
    %dma_start3A_115 = tpu.memref_slice %arg12[%dma_start3A_113, %dma_start3A_114] : memref<16x16xi32, #tpu.memory_space<vmem>> -> memref<1x16xi32, #tpu.memory_space<vmem>>
    %dma_start3A_116 = tpu.memref_squeeze %dma_start3A_115 : memref<1x16xi32, #tpu.memory_space<vmem>> -> memref<16xi32, #tpu.memory_space<vmem>>
    %dma_start3A_117 = arith.constant 0 : i32
    %dma_start3A_118 = arith.constant 0 : i32
    %dma_start3A_119 = tpu.memref_slice %arg6[%dma_start3A_117, %dma_start3A_118] : memref<256x768xf32, #tpu.memory_space<hbm>> -> memref<256x768xf32, #tpu.memory_space<hbm>>
    tpu.enqueue_indirect_dma source(%dma_start3A_119 : memref<256x768xf32, #tpu.memory_space<hbm>>) target(%arg20 : memref<16x768xf32, #tpu.memory_space<vmem>>) offsets(%dma_start3A_116 : memref<16xi32, #tpu.memory_space<vmem>>) semaphore(%arg29 : memref<!tpu.dma_semaphore, #tpu.memory_space<semaphore_mem>>)
    %dma_wait3A_120 = arith.constant 0 : i32
    %dma_wait3A_121 = tpu.memref_slice %arg4[%add3A_28, %dma_wait3A_120] : memref<8192x768xf32, #tpu.memory_space<hbm>> -> memref<16x768xf32, #tpu.memory_space<hbm>>
    %dma_wait3A_122 = arith.constant 0 : i32
    %dma_wait3A_123 = tpu.memref_slice %arg4[%add3A_28, %dma_wait3A_122] : memref<8192x768xf32, #tpu.memory_space<hbm>> -> memref<16x768xf32, #tpu.memory_space<hbm>>
    tpu.wait_dma2 semaphore(%arg24 : memref<!tpu.dma_semaphore, #tpu.memory_space<semaphore_mem>>) src(%dma_wait3A_123 : memref<16x768xf32, #tpu.memory_space<hbm>>) dst(%arg15 : memref<16x768xf32, #tpu.memory_space<vmem>>)
    %dma_wait3A_124 = arith.constant 1 : i32
    %dma_wait3A_125 = arith.constant 0 : i32
    %dma_wait3A_126 = tpu.memref_slice %arg11[%dma_wait3A_124, %dma_wait3A_125] : memref<16x16xi32, #tpu.memory_space<vmem>> -> memref<1x16xi32, #tpu.memory_space<vmem>>
    %dma_wait3A_127 = tpu.memref_squeeze %dma_wait3A_126 : memref<1x16xi32, #tpu.memory_space<vmem>> -> memref<16xi32, #tpu.memory_space<vmem>>
    %dma_wait3A_128 = arith.constant 0 : i32
    %dma_wait3A_129 = arith.constant 0 : i32
    %dma_wait3A_130 = tpu.memref_slice %arg5[%dma_wait3A_128, %dma_wait3A_129] : memref<256x768xf32, #tpu.memory_space<hbm>> -> memref<256x768xf32, #tpu.memory_space<hbm>>
    tpu.wait_indirect_dma semaphore(%arg27 : memref<!tpu.dma_semaphore, #tpu.memory_space<semaphore_mem>>) src(%dma_wait3A_130 : memref<256x768xf32, #tpu.memory_space<hbm>>) dst(%arg18 : memref<16x768xf32, #tpu.memory_space<vmem>>)
    %dma_wait3A_131 = arith.constant 1 : i32
    %dma_wait3A_132 = arith.constant 0 : i32
    %dma_wait3A_133 = tpu.memref_slice %arg12[%dma_wait3A_131, %dma_wait3A_132] : memref<16x16xi32, #tpu.memory_space<vmem>> -> memref<1x16xi32, #tpu.memory_space<vmem>>
    %dma_wait3A_134 = tpu.memref_squeeze %dma_wait3A_133 : memref<1x16xi32, #tpu.memory_space<vmem>> -> memref<16xi32, #tpu.memory_space<vmem>>
    %dma_wait3A_135 = arith.constant 0 : i32
    %dma_wait3A_136 = arith.constant 0 : i32
    %dma_wait3A_137 = tpu.memref_slice %arg6[%dma_wait3A_135, %dma_wait3A_136] : memref<256x768xf32, #tpu.memory_space<hbm>> -> memref<256x768xf32, #tpu.memory_space<hbm>>
    tpu.wait_indirect_dma semaphore(%arg30 : memref<!tpu.dma_semaphore, #tpu.memory_space<semaphore_mem>>) src(%dma_wait3A_137 : memref<256x768xf32, #tpu.memory_space<hbm>>) dst(%arg21 : memref<16x768xf32, #tpu.memory_space<vmem>>)
    %scan3A_138 = arith.constant 0 : i32
    %scan3A_139 = arith.constant 0 : i32
    %scan3A_140 = arith.constant 16 : i32
    %scan3A_141 = arith.addi %scan3A_139, %scan3A_140 : i32
    %scan3A_142 = arith.constant 1 : i32
    scf.for %scan3A_870 = %scan3A_139 to %scan3A_141 step %scan3A_142  : i32 {
      %parallel_loop3A = arith.constant 0 : i32
      %parallel_loop3A_871 = arith.constant 48 : i32
      %parallel_loop3A_872 = arith.constant 1 : i32
      scf.for %parallel_loop3A_873 = %parallel_loop3A to %parallel_loop3A_871 step %parallel_loop3A_872  : i32 {
        %parallel_loop3A_874 = arith.constant 16 : i32
        %parallel_loop3A_875 = arith.muli %parallel_loop3A_873, %parallel_loop3A_874 : i32
        %parallel_loop3A_876 = arith.index_cast %scan3A_870 : i32 to index
        %parallel_loop3A_877 = arith.index_cast %parallel_loop3A_875 : i32 to index
        %parallel_loop3A_878 = tpu.vector_load %arg15[%parallel_loop3A_876, %parallel_loop3A_877] {strides = array<i32>} : memref<16x768xf32, #tpu.memory_space<vmem>>, vector<16xf32>,
        %parallel_loop3A_879 = arith.index_cast %scan3A_870 : i32 to index
        %parallel_loop3A_880 = arith.index_cast %parallel_loop3A_875 : i32 to index
        %parallel_loop3A_881 = tpu.vector_load %arg18[%parallel_loop3A_879, %parallel_loop3A_880] {strides = array<i32>} : memref<16x768xf32, #tpu.memory_space<vmem>>, vector<16xf32>,
        %parallel_loop3A_882 = arith.addf %parallel_loop3A_878, %parallel_loop3A_881 : vector<16xf32>
        %parallel_loop3A_883 = arith.index_cast %scan3A_870 : i32 to index
        %parallel_loop3A_884 = arith.index_cast %parallel_loop3A_875 : i32 to index
        %parallel_loop3A_885 = tpu.vector_load %arg21[%parallel_loop3A_883, %parallel_loop3A_884] {strides = array<i32>} : memref<16x768xf32, #tpu.memory_space<vmem>>, vector<16xf32>,
        %parallel_loop3A_886 = arith.addf %parallel_loop3A_882, %parallel_loop3A_885 : vector<16xf32>
        %parallel_loop3A_887 = arith.index_cast %scan3A_870 : i32 to index
        %parallel_loop3A_888 = arith.index_cast %parallel_loop3A_875 : i32 to index
        %parallel_loop3A_889 = tpu.vector_load %arg15[%parallel_loop3A_887, %parallel_loop3A_888] {strides = array<i32>} : memref<16x768xf32, #tpu.memory_space<vmem>>, vector<16xf32>,
        tpu.vector_store %arg15[%parallel_loop3A_887, %parallel_loop3A_888], %parallel_loop3A_886 {strides = array<i32>} : memref<16x768xf32, #tpu.memory_space<vmem>>, vector<16xf32>,
      } {sc.loop_unroll_factor = 8 : i64, sc.parallel_access}
    }
    %scan3A_143 = arith.constant 16 : i32
    %add3A_144 = arith.constant 16 : i32
    %add3A_145 = arith.addi %mul3A_2, %add3A_144 : i32
    %dma_start3A_146 = arith.constant 0 : i32
    %dma_start3A_147 = tpu.memref_slice %arg8[%add3A_145, %dma_start3A_146] : memref<8192x768xf32, #tpu.memory_space<hbm>> -> memref<16x768xf32, #tpu.memory_space<hbm>>
    %dma_start3A_148 = arith.constant 0 : i32
    %dma_start3A_149 = tpu.memref_slice %arg8[%add3A_145, %dma_start3A_148] : memref<8192x768xf32, #tpu.memory_space<hbm>> -> memref<16x768xf32, #tpu.memory_space<hbm>>
    tpu.enqueue_dma source(%arg15 : memref<16x768xf32, #tpu.memory_space<vmem>>) target(%dma_start3A_149 : memref<16x768xf32, #tpu.memory_space<hbm>>) target_semaphore(%arg33 : memref<!tpu.dma_semaphore, #tpu.memory_space<semaphore_mem>>)
    %dma_wait3A_150 = arith.constant 0 : i32
    %dma_wait3A_151 = tpu.memref_slice %arg8[%add3A_145, %dma_wait3A_150] : memref<8192x768xf32, #tpu.memory_space<hbm>> -> memref<16x768xf32, #tpu.memory_space<hbm>>
    %dma_wait3A_152 = arith.constant 0 : i32
    %dma_wait3A_153 = tpu.memref_slice %arg8[%add3A_145, %dma_wait3A_152] : memref<8192x768xf32, #tpu.memory_space<hbm>> -> memref<16x768xf32, #tpu.memory_space<hbm>>
    tpu.wait_dma2 semaphore(%arg33 : memref<!tpu.dma_semaphore, #tpu.memory_space<semaphore_mem>>) src(%arg15 : memref<16x768xf32, #tpu.memory_space<vmem>>) dst(%dma_wait3A_153 : memref<16x768xf32, #tpu.memory_space<hbm>>)
    %add3A_154 = arith.constant 64 : i32
    %add3A_155 = arith.addi %mul3A_2, %add3A_154 : i32
    %dma_start3A_156 = arith.constant 0 : i32
    %dma_start3A_157 = tpu.memref_slice %arg4[%add3A_155, %dma_start3A_156] : memref<8192x768xf32, #tpu.memory_space<hbm>> -> memref<16x768xf32, #tpu.memory_space<hbm>>
    %dma_start3A_158 = arith.constant 0 : i32
    %dma_start3A_159 = tpu.memref_slice %arg4[%add3A_155, %dma_start3A_158] : memref<8192x768xf32, #tpu.memory_space<hbm>> -> memref<16x768xf32, #tpu.memory_space<hbm>>
    tpu.enqueue_dma source(%dma_start3A_159 : memref<16x768xf32, #tpu.memory_space<hbm>>) target(%arg15 : memref<16x768xf32, #tpu.memory_space<vmem>>) target_semaphore(%arg24 : memref<!tpu.dma_semaphore, #tpu.memory_space<semaphore_mem>>)
    %dma_start3A_160 = arith.constant 4 : i32
    %dma_start3A_161 = arith.constant 0 : i32
    %dma_start3A_162 = tpu.memref_slice %arg11[%dma_start3A_160, %dma_start3A_161] : memref<16x16xi32, #tpu.memory_space<vmem>> -> memref<1x16xi32, #tpu.memory_space<vmem>>
    %dma_start3A_163 = tpu.memref_squeeze %dma_start3A_162 : memref<1x16xi32, #tpu.memory_space<vmem>> -> memref<16xi32, #tpu.memory_space<vmem>>
    %dma_start3A_164 = arith.constant 0 : i32
    %dma_start3A_165 = arith.constant 0 : i32
    %dma_start3A_166 = tpu.memref_slice %arg5[%dma_start3A_164, %dma_start3A_165] : memref<256x768xf32, #tpu.memory_space<hbm>> -> memref<256x768xf32, #tpu.memory_space<hbm>>
    tpu.enqueue_indirect_dma source(%dma_start3A_166 : memref<256x768xf32, #tpu.memory_space<hbm>>) target(%arg18 : memref<16x768xf32, #tpu.memory_space<vmem>>) offsets(%dma_start3A_163 : memref<16xi32, #tpu.memory_space<vmem>>) semaphore(%arg27 : memref<!tpu.dma_semaphore, #tpu.memory_space<semaphore_mem>>)
    %dma_start3A_167 = arith.constant 4 : i32
    %dma_start3A_168 = arith.constant 0 : i32
    %dma_start3A_169 = tpu.memref_slice %arg12[%dma_start3A_167, %dma_start3A_168] : memref<16x16xi32, #tpu.memory_space<vmem>> -> memref<1x16xi32, #tpu.memory_space<vmem>>
    %dma_start3A_170 = tpu.memref_squeeze %dma_start3A_169 : memref<1x16xi32, #tpu.memory_space<vmem>> -> memref<16xi32, #tpu.memory_space<vmem>>
    %dma_start3A_171 = arith.constant 0 : i32
    %dma_start3A_172 = arith.constant 0 : i32
    %dma_start3A_173 = tpu.memref_slice %arg6[%dma_start3A_171, %dma_start3A_172] : memref<256x768xf32, #tpu.memory_space<hbm>> -> memref<256x768xf32, #tpu.memory_space<hbm>>
    tpu.enqueue_indirect_dma source(%dma_start3A_173 : memref<256x768xf32, #tpu.memory_space<hbm>>) target(%arg21 : memref<16x768xf32, #tpu.memory_space<vmem>>) offsets(%dma_start3A_170 : memref<16xi32, #tpu.memory_space<vmem>>) semaphore(%arg30 : memref<!tpu.dma_semaphore, #tpu.memory_space<semaphore_mem>>)
    %dma_wait3A_174 = arith.constant 0 : i32
    %dma_wait3A_175 = tpu.memref_slice %arg4[%add3A_48, %dma_wait3A_174] : memref<8192x768xf32, #tpu.memory_space<hbm>> -> memref<16x768xf32, #tpu.memory_space<hbm>>
    %dma_wait3A_176 = arith.constant 0 : i32
    %dma_wait3A_177 = tpu.memref_slice %arg4[%add3A_48, %dma_wait3A_176] : memref<8192x768xf32, #tpu.memory_space<hbm>> -> memref<16x768xf32, #tpu.memory_space<hbm>>
    tpu.wait_dma2 semaphore(%arg25 : memref<!tpu.dma_semaphore, #tpu.memory_space<semaphore_mem>>) src(%dma_wait3A_177 : memref<16x768xf32, #tpu.memory_space<hbm>>) dst(%arg16 : memref<16x768xf32, #tpu.memory_space<vmem>>)
    %dma_wait3A_178 = arith.constant 2 : i32
    %dma_wait3A_179 = arith.constant 0 : i32
    %dma_wait3A_180 = tpu.memref_slice %arg11[%dma_wait3A_178, %dma_wait3A_179] : memref<16x16xi32, #tpu.memory_space<vmem>> -> memref<1x16xi32, #tpu.memory_space<vmem>>
    %dma_wait3A_181 = tpu.memref_squeeze %dma_wait3A_180 : memref<1x16xi32, #tpu.memory_space<vmem>> -> memref<16xi32, #tpu.memory_space<vmem>>
    %dma_wait3A_182 = arith.constant 0 : i32
    %dma_wait3A_183 = arith.constant 0 : i32
    %dma_wait3A_184 = tpu.memref_slice %arg5[%dma_wait3A_182, %dma_wait3A_183] : memref<256x768xf32, #tpu.memory_space<hbm>> -> memref<256x768xf32, #tpu.memory_space<hbm>>
    tpu.wait_indirect_dma semaphore(%arg28 : memref<!tpu.dma_semaphore, #tpu.memory_space<semaphore_mem>>) src(%dma_wait3A_184 : memref<256x768xf32, #tpu.memory_space<hbm>>) dst(%arg19 : memref<16x768xf32, #tpu.memory_space<vmem>>)
    %dma_wait3A_185 = arith.constant 2 : i32
    %dma_wait3A_186 = arith.constant 0 : i32
    %dma_wait3A_187 = tpu.memref_slice %arg12[%dma_wait3A_185, %dma_wait3A_186] : memref<16x16xi32, #tpu.memory_space<vmem>> -> memref<1x16xi32, #tpu.memory_space<vmem>>
    %dma_wait3A_188 = tpu.memref_squeeze %dma_wait3A_187 : memref<1x16xi32, #tpu.memory_space<vmem>> -> memref<16xi32, #tpu.memory_space<vmem>>
    %dma_wait3A_189 = arith.constant 0 : i32
    %dma_wait3A_190 = arith.constant 0 : i32
    %dma_wait3A_191 = tpu.memref_slice %arg6[%dma_wait3A_189, %dma_wait3A_190] : memref<256x768xf32, #tpu.memory_space<hbm>> -> memref<256x768xf32, #tpu.memory_space<hbm>>
    tpu.wait_indirect_dma semaphore(%arg31 : memref<!tpu.dma_semaphore, #tpu.memory_space<semaphore_mem>>) src(%dma_wait3A_191 : memref<256x768xf32, #tpu.memory_space<hbm>>) dst(%arg22 : memref<16x768xf32, #tpu.memory_space<vmem>>)
    %scan3A_192 = arith.constant 0 : i32
    %scan3A_193 = arith.constant 0 : i32
    %scan3A_194 = arith.constant 16 : i32
    %scan3A_195 = arith.addi %scan3A_193, %scan3A_194 : i32
    %scan3A_196 = arith.constant 1 : i32
    scf.for %scan3A_870 = %scan3A_193 to %scan3A_195 step %scan3A_196  : i32 {
      %parallel_loop3A = arith.constant 0 : i32
      %parallel_loop3A_871 = arith.constant 48 : i32
      %parallel_loop3A_872 = arith.constant 1 : i32
      scf.for %parallel_loop3A_873 = %parallel_loop3A to %parallel_loop3A_871 step %parallel_loop3A_872  : i32 {
        %parallel_loop3A_874 = arith.constant 16 : i32
        %parallel_loop3A_875 = arith.muli %parallel_loop3A_873, %parallel_loop3A_874 : i32
        %parallel_loop3A_876 = arith.index_cast %scan3A_870 : i32 to index
        %parallel_loop3A_877 = arith.index_cast %parallel_loop3A_875 : i32 to index
        %parallel_loop3A_878 = tpu.vector_load %arg16[%parallel_loop3A_876, %parallel_loop3A_877] {strides = array<i32>} : memref<16x768xf32, #tpu.memory_space<vmem>>, vector<16xf32>,
        %parallel_loop3A_879 = arith.index_cast %scan3A_870 : i32 to index
        %parallel_loop3A_880 = arith.index_cast %parallel_loop3A_875 : i32 to index
        %parallel_loop3A_881 = tpu.vector_load %arg19[%parallel_loop3A_879, %parallel_loop3A_880] {strides = array<i32>} : memref<16x768xf32, #tpu.memory_space<vmem>>, vector<16xf32>,
        %parallel_loop3A_882 = arith.addf %parallel_loop3A_878, %parallel_loop3A_881 : vector<16xf32>
        %parallel_loop3A_883 = arith.index_cast %scan3A_870 : i32 to index
        %parallel_loop3A_884 = arith.index_cast %parallel_loop3A_875 : i32 to index
        %parallel_loop3A_885 = tpu.vector_load %arg22[%parallel_loop3A_883, %parallel_loop3A_884] {strides = array<i32>} : memref<16x768xf32, #tpu.memory_space<vmem>>, vector<16xf32>,
        %parallel_loop3A_886 = arith.addf %parallel_loop3A_882, %parallel_loop3A_885 : vector<16xf32>
        %parallel_loop3A_887 = arith.index_cast %scan3A_870 : i32 to index
        %parallel_loop3A_888 = arith.index_cast %parallel_loop3A_875 : i32 to index
        %parallel_loop3A_889 = tpu.vector_load %arg16[%parallel_loop3A_887, %parallel_loop3A_888] {strides = array<i32>} : memref<16x768xf32, #tpu.memory_space<vmem>>, vector<16xf32>,
        tpu.vector_store %arg16[%parallel_loop3A_887, %parallel_loop3A_888], %parallel_loop3A_886 {strides = array<i32>} : memref<16x768xf32, #tpu.memory_space<vmem>>, vector<16xf32>,
      } {sc.loop_unroll_factor = 8 : i64, sc.parallel_access}
    }
    %scan3A_197 = arith.constant 16 : i32
    %add3A_198 = arith.constant 32 : i32
    %add3A_199 = arith.addi %mul3A_2, %add3A_198 : i32
    %dma_start3A_200 = arith.constant 0 : i32
    %dma_start3A_201 = tpu.memref_slice %arg8[%add3A_199, %dma_start3A_200] : memref<8192x768xf32, #tpu.memory_space<hbm>> -> memref<16x768xf32, #tpu.memory_space<hbm>>
    %dma_start3A_202 = arith.constant 0 : i32
    %dma_start3A_203 = tpu.memref_slice %arg8[%add3A_199, %dma_start3A_202] : memref<8192x768xf32, #tpu.memory_space<hbm>> -> memref<16x768xf32, #tpu.memory_space<hbm>>
    tpu.enqueue_dma source(%arg16 : memref<16x768xf32, #tpu.memory_space<vmem>>) target(%dma_start3A_203 : memref<16x768xf32, #tpu.memory_space<hbm>>) target_semaphore(%arg34 : memref<!tpu.dma_semaphore, #tpu.memory_space<semaphore_mem>>)
    %dma_wait3A_204 = arith.constant 0 : i32
    %dma_wait3A_205 = tpu.memref_slice %arg8[%add3A_199, %dma_wait3A_204] : memref<8192x768xf32, #tpu.memory_space<hbm>> -> memref<16x768xf32, #tpu.memory_space<hbm>>
    %dma_wait3A_206 = arith.constant 0 : i32
    %dma_wait3A_207 = tpu.memref_slice %arg8[%add3A_199, %dma_wait3A_206] : memref<8192x768xf32, #tpu.memory_space<hbm>> -> memref<16x768xf32, #tpu.memory_space<hbm>>
    tpu.wait_dma2 semaphore(%arg34 : memref<!tpu.dma_semaphore, #tpu.memory_space<semaphore_mem>>) src(%arg16 : memref<16x768xf32, #tpu.memory_space<vmem>>) dst(%dma_wait3A_207 : memref<16x768xf32, #tpu.memory_space<hbm>>)
    %add3A_208 = arith.constant 80 : i32
    %add3A_209 = arith.addi %mul3A_2, %add3A_208 : i32
    %dma_start3A_210 = arith.constant 0 : i32
    %dma_start3A_211 = tpu.memref_slice %arg4[%add3A_209, %dma_start3A_210] : memref<8192x768xf32, #tpu.memory_space<hbm>> -> memref<16x768xf32, #tpu.memory_space<hbm>>
    %dma_start3A_212 = arith.constant 0 : i32
    %dma_start3A_213 = tpu.memref_slice %arg4[%add3A_209, %dma_start3A_212] : memref<8192x768xf32, #tpu.memory_space<hbm>> -> memref<16x768xf32, #tpu.memory_space<hbm>>
    tpu.enqueue_dma source(%dma_start3A_213 : memref<16x768xf32, #tpu.memory_space<hbm>>) target(%arg16 : memref<16x768xf32, #tpu.memory_space<vmem>>) target_semaphore(%arg25 : memref<!tpu.dma_semaphore, #tpu.memory_space<semaphore_mem>>)
    %dma_start3A_214 = arith.constant 5 : i32
    %dma_start3A_215 = arith.constant 0 : i32
    %dma_start3A_216 = tpu.memref_slice %arg11[%dma_start3A_214, %dma_start3A_215] : memref<16x16xi32, #tpu.memory_space<vmem>> -> memref<1x16xi32, #tpu.memory_space<vmem>>
    %dma_start3A_217 = tpu.memref_squeeze %dma_start3A_216 : memref<1x16xi32, #tpu.memory_space<vmem>> -> memref<16xi32, #tpu.memory_space<vmem>>
    %dma_start3A_218 = arith.constant 0 : i32
    %dma_start3A_219 = arith.constant 0 : i32
    %dma_start3A_220 = tpu.memref_slice %arg5[%dma_start3A_218, %dma_start3A_219] : memref<256x768xf32, #tpu.memory_space<hbm>> -> memref<256x768xf32, #tpu.memory_space<hbm>>
    tpu.enqueue_indirect_dma source(%dma_start3A_220 : memref<256x768xf32, #tpu.memory_space<hbm>>) target(%arg19 : memref<16x768xf32, #tpu.memory_space<vmem>>) offsets(%dma_start3A_217 : memref<16xi32, #tpu.memory_space<vmem>>) semaphore(%arg28 : memref<!tpu.dma_semaphore, #tpu.memory_space<semaphore_mem>>)
    %dma_start3A_221 = arith.constant 5 : i32
    %dma_start3A_222 = arith.constant 0 : i32
    %dma_start3A_223 = tpu.memref_slice %arg12[%dma_start3A_221, %dma_start3A_222] : memref<16x16xi32, #tpu.memory_space<vmem>> -> memref<1x16xi32, #tpu.memory_space<vmem>>
    %dma_start3A_224 = tpu.memref_squeeze %dma_start3A_223 : memref<1x16xi32, #tpu.memory_space<vmem>> -> memref<16xi32, #tpu.memory_space<vmem>>
    %dma_start3A_225 = arith.constant 0 : i32
    %dma_start3A_226 = arith.constant 0 : i32
    %dma_start3A_227 = tpu.memref_slice %arg6[%dma_start3A_225, %dma_start3A_226] : memref<256x768xf32, #tpu.memory_space<hbm>> -> memref<256x768xf32, #tpu.memory_space<hbm>>
    tpu.enqueue_indirect_dma source(%dma_start3A_227 : memref<256x768xf32, #tpu.memory_space<hbm>>) target(%arg22 : memref<16x768xf32, #tpu.memory_space<vmem>>) offsets(%dma_start3A_224 : memref<16xi32, #tpu.memory_space<vmem>>) semaphore(%arg31 : memref<!tpu.dma_semaphore, #tpu.memory_space<semaphore_mem>>)
    %dma_wait3A_228 = arith.constant 0 : i32
    %dma_wait3A_229 = tpu.memref_slice %arg4[%add3A_101, %dma_wait3A_228] : memref<8192x768xf32, #tpu.memory_space<hbm>> -> memref<16x768xf32, #tpu.memory_space<hbm>>
    %dma_wait3A_230 = arith.constant 0 : i32
    %dma_wait3A_231 = tpu.memref_slice %arg4[%add3A_101, %dma_wait3A_230] : memref<8192x768xf32, #tpu.memory_space<hbm>> -> memref<16x768xf32, #tpu.memory_space<hbm>>
    tpu.wait_dma2 semaphore(%arg23 : memref<!tpu.dma_semaphore, #tpu.memory_space<semaphore_mem>>) src(%dma_wait3A_231 : memref<16x768xf32, #tpu.memory_space<hbm>>) dst(%arg14 : memref<16x768xf32, #tpu.memory_space<vmem>>)
    %dma_wait3A_232 = arith.constant 3 : i32
    %dma_wait3A_233 = arith.constant 0 : i32
    %dma_wait3A_234 = tpu.memref_slice %arg11[%dma_wait3A_232, %dma_wait3A_233] : memref<16x16xi32, #tpu.memory_space<vmem>> -> memref<1x16xi32, #tpu.memory_space<vmem>>
    %dma_wait3A_235 = tpu.memref_squeeze %dma_wait3A_234 : memref<1x16xi32, #tpu.memory_space<vmem>> -> memref<16xi32, #tpu.memory_space<vmem>>
    %dma_wait3A_236 = arith.constant 0 : i32
    %dma_wait3A_237 = arith.constant 0 : i32
    %dma_wait3A_238 = tpu.memref_slice %arg5[%dma_wait3A_236, %dma_wait3A_237] : memref<256x768xf32, #tpu.memory_space<hbm>> -> memref<256x768xf32, #tpu.memory_space<hbm>>
    tpu.wait_indirect_dma semaphore(%arg26 : memref<!tpu.dma_semaphore, #tpu.memory_space<semaphore_mem>>) src(%dma_wait3A_238 : memref<256x768xf32, #tpu.memory_space<hbm>>) dst(%arg17 : memref<16x768xf32, #tpu.memory_space<vmem>>)
    %dma_wait3A_239 = arith.constant 3 : i32
    %dma_wait3A_240 = arith.constant 0 : i32
    %dma_wait3A_241 = tpu.memref_slice %arg12[%dma_wait3A_239, %dma_wait3A_240] : memref<16x16xi32, #tpu.memory_space<vmem>> -> memref<1x16xi32, #tpu.memory_space<vmem>>
    %dma_wait3A_242 = tpu.memref_squeeze %dma_wait3A_241 : memref<1x16xi32, #tpu.memory_space<vmem>> -> memref<16xi32, #tpu.memory_space<vmem>>
    %dma_wait3A_243 = arith.constant 0 : i32
    %dma_wait3A_244 = arith.constant 0 : i32
    %dma_wait3A_245 = tpu.memref_slice %arg6[%dma_wait3A_243, %dma_wait3A_244] : memref<256x768xf32, #tpu.memory_space<hbm>> -> memref<256x768xf32, #tpu.memory_space<hbm>>
    tpu.wait_indirect_dma semaphore(%arg29 : memref<!tpu.dma_semaphore, #tpu.memory_space<semaphore_mem>>) src(%dma_wait3A_245 : memref<256x768xf32, #tpu.memory_space<hbm>>) dst(%arg20 : memref<16x768xf32, #tpu.memory_space<vmem>>)
    %scan3A_246 = arith.constant 0 : i32
    %scan3A_247 = arith.constant 0 : i32
    %scan3A_248 = arith.constant 16 : i32
    %scan3A_249 = arith.addi %scan3A_247, %scan3A_248 : i32
    %scan3A_250 = arith.constant 1 : i32
    scf.for %scan3A_870 = %scan3A_247 to %scan3A_249 step %scan3A_250  : i32 {
      %parallel_loop3A = arith.constant 0 : i32
      %parallel_loop3A_871 = arith.constant 48 : i32
      %parallel_loop3A_872 = arith.constant 1 : i32
      scf.for %parallel_loop3A_873 = %parallel_loop3A to %parallel_loop3A_871 step %parallel_loop3A_872  : i32 {
        %parallel_loop3A_874 = arith.constant 16 : i32
        %parallel_loop3A_875 = arith.muli %parallel_loop3A_873, %parallel_loop3A_874 : i32
        %parallel_loop3A_876 = arith.index_cast %scan3A_870 : i32 to index
        %parallel_loop3A_877 = arith.index_cast %parallel_loop3A_875 : i32 to index
        %parallel_loop3A_878 = tpu.vector_load %arg14[%parallel_loop3A_876, %parallel_loop3A_877] {strides = array<i32>} : memref<16x768xf32, #tpu.memory_space<vmem>>, vector<16xf32>,
        %parallel_loop3A_879 = arith.index_cast %scan3A_870 : i32 to index
        %parallel_loop3A_880 = arith.index_cast %parallel_loop3A_875 : i32 to index
        %parallel_loop3A_881 = tpu.vector_load %arg17[%parallel_loop3A_879, %parallel_loop3A_880] {strides = array<i32>} : memref<16x768xf32, #tpu.memory_space<vmem>>, vector<16xf32>,
        %parallel_loop3A_882 = arith.addf %parallel_loop3A_878, %parallel_loop3A_881 : vector<16xf32>
        %parallel_loop3A_883 = arith.index_cast %scan3A_870 : i32 to index
        %parallel_loop3A_884 = arith.index_cast %parallel_loop3A_875 : i32 to index
        %parallel_loop3A_885 = tpu.vector_load %arg20[%parallel_loop3A_883, %parallel_loop3A_884] {strides = array<i32>} : memref<16x768xf32, #tpu.memory_space<vmem>>, vector<16xf32>,
        %parallel_loop3A_886 = arith.addf %parallel_loop3A_882, %parallel_loop3A_885 : vector<16xf32>
        %parallel_loop3A_887 = arith.index_cast %scan3A_870 : i32 to index
        %parallel_loop3A_888 = arith.index_cast %parallel_loop3A_875 : i32 to index
        %parallel_loop3A_889 = tpu.vector_load %arg14[%parallel_loop3A_887, %parallel_loop3A_888] {strides = array<i32>} : memref<16x768xf32, #tpu.memory_space<vmem>>, vector<16xf32>,
        tpu.vector_store %arg14[%parallel_loop3A_887, %parallel_loop3A_888], %parallel_loop3A_886 {strides = array<i32>} : memref<16x768xf32, #tpu.memory_space<vmem>>, vector<16xf32>,
      } {sc.loop_unroll_factor = 8 : i64, sc.parallel_access}
    }
    %scan3A_251 = arith.constant 16 : i32
    %add3A_252 = arith.constant 48 : i32
    %add3A_253 = arith.addi %mul3A_2, %add3A_252 : i32
    %dma_start3A_254 = arith.constant 0 : i32
    %dma_start3A_255 = tpu.memref_slice %arg8[%add3A_253, %dma_start3A_254] : memref<8192x768xf32, #tpu.memory_space<hbm>> -> memref<16x768xf32, #tpu.memory_space<hbm>>
    %dma_start3A_256 = arith.constant 0 : i32
    %dma_start3A_257 = tpu.memref_slice %arg8[%add3A_253, %dma_start3A_256] : memref<8192x768xf32, #tpu.memory_space<hbm>> -> memref<16x768xf32, #tpu.memory_space<hbm>>
    tpu.enqueue_dma source(%arg14 : memref<16x768xf32, #tpu.memory_space<vmem>>) target(%dma_start3A_257 : memref<16x768xf32, #tpu.memory_space<hbm>>) target_semaphore(%arg32 : memref<!tpu.dma_semaphore, #tpu.memory_space<semaphore_mem>>)
    %dma_wait3A_258 = arith.constant 0 : i32
    %dma_wait3A_259 = tpu.memref_slice %arg8[%add3A_253, %dma_wait3A_258] : memref<8192x768xf32, #tpu.memory_space<hbm>> -> memref<16x768xf32, #tpu.memory_space<hbm>>
    %dma_wait3A_260 = arith.constant 0 : i32
    %dma_wait3A_261 = tpu.memref_slice %arg8[%add3A_253, %dma_wait3A_260] : memref<8192x768xf32, #tpu.memory_space<hbm>> -> memref<16x768xf32, #tpu.memory_space<hbm>>
    tpu.wait_dma2 semaphore(%arg32 : memref<!tpu.dma_semaphore, #tpu.memory_space<semaphore_mem>>) src(%arg14 : memref<16x768xf32, #tpu.memory_space<vmem>>) dst(%dma_wait3A_261 : memref<16x768xf32, #tpu.memory_space<hbm>>)
    %add3A_262 = arith.constant 96 : i32
    %add3A_263 = arith.addi %mul3A_2, %add3A_262 : i32
    %dma_start3A_264 = arith.constant 0 : i32
    %dma_start3A_265 = tpu.memref_slice %arg4[%add3A_263, %dma_start3A_264] : memref<8192x768xf32, #tpu.memory_space<hbm>> -> memref<16x768xf32, #tpu.memory_space<hbm>>
    %dma_start3A_266 = arith.constant 0 : i32
    %dma_start3A_267 = tpu.memref_slice %arg4[%add3A_263, %dma_start3A_266] : memref<8192x768xf32, #tpu.memory_space<hbm>> -> memref<16x768xf32, #tpu.memory_space<hbm>>
    tpu.enqueue_dma source(%dma_start3A_267 : memref<16x768xf32, #tpu.memory_space<hbm>>) target(%arg14 : memref<16x768xf32, #tpu.memory_space<vmem>>) target_semaphore(%arg23 : memref<!tpu.dma_semaphore, #tpu.memory_space<semaphore_mem>>)
    %dma_start3A_268 = arith.constant 6 : i32
    %dma_start3A_269 = arith.constant 0 : i32
    %dma_start3A_270 = tpu.memref_slice %arg11[%dma_start3A_268, %dma_start3A_269] : memref<16x16xi32, #tpu.memory_space<vmem>> -> memref<1x16xi32, #tpu.memory_space<vmem>>
    %dma_start3A_271 = tpu.memref_squeeze %dma_start3A_270 : memref<1x16xi32, #tpu.memory_space<vmem>> -> memref<16xi32, #tpu.memory_space<vmem>>
    %dma_start3A_272 = arith.constant 0 : i32
    %dma_start3A_273 = arith.constant 0 : i32
    %dma_start3A_274 = tpu.memref_slice %arg5[%dma_start3A_272, %dma_start3A_273] : memref<256x768xf32, #tpu.memory_space<hbm>> -> memref<256x768xf32, #tpu.memory_space<hbm>>
    tpu.enqueue_indirect_dma source(%dma_start3A_274 : memref<256x768xf32, #tpu.memory_space<hbm>>) target(%arg17 : memref<16x768xf32, #tpu.memory_space<vmem>>) offsets(%dma_start3A_271 : memref<16xi32, #tpu.memory_space<vmem>>) semaphore(%arg26 : memref<!tpu.dma_semaphore, #tpu.memory_space<semaphore_mem>>)
    %dma_start3A_275 = arith.constant 6 : i32
    %dma_start3A_276 = arith.constant 0 : i32
    %dma_start3A_277 = tpu.memref_slice %arg12[%dma_start3A_275, %dma_start3A_276] : memref<16x16xi32, #tpu.memory_space<vmem>> -> memref<1x16xi32, #tpu.memory_space<vmem>>
    %dma_start3A_278 = tpu.memref_squeeze %dma_start3A_277 : memref<1x16xi32, #tpu.memory_space<vmem>> -> memref<16xi32, #tpu.memory_space<vmem>>
    %dma_start3A_279 = arith.constant 0 : i32
    %dma_start3A_280 = arith.constant 0 : i32
    %dma_start3A_281 = tpu.memref_slice %arg6[%dma_start3A_279, %dma_start3A_280] : memref<256x768xf32, #tpu.memory_space<hbm>> -> memref<256x768xf32, #tpu.memory_space<hbm>>
    tpu.enqueue_indirect_dma source(%dma_start3A_281 : memref<256x768xf32, #tpu.memory_space<hbm>>) target(%arg20 : memref<16x768xf32, #tpu.memory_space<vmem>>) offsets(%dma_start3A_278 : memref<16xi32, #tpu.memory_space<vmem>>) semaphore(%arg29 : memref<!tpu.dma_semaphore, #tpu.memory_space<semaphore_mem>>)
    %dma_wait3A_282 = arith.constant 0 : i32
    %dma_wait3A_283 = tpu.memref_slice %arg4[%add3A_155, %dma_wait3A_282] : memref<8192x768xf32, #tpu.memory_space<hbm>> -> memref<16x768xf32, #tpu.memory_space<hbm>>
    %dma_wait3A_284 = arith.constant 0 : i32
    %dma_wait3A_285 = tpu.memref_slice %arg4[%add3A_155, %dma_wait3A_284] : memref<8192x768xf32, #tpu.memory_space<hbm>> -> memref<16x768xf32, #tpu.memory_space<hbm>>
    tpu.wait_dma2 semaphore(%arg24 : memref<!tpu.dma_semaphore, #tpu.memory_space<semaphore_mem>>) src(%dma_wait3A_285 : memref<16x768xf32, #tpu.memory_space<hbm>>) dst(%arg15 : memref<16x768xf32, #tpu.memory_space<vmem>>)
    %dma_wait3A_286 = arith.constant 4 : i32
    %dma_wait3A_287 = arith.constant 0 : i32
    %dma_wait3A_288 = tpu.memref_slice %arg11[%dma_wait3A_286, %dma_wait3A_287] : memref<16x16xi32, #tpu.memory_space<vmem>> -> memref<1x16xi32, #tpu.memory_space<vmem>>
    %dma_wait3A_289 = tpu.memref_squeeze %dma_wait3A_288 : memref<1x16xi32, #tpu.memory_space<vmem>> -> memref<16xi32, #tpu.memory_space<vmem>>
    %dma_wait3A_290 = arith.constant 0 : i32
    %dma_wait3A_291 = arith.constant 0 : i32
    %dma_wait3A_292 = tpu.memref_slice %arg5[%dma_wait3A_290, %dma_wait3A_291] : memref<256x768xf32, #tpu.memory_space<hbm>> -> memref<256x768xf32, #tpu.memory_space<hbm>>
    tpu.wait_indirect_dma semaphore(%arg27 : memref<!tpu.dma_semaphore, #tpu.memory_space<semaphore_mem>>) src(%dma_wait3A_292 : memref<256x768xf32, #tpu.memory_space<hbm>>) dst(%arg18 : memref<16x768xf32, #tpu.memory_space<vmem>>)
    %dma_wait3A_293 = arith.constant 4 : i32
    %dma_wait3A_294 = arith.constant 0 : i32
    %dma_wait3A_295 = tpu.memref_slice %arg12[%dma_wait3A_293, %dma_wait3A_294] : memref<16x16xi32, #tpu.memory_space<vmem>> -> memref<1x16xi32, #tpu.memory_space<vmem>>
    %dma_wait3A_296 = tpu.memref_squeeze %dma_wait3A_295 : memref<1x16xi32, #tpu.memory_space<vmem>> -> memref<16xi32, #tpu.memory_space<vmem>>
    %dma_wait3A_297 = arith.constant 0 : i32
    %dma_wait3A_298 = arith.constant 0 : i32
    %dma_wait3A_299 = tpu.memref_slice %arg6[%dma_wait3A_297, %dma_wait3A_298] : memref<256x768xf32, #tpu.memory_space<hbm>> -> memref<256x768xf32, #tpu.memory_space<hbm>>
    tpu.wait_indirect_dma semaphore(%arg30 : memref<!tpu.dma_semaphore, #tpu.memory_space<semaphore_mem>>) src(%dma_wait3A_299 : memref<256x768xf32, #tpu.memory_space<hbm>>) dst(%arg21 : memref<16x768xf32, #tpu.memory_space<vmem>>)
    %scan3A_300 = arith.constant 0 : i32
    %scan3A_301 = arith.constant 0 : i32
    %scan3A_302 = arith.constant 16 : i32
    %scan3A_303 = arith.addi %scan3A_301, %scan3A_302 : i32
    %scan3A_304 = arith.constant 1 : i32
    scf.for %scan3A_870 = %scan3A_301 to %scan3A_303 step %scan3A_304  : i32 {
      %parallel_loop3A = arith.constant 0 : i32
      %parallel_loop3A_871 = arith.constant 48 : i32
      %parallel_loop3A_872 = arith.constant 1 : i32
      scf.for %parallel_loop3A_873 = %parallel_loop3A to %parallel_loop3A_871 step %parallel_loop3A_872  : i32 {
        %parallel_loop3A_874 = arith.constant 16 : i32
        %parallel_loop3A_875 = arith.muli %parallel_loop3A_873, %parallel_loop3A_874 : i32
        %parallel_loop3A_876 = arith.index_cast %scan3A_870 : i32 to index
        %parallel_loop3A_877 = arith.index_cast %parallel_loop3A_875 : i32 to index
        %parallel_loop3A_878 = tpu.vector_load %arg15[%parallel_loop3A_876, %parallel_loop3A_877] {strides = array<i32>} : memref<16x768xf32, #tpu.memory_space<vmem>>, vector<16xf32>,
        %parallel_loop3A_879 = arith.index_cast %scan3A_870 : i32 to index
        %parallel_loop3A_880 = arith.index_cast %parallel_loop3A_875 : i32 to index
        %parallel_loop3A_881 = tpu.vector_load %arg18[%parallel_loop3A_879, %parallel_loop3A_880] {strides = array<i32>} : memref<16x768xf32, #tpu.memory_space<vmem>>, vector<16xf32>,
        %parallel_loop3A_882 = arith.addf %parallel_loop3A_878, %parallel_loop3A_881 : vector<16xf32>
        %parallel_loop3A_883 = arith.index_cast %scan3A_870 : i32 to index
        %parallel_loop3A_884 = arith.index_cast %parallel_loop3A_875 : i32 to index
        %parallel_loop3A_885 = tpu.vector_load %arg21[%parallel_loop3A_883, %parallel_loop3A_884] {strides = array<i32>} : memref<16x768xf32, #tpu.memory_space<vmem>>, vector<16xf32>,
        %parallel_loop3A_886 = arith.addf %parallel_loop3A_882, %parallel_loop3A_885 : vector<16xf32>
        %parallel_loop3A_887 = arith.index_cast %scan3A_870 : i32 to index
        %parallel_loop3A_888 = arith.index_cast %parallel_loop3A_875 : i32 to index
        %parallel_loop3A_889 = tpu.vector_load %arg15[%parallel_loop3A_887, %parallel_loop3A_888] {strides = array<i32>} : memref<16x768xf32, #tpu.memory_space<vmem>>, vector<16xf32>,
        tpu.vector_store %arg15[%parallel_loop3A_887, %parallel_loop3A_888], %parallel_loop3A_886 {strides = array<i32>} : memref<16x768xf32, #tpu.memory_space<vmem>>, vector<16xf32>,
      } {sc.loop_unroll_factor = 8 : i64, sc.parallel_access}
    }
    %scan3A_305 = arith.constant 16 : i32
    %add3A_306 = arith.constant 64 : i32
    %add3A_307 = arith.addi %mul3A_2, %add3A_306 : i32
    %dma_start3A_308 = arith.constant 0 : i32
    %dma_start3A_309 = tpu.memref_slice %arg8[%add3A_307, %dma_start3A_308] : memref<8192x768xf32, #tpu.memory_space<hbm>> -> memref<16x768xf32, #tpu.memory_space<hbm>>
    %dma_start3A_310 = arith.constant 0 : i32
    %dma_start3A_311 = tpu.memref_slice %arg8[%add3A_307, %dma_start3A_310] : memref<8192x768xf32, #tpu.memory_space<hbm>> -> memref<16x768xf32, #tpu.memory_space<hbm>>
    tpu.enqueue_dma source(%arg15 : memref<16x768xf32, #tpu.memory_space<vmem>>) target(%dma_start3A_311 : memref<16x768xf32, #tpu.memory_space<hbm>>) target_semaphore(%arg33 : memref<!tpu.dma_semaphore, #tpu.memory_space<semaphore_mem>>)
    %dma_wait3A_312 = arith.constant 0 : i32
    %dma_wait3A_313 = tpu.memref_slice %arg8[%add3A_307, %dma_wait3A_312] : memref<8192x768xf32, #tpu.memory_space<hbm>> -> memref<16x768xf32, #tpu.memory_space<hbm>>
    %dma_wait3A_314 = arith.constant 0 : i32
    %dma_wait3A_315 = tpu.memref_slice %arg8[%add3A_307, %dma_wait3A_314] : memref<8192x768xf32, #tpu.memory_space<hbm>> -> memref<16x768xf32, #tpu.memory_space<hbm>>
    tpu.wait_dma2 semaphore(%arg33 : memref<!tpu.dma_semaphore, #tpu.memory_space<semaphore_mem>>) src(%arg15 : memref<16x768xf32, #tpu.memory_space<vmem>>) dst(%dma_wait3A_315 : memref<16x768xf32, #tpu.memory_space<hbm>>)
    %add3A_316 = arith.constant 112 : i32
    %add3A_317 = arith.addi %mul3A_2, %add3A_316 : i32
    %dma_start3A_318 = arith.constant 0 : i32
    %dma_start3A_319 = tpu.memref_slice %arg4[%add3A_317, %dma_start3A_318] : memref<8192x768xf32, #tpu.memory_space<hbm>> -> memref<16x768xf32, #tpu.memory_space<hbm>>
    %dma_start3A_320 = arith.constant 0 : i32
    %dma_start3A_321 = tpu.memref_slice %arg4[%add3A_317, %dma_start3A_320] : memref<8192x768xf32, #tpu.memory_space<hbm>> -> memref<16x768xf32, #tpu.memory_space<hbm>>
    tpu.enqueue_dma source(%dma_start3A_321 : memref<16x768xf32, #tpu.memory_space<hbm>>) target(%arg15 : memref<16x768xf32, #tpu.memory_space<vmem>>) target_semaphore(%arg24 : memref<!tpu.dma_semaphore, #tpu.memory_space<semaphore_mem>>)
    %dma_start3A_322 = arith.constant 7 : i32
    %dma_start3A_323 = arith.constant 0 : i32
    %dma_start3A_324 = tpu.memref_slice %arg11[%dma_start3A_322, %dma_start3A_323] : memref<16x16xi32, #tpu.memory_space<vmem>> -> memref<1x16xi32, #tpu.memory_space<vmem>>
    %dma_start3A_325 = tpu.memref_squeeze %dma_start3A_324 : memref<1x16xi32, #tpu.memory_space<vmem>> -> memref<16xi32, #tpu.memory_space<vmem>>
    %dma_start3A_326 = arith.constant 0 : i32
    %dma_start3A_327 = arith.constant 0 : i32
    %dma_start3A_328 = tpu.memref_slice %arg5[%dma_start3A_326, %dma_start3A_327] : memref<256x768xf32, #tpu.memory_space<hbm>> -> memref<256x768xf32, #tpu.memory_space<hbm>>
    tpu.enqueue_indirect_dma source(%dma_start3A_328 : memref<256x768xf32, #tpu.memory_space<hbm>>) target(%arg18 : memref<16x768xf32, #tpu.memory_space<vmem>>) offsets(%dma_start3A_325 : memref<16xi32, #tpu.memory_space<vmem>>) semaphore(%arg27 : memref<!tpu.dma_semaphore, #tpu.memory_space<semaphore_mem>>)
    %dma_start3A_329 = arith.constant 7 : i32
    %dma_start3A_330 = arith.constant 0 : i32
    %dma_start3A_331 = tpu.memref_slice %arg12[%dma_start3A_329, %dma_start3A_330] : memref<16x16xi32, #tpu.memory_space<vmem>> -> memref<1x16xi32, #tpu.memory_space<vmem>>
    %dma_start3A_332 = tpu.memref_squeeze %dma_start3A_331 : memref<1x16xi32, #tpu.memory_space<vmem>> -> memref<16xi32, #tpu.memory_space<vmem>>
    %dma_start3A_333 = arith.constant 0 : i32
    %dma_start3A_334 = arith.constant 0 : i32
    %dma_start3A_335 = tpu.memref_slice %arg6[%dma_start3A_333, %dma_start3A_334] : memref<256x768xf32, #tpu.memory_space<hbm>> -> memref<256x768xf32, #tpu.memory_space<hbm>>
    tpu.enqueue_indirect_dma source(%dma_start3A_335 : memref<256x768xf32, #tpu.memory_space<hbm>>) target(%arg21 : memref<16x768xf32, #tpu.memory_space<vmem>>) offsets(%dma_start3A_332 : memref<16xi32, #tpu.memory_space<vmem>>) semaphore(%arg30 : memref<!tpu.dma_semaphore, #tpu.memory_space<semaphore_mem>>)
    %dma_wait3A_336 = arith.constant 0 : i32
    %dma_wait3A_337 = tpu.memref_slice %arg4[%add3A_209, %dma_wait3A_336] : memref<8192x768xf32, #tpu.memory_space<hbm>> -> memref<16x768xf32, #tpu.memory_space<hbm>>
    %dma_wait3A_338 = arith.constant 0 : i32
    %dma_wait3A_339 = tpu.memref_slice %arg4[%add3A_209, %dma_wait3A_338] : memref<8192x768xf32, #tpu.memory_space<hbm>> -> memref<16x768xf32, #tpu.memory_space<hbm>>
    tpu.wait_dma2 semaphore(%arg25 : memref<!tpu.dma_semaphore, #tpu.memory_space<semaphore_mem>>) src(%dma_wait3A_339 : memref<16x768xf32, #tpu.memory_space<hbm>>) dst(%arg16 : memref<16x768xf32, #tpu.memory_space<vmem>>)
    %dma_wait3A_340 = arith.constant 5 : i32
    %dma_wait3A_341 = arith.constant 0 : i32
    %dma_wait3A_342 = tpu.memref_slice %arg11[%dma_wait3A_340, %dma_wait3A_341] : memref<16x16xi32, #tpu.memory_space<vmem>> -> memref<1x16xi32, #tpu.memory_space<vmem>>
    %dma_wait3A_343 = tpu.memref_squeeze %dma_wait3A_342 : memref<1x16xi32, #tpu.memory_space<vmem>> -> memref<16xi32, #tpu.memory_space<vmem>>
    %dma_wait3A_344 = arith.constant 0 : i32
    %dma_wait3A_345 = arith.constant 0 : i32
    %dma_wait3A_346 = tpu.memref_slice %arg5[%dma_wait3A_344, %dma_wait3A_345] : memref<256x768xf32, #tpu.memory_space<hbm>> -> memref<256x768xf32, #tpu.memory_space<hbm>>
    tpu.wait_indirect_dma semaphore(%arg28 : memref<!tpu.dma_semaphore, #tpu.memory_space<semaphore_mem>>) src(%dma_wait3A_346 : memref<256x768xf32, #tpu.memory_space<hbm>>) dst(%arg19 : memref<16x768xf32, #tpu.memory_space<vmem>>)
    %dma_wait3A_347 = arith.constant 5 : i32
    %dma_wait3A_348 = arith.constant 0 : i32
    %dma_wait3A_349 = tpu.memref_slice %arg12[%dma_wait3A_347, %dma_wait3A_348] : memref<16x16xi32, #tpu.memory_space<vmem>> -> memref<1x16xi32, #tpu.memory_space<vmem>>
    %dma_wait3A_350 = tpu.memref_squeeze %dma_wait3A_349 : memref<1x16xi32, #tpu.memory_space<vmem>> -> memref<16xi32, #tpu.memory_space<vmem>>
    %dma_wait3A_351 = arith.constant 0 : i32
    %dma_wait3A_352 = arith.constant 0 : i32
    %dma_wait3A_353 = tpu.memref_slice %arg6[%dma_wait3A_351, %dma_wait3A_352] : memref<256x768xf32, #tpu.memory_space<hbm>> -> memref<256x768xf32, #tpu.memory_space<hbm>>
    tpu.wait_indirect_dma semaphore(%arg31 : memref<!tpu.dma_semaphore, #tpu.memory_space<semaphore_mem>>) src(%dma_wait3A_353 : memref<256x768xf32, #tpu.memory_space<hbm>>) dst(%arg22 : memref<16x768xf32, #tpu.memory_space<vmem>>)
    %scan3A_354 = arith.constant 0 : i32
    %scan3A_355 = arith.constant 0 : i32
    %scan3A_356 = arith.constant 16 : i32
    %scan3A_357 = arith.addi %scan3A_355, %scan3A_356 : i32
    %scan3A_358 = arith.constant 1 : i32
    scf.for %scan3A_870 = %scan3A_355 to %scan3A_357 step %scan3A_358  : i32 {
      %parallel_loop3A = arith.constant 0 : i32
      %parallel_loop3A_871 = arith.constant 48 : i32
      %parallel_loop3A_872 = arith.constant 1 : i32
      scf.for %parallel_loop3A_873 = %parallel_loop3A to %parallel_loop3A_871 step %parallel_loop3A_872  : i32 {
        %parallel_loop3A_874 = arith.constant 16 : i32
        %parallel_loop3A_875 = arith.muli %parallel_loop3A_873, %parallel_loop3A_874 : i32
        %parallel_loop3A_876 = arith.index_cast %scan3A_870 : i32 to index
        %parallel_loop3A_877 = arith.index_cast %parallel_loop3A_875 : i32 to index
        %parallel_loop3A_878 = tpu.vector_load %arg16[%parallel_loop3A_876, %parallel_loop3A_877] {strides = array<i32>} : memref<16x768xf32, #tpu.memory_space<vmem>>, vector<16xf32>,
        %parallel_loop3A_879 = arith.index_cast %scan3A_870 : i32 to index
        %parallel_loop3A_880 = arith.index_cast %parallel_loop3A_875 : i32 to index
        %parallel_loop3A_881 = tpu.vector_load %arg19[%parallel_loop3A_879, %parallel_loop3A_880] {strides = array<i32>} : memref<16x768xf32, #tpu.memory_space<vmem>>, vector<16xf32>,
        %parallel_loop3A_882 = arith.addf %parallel_loop3A_878, %parallel_loop3A_881 : vector<16xf32>
        %parallel_loop3A_883 = arith.index_cast %scan3A_870 : i32 to index
        %parallel_loop3A_884 = arith.index_cast %parallel_loop3A_875 : i32 to index
        %parallel_loop3A_885 = tpu.vector_load %arg22[%parallel_loop3A_883, %parallel_loop3A_884] {strides = array<i32>} : memref<16x768xf32, #tpu.memory_space<vmem>>, vector<16xf32>,
        %parallel_loop3A_886 = arith.addf %parallel_loop3A_882, %parallel_loop3A_885 : vector<16xf32>
        %parallel_loop3A_887 = arith.index_cast %scan3A_870 : i32 to index
        %parallel_loop3A_888 = arith.index_cast %parallel_loop3A_875 : i32 to index
        %parallel_loop3A_889 = tpu.vector_load %arg16[%parallel_loop3A_887, %parallel_loop3A_888] {strides = array<i32>} : memref<16x768xf32, #tpu.memory_space<vmem>>, vector<16xf32>,
        tpu.vector_store %arg16[%parallel_loop3A_887, %parallel_loop3A_888], %parallel_loop3A_886 {strides = array<i32>} : memref<16x768xf32, #tpu.memory_space<vmem>>, vector<16xf32>,
      } {sc.loop_unroll_factor = 8 : i64, sc.parallel_access}
    }
    %scan3A_359 = arith.constant 16 : i32
    %add3A_360 = arith.constant 80 : i32
    %add3A_361 = arith.addi %mul3A_2, %add3A_360 : i32
    %dma_start3A_362 = arith.constant 0 : i32
    %dma_start3A_363 = tpu.memref_slice %arg8[%add3A_361, %dma_start3A_362] : memref<8192x768xf32, #tpu.memory_space<hbm>> -> memref<16x768xf32, #tpu.memory_space<hbm>>
    %dma_start3A_364 = arith.constant 0 : i32
    %dma_start3A_365 = tpu.memref_slice %arg8[%add3A_361, %dma_start3A_364] : memref<8192x768xf32, #tpu.memory_space<hbm>> -> memref<16x768xf32, #tpu.memory_space<hbm>>
    tpu.enqueue_dma source(%arg16 : memref<16x768xf32, #tpu.memory_space<vmem>>) target(%dma_start3A_365 : memref<16x768xf32, #tpu.memory_space<hbm>>) target_semaphore(%arg34 : memref<!tpu.dma_semaphore, #tpu.memory_space<semaphore_mem>>)
    %dma_wait3A_366 = arith.constant 0 : i32
    %dma_wait3A_367 = tpu.memref_slice %arg8[%add3A_361, %dma_wait3A_366] : memref<8192x768xf32, #tpu.memory_space<hbm>> -> memref<16x768xf32, #tpu.memory_space<hbm>>
    %dma_wait3A_368 = arith.constant 0 : i32
    %dma_wait3A_369 = tpu.memref_slice %arg8[%add3A_361, %dma_wait3A_368] : memref<8192x768xf32, #tpu.memory_space<hbm>> -> memref<16x768xf32, #tpu.memory_space<hbm>>
    tpu.wait_dma2 semaphore(%arg34 : memref<!tpu.dma_semaphore, #tpu.memory_space<semaphore_mem>>) src(%arg16 : memref<16x768xf32, #tpu.memory_space<vmem>>) dst(%dma_wait3A_369 : memref<16x768xf32, #tpu.memory_space<hbm>>)
    %add3A_370 = arith.constant 128 : i32
    %add3A_371 = arith.addi %mul3A_2, %add3A_370 : i32
    %dma_start3A_372 = arith.constant 0 : i32
    %dma_start3A_373 = tpu.memref_slice %arg4[%add3A_371, %dma_start3A_372] : memref<8192x768xf32, #tpu.memory_space<hbm>> -> memref<16x768xf32, #tpu.memory_space<hbm>>
    %dma_start3A_374 = arith.constant 0 : i32
    %dma_start3A_375 = tpu.memref_slice %arg4[%add3A_371, %dma_start3A_374] : memref<8192x768xf32, #tpu.memory_space<hbm>> -> memref<16x768xf32, #tpu.memory_space<hbm>>
    tpu.enqueue_dma source(%dma_start3A_375 : memref<16x768xf32, #tpu.memory_space<hbm>>) target(%arg16 : memref<16x768xf32, #tpu.memory_space<vmem>>) target_semaphore(%arg25 : memref<!tpu.dma_semaphore, #tpu.memory_space<semaphore_mem>>)
    %dma_start3A_376 = arith.constant 8 : i32
    %dma_start3A_377 = arith.constant 0 : i32
    %dma_start3A_378 = tpu.memref_slice %arg11[%dma_start3A_376, %dma_start3A_377] : memref<16x16xi32, #tpu.memory_space<vmem>> -> memref<1x16xi32, #tpu.memory_space<vmem>>
    %dma_start3A_379 = tpu.memref_squeeze %dma_start3A_378 : memref<1x16xi32, #tpu.memory_space<vmem>> -> memref<16xi32, #tpu.memory_space<vmem>>
    %dma_start3A_380 = arith.constant 0 : i32
    %dma_start3A_381 = arith.constant 0 : i32
    %dma_start3A_382 = tpu.memref_slice %arg5[%dma_start3A_380, %dma_start3A_381] : memref<256x768xf32, #tpu.memory_space<hbm>> -> memref<256x768xf32, #tpu.memory_space<hbm>>
    tpu.enqueue_indirect_dma source(%dma_start3A_382 : memref<256x768xf32, #tpu.memory_space<hbm>>) target(%arg19 : memref<16x768xf32, #tpu.memory_space<vmem>>) offsets(%dma_start3A_379 : memref<16xi32, #tpu.memory_space<vmem>>) semaphore(%arg28 : memref<!tpu.dma_semaphore, #tpu.memory_space<semaphore_mem>>)
    %dma_start3A_383 = arith.constant 8 : i32
    %dma_start3A_384 = arith.constant 0 : i32
    %dma_start3A_385 = tpu.memref_slice %arg12[%dma_start3A_383, %dma_start3A_384] : memref<16x16xi32, #tpu.memory_space<vmem>> -> memref<1x16xi32, #tpu.memory_space<vmem>>
    %dma_start3A_386 = tpu.memref_squeeze %dma_start3A_385 : memref<1x16xi32, #tpu.memory_space<vmem>> -> memref<16xi32, #tpu.memory_space<vmem>>
    %dma_start3A_387 = arith.constant 0 : i32
    %dma_start3A_388 = arith.constant 0 : i32
    %dma_start3A_389 = tpu.memref_slice %arg6[%dma_start3A_387, %dma_start3A_388] : memref<256x768xf32, #tpu.memory_space<hbm>> -> memref<256x768xf32, #tpu.memory_space<hbm>>
    tpu.enqueue_indirect_dma source(%dma_start3A_389 : memref<256x768xf32, #tpu.memory_space<hbm>>) target(%arg22 : memref<16x768xf32, #tpu.memory_space<vmem>>) offsets(%dma_start3A_386 : memref<16xi32, #tpu.memory_space<vmem>>) semaphore(%arg31 : memref<!tpu.dma_semaphore, #tpu.memory_space<semaphore_mem>>)
    %dma_wait3A_390 = arith.constant 0 : i32
    %dma_wait3A_391 = tpu.memref_slice %arg4[%add3A_263, %dma_wait3A_390] : memref<8192x768xf32, #tpu.memory_space<hbm>> -> memref<16x768xf32, #tpu.memory_space<hbm>>
    %dma_wait3A_392 = arith.constant 0 : i32
    %dma_wait3A_393 = tpu.memref_slice %arg4[%add3A_263, %dma_wait3A_392] : memref<8192x768xf32, #tpu.memory_space<hbm>> -> memref<16x768xf32, #tpu.memory_space<hbm>>
    tpu.wait_dma2 semaphore(%arg23 : memref<!tpu.dma_semaphore, #tpu.memory_space<semaphore_mem>>) src(%dma_wait3A_393 : memref<16x768xf32, #tpu.memory_space<hbm>>) dst(%arg14 : memref<16x768xf32, #tpu.memory_space<vmem>>)
    %dma_wait3A_394 = arith.constant 6 : i32
    %dma_wait3A_395 = arith.constant 0 : i32
    %dma_wait3A_396 = tpu.memref_slice %arg11[%dma_wait3A_394, %dma_wait3A_395] : memref<16x16xi32, #tpu.memory_space<vmem>> -> memref<1x16xi32, #tpu.memory_space<vmem>>
    %dma_wait3A_397 = tpu.memref_squeeze %dma_wait3A_396 : memref<1x16xi32, #tpu.memory_space<vmem>> -> memref<16xi32, #tpu.memory_space<vmem>>
    %dma_wait3A_398 = arith.constant 0 : i32
    %dma_wait3A_399 = arith.constant 0 : i32
    %dma_wait3A_400 = tpu.memref_slice %arg5[%dma_wait3A_398, %dma_wait3A_399] : memref<256x768xf32, #tpu.memory_space<hbm>> -> memref<256x768xf32, #tpu.memory_space<hbm>>
    tpu.wait_indirect_dma semaphore(%arg26 : memref<!tpu.dma_semaphore, #tpu.memory_space<semaphore_mem>>) src(%dma_wait3A_400 : memref<256x768xf32, #tpu.memory_space<hbm>>) dst(%arg17 : memref<16x768xf32, #tpu.memory_space<vmem>>)
    %dma_wait3A_401 = arith.constant 6 : i32
    %dma_wait3A_402 = arith.constant 0 : i32
    %dma_wait3A_403 = tpu.memref_slice %arg12[%dma_wait3A_401, %dma_wait3A_402] : memref<16x16xi32, #tpu.memory_space<vmem>> -> memref<1x16xi32, #tpu.memory_space<vmem>>
    %dma_wait3A_404 = tpu.memref_squeeze %dma_wait3A_403 : memref<1x16xi32, #tpu.memory_space<vmem>> -> memref<16xi32, #tpu.memory_space<vmem>>
    %dma_wait3A_405 = arith.constant 0 : i32
    %dma_wait3A_406 = arith.constant 0 : i32
    %dma_wait3A_407 = tpu.memref_slice %arg6[%dma_wait3A_405, %dma_wait3A_406] : memref<256x768xf32, #tpu.memory_space<hbm>> -> memref<256x768xf32, #tpu.memory_space<hbm>>
    tpu.wait_indirect_dma semaphore(%arg29 : memref<!tpu.dma_semaphore, #tpu.memory_space<semaphore_mem>>) src(%dma_wait3A_407 : memref<256x768xf32, #tpu.memory_space<hbm>>) dst(%arg20 : memref<16x768xf32, #tpu.memory_space<vmem>>)
    %scan3A_408 = arith.constant 0 : i32
    %scan3A_409 = arith.constant 0 : i32
    %scan3A_410 = arith.constant 16 : i32
    %scan3A_411 = arith.addi %scan3A_409, %scan3A_410 : i32
    %scan3A_412 = arith.constant 1 : i32
    scf.for %scan3A_870 = %scan3A_409 to %scan3A_411 step %scan3A_412  : i32 {
      %parallel_loop3A = arith.constant 0 : i32
      %parallel_loop3A_871 = arith.constant 48 : i32
      %parallel_loop3A_872 = arith.constant 1 : i32
      scf.for %parallel_loop3A_873 = %parallel_loop3A to %parallel_loop3A_871 step %parallel_loop3A_872  : i32 {
        %parallel_loop3A_874 = arith.constant 16 : i32
        %parallel_loop3A_875 = arith.muli %parallel_loop3A_873, %parallel_loop3A_874 : i32
        %parallel_loop3A_876 = arith.index_cast %scan3A_870 : i32 to index
        %parallel_loop3A_877 = arith.index_cast %parallel_loop3A_875 : i32 to index
        %parallel_loop3A_878 = tpu.vector_load %arg14[%parallel_loop3A_876, %parallel_loop3A_877] {strides = array<i32>} : memref<16x768xf32, #tpu.memory_space<vmem>>, vector<16xf32>,
        %parallel_loop3A_879 = arith.index_cast %scan3A_870 : i32 to index
        %parallel_loop3A_880 = arith.index_cast %parallel_loop3A_875 : i32 to index
        %parallel_loop3A_881 = tpu.vector_load %arg17[%parallel_loop3A_879, %parallel_loop3A_880] {strides = array<i32>} : memref<16x768xf32, #tpu.memory_space<vmem>>, vector<16xf32>,
        %parallel_loop3A_882 = arith.addf %parallel_loop3A_878, %parallel_loop3A_881 : vector<16xf32>
        %parallel_loop3A_883 = arith.index_cast %scan3A_870 : i32 to index
        %parallel_loop3A_884 = arith.index_cast %parallel_loop3A_875 : i32 to index
        %parallel_loop3A_885 = tpu.vector_load %arg20[%parallel_loop3A_883, %parallel_loop3A_884] {strides = array<i32>} : memref<16x768xf32, #tpu.memory_space<vmem>>, vector<16xf32>,
        %parallel_loop3A_886 = arith.addf %parallel_loop3A_882, %parallel_loop3A_885 : vector<16xf32>
        %parallel_loop3A_887 = arith.index_cast %scan3A_870 : i32 to index
        %parallel_loop3A_888 = arith.index_cast %parallel_loop3A_875 : i32 to index
        %parallel_loop3A_889 = tpu.vector_load %arg14[%parallel_loop3A_887, %parallel_loop3A_888] {strides = array<i32>} : memref<16x768xf32, #tpu.memory_space<vmem>>, vector<16xf32>,
        tpu.vector_store %arg14[%parallel_loop3A_887, %parallel_loop3A_888], %parallel_loop3A_886 {strides = array<i32>} : memref<16x768xf32, #tpu.memory_space<vmem>>, vector<16xf32>,
      } {sc.loop_unroll_factor = 8 : i64, sc.parallel_access}
    }
    %scan3A_413 = arith.constant 16 : i32
    %add3A_414 = arith.constant 96 : i32
    %add3A_415 = arith.addi %mul3A_2, %add3A_414 : i32
    %dma_start3A_416 = arith.constant 0 : i32
    %dma_start3A_417 = tpu.memref_slice %arg8[%add3A_415, %dma_start3A_416] : memref<8192x768xf32, #tpu.memory_space<hbm>> -> memref<16x768xf32, #tpu.memory_space<hbm>>
    %dma_start3A_418 = arith.constant 0 : i32
    %dma_start3A_419 = tpu.memref_slice %arg8[%add3A_415, %dma_start3A_418] : memref<8192x768xf32, #tpu.memory_space<hbm>> -> memref<16x768xf32, #tpu.memory_space<hbm>>
    tpu.enqueue_dma source(%arg14 : memref<16x768xf32, #tpu.memory_space<vmem>>) target(%dma_start3A_419 : memref<16x768xf32, #tpu.memory_space<hbm>>) target_semaphore(%arg32 : memref<!tpu.dma_semaphore, #tpu.memory_space<semaphore_mem>>)
    %dma_wait3A_420 = arith.constant 0 : i32
    %dma_wait3A_421 = tpu.memref_slice %arg8[%add3A_415, %dma_wait3A_420] : memref<8192x768xf32, #tpu.memory_space<hbm>> -> memref<16x768xf32, #tpu.memory_space<hbm>>
    %dma_wait3A_422 = arith.constant 0 : i32
    %dma_wait3A_423 = tpu.memref_slice %arg8[%add3A_415, %dma_wait3A_422] : memref<8192x768xf32, #tpu.memory_space<hbm>> -> memref<16x768xf32, #tpu.memory_space<hbm>>
    tpu.wait_dma2 semaphore(%arg32 : memref<!tpu.dma_semaphore, #tpu.memory_space<semaphore_mem>>) src(%arg14 : memref<16x768xf32, #tpu.memory_space<vmem>>) dst(%dma_wait3A_423 : memref<16x768xf32, #tpu.memory_space<hbm>>)
    %add3A_424 = arith.constant 144 : i32
    %add3A_425 = arith.addi %mul3A_2, %add3A_424 : i32
    %dma_start3A_426 = arith.constant 0 : i32
    %dma_start3A_427 = tpu.memref_slice %arg4[%add3A_425, %dma_start3A_426] : memref<8192x768xf32, #tpu.memory_space<hbm>> -> memref<16x768xf32, #tpu.memory_space<hbm>>
    %dma_start3A_428 = arith.constant 0 : i32
    %dma_start3A_429 = tpu.memref_slice %arg4[%add3A_425, %dma_start3A_428] : memref<8192x768xf32, #tpu.memory_space<hbm>> -> memref<16x768xf32, #tpu.memory_space<hbm>>
    tpu.enqueue_dma source(%dma_start3A_429 : memref<16x768xf32, #tpu.memory_space<hbm>>) target(%arg14 : memref<16x768xf32, #tpu.memory_space<vmem>>) target_semaphore(%arg23 : memref<!tpu.dma_semaphore, #tpu.memory_space<semaphore_mem>>)
    %dma_start3A_430 = arith.constant 9 : i32
    %dma_start3A_431 = arith.constant 0 : i32
    %dma_start3A_432 = tpu.memref_slice %arg11[%dma_start3A_430, %dma_start3A_431] : memref<16x16xi32, #tpu.memory_space<vmem>> -> memref<1x16xi32, #tpu.memory_space<vmem>>
    %dma_start3A_433 = tpu.memref_squeeze %dma_start3A_432 : memref<1x16xi32, #tpu.memory_space<vmem>> -> memref<16xi32, #tpu.memory_space<vmem>>
    %dma_start3A_434 = arith.constant 0 : i32
    %dma_start3A_435 = arith.constant 0 : i32
    %dma_start3A_436 = tpu.memref_slice %arg5[%dma_start3A_434, %dma_start3A_435] : memref<256x768xf32, #tpu.memory_space<hbm>> -> memref<256x768xf32, #tpu.memory_space<hbm>>
    tpu.enqueue_indirect_dma source(%dma_start3A_436 : memref<256x768xf32, #tpu.memory_space<hbm>>) target(%arg17 : memref<16x768xf32, #tpu.memory_space<vmem>>) offsets(%dma_start3A_433 : memref<16xi32, #tpu.memory_space<vmem>>) semaphore(%arg26 : memref<!tpu.dma_semaphore, #tpu.memory_space<semaphore_mem>>)
    %dma_start3A_437 = arith.constant 9 : i32
    %dma_start3A_438 = arith.constant 0 : i32
    %dma_start3A_439 = tpu.memref_slice %arg12[%dma_start3A_437, %dma_start3A_438] : memref<16x16xi32, #tpu.memory_space<vmem>> -> memref<1x16xi32, #tpu.memory_space<vmem>>
    %dma_start3A_440 = tpu.memref_squeeze %dma_start3A_439 : memref<1x16xi32, #tpu.memory_space<vmem>> -> memref<16xi32, #tpu.memory_space<vmem>>
    %dma_start3A_441 = arith.constant 0 : i32
    %dma_start3A_442 = arith.constant 0 : i32
    %dma_start3A_443 = tpu.memref_slice %arg6[%dma_start3A_441, %dma_start3A_442] : memref<256x768xf32, #tpu.memory_space<hbm>> -> memref<256x768xf32, #tpu.memory_space<hbm>>
    tpu.enqueue_indirect_dma source(%dma_start3A_443 : memref<256x768xf32, #tpu.memory_space<hbm>>) target(%arg20 : memref<16x768xf32, #tpu.memory_space<vmem>>) offsets(%dma_start3A_440 : memref<16xi32, #tpu.memory_space<vmem>>) semaphore(%arg29 : memref<!tpu.dma_semaphore, #tpu.memory_space<semaphore_mem>>)
    %dma_wait3A_444 = arith.constant 0 : i32
    %dma_wait3A_445 = tpu.memref_slice %arg4[%add3A_317, %dma_wait3A_444] : memref<8192x768xf32, #tpu.memory_space<hbm>> -> memref<16x768xf32, #tpu.memory_space<hbm>>
    %dma_wait3A_446 = arith.constant 0 : i32
    %dma_wait3A_447 = tpu.memref_slice %arg4[%add3A_317, %dma_wait3A_446] : memref<8192x768xf32, #tpu.memory_space<hbm>> -> memref<16x768xf32, #tpu.memory_space<hbm>>
    tpu.wait_dma2 semaphore(%arg24 : memref<!tpu.dma_semaphore, #tpu.memory_space<semaphore_mem>>) src(%dma_wait3A_447 : memref<16x768xf32, #tpu.memory_space<hbm>>) dst(%arg15 : memref<16x768xf32, #tpu.memory_space<vmem>>)
    %dma_wait3A_448 = arith.constant 7 : i32
    %dma_wait3A_449 = arith.constant 0 : i32
    %dma_wait3A_450 = tpu.memref_slice %arg11[%dma_wait3A_448, %dma_wait3A_449] : memref<16x16xi32, #tpu.memory_space<vmem>> -> memref<1x16xi32, #tpu.memory_space<vmem>>
    %dma_wait3A_451 = tpu.memref_squeeze %dma_wait3A_450 : memref<1x16xi32, #tpu.memory_space<vmem>> -> memref<16xi32, #tpu.memory_space<vmem>>
    %dma_wait3A_452 = arith.constant 0 : i32
    %dma_wait3A_453 = arith.constant 0 : i32
    %dma_wait3A_454 = tpu.memref_slice %arg5[%dma_wait3A_452, %dma_wait3A_453] : memref<256x768xf32, #tpu.memory_space<hbm>> -> memref<256x768xf32, #tpu.memory_space<hbm>>
    tpu.wait_indirect_dma semaphore(%arg27 : memref<!tpu.dma_semaphore, #tpu.memory_space<semaphore_mem>>) src(%dma_wait3A_454 : memref<256x768xf32, #tpu.memory_space<hbm>>) dst(%arg18 : memref<16x768xf32, #tpu.memory_space<vmem>>)
    %dma_wait3A_455 = arith.constant 7 : i32
    %dma_wait3A_456 = arith.constant 0 : i32
    %dma_wait3A_457 = tpu.memref_slice %arg12[%dma_wait3A_455, %dma_wait3A_456] : memref<16x16xi32, #tpu.memory_space<vmem>> -> memref<1x16xi32, #tpu.memory_space<vmem>>
    %dma_wait3A_458 = tpu.memref_squeeze %dma_wait3A_457 : memref<1x16xi32, #tpu.memory_space<vmem>> -> memref<16xi32, #tpu.memory_space<vmem>>
    %dma_wait3A_459 = arith.constant 0 : i32
    %dma_wait3A_460 = arith.constant 0 : i32
    %dma_wait3A_461 = tpu.memref_slice %arg6[%dma_wait3A_459, %dma_wait3A_460] : memref<256x768xf32, #tpu.memory_space<hbm>> -> memref<256x768xf32, #tpu.memory_space<hbm>>
    tpu.wait_indirect_dma semaphore(%arg30 : memref<!tpu.dma_semaphore, #tpu.memory_space<semaphore_mem>>) src(%dma_wait3A_461 : memref<256x768xf32, #tpu.memory_space<hbm>>) dst(%arg21 : memref<16x768xf32, #tpu.memory_space<vmem>>)
    %scan3A_462 = arith.constant 0 : i32
    %scan3A_463 = arith.constant 0 : i32
    %scan3A_464 = arith.constant 16 : i32
    %scan3A_465 = arith.addi %scan3A_463, %scan3A_464 : i32
    %scan3A_466 = arith.constant 1 : i32
    scf.for %scan3A_870 = %scan3A_463 to %scan3A_465 step %scan3A_466  : i32 {
      %parallel_loop3A = arith.constant 0 : i32
      %parallel_loop3A_871 = arith.constant 48 : i32
      %parallel_loop3A_872 = arith.constant 1 : i32
      scf.for %parallel_loop3A_873 = %parallel_loop3A to %parallel_loop3A_871 step %parallel_loop3A_872  : i32 {
        %parallel_loop3A_874 = arith.constant 16 : i32
        %parallel_loop3A_875 = arith.muli %parallel_loop3A_873, %parallel_loop3A_874 : i32
        %parallel_loop3A_876 = arith.index_cast %scan3A_870 : i32 to index
        %parallel_loop3A_877 = arith.index_cast %parallel_loop3A_875 : i32 to index
        %parallel_loop3A_878 = tpu.vector_load %arg15[%parallel_loop3A_876, %parallel_loop3A_877] {strides = array<i32>} : memref<16x768xf32, #tpu.memory_space<vmem>>, vector<16xf32>,
        %parallel_loop3A_879 = arith.index_cast %scan3A_870 : i32 to index
        %parallel_loop3A_880 = arith.index_cast %parallel_loop3A_875 : i32 to index
        %parallel_loop3A_881 = tpu.vector_load %arg18[%parallel_loop3A_879, %parallel_loop3A_880] {strides = array<i32>} : memref<16x768xf32, #tpu.memory_space<vmem>>, vector<16xf32>,
        %parallel_loop3A_882 = arith.addf %parallel_loop3A_878, %parallel_loop3A_881 : vector<16xf32>
        %parallel_loop3A_883 = arith.index_cast %scan3A_870 : i32 to index
        %parallel_loop3A_884 = arith.index_cast %parallel_loop3A_875 : i32 to index
        %parallel_loop3A_885 = tpu.vector_load %arg21[%parallel_loop3A_883, %parallel_loop3A_884] {strides = array<i32>} : memref<16x768xf32, #tpu.memory_space<vmem>>, vector<16xf32>,
        %parallel_loop3A_886 = arith.addf %parallel_loop3A_882, %parallel_loop3A_885 : vector<16xf32>
        %parallel_loop3A_887 = arith.index_cast %scan3A_870 : i32 to index
        %parallel_loop3A_888 = arith.index_cast %parallel_loop3A_875 : i32 to index
        %parallel_loop3A_889 = tpu.vector_load %arg15[%parallel_loop3A_887, %parallel_loop3A_888] {strides = array<i32>} : memref<16x768xf32, #tpu.memory_space<vmem>>, vector<16xf32>,
        tpu.vector_store %arg15[%parallel_loop3A_887, %parallel_loop3A_888], %parallel_loop3A_886 {strides = array<i32>} : memref<16x768xf32, #tpu.memory_space<vmem>>, vector<16xf32>,
      } {sc.loop_unroll_factor = 8 : i64, sc.parallel_access}
    }
    %scan3A_467 = arith.constant 16 : i32
    %add3A_468 = arith.constant 112 : i32
    %add3A_469 = arith.addi %mul3A_2, %add3A_468 : i32
    %dma_start3A_470 = arith.constant 0 : i32
    %dma_start3A_471 = tpu.memref_slice %arg8[%add3A_469, %dma_start3A_470] : memref<8192x768xf32, #tpu.memory_space<hbm>> -> memref<16x768xf32, #tpu.memory_space<hbm>>
    %dma_start3A_472 = arith.constant 0 : i32
    %dma_start3A_473 = tpu.memref_slice %arg8[%add3A_469, %dma_start3A_472] : memref<8192x768xf32, #tpu.memory_space<hbm>> -> memref<16x768xf32, #tpu.memory_space<hbm>>
    tpu.enqueue_dma source(%arg15 : memref<16x768xf32, #tpu.memory_space<vmem>>) target(%dma_start3A_473 : memref<16x768xf32, #tpu.memory_space<hbm>>) target_semaphore(%arg33 : memref<!tpu.dma_semaphore, #tpu.memory_space<semaphore_mem>>)
    %dma_wait3A_474 = arith.constant 0 : i32
    %dma_wait3A_475 = tpu.memref_slice %arg8[%add3A_469, %dma_wait3A_474] : memref<8192x768xf32, #tpu.memory_space<hbm>> -> memref<16x768xf32, #tpu.memory_space<hbm>>
    %dma_wait3A_476 = arith.constant 0 : i32
    %dma_wait3A_477 = tpu.memref_slice %arg8[%add3A_469, %dma_wait3A_476] : memref<8192x768xf32, #tpu.memory_space<hbm>> -> memref<16x768xf32, #tpu.memory_space<hbm>>
    tpu.wait_dma2 semaphore(%arg33 : memref<!tpu.dma_semaphore, #tpu.memory_space<semaphore_mem>>) src(%arg15 : memref<16x768xf32, #tpu.memory_space<vmem>>) dst(%dma_wait3A_477 : memref<16x768xf32, #tpu.memory_space<hbm>>)
    %add3A_478 = arith.constant 160 : i32
    %add3A_479 = arith.addi %mul3A_2, %add3A_478 : i32
    %dma_start3A_480 = arith.constant 0 : i32
    %dma_start3A_481 = tpu.memref_slice %arg4[%add3A_479, %dma_start3A_480] : memref<8192x768xf32, #tpu.memory_space<hbm>> -> memref<16x768xf32, #tpu.memory_space<hbm>>
    %dma_start3A_482 = arith.constant 0 : i32
    %dma_start3A_483 = tpu.memref_slice %arg4[%add3A_479, %dma_start3A_482] : memref<8192x768xf32, #tpu.memory_space<hbm>> -> memref<16x768xf32, #tpu.memory_space<hbm>>
    tpu.enqueue_dma source(%dma_start3A_483 : memref<16x768xf32, #tpu.memory_space<hbm>>) target(%arg15 : memref<16x768xf32, #tpu.memory_space<vmem>>) target_semaphore(%arg24 : memref<!tpu.dma_semaphore, #tpu.memory_space<semaphore_mem>>)
    %dma_start3A_484 = arith.constant 10 : i32
    %dma_start3A_485 = arith.constant 0 : i32
    %dma_start3A_486 = tpu.memref_slice %arg11[%dma_start3A_484, %dma_start3A_485] : memref<16x16xi32, #tpu.memory_space<vmem>> -> memref<1x16xi32, #tpu.memory_space<vmem>>
    %dma_start3A_487 = tpu.memref_squeeze %dma_start3A_486 : memref<1x16xi32, #tpu.memory_space<vmem>> -> memref<16xi32, #tpu.memory_space<vmem>>
    %dma_start3A_488 = arith.constant 0 : i32
    %dma_start3A_489 = arith.constant 0 : i32
    %dma_start3A_490 = tpu.memref_slice %arg5[%dma_start3A_488, %dma_start3A_489] : memref<256x768xf32, #tpu.memory_space<hbm>> -> memref<256x768xf32, #tpu.memory_space<hbm>>
    tpu.enqueue_indirect_dma source(%dma_start3A_490 : memref<256x768xf32, #tpu.memory_space<hbm>>) target(%arg18 : memref<16x768xf32, #tpu.memory_space<vmem>>) offsets(%dma_start3A_487 : memref<16xi32, #tpu.memory_space<vmem>>) semaphore(%arg27 : memref<!tpu.dma_semaphore, #tpu.memory_space<semaphore_mem>>)
    %dma_start3A_491 = arith.constant 10 : i32
    %dma_start3A_492 = arith.constant 0 : i32
    %dma_start3A_493 = tpu.memref_slice %arg12[%dma_start3A_491, %dma_start3A_492] : memref<16x16xi32, #tpu.memory_space<vmem>> -> memref<1x16xi32, #tpu.memory_space<vmem>>
    %dma_start3A_494 = tpu.memref_squeeze %dma_start3A_493 : memref<1x16xi32, #tpu.memory_space<vmem>> -> memref<16xi32, #tpu.memory_space<vmem>>
    %dma_start3A_495 = arith.constant 0 : i32
    %dma_start3A_496 = arith.constant 0 : i32
    %dma_start3A_497 = tpu.memref_slice %arg6[%dma_start3A_495, %dma_start3A_496] : memref<256x768xf32, #tpu.memory_space<hbm>> -> memref<256x768xf32, #tpu.memory_space<hbm>>
    tpu.enqueue_indirect_dma source(%dma_start3A_497 : memref<256x768xf32, #tpu.memory_space<hbm>>) target(%arg21 : memref<16x768xf32, #tpu.memory_space<vmem>>) offsets(%dma_start3A_494 : memref<16xi32, #tpu.memory_space<vmem>>) semaphore(%arg30 : memref<!tpu.dma_semaphore, #tpu.memory_space<semaphore_mem>>)
    %dma_wait3A_498 = arith.constant 0 : i32
    %dma_wait3A_499 = tpu.memref_slice %arg4[%add3A_371, %dma_wait3A_498] : memref<8192x768xf32, #tpu.memory_space<hbm>> -> memref<16x768xf32, #tpu.memory_space<hbm>>
    %dma_wait3A_500 = arith.constant 0 : i32
    %dma_wait3A_501 = tpu.memref_slice %arg4[%add3A_371, %dma_wait3A_500] : memref<8192x768xf32, #tpu.memory_space<hbm>> -> memref<16x768xf32, #tpu.memory_space<hbm>>
    tpu.wait_dma2 semaphore(%arg25 : memref<!tpu.dma_semaphore, #tpu.memory_space<semaphore_mem>>) src(%dma_wait3A_501 : memref<16x768xf32, #tpu.memory_space<hbm>>) dst(%arg16 : memref<16x768xf32, #tpu.memory_space<vmem>>)
    %dma_wait3A_502 = arith.constant 8 : i32
    %dma_wait3A_503 = arith.constant 0 : i32
    %dma_wait3A_504 = tpu.memref_slice %arg11[%dma_wait3A_502, %dma_wait3A_503] : memref<16x16xi32, #tpu.memory_space<vmem>> -> memref<1x16xi32, #tpu.memory_space<vmem>>
    %dma_wait3A_505 = tpu.memref_squeeze %dma_wait3A_504 : memref<1x16xi32, #tpu.memory_space<vmem>> -> memref<16xi32, #tpu.memory_space<vmem>>
    %dma_wait3A_506 = arith.constant 0 : i32
    %dma_wait3A_507 = arith.constant 0 : i32
    %dma_wait3A_508 = tpu.memref_slice %arg5[%dma_wait3A_506, %dma_wait3A_507] : memref<256x768xf32, #tpu.memory_space<hbm>> -> memref<256x768xf32, #tpu.memory_space<hbm>>
    tpu.wait_indirect_dma semaphore(%arg28 : memref<!tpu.dma_semaphore, #tpu.memory_space<semaphore_mem>>) src(%dma_wait3A_508 : memref<256x768xf32, #tpu.memory_space<hbm>>) dst(%arg19 : memref<16x768xf32, #tpu.memory_space<vmem>>)
    %dma_wait3A_509 = arith.constant 8 : i32
    %dma_wait3A_510 = arith.constant 0 : i32
    %dma_wait3A_511 = tpu.memref_slice %arg12[%dma_wait3A_509, %dma_wait3A_510] : memref<16x16xi32, #tpu.memory_space<vmem>> -> memref<1x16xi32, #tpu.memory_space<vmem>>
    %dma_wait3A_512 = tpu.memref_squeeze %dma_wait3A_511 : memref<1x16xi32, #tpu.memory_space<vmem>> -> memref<16xi32, #tpu.memory_space<vmem>>
    %dma_wait3A_513 = arith.constant 0 : i32
    %dma_wait3A_514 = arith.constant 0 : i32
    %dma_wait3A_515 = tpu.memref_slice %arg6[%dma_wait3A_513, %dma_wait3A_514] : memref<256x768xf32, #tpu.memory_space<hbm>> -> memref<256x768xf32, #tpu.memory_space<hbm>>
    tpu.wait_indirect_dma semaphore(%arg31 : memref<!tpu.dma_semaphore, #tpu.memory_space<semaphore_mem>>) src(%dma_wait3A_515 : memref<256x768xf32, #tpu.memory_space<hbm>>) dst(%arg22 : memref<16x768xf32, #tpu.memory_space<vmem>>)
    %scan3A_516 = arith.constant 0 : i32
    %scan3A_517 = arith.constant 0 : i32
    %scan3A_518 = arith.constant 16 : i32
    %scan3A_519 = arith.addi %scan3A_517, %scan3A_518 : i32
    %scan3A_520 = arith.constant 1 : i32
    scf.for %scan3A_870 = %scan3A_517 to %scan3A_519 step %scan3A_520  : i32 {
      %parallel_loop3A = arith.constant 0 : i32
      %parallel_loop3A_871 = arith.constant 48 : i32
      %parallel_loop3A_872 = arith.constant 1 : i32
      scf.for %parallel_loop3A_873 = %parallel_loop3A to %parallel_loop3A_871 step %parallel_loop3A_872  : i32 {
        %parallel_loop3A_874 = arith.constant 16 : i32
        %parallel_loop3A_875 = arith.muli %parallel_loop3A_873, %parallel_loop3A_874 : i32
        %parallel_loop3A_876 = arith.index_cast %scan3A_870 : i32 to index
        %parallel_loop3A_877 = arith.index_cast %parallel_loop3A_875 : i32 to index
        %parallel_loop3A_878 = tpu.vector_load %arg16[%parallel_loop3A_876, %parallel_loop3A_877] {strides = array<i32>} : memref<16x768xf32, #tpu.memory_space<vmem>>, vector<16xf32>,
        %parallel_loop3A_879 = arith.index_cast %scan3A_870 : i32 to index
        %parallel_loop3A_880 = arith.index_cast %parallel_loop3A_875 : i32 to index
        %parallel_loop3A_881 = tpu.vector_load %arg19[%parallel_loop3A_879, %parallel_loop3A_880] {strides = array<i32>} : memref<16x768xf32, #tpu.memory_space<vmem>>, vector<16xf32>,
        %parallel_loop3A_882 = arith.addf %parallel_loop3A_878, %parallel_loop3A_881 : vector<16xf32>
        %parallel_loop3A_883 = arith.index_cast %scan3A_870 : i32 to index
        %parallel_loop3A_884 = arith.index_cast %parallel_loop3A_875 : i32 to index
        %parallel_loop3A_885 = tpu.vector_load %arg22[%parallel_loop3A_883, %parallel_loop3A_884] {strides = array<i32>} : memref<16x768xf32, #tpu.memory_space<vmem>>, vector<16xf32>,
        %parallel_loop3A_886 = arith.addf %parallel_loop3A_882, %parallel_loop3A_885 : vector<16xf32>
        %parallel_loop3A_887 = arith.index_cast %scan3A_870 : i32 to index
        %parallel_loop3A_888 = arith.index_cast %parallel_loop3A_875 : i32 to index
        %parallel_loop3A_889 = tpu.vector_load %arg16[%parallel_loop3A_887, %parallel_loop3A_888] {strides = array<i32>} : memref<16x768xf32, #tpu.memory_space<vmem>>, vector<16xf32>,
        tpu.vector_store %arg16[%parallel_loop3A_887, %parallel_loop3A_888], %parallel_loop3A_886 {strides = array<i32>} : memref<16x768xf32, #tpu.memory_space<vmem>>, vector<16xf32>,
      } {sc.loop_unroll_factor = 8 : i64, sc.parallel_access}
    }
    %scan3A_521 = arith.constant 16 : i32
    %add3A_522 = arith.constant 128 : i32
    %add3A_523 = arith.addi %mul3A_2, %add3A_522 : i32
    %dma_start3A_524 = arith.constant 0 : i32
    %dma_start3A_525 = tpu.memref_slice %arg8[%add3A_523, %dma_start3A_524] : memref<8192x768xf32, #tpu.memory_space<hbm>> -> memref<16x768xf32, #tpu.memory_space<hbm>>
    %dma_start3A_526 = arith.constant 0 : i32
    %dma_start3A_527 = tpu.memref_slice %arg8[%add3A_523, %dma_start3A_526] : memref<8192x768xf32, #tpu.memory_space<hbm>> -> memref<16x768xf32, #tpu.memory_space<hbm>>
    tpu.enqueue_dma source(%arg16 : memref<16x768xf32, #tpu.memory_space<vmem>>) target(%dma_start3A_527 : memref<16x768xf32, #tpu.memory_space<hbm>>) target_semaphore(%arg34 : memref<!tpu.dma_semaphore, #tpu.memory_space<semaphore_mem>>)
    %dma_wait3A_528 = arith.constant 0 : i32
    %dma_wait3A_529 = tpu.memref_slice %arg8[%add3A_523, %dma_wait3A_528] : memref<8192x768xf32, #tpu.memory_space<hbm>> -> memref<16x768xf32, #tpu.memory_space<hbm>>
    %dma_wait3A_530 = arith.constant 0 : i32
    %dma_wait3A_531 = tpu.memref_slice %arg8[%add3A_523, %dma_wait3A_530] : memref<8192x768xf32, #tpu.memory_space<hbm>> -> memref<16x768xf32, #tpu.memory_space<hbm>>
    tpu.wait_dma2 semaphore(%arg34 : memref<!tpu.dma_semaphore, #tpu.memory_space<semaphore_mem>>) src(%arg16 : memref<16x768xf32, #tpu.memory_space<vmem>>) dst(%dma_wait3A_531 : memref<16x768xf32, #tpu.memory_space<hbm>>)
    %add3A_532 = arith.constant 176 : i32
    %add3A_533 = arith.addi %mul3A_2, %add3A_532 : i32
    %dma_start3A_534 = arith.constant 0 : i32
    %dma_start3A_535 = tpu.memref_slice %arg4[%add3A_533, %dma_start3A_534] : memref<8192x768xf32, #tpu.memory_space<hbm>> -> memref<16x768xf32, #tpu.memory_space<hbm>>
    %dma_start3A_536 = arith.constant 0 : i32
    %dma_start3A_537 = tpu.memref_slice %arg4[%add3A_533, %dma_start3A_536] : memref<8192x768xf32, #tpu.memory_space<hbm>> -> memref<16x768xf32, #tpu.memory_space<hbm>>
    tpu.enqueue_dma source(%dma_start3A_537 : memref<16x768xf32, #tpu.memory_space<hbm>>) target(%arg16 : memref<16x768xf32, #tpu.memory_space<vmem>>) target_semaphore(%arg25 : memref<!tpu.dma_semaphore, #tpu.memory_space<semaphore_mem>>)
    %dma_start3A_538 = arith.constant 11 : i32
    %dma_start3A_539 = arith.constant 0 : i32
    %dma_start3A_540 = tpu.memref_slice %arg11[%dma_start3A_538, %dma_start3A_539] : memref<16x16xi32, #tpu.memory_space<vmem>> -> memref<1x16xi32, #tpu.memory_space<vmem>>
    %dma_start3A_541 = tpu.memref_squeeze %dma_start3A_540 : memref<1x16xi32, #tpu.memory_space<vmem>> -> memref<16xi32, #tpu.memory_space<vmem>>
    %dma_start3A_542 = arith.constant 0 : i32
    %dma_start3A_543 = arith.constant 0 : i32
    %dma_start3A_544 = tpu.memref_slice %arg5[%dma_start3A_542, %dma_start3A_543] : memref<256x768xf32, #tpu.memory_space<hbm>> -> memref<256x768xf32, #tpu.memory_space<hbm>>
    tpu.enqueue_indirect_dma source(%dma_start3A_544 : memref<256x768xf32, #tpu.memory_space<hbm>>) target(%arg19 : memref<16x768xf32, #tpu.memory_space<vmem>>) offsets(%dma_start3A_541 : memref<16xi32, #tpu.memory_space<vmem>>) semaphore(%arg28 : memref<!tpu.dma_semaphore, #tpu.memory_space<semaphore_mem>>)
    %dma_start3A_545 = arith.constant 11 : i32
    %dma_start3A_546 = arith.constant 0 : i32
    %dma_start3A_547 = tpu.memref_slice %arg12[%dma_start3A_545, %dma_start3A_546] : memref<16x16xi32, #tpu.memory_space<vmem>> -> memref<1x16xi32, #tpu.memory_space<vmem>>
    %dma_start3A_548 = tpu.memref_squeeze %dma_start3A_547 : memref<1x16xi32, #tpu.memory_space<vmem>> -> memref<16xi32, #tpu.memory_space<vmem>>
    %dma_start3A_549 = arith.constant 0 : i32
    %dma_start3A_550 = arith.constant 0 : i32
    %dma_start3A_551 = tpu.memref_slice %arg6[%dma_start3A_549, %dma_start3A_550] : memref<256x768xf32, #tpu.memory_space<hbm>> -> memref<256x768xf32, #tpu.memory_space<hbm>>
    tpu.enqueue_indirect_dma source(%dma_start3A_551 : memref<256x768xf32, #tpu.memory_space<hbm>>) target(%arg22 : memref<16x768xf32, #tpu.memory_space<vmem>>) offsets(%dma_start3A_548 : memref<16xi32, #tpu.memory_space<vmem>>) semaphore(%arg31 : memref<!tpu.dma_semaphore, #tpu.memory_space<semaphore_mem>>)
    %dma_wait3A_552 = arith.constant 0 : i32
    %dma_wait3A_553 = tpu.memref_slice %arg4[%add3A_425, %dma_wait3A_552] : memref<8192x768xf32, #tpu.memory_space<hbm>> -> memref<16x768xf32, #tpu.memory_space<hbm>>
    %dma_wait3A_554 = arith.constant 0 : i32
    %dma_wait3A_555 = tpu.memref_slice %arg4[%add3A_425, %dma_wait3A_554] : memref<8192x768xf32, #tpu.memory_space<hbm>> -> memref<16x768xf32, #tpu.memory_space<hbm>>
    tpu.wait_dma2 semaphore(%arg23 : memref<!tpu.dma_semaphore, #tpu.memory_space<semaphore_mem>>) src(%dma_wait3A_555 : memref<16x768xf32, #tpu.memory_space<hbm>>) dst(%arg14 : memref<16x768xf32, #tpu.memory_space<vmem>>)
    %dma_wait3A_556 = arith.constant 9 : i32
    %dma_wait3A_557 = arith.constant 0 : i32
    %dma_wait3A_558 = tpu.memref_slice %arg11[%dma_wait3A_556, %dma_wait3A_557] : memref<16x16xi32, #tpu.memory_space<vmem>> -> memref<1x16xi32, #tpu.memory_space<vmem>>
    %dma_wait3A_559 = tpu.memref_squeeze %dma_wait3A_558 : memref<1x16xi32, #tpu.memory_space<vmem>> -> memref<16xi32, #tpu.memory_space<vmem>>
    %dma_wait3A_560 = arith.constant 0 : i32
    %dma_wait3A_561 = arith.constant 0 : i32
    %dma_wait3A_562 = tpu.memref_slice %arg5[%dma_wait3A_560, %dma_wait3A_561] : memref<256x768xf32, #tpu.memory_space<hbm>> -> memref<256x768xf32, #tpu.memory_space<hbm>>
    tpu.wait_indirect_dma semaphore(%arg26 : memref<!tpu.dma_semaphore, #tpu.memory_space<semaphore_mem>>) src(%dma_wait3A_562 : memref<256x768xf32, #tpu.memory_space<hbm>>) dst(%arg17 : memref<16x768xf32, #tpu.memory_space<vmem>>)
    %dma_wait3A_563 = arith.constant 9 : i32
    %dma_wait3A_564 = arith.constant 0 : i32
    %dma_wait3A_565 = tpu.memref_slice %arg12[%dma_wait3A_563, %dma_wait3A_564] : memref<16x16xi32, #tpu.memory_space<vmem>> -> memref<1x16xi32, #tpu.memory_space<vmem>>
    %dma_wait3A_566 = tpu.memref_squeeze %dma_wait3A_565 : memref<1x16xi32, #tpu.memory_space<vmem>> -> memref<16xi32, #tpu.memory_space<vmem>>
    %dma_wait3A_567 = arith.constant 0 : i32
    %dma_wait3A_568 = arith.constant 0 : i32
    %dma_wait3A_569 = tpu.memref_slice %arg6[%dma_wait3A_567, %dma_wait3A_568] : memref<256x768xf32, #tpu.memory_space<hbm>> -> memref<256x768xf32, #tpu.memory_space<hbm>>
    tpu.wait_indirect_dma semaphore(%arg29 : memref<!tpu.dma_semaphore, #tpu.memory_space<semaphore_mem>>) src(%dma_wait3A_569 : memref<256x768xf32, #tpu.memory_space<hbm>>) dst(%arg20 : memref<16x768xf32, #tpu.memory_space<vmem>>)
    %scan3A_570 = arith.constant 0 : i32
    %scan3A_571 = arith.constant 0 : i32
    %scan3A_572 = arith.constant 16 : i32
    %scan3A_573 = arith.addi %scan3A_571, %scan3A_572 : i32
    %scan3A_574 = arith.constant 1 : i32
    scf.for %scan3A_870 = %scan3A_571 to %scan3A_573 step %scan3A_574  : i32 {
      %parallel_loop3A = arith.constant 0 : i32
      %parallel_loop3A_871 = arith.constant 48 : i32
      %parallel_loop3A_872 = arith.constant 1 : i32
      scf.for %parallel_loop3A_873 = %parallel_loop3A to %parallel_loop3A_871 step %parallel_loop3A_872  : i32 {
        %parallel_loop3A_874 = arith.constant 16 : i32
        %parallel_loop3A_875 = arith.muli %parallel_loop3A_873, %parallel_loop3A_874 : i32
        %parallel_loop3A_876 = arith.index_cast %scan3A_870 : i32 to index
        %parallel_loop3A_877 = arith.index_cast %parallel_loop3A_875 : i32 to index
        %parallel_loop3A_878 = tpu.vector_load %arg14[%parallel_loop3A_876, %parallel_loop3A_877] {strides = array<i32>} : memref<16x768xf32, #tpu.memory_space<vmem>>, vector<16xf32>,
        %parallel_loop3A_879 = arith.index_cast %scan3A_870 : i32 to index
        %parallel_loop3A_880 = arith.index_cast %parallel_loop3A_875 : i32 to index
        %parallel_loop3A_881 = tpu.vector_load %arg17[%parallel_loop3A_879, %parallel_loop3A_880] {strides = array<i32>} : memref<16x768xf32, #tpu.memory_space<vmem>>, vector<16xf32>,
        %parallel_loop3A_882 = arith.addf %parallel_loop3A_878, %parallel_loop3A_881 : vector<16xf32>
        %parallel_loop3A_883 = arith.index_cast %scan3A_870 : i32 to index
        %parallel_loop3A_884 = arith.index_cast %parallel_loop3A_875 : i32 to index
        %parallel_loop3A_885 = tpu.vector_load %arg20[%parallel_loop3A_883, %parallel_loop3A_884] {strides = array<i32>} : memref<16x768xf32, #tpu.memory_space<vmem>>, vector<16xf32>,
        %parallel_loop3A_886 = arith.addf %parallel_loop3A_882, %parallel_loop3A_885 : vector<16xf32>
        %parallel_loop3A_887 = arith.index_cast %scan3A_870 : i32 to index
        %parallel_loop3A_888 = arith.index_cast %parallel_loop3A_875 : i32 to index
        %parallel_loop3A_889 = tpu.vector_load %arg14[%parallel_loop3A_887, %parallel_loop3A_888] {strides = array<i32>} : memref<16x768xf32, #tpu.memory_space<vmem>>, vector<16xf32>,
        tpu.vector_store %arg14[%parallel_loop3A_887, %parallel_loop3A_888], %parallel_loop3A_886 {strides = array<i32>} : memref<16x768xf32, #tpu.memory_space<vmem>>, vector<16xf32>,
      } {sc.loop_unroll_factor = 8 : i64, sc.parallel_access}
    }
    %scan3A_575 = arith.constant 16 : i32
    %add3A_576 = arith.constant 144 : i32
    %add3A_577 = arith.addi %mul3A_2, %add3A_576 : i32
    %dma_start3A_578 = arith.constant 0 : i32
    %dma_start3A_579 = tpu.memref_slice %arg8[%add3A_577, %dma_start3A_578] : memref<8192x768xf32, #tpu.memory_space<hbm>> -> memref<16x768xf32, #tpu.memory_space<hbm>>
    %dma_start3A_580 = arith.constant 0 : i32
    %dma_start3A_581 = tpu.memref_slice %arg8[%add3A_577, %dma_start3A_580] : memref<8192x768xf32, #tpu.memory_space<hbm>> -> memref<16x768xf32, #tpu.memory_space<hbm>>
    tpu.enqueue_dma source(%arg14 : memref<16x768xf32, #tpu.memory_space<vmem>>) target(%dma_start3A_581 : memref<16x768xf32, #tpu.memory_space<hbm>>) target_semaphore(%arg32 : memref<!tpu.dma_semaphore, #tpu.memory_space<semaphore_mem>>)
    %dma_wait3A_582 = arith.constant 0 : i32
    %dma_wait3A_583 = tpu.memref_slice %arg8[%add3A_577, %dma_wait3A_582] : memref<8192x768xf32, #tpu.memory_space<hbm>> -> memref<16x768xf32, #tpu.memory_space<hbm>>
    %dma_wait3A_584 = arith.constant 0 : i32
    %dma_wait3A_585 = tpu.memref_slice %arg8[%add3A_577, %dma_wait3A_584] : memref<8192x768xf32, #tpu.memory_space<hbm>> -> memref<16x768xf32, #tpu.memory_space<hbm>>
    tpu.wait_dma2 semaphore(%arg32 : memref<!tpu.dma_semaphore, #tpu.memory_space<semaphore_mem>>) src(%arg14 : memref<16x768xf32, #tpu.memory_space<vmem>>) dst(%dma_wait3A_585 : memref<16x768xf32, #tpu.memory_space<hbm>>)
    %add3A_586 = arith.constant 192 : i32
    %add3A_587 = arith.addi %mul3A_2, %add3A_586 : i32
    %dma_start3A_588 = arith.constant 0 : i32
    %dma_start3A_589 = tpu.memref_slice %arg4[%add3A_587, %dma_start3A_588] : memref<8192x768xf32, #tpu.memory_space<hbm>> -> memref<16x768xf32, #tpu.memory_space<hbm>>
    %dma_start3A_590 = arith.constant 0 : i32
    %dma_start3A_591 = tpu.memref_slice %arg4[%add3A_587, %dma_start3A_590] : memref<8192x768xf32, #tpu.memory_space<hbm>> -> memref<16x768xf32, #tpu.memory_space<hbm>>
    tpu.enqueue_dma source(%dma_start3A_591 : memref<16x768xf32, #tpu.memory_space<hbm>>) target(%arg14 : memref<16x768xf32, #tpu.memory_space<vmem>>) target_semaphore(%arg23 : memref<!tpu.dma_semaphore, #tpu.memory_space<semaphore_mem>>)
    %dma_start3A_592 = arith.constant 12 : i32
    %dma_start3A_593 = arith.constant 0 : i32
    %dma_start3A_594 = tpu.memref_slice %arg11[%dma_start3A_592, %dma_start3A_593] : memref<16x16xi32, #tpu.memory_space<vmem>> -> memref<1x16xi32, #tpu.memory_space<vmem>>
    %dma_start3A_595 = tpu.memref_squeeze %dma_start3A_594 : memref<1x16xi32, #tpu.memory_space<vmem>> -> memref<16xi32, #tpu.memory_space<vmem>>
    %dma_start3A_596 = arith.constant 0 : i32
    %dma_start3A_597 = arith.constant 0 : i32
    %dma_start3A_598 = tpu.memref_slice %arg5[%dma_start3A_596, %dma_start3A_597] : memref<256x768xf32, #tpu.memory_space<hbm>> -> memref<256x768xf32, #tpu.memory_space<hbm>>
    tpu.enqueue_indirect_dma source(%dma_start3A_598 : memref<256x768xf32, #tpu.memory_space<hbm>>) target(%arg17 : memref<16x768xf32, #tpu.memory_space<vmem>>) offsets(%dma_start3A_595 : memref<16xi32, #tpu.memory_space<vmem>>) semaphore(%arg26 : memref<!tpu.dma_semaphore, #tpu.memory_space<semaphore_mem>>)
    %dma_start3A_599 = arith.constant 12 : i32
    %dma_start3A_600 = arith.constant 0 : i32
    %dma_start3A_601 = tpu.memref_slice %arg12[%dma_start3A_599, %dma_start3A_600] : memref<16x16xi32, #tpu.memory_space<vmem>> -> memref<1x16xi32, #tpu.memory_space<vmem>>
    %dma_start3A_602 = tpu.memref_squeeze %dma_start3A_601 : memref<1x16xi32, #tpu.memory_space<vmem>> -> memref<16xi32, #tpu.memory_space<vmem>>
    %dma_start3A_603 = arith.constant 0 : i32
    %dma_start3A_604 = arith.constant 0 : i32
    %dma_start3A_605 = tpu.memref_slice %arg6[%dma_start3A_603, %dma_start3A_604] : memref<256x768xf32, #tpu.memory_space<hbm>> -> memref<256x768xf32, #tpu.memory_space<hbm>>
    tpu.enqueue_indirect_dma source(%dma_start3A_605 : memref<256x768xf32, #tpu.memory_space<hbm>>) target(%arg20 : memref<16x768xf32, #tpu.memory_space<vmem>>) offsets(%dma_start3A_602 : memref<16xi32, #tpu.memory_space<vmem>>) semaphore(%arg29 : memref<!tpu.dma_semaphore, #tpu.memory_space<semaphore_mem>>)
    %dma_wait3A_606 = arith.constant 0 : i32
    %dma_wait3A_607 = tpu.memref_slice %arg4[%add3A_479, %dma_wait3A_606] : memref<8192x768xf32, #tpu.memory_space<hbm>> -> memref<16x768xf32, #tpu.memory_space<hbm>>
    %dma_wait3A_608 = arith.constant 0 : i32
    %dma_wait3A_609 = tpu.memref_slice %arg4[%add3A_479, %dma_wait3A_608] : memref<8192x768xf32, #tpu.memory_space<hbm>> -> memref<16x768xf32, #tpu.memory_space<hbm>>
    tpu.wait_dma2 semaphore(%arg24 : memref<!tpu.dma_semaphore, #tpu.memory_space<semaphore_mem>>) src(%dma_wait3A_609 : memref<16x768xf32, #tpu.memory_space<hbm>>) dst(%arg15 : memref<16x768xf32, #tpu.memory_space<vmem>>)
    %dma_wait3A_610 = arith.constant 10 : i32
    %dma_wait3A_611 = arith.constant 0 : i32
    %dma_wait3A_612 = tpu.memref_slice %arg11[%dma_wait3A_610, %dma_wait3A_611] : memref<16x16xi32, #tpu.memory_space<vmem>> -> memref<1x16xi32, #tpu.memory_space<vmem>>
    %dma_wait3A_613 = tpu.memref_squeeze %dma_wait3A_612 : memref<1x16xi32, #tpu.memory_space<vmem>> -> memref<16xi32, #tpu.memory_space<vmem>>
    %dma_wait3A_614 = arith.constant 0 : i32
    %dma_wait3A_615 = arith.constant 0 : i32
    %dma_wait3A_616 = tpu.memref_slice %arg5[%dma_wait3A_614, %dma_wait3A_615] : memref<256x768xf32, #tpu.memory_space<hbm>> -> memref<256x768xf32, #tpu.memory_space<hbm>>
    tpu.wait_indirect_dma semaphore(%arg27 : memref<!tpu.dma_semaphore, #tpu.memory_space<semaphore_mem>>) src(%dma_wait3A_616 : memref<256x768xf32, #tpu.memory_space<hbm>>) dst(%arg18 : memref<16x768xf32, #tpu.memory_space<vmem>>)
    %dma_wait3A_617 = arith.constant 10 : i32
    %dma_wait3A_618 = arith.constant 0 : i32
    %dma_wait3A_619 = tpu.memref_slice %arg12[%dma_wait3A_617, %dma_wait3A_618] : memref<16x16xi32, #tpu.memory_space<vmem>> -> memref<1x16xi32, #tpu.memory_space<vmem>>
    %dma_wait3A_620 = tpu.memref_squeeze %dma_wait3A_619 : memref<1x16xi32, #tpu.memory_space<vmem>> -> memref<16xi32, #tpu.memory_space<vmem>>
    %dma_wait3A_621 = arith.constant 0 : i32
    %dma_wait3A_622 = arith.constant 0 : i32
    %dma_wait3A_623 = tpu.memref_slice %arg6[%dma_wait3A_621, %dma_wait3A_622] : memref<256x768xf32, #tpu.memory_space<hbm>> -> memref<256x768xf32, #tpu.memory_space<hbm>>
    tpu.wait_indirect_dma semaphore(%arg30 : memref<!tpu.dma_semaphore, #tpu.memory_space<semaphore_mem>>) src(%dma_wait3A_623 : memref<256x768xf32, #tpu.memory_space<hbm>>) dst(%arg21 : memref<16x768xf32, #tpu.memory_space<vmem>>)
    %scan3A_624 = arith.constant 0 : i32
    %scan3A_625 = arith.constant 0 : i32
    %scan3A_626 = arith.constant 16 : i32
    %scan3A_627 = arith.addi %scan3A_625, %scan3A_626 : i32
    %scan3A_628 = arith.constant 1 : i32
    scf.for %scan3A_870 = %scan3A_625 to %scan3A_627 step %scan3A_628  : i32 {
      %parallel_loop3A = arith.constant 0 : i32
      %parallel_loop3A_871 = arith.constant 48 : i32
      %parallel_loop3A_872 = arith.constant 1 : i32
      scf.for %parallel_loop3A_873 = %parallel_loop3A to %parallel_loop3A_871 step %parallel_loop3A_872  : i32 {
        %parallel_loop3A_874 = arith.constant 16 : i32
        %parallel_loop3A_875 = arith.muli %parallel_loop3A_873, %parallel_loop3A_874 : i32
        %parallel_loop3A_876 = arith.index_cast %scan3A_870 : i32 to index
        %parallel_loop3A_877 = arith.index_cast %parallel_loop3A_875 : i32 to index
        %parallel_loop3A_878 = tpu.vector_load %arg15[%parallel_loop3A_876, %parallel_loop3A_877] {strides = array<i32>} : memref<16x768xf32, #tpu.memory_space<vmem>>, vector<16xf32>,
        %parallel_loop3A_879 = arith.index_cast %scan3A_870 : i32 to index
        %parallel_loop3A_880 = arith.index_cast %parallel_loop3A_875 : i32 to index
        %parallel_loop3A_881 = tpu.vector_load %arg18[%parallel_loop3A_879, %parallel_loop3A_880] {strides = array<i32>} : memref<16x768xf32, #tpu.memory_space<vmem>>, vector<16xf32>,
        %parallel_loop3A_882 = arith.addf %parallel_loop3A_878, %parallel_loop3A_881 : vector<16xf32>
        %parallel_loop3A_883 = arith.index_cast %scan3A_870 : i32 to index
        %parallel_loop3A_884 = arith.index_cast %parallel_loop3A_875 : i32 to index
        %parallel_loop3A_885 = tpu.vector_load %arg21[%parallel_loop3A_883, %parallel_loop3A_884] {strides = array<i32>} : memref<16x768xf32, #tpu.memory_space<vmem>>, vector<16xf32>,
        %parallel_loop3A_886 = arith.addf %parallel_loop3A_882, %parallel_loop3A_885 : vector<16xf32>
        %parallel_loop3A_887 = arith.index_cast %scan3A_870 : i32 to index
        %parallel_loop3A_888 = arith.index_cast %parallel_loop3A_875 : i32 to index
        %parallel_loop3A_889 = tpu.vector_load %arg15[%parallel_loop3A_887, %parallel_loop3A_888] {strides = array<i32>} : memref<16x768xf32, #tpu.memory_space<vmem>>, vector<16xf32>,
        tpu.vector_store %arg15[%parallel_loop3A_887, %parallel_loop3A_888], %parallel_loop3A_886 {strides = array<i32>} : memref<16x768xf32, #tpu.memory_space<vmem>>, vector<16xf32>,
      } {sc.loop_unroll_factor = 8 : i64, sc.parallel_access}
    }
    %scan3A_629 = arith.constant 16 : i32
    %add3A_630 = arith.constant 160 : i32
    %add3A_631 = arith.addi %mul3A_2, %add3A_630 : i32
    %dma_start3A_632 = arith.constant 0 : i32
    %dma_start3A_633 = tpu.memref_slice %arg8[%add3A_631, %dma_start3A_632] : memref<8192x768xf32, #tpu.memory_space<hbm>> -> memref<16x768xf32, #tpu.memory_space<hbm>>
    %dma_start3A_634 = arith.constant 0 : i32
    %dma_start3A_635 = tpu.memref_slice %arg8[%add3A_631, %dma_start3A_634] : memref<8192x768xf32, #tpu.memory_space<hbm>> -> memref<16x768xf32, #tpu.memory_space<hbm>>
    tpu.enqueue_dma source(%arg15 : memref<16x768xf32, #tpu.memory_space<vmem>>) target(%dma_start3A_635 : memref<16x768xf32, #tpu.memory_space<hbm>>) target_semaphore(%arg33 : memref<!tpu.dma_semaphore, #tpu.memory_space<semaphore_mem>>)
    %dma_wait3A_636 = arith.constant 0 : i32
    %dma_wait3A_637 = tpu.memref_slice %arg8[%add3A_631, %dma_wait3A_636] : memref<8192x768xf32, #tpu.memory_space<hbm>> -> memref<16x768xf32, #tpu.memory_space<hbm>>
    %dma_wait3A_638 = arith.constant 0 : i32
    %dma_wait3A_639 = tpu.memref_slice %arg8[%add3A_631, %dma_wait3A_638] : memref<8192x768xf32, #tpu.memory_space<hbm>> -> memref<16x768xf32, #tpu.memory_space<hbm>>
    tpu.wait_dma2 semaphore(%arg33 : memref<!tpu.dma_semaphore, #tpu.memory_space<semaphore_mem>>) src(%arg15 : memref<16x768xf32, #tpu.memory_space<vmem>>) dst(%dma_wait3A_639 : memref<16x768xf32, #tpu.memory_space<hbm>>)
    %add3A_640 = arith.constant 208 : i32
    %add3A_641 = arith.addi %mul3A_2, %add3A_640 : i32
    %dma_start3A_642 = arith.constant 0 : i32
    %dma_start3A_643 = tpu.memref_slice %arg4[%add3A_641, %dma_start3A_642] : memref<8192x768xf32, #tpu.memory_space<hbm>> -> memref<16x768xf32, #tpu.memory_space<hbm>>
    %dma_start3A_644 = arith.constant 0 : i32
    %dma_start3A_645 = tpu.memref_slice %arg4[%add3A_641, %dma_start3A_644] : memref<8192x768xf32, #tpu.memory_space<hbm>> -> memref<16x768xf32, #tpu.memory_space<hbm>>
    tpu.enqueue_dma source(%dma_start3A_645 : memref<16x768xf32, #tpu.memory_space<hbm>>) target(%arg15 : memref<16x768xf32, #tpu.memory_space<vmem>>) target_semaphore(%arg24 : memref<!tpu.dma_semaphore, #tpu.memory_space<semaphore_mem>>)
    %dma_start3A_646 = arith.constant 13 : i32
    %dma_start3A_647 = arith.constant 0 : i32
    %dma_start3A_648 = tpu.memref_slice %arg11[%dma_start3A_646, %dma_start3A_647] : memref<16x16xi32, #tpu.memory_space<vmem>> -> memref<1x16xi32, #tpu.memory_space<vmem>>
    %dma_start3A_649 = tpu.memref_squeeze %dma_start3A_648 : memref<1x16xi32, #tpu.memory_space<vmem>> -> memref<16xi32, #tpu.memory_space<vmem>>
    %dma_start3A_650 = arith.constant 0 : i32
    %dma_start3A_651 = arith.constant 0 : i32
    %dma_start3A_652 = tpu.memref_slice %arg5[%dma_start3A_650, %dma_start3A_651] : memref<256x768xf32, #tpu.memory_space<hbm>> -> memref<256x768xf32, #tpu.memory_space<hbm>>
    tpu.enqueue_indirect_dma source(%dma_start3A_652 : memref<256x768xf32, #tpu.memory_space<hbm>>) target(%arg18 : memref<16x768xf32, #tpu.memory_space<vmem>>) offsets(%dma_start3A_649 : memref<16xi32, #tpu.memory_space<vmem>>) semaphore(%arg27 : memref<!tpu.dma_semaphore, #tpu.memory_space<semaphore_mem>>)
    %dma_start3A_653 = arith.constant 13 : i32
    %dma_start3A_654 = arith.constant 0 : i32
    %dma_start3A_655 = tpu.memref_slice %arg12[%dma_start3A_653, %dma_start3A_654] : memref<16x16xi32, #tpu.memory_space<vmem>> -> memref<1x16xi32, #tpu.memory_space<vmem>>
    %dma_start3A_656 = tpu.memref_squeeze %dma_start3A_655 : memref<1x16xi32, #tpu.memory_space<vmem>> -> memref<16xi32, #tpu.memory_space<vmem>>
    %dma_start3A_657 = arith.constant 0 : i32
    %dma_start3A_658 = arith.constant 0 : i32
    %dma_start3A_659 = tpu.memref_slice %arg6[%dma_start3A_657, %dma_start3A_658] : memref<256x768xf32, #tpu.memory_space<hbm>> -> memref<256x768xf32, #tpu.memory_space<hbm>>
    tpu.enqueue_indirect_dma source(%dma_start3A_659 : memref<256x768xf32, #tpu.memory_space<hbm>>) target(%arg21 : memref<16x768xf32, #tpu.memory_space<vmem>>) offsets(%dma_start3A_656 : memref<16xi32, #tpu.memory_space<vmem>>) semaphore(%arg30 : memref<!tpu.dma_semaphore, #tpu.memory_space<semaphore_mem>>)
    %dma_wait3A_660 = arith.constant 0 : i32
    %dma_wait3A_661 = tpu.memref_slice %arg4[%add3A_533, %dma_wait3A_660] : memref<8192x768xf32, #tpu.memory_space<hbm>> -> memref<16x768xf32, #tpu.memory_space<hbm>>
    %dma_wait3A_662 = arith.constant 0 : i32
    %dma_wait3A_663 = tpu.memref_slice %arg4[%add3A_533, %dma_wait3A_662] : memref<8192x768xf32, #tpu.memory_space<hbm>> -> memref<16x768xf32, #tpu.memory_space<hbm>>
    tpu.wait_dma2 semaphore(%arg25 : memref<!tpu.dma_semaphore, #tpu.memory_space<semaphore_mem>>) src(%dma_wait3A_663 : memref<16x768xf32, #tpu.memory_space<hbm>>) dst(%arg16 : memref<16x768xf32, #tpu.memory_space<vmem>>)
    %dma_wait3A_664 = arith.constant 11 : i32
    %dma_wait3A_665 = arith.constant 0 : i32
    %dma_wait3A_666 = tpu.memref_slice %arg11[%dma_wait3A_664, %dma_wait3A_665] : memref<16x16xi32, #tpu.memory_space<vmem>> -> memref<1x16xi32, #tpu.memory_space<vmem>>
    %dma_wait3A_667 = tpu.memref_squeeze %dma_wait3A_666 : memref<1x16xi32, #tpu.memory_space<vmem>> -> memref<16xi32, #tpu.memory_space<vmem>>
    %dma_wait3A_668 = arith.constant 0 : i32
    %dma_wait3A_669 = arith.constant 0 : i32
    %dma_wait3A_670 = tpu.memref_slice %arg5[%dma_wait3A_668, %dma_wait3A_669] : memref<256x768xf32, #tpu.memory_space<hbm>> -> memref<256x768xf32, #tpu.memory_space<hbm>>
    tpu.wait_indirect_dma semaphore(%arg28 : memref<!tpu.dma_semaphore, #tpu.memory_space<semaphore_mem>>) src(%dma_wait3A_670 : memref<256x768xf32, #tpu.memory_space<hbm>>) dst(%arg19 : memref<16x768xf32, #tpu.memory_space<vmem>>)
    %dma_wait3A_671 = arith.constant 11 : i32
    %dma_wait3A_672 = arith.constant 0 : i32
    %dma_wait3A_673 = tpu.memref_slice %arg12[%dma_wait3A_671, %dma_wait3A_672] : memref<16x16xi32, #tpu.memory_space<vmem>> -> memref<1x16xi32, #tpu.memory_space<vmem>>
    %dma_wait3A_674 = tpu.memref_squeeze %dma_wait3A_673 : memref<1x16xi32, #tpu.memory_space<vmem>> -> memref<16xi32, #tpu.memory_space<vmem>>
    %dma_wait3A_675 = arith.constant 0 : i32
    %dma_wait3A_676 = arith.constant 0 : i32
    %dma_wait3A_677 = tpu.memref_slice %arg6[%dma_wait3A_675, %dma_wait3A_676] : memref<256x768xf32, #tpu.memory_space<hbm>> -> memref<256x768xf32, #tpu.memory_space<hbm>>
    tpu.wait_indirect_dma semaphore(%arg31 : memref<!tpu.dma_semaphore, #tpu.memory_space<semaphore_mem>>) src(%dma_wait3A_677 : memref<256x768xf32, #tpu.memory_space<hbm>>) dst(%arg22 : memref<16x768xf32, #tpu.memory_space<vmem>>)
    %scan3A_678 = arith.constant 0 : i32
    %scan3A_679 = arith.constant 0 : i32
    %scan3A_680 = arith.constant 16 : i32
    %scan3A_681 = arith.addi %scan3A_679, %scan3A_680 : i32
    %scan3A_682 = arith.constant 1 : i32
    scf.for %scan3A_870 = %scan3A_679 to %scan3A_681 step %scan3A_682  : i32 {
      %parallel_loop3A = arith.constant 0 : i32
      %parallel_loop3A_871 = arith.constant 48 : i32
      %parallel_loop3A_872 = arith.constant 1 : i32
      scf.for %parallel_loop3A_873 = %parallel_loop3A to %parallel_loop3A_871 step %parallel_loop3A_872  : i32 {
        %parallel_loop3A_874 = arith.constant 16 : i32
        %parallel_loop3A_875 = arith.muli %parallel_loop3A_873, %parallel_loop3A_874 : i32
        %parallel_loop3A_876 = arith.index_cast %scan3A_870 : i32 to index
        %parallel_loop3A_877 = arith.index_cast %parallel_loop3A_875 : i32 to index
        %parallel_loop3A_878 = tpu.vector_load %arg16[%parallel_loop3A_876, %parallel_loop3A_877] {strides = array<i32>} : memref<16x768xf32, #tpu.memory_space<vmem>>, vector<16xf32>,
        %parallel_loop3A_879 = arith.index_cast %scan3A_870 : i32 to index
        %parallel_loop3A_880 = arith.index_cast %parallel_loop3A_875 : i32 to index
        %parallel_loop3A_881 = tpu.vector_load %arg19[%parallel_loop3A_879, %parallel_loop3A_880] {strides = array<i32>} : memref<16x768xf32, #tpu.memory_space<vmem>>, vector<16xf32>,
        %parallel_loop3A_882 = arith.addf %parallel_loop3A_878, %parallel_loop3A_881 : vector<16xf32>
        %parallel_loop3A_883 = arith.index_cast %scan3A_870 : i32 to index
        %parallel_loop3A_884 = arith.index_cast %parallel_loop3A_875 : i32 to index
        %parallel_loop3A_885 = tpu.vector_load %arg22[%parallel_loop3A_883, %parallel_loop3A_884] {strides = array<i32>} : memref<16x768xf32, #tpu.memory_space<vmem>>, vector<16xf32>,
        %parallel_loop3A_886 = arith.addf %parallel_loop3A_882, %parallel_loop3A_885 : vector<16xf32>
        %parallel_loop3A_887 = arith.index_cast %scan3A_870 : i32 to index
        %parallel_loop3A_888 = arith.index_cast %parallel_loop3A_875 : i32 to index
        %parallel_loop3A_889 = tpu.vector_load %arg16[%parallel_loop3A_887, %parallel_loop3A_888] {strides = array<i32>} : memref<16x768xf32, #tpu.memory_space<vmem>>, vector<16xf32>,
        tpu.vector_store %arg16[%parallel_loop3A_887, %parallel_loop3A_888], %parallel_loop3A_886 {strides = array<i32>} : memref<16x768xf32, #tpu.memory_space<vmem>>, vector<16xf32>,
      } {sc.loop_unroll_factor = 8 : i64, sc.parallel_access}
    }
    %scan3A_683 = arith.constant 16 : i32
    %add3A_684 = arith.constant 176 : i32
    %add3A_685 = arith.addi %mul3A_2, %add3A_684 : i32
    %dma_start3A_686 = arith.constant 0 : i32
    %dma_start3A_687 = tpu.memref_slice %arg8[%add3A_685, %dma_start3A_686] : memref<8192x768xf32, #tpu.memory_space<hbm>> -> memref<16x768xf32, #tpu.memory_space<hbm>>
    %dma_start3A_688 = arith.constant 0 : i32
    %dma_start3A_689 = tpu.memref_slice %arg8[%add3A_685, %dma_start3A_688] : memref<8192x768xf32, #tpu.memory_space<hbm>> -> memref<16x768xf32, #tpu.memory_space<hbm>>
    tpu.enqueue_dma source(%arg16 : memref<16x768xf32, #tpu.memory_space<vmem>>) target(%dma_start3A_689 : memref<16x768xf32, #tpu.memory_space<hbm>>) target_semaphore(%arg34 : memref<!tpu.dma_semaphore, #tpu.memory_space<semaphore_mem>>)
    %dma_wait3A_690 = arith.constant 0 : i32
    %dma_wait3A_691 = tpu.memref_slice %arg8[%add3A_685, %dma_wait3A_690] : memref<8192x768xf32, #tpu.memory_space<hbm>> -> memref<16x768xf32, #tpu.memory_space<hbm>>
    %dma_wait3A_692 = arith.constant 0 : i32
    %dma_wait3A_693 = tpu.memref_slice %arg8[%add3A_685, %dma_wait3A_692] : memref<8192x768xf32, #tpu.memory_space<hbm>> -> memref<16x768xf32, #tpu.memory_space<hbm>>
    tpu.wait_dma2 semaphore(%arg34 : memref<!tpu.dma_semaphore, #tpu.memory_space<semaphore_mem>>) src(%arg16 : memref<16x768xf32, #tpu.memory_space<vmem>>) dst(%dma_wait3A_693 : memref<16x768xf32, #tpu.memory_space<hbm>>)
    %add3A_694 = arith.constant 224 : i32
    %add3A_695 = arith.addi %mul3A_2, %add3A_694 : i32
    %dma_start3A_696 = arith.constant 0 : i32
    %dma_start3A_697 = tpu.memref_slice %arg4[%add3A_695, %dma_start3A_696] : memref<8192x768xf32, #tpu.memory_space<hbm>> -> memref<16x768xf32, #tpu.memory_space<hbm>>
    %dma_start3A_698 = arith.constant 0 : i32
    %dma_start3A_699 = tpu.memref_slice %arg4[%add3A_695, %dma_start3A_698] : memref<8192x768xf32, #tpu.memory_space<hbm>> -> memref<16x768xf32, #tpu.memory_space<hbm>>
    tpu.enqueue_dma source(%dma_start3A_699 : memref<16x768xf32, #tpu.memory_space<hbm>>) target(%arg16 : memref<16x768xf32, #tpu.memory_space<vmem>>) target_semaphore(%arg25 : memref<!tpu.dma_semaphore, #tpu.memory_space<semaphore_mem>>)
    %dma_start3A_700 = arith.constant 14 : i32
    %dma_start3A_701 = arith.constant 0 : i32
    %dma_start3A_702 = tpu.memref_slice %arg11[%dma_start3A_700, %dma_start3A_701] : memref<16x16xi32, #tpu.memory_space<vmem>> -> memref<1x16xi32, #tpu.memory_space<vmem>>
    %dma_start3A_703 = tpu.memref_squeeze %dma_start3A_702 : memref<1x16xi32, #tpu.memory_space<vmem>> -> memref<16xi32, #tpu.memory_space<vmem>>
    %dma_start3A_704 = arith.constant 0 : i32
    %dma_start3A_705 = arith.constant 0 : i32
    %dma_start3A_706 = tpu.memref_slice %arg5[%dma_start3A_704, %dma_start3A_705] : memref<256x768xf32, #tpu.memory_space<hbm>> -> memref<256x768xf32, #tpu.memory_space<hbm>>
    tpu.enqueue_indirect_dma source(%dma_start3A_706 : memref<256x768xf32, #tpu.memory_space<hbm>>) target(%arg19 : memref<16x768xf32, #tpu.memory_space<vmem>>) offsets(%dma_start3A_703 : memref<16xi32, #tpu.memory_space<vmem>>) semaphore(%arg28 : memref<!tpu.dma_semaphore, #tpu.memory_space<semaphore_mem>>)
    %dma_start3A_707 = arith.constant 14 : i32
    %dma_start3A_708 = arith.constant 0 : i32
    %dma_start3A_709 = tpu.memref_slice %arg12[%dma_start3A_707, %dma_start3A_708] : memref<16x16xi32, #tpu.memory_space<vmem>> -> memref<1x16xi32, #tpu.memory_space<vmem>>
    %dma_start3A_710 = tpu.memref_squeeze %dma_start3A_709 : memref<1x16xi32, #tpu.memory_space<vmem>> -> memref<16xi32, #tpu.memory_space<vmem>>
    %dma_start3A_711 = arith.constant 0 : i32
    %dma_start3A_712 = arith.constant 0 : i32
    %dma_start3A_713 = tpu.memref_slice %arg6[%dma_start3A_711, %dma_start3A_712] : memref<256x768xf32, #tpu.memory_space<hbm>> -> memref<256x768xf32, #tpu.memory_space<hbm>>
    tpu.enqueue_indirect_dma source(%dma_start3A_713 : memref<256x768xf32, #tpu.memory_space<hbm>>) target(%arg22 : memref<16x768xf32, #tpu.memory_space<vmem>>) offsets(%dma_start3A_710 : memref<16xi32, #tpu.memory_space<vmem>>) semaphore(%arg31 : memref<!tpu.dma_semaphore, #tpu.memory_space<semaphore_mem>>)
    %dma_wait3A_714 = arith.constant 0 : i32
    %dma_wait3A_715 = tpu.memref_slice %arg4[%add3A_587, %dma_wait3A_714] : memref<8192x768xf32, #tpu.memory_space<hbm>> -> memref<16x768xf32, #tpu.memory_space<hbm>>
    %dma_wait3A_716 = arith.constant 0 : i32
    %dma_wait3A_717 = tpu.memref_slice %arg4[%add3A_587, %dma_wait3A_716] : memref<8192x768xf32, #tpu.memory_space<hbm>> -> memref<16x768xf32, #tpu.memory_space<hbm>>
    tpu.wait_dma2 semaphore(%arg23 : memref<!tpu.dma_semaphore, #tpu.memory_space<semaphore_mem>>) src(%dma_wait3A_717 : memref<16x768xf32, #tpu.memory_space<hbm>>) dst(%arg14 : memref<16x768xf32, #tpu.memory_space<vmem>>)
    %dma_wait3A_718 = arith.constant 12 : i32
    %dma_wait3A_719 = arith.constant 0 : i32
    %dma_wait3A_720 = tpu.memref_slice %arg11[%dma_wait3A_718, %dma_wait3A_719] : memref<16x16xi32, #tpu.memory_space<vmem>> -> memref<1x16xi32, #tpu.memory_space<vmem>>
    %dma_wait3A_721 = tpu.memref_squeeze %dma_wait3A_720 : memref<1x16xi32, #tpu.memory_space<vmem>> -> memref<16xi32, #tpu.memory_space<vmem>>
    %dma_wait3A_722 = arith.constant 0 : i32
    %dma_wait3A_723 = arith.constant 0 : i32
    %dma_wait3A_724 = tpu.memref_slice %arg5[%dma_wait3A_722, %dma_wait3A_723] : memref<256x768xf32, #tpu.memory_space<hbm>> -> memref<256x768xf32, #tpu.memory_space<hbm>>
    tpu.wait_indirect_dma semaphore(%arg26 : memref<!tpu.dma_semaphore, #tpu.memory_space<semaphore_mem>>) src(%dma_wait3A_724 : memref<256x768xf32, #tpu.memory_space<hbm>>) dst(%arg17 : memref<16x768xf32, #tpu.memory_space<vmem>>)
    %dma_wait3A_725 = arith.constant 12 : i32
    %dma_wait3A_726 = arith.constant 0 : i32
    %dma_wait3A_727 = tpu.memref_slice %arg12[%dma_wait3A_725, %dma_wait3A_726] : memref<16x16xi32, #tpu.memory_space<vmem>> -> memref<1x16xi32, #tpu.memory_space<vmem>>
    %dma_wait3A_728 = tpu.memref_squeeze %dma_wait3A_727 : memref<1x16xi32, #tpu.memory_space<vmem>> -> memref<16xi32, #tpu.memory_space<vmem>>
    %dma_wait3A_729 = arith.constant 0 : i32
    %dma_wait3A_730 = arith.constant 0 : i32
    %dma_wait3A_731 = tpu.memref_slice %arg6[%dma_wait3A_729, %dma_wait3A_730] : memref<256x768xf32, #tpu.memory_space<hbm>> -> memref<256x768xf32, #tpu.memory_space<hbm>>
    tpu.wait_indirect_dma semaphore(%arg29 : memref<!tpu.dma_semaphore, #tpu.memory_space<semaphore_mem>>) src(%dma_wait3A_731 : memref<256x768xf32, #tpu.memory_space<hbm>>) dst(%arg20 : memref<16x768xf32, #tpu.memory_space<vmem>>)
    %scan3A_732 = arith.constant 0 : i32
    %scan3A_733 = arith.constant 0 : i32
    %scan3A_734 = arith.constant 16 : i32
    %scan3A_735 = arith.addi %scan3A_733, %scan3A_734 : i32
    %scan3A_736 = arith.constant 1 : i32
    scf.for %scan3A_870 = %scan3A_733 to %scan3A_735 step %scan3A_736  : i32 {
      %parallel_loop3A = arith.constant 0 : i32
      %parallel_loop3A_871 = arith.constant 48 : i32
      %parallel_loop3A_872 = arith.constant 1 : i32
      scf.for %parallel_loop3A_873 = %parallel_loop3A to %parallel_loop3A_871 step %parallel_loop3A_872  : i32 {
        %parallel_loop3A_874 = arith.constant 16 : i32
        %parallel_loop3A_875 = arith.muli %parallel_loop3A_873, %parallel_loop3A_874 : i32
        %parallel_loop3A_876 = arith.index_cast %scan3A_870 : i32 to index
        %parallel_loop3A_877 = arith.index_cast %parallel_loop3A_875 : i32 to index
        %parallel_loop3A_878 = tpu.vector_load %arg14[%parallel_loop3A_876, %parallel_loop3A_877] {strides = array<i32>} : memref<16x768xf32, #tpu.memory_space<vmem>>, vector<16xf32>,
        %parallel_loop3A_879 = arith.index_cast %scan3A_870 : i32 to index
        %parallel_loop3A_880 = arith.index_cast %parallel_loop3A_875 : i32 to index
        %parallel_loop3A_881 = tpu.vector_load %arg17[%parallel_loop3A_879, %parallel_loop3A_880] {strides = array<i32>} : memref<16x768xf32, #tpu.memory_space<vmem>>, vector<16xf32>,
        %parallel_loop3A_882 = arith.addf %parallel_loop3A_878, %parallel_loop3A_881 : vector<16xf32>
        %parallel_loop3A_883 = arith.index_cast %scan3A_870 : i32 to index
        %parallel_loop3A_884 = arith.index_cast %parallel_loop3A_875 : i32 to index
        %parallel_loop3A_885 = tpu.vector_load %arg20[%parallel_loop3A_883, %parallel_loop3A_884] {strides = array<i32>} : memref<16x768xf32, #tpu.memory_space<vmem>>, vector<16xf32>,
        %parallel_loop3A_886 = arith.addf %parallel_loop3A_882, %parallel_loop3A_885 : vector<16xf32>
        %parallel_loop3A_887 = arith.index_cast %scan3A_870 : i32 to index
        %parallel_loop3A_888 = arith.index_cast %parallel_loop3A_875 : i32 to index
        %parallel_loop3A_889 = tpu.vector_load %arg14[%parallel_loop3A_887, %parallel_loop3A_888] {strides = array<i32>} : memref<16x768xf32, #tpu.memory_space<vmem>>, vector<16xf32>,
        tpu.vector_store %arg14[%parallel_loop3A_887, %parallel_loop3A_888], %parallel_loop3A_886 {strides = array<i32>} : memref<16x768xf32, #tpu.memory_space<vmem>>, vector<16xf32>,
      } {sc.loop_unroll_factor = 8 : i64, sc.parallel_access}
    }
    %scan3A_737 = arith.constant 16 : i32
    %add3A_738 = arith.constant 192 : i32
    %add3A_739 = arith.addi %mul3A_2, %add3A_738 : i32
    %dma_start3A_740 = arith.constant 0 : i32
    %dma_start3A_741 = tpu.memref_slice %arg8[%add3A_739, %dma_start3A_740] : memref<8192x768xf32, #tpu.memory_space<hbm>> -> memref<16x768xf32, #tpu.memory_space<hbm>>
    %dma_start3A_742 = arith.constant 0 : i32
    %dma_start3A_743 = tpu.memref_slice %arg8[%add3A_739, %dma_start3A_742] : memref<8192x768xf32, #tpu.memory_space<hbm>> -> memref<16x768xf32, #tpu.memory_space<hbm>>
    tpu.enqueue_dma source(%arg14 : memref<16x768xf32, #tpu.memory_space<vmem>>) target(%dma_start3A_743 : memref<16x768xf32, #tpu.memory_space<hbm>>) target_semaphore(%arg32 : memref<!tpu.dma_semaphore, #tpu.memory_space<semaphore_mem>>)
    %dma_wait3A_744 = arith.constant 0 : i32
    %dma_wait3A_745 = tpu.memref_slice %arg8[%add3A_739, %dma_wait3A_744] : memref<8192x768xf32, #tpu.memory_space<hbm>> -> memref<16x768xf32, #tpu.memory_space<hbm>>
    %dma_wait3A_746 = arith.constant 0 : i32
    %dma_wait3A_747 = tpu.memref_slice %arg8[%add3A_739, %dma_wait3A_746] : memref<8192x768xf32, #tpu.memory_space<hbm>> -> memref<16x768xf32, #tpu.memory_space<hbm>>
    tpu.wait_dma2 semaphore(%arg32 : memref<!tpu.dma_semaphore, #tpu.memory_space<semaphore_mem>>) src(%arg14 : memref<16x768xf32, #tpu.memory_space<vmem>>) dst(%dma_wait3A_747 : memref<16x768xf32, #tpu.memory_space<hbm>>)
    %add3A_748 = arith.constant 240 : i32
    %add3A_749 = arith.addi %mul3A_2, %add3A_748 : i32
    %dma_start3A_750 = arith.constant 0 : i32
    %dma_start3A_751 = tpu.memref_slice %arg4[%add3A_749, %dma_start3A_750] : memref<8192x768xf32, #tpu.memory_space<hbm>> -> memref<16x768xf32, #tpu.memory_space<hbm>>
    %dma_start3A_752 = arith.constant 0 : i32
    %dma_start3A_753 = tpu.memref_slice %arg4[%add3A_749, %dma_start3A_752] : memref<8192x768xf32, #tpu.memory_space<hbm>> -> memref<16x768xf32, #tpu.memory_space<hbm>>
    tpu.enqueue_dma source(%dma_start3A_753 : memref<16x768xf32, #tpu.memory_space<hbm>>) target(%arg14 : memref<16x768xf32, #tpu.memory_space<vmem>>) target_semaphore(%arg23 : memref<!tpu.dma_semaphore, #tpu.memory_space<semaphore_mem>>)
    %dma_start3A_754 = arith.constant 15 : i32
    %dma_start3A_755 = arith.constant 0 : i32
    %dma_start3A_756 = tpu.memref_slice %arg11[%dma_start3A_754, %dma_start3A_755] : memref<16x16xi32, #tpu.memory_space<vmem>> -> memref<1x16xi32, #tpu.memory_space<vmem>>
    %dma_start3A_757 = tpu.memref_squeeze %dma_start3A_756 : memref<1x16xi32, #tpu.memory_space<vmem>> -> memref<16xi32, #tpu.memory_space<vmem>>
    %dma_start3A_758 = arith.constant 0 : i32
    %dma_start3A_759 = arith.constant 0 : i32
    %dma_start3A_760 = tpu.memref_slice %arg5[%dma_start3A_758, %dma_start3A_759] : memref<256x768xf32, #tpu.memory_space<hbm>> -> memref<256x768xf32, #tpu.memory_space<hbm>>
    tpu.enqueue_indirect_dma source(%dma_start3A_760 : memref<256x768xf32, #tpu.memory_space<hbm>>) target(%arg17 : memref<16x768xf32, #tpu.memory_space<vmem>>) offsets(%dma_start3A_757 : memref<16xi32, #tpu.memory_space<vmem>>) semaphore(%arg26 : memref<!tpu.dma_semaphore, #tpu.memory_space<semaphore_mem>>)
    %dma_start3A_761 = arith.constant 15 : i32
    %dma_start3A_762 = arith.constant 0 : i32
    %dma_start3A_763 = tpu.memref_slice %arg12[%dma_start3A_761, %dma_start3A_762] : memref<16x16xi32, #tpu.memory_space<vmem>> -> memref<1x16xi32, #tpu.memory_space<vmem>>
    %dma_start3A_764 = tpu.memref_squeeze %dma_start3A_763 : memref<1x16xi32, #tpu.memory_space<vmem>> -> memref<16xi32, #tpu.memory_space<vmem>>
    %dma_start3A_765 = arith.constant 0 : i32
    %dma_start3A_766 = arith.constant 0 : i32
    %dma_start3A_767 = tpu.memref_slice %arg6[%dma_start3A_765, %dma_start3A_766] : memref<256x768xf32, #tpu.memory_space<hbm>> -> memref<256x768xf32, #tpu.memory_space<hbm>>
    tpu.enqueue_indirect_dma source(%dma_start3A_767 : memref<256x768xf32, #tpu.memory_space<hbm>>) target(%arg20 : memref<16x768xf32, #tpu.memory_space<vmem>>) offsets(%dma_start3A_764 : memref<16xi32, #tpu.memory_space<vmem>>) semaphore(%arg29 : memref<!tpu.dma_semaphore, #tpu.memory_space<semaphore_mem>>)
    %dma_wait3A_768 = arith.constant 0 : i32
    %dma_wait3A_769 = tpu.memref_slice %arg4[%add3A_641, %dma_wait3A_768] : memref<8192x768xf32, #tpu.memory_space<hbm>> -> memref<16x768xf32, #tpu.memory_space<hbm>>
    %dma_wait3A_770 = arith.constant 0 : i32
    %dma_wait3A_771 = tpu.memref_slice %arg4[%add3A_641, %dma_wait3A_770] : memref<8192x768xf32, #tpu.memory_space<hbm>> -> memref<16x768xf32, #tpu.memory_space<hbm>>
    tpu.wait_dma2 semaphore(%arg24 : memref<!tpu.dma_semaphore, #tpu.memory_space<semaphore_mem>>) src(%dma_wait3A_771 : memref<16x768xf32, #tpu.memory_space<hbm>>) dst(%arg15 : memref<16x768xf32, #tpu.memory_space<vmem>>)
    %dma_wait3A_772 = arith.constant 13 : i32
    %dma_wait3A_773 = arith.constant 0 : i32
    %dma_wait3A_774 = tpu.memref_slice %arg11[%dma_wait3A_772, %dma_wait3A_773] : memref<16x16xi32, #tpu.memory_space<vmem>> -> memref<1x16xi32, #tpu.memory_space<vmem>>
    %dma_wait3A_775 = tpu.memref_squeeze %dma_wait3A_774 : memref<1x16xi32, #tpu.memory_space<vmem>> -> memref<16xi32, #tpu.memory_space<vmem>>
    %dma_wait3A_776 = arith.constant 0 : i32
    %dma_wait3A_777 = arith.constant 0 : i32
    %dma_wait3A_778 = tpu.memref_slice %arg5[%dma_wait3A_776, %dma_wait3A_777] : memref<256x768xf32, #tpu.memory_space<hbm>> -> memref<256x768xf32, #tpu.memory_space<hbm>>
    tpu.wait_indirect_dma semaphore(%arg27 : memref<!tpu.dma_semaphore, #tpu.memory_space<semaphore_mem>>) src(%dma_wait3A_778 : memref<256x768xf32, #tpu.memory_space<hbm>>) dst(%arg18 : memref<16x768xf32, #tpu.memory_space<vmem>>)
    %dma_wait3A_779 = arith.constant 13 : i32
    %dma_wait3A_780 = arith.constant 0 : i32
    %dma_wait3A_781 = tpu.memref_slice %arg12[%dma_wait3A_779, %dma_wait3A_780] : memref<16x16xi32, #tpu.memory_space<vmem>> -> memref<1x16xi32, #tpu.memory_space<vmem>>
    %dma_wait3A_782 = tpu.memref_squeeze %dma_wait3A_781 : memref<1x16xi32, #tpu.memory_space<vmem>> -> memref<16xi32, #tpu.memory_space<vmem>>
    %dma_wait3A_783 = arith.constant 0 : i32
    %dma_wait3A_784 = arith.constant 0 : i32
    %dma_wait3A_785 = tpu.memref_slice %arg6[%dma_wait3A_783, %dma_wait3A_784] : memref<256x768xf32, #tpu.memory_space<hbm>> -> memref<256x768xf32, #tpu.memory_space<hbm>>
    tpu.wait_indirect_dma semaphore(%arg30 : memref<!tpu.dma_semaphore, #tpu.memory_space<semaphore_mem>>) src(%dma_wait3A_785 : memref<256x768xf32, #tpu.memory_space<hbm>>) dst(%arg21 : memref<16x768xf32, #tpu.memory_space<vmem>>)
    %scan3A_786 = arith.constant 0 : i32
    %scan3A_787 = arith.constant 0 : i32
    %scan3A_788 = arith.constant 16 : i32
    %scan3A_789 = arith.addi %scan3A_787, %scan3A_788 : i32
    %scan3A_790 = arith.constant 1 : i32
    scf.for %scan3A_870 = %scan3A_787 to %scan3A_789 step %scan3A_790  : i32 {
      %parallel_loop3A = arith.constant 0 : i32
      %parallel_loop3A_871 = arith.constant 48 : i32
      %parallel_loop3A_872 = arith.constant 1 : i32
      scf.for %parallel_loop3A_873 = %parallel_loop3A to %parallel_loop3A_871 step %parallel_loop3A_872  : i32 {
        %parallel_loop3A_874 = arith.constant 16 : i32
        %parallel_loop3A_875 = arith.muli %parallel_loop3A_873, %parallel_loop3A_874 : i32
        %parallel_loop3A_876 = arith.index_cast %scan3A_870 : i32 to index
        %parallel_loop3A_877 = arith.index_cast %parallel_loop3A_875 : i32 to index
        %parallel_loop3A_878 = tpu.vector_load %arg15[%parallel_loop3A_876, %parallel_loop3A_877] {strides = array<i32>} : memref<16x768xf32, #tpu.memory_space<vmem>>, vector<16xf32>,
        %parallel_loop3A_879 = arith.index_cast %scan3A_870 : i32 to index
        %parallel_loop3A_880 = arith.index_cast %parallel_loop3A_875 : i32 to index
        %parallel_loop3A_881 = tpu.vector_load %arg18[%parallel_loop3A_879, %parallel_loop3A_880] {strides = array<i32>} : memref<16x768xf32, #tpu.memory_space<vmem>>, vector<16xf32>,
        %parallel_loop3A_882 = arith.addf %parallel_loop3A_878, %parallel_loop3A_881 : vector<16xf32>
        %parallel_loop3A_883 = arith.index_cast %scan3A_870 : i32 to index
        %parallel_loop3A_884 = arith.index_cast %parallel_loop3A_875 : i32 to index
        %parallel_loop3A_885 = tpu.vector_load %arg21[%parallel_loop3A_883, %parallel_loop3A_884] {strides = array<i32>} : memref<16x768xf32, #tpu.memory_space<vmem>>, vector<16xf32>,
        %parallel_loop3A_886 = arith.addf %parallel_loop3A_882, %parallel_loop3A_885 : vector<16xf32>
        %parallel_loop3A_887 = arith.index_cast %scan3A_870 : i32 to index
        %parallel_loop3A_888 = arith.index_cast %parallel_loop3A_875 : i32 to index
        %parallel_loop3A_889 = tpu.vector_load %arg15[%parallel_loop3A_887, %parallel_loop3A_888] {strides = array<i32>} : memref<16x768xf32, #tpu.memory_space<vmem>>, vector<16xf32>,
        tpu.vector_store %arg15[%parallel_loop3A_887, %parallel_loop3A_888], %parallel_loop3A_886 {strides = array<i32>} : memref<16x768xf32, #tpu.memory_space<vmem>>, vector<16xf32>,
      } {sc.loop_unroll_factor = 8 : i64, sc.parallel_access}
    }
    %scan3A_791 = arith.constant 16 : i32
    %add3A_792 = arith.constant 208 : i32
    %add3A_793 = arith.addi %mul3A_2, %add3A_792 : i32
    %dma_start3A_794 = arith.constant 0 : i32
    %dma_start3A_795 = tpu.memref_slice %arg8[%add3A_793, %dma_start3A_794] : memref<8192x768xf32, #tpu.memory_space<hbm>> -> memref<16x768xf32, #tpu.memory_space<hbm>>
    %dma_start3A_796 = arith.constant 0 : i32
    %dma_start3A_797 = tpu.memref_slice %arg8[%add3A_793, %dma_start3A_796] : memref<8192x768xf32, #tpu.memory_space<hbm>> -> memref<16x768xf32, #tpu.memory_space<hbm>>
    tpu.enqueue_dma source(%arg15 : memref<16x768xf32, #tpu.memory_space<vmem>>) target(%dma_start3A_797 : memref<16x768xf32, #tpu.memory_space<hbm>>) target_semaphore(%arg33 : memref<!tpu.dma_semaphore, #tpu.memory_space<semaphore_mem>>)
    %dma_wait3A_798 = arith.constant 0 : i32
    %dma_wait3A_799 = tpu.memref_slice %arg4[%add3A_695, %dma_wait3A_798] : memref<8192x768xf32, #tpu.memory_space<hbm>> -> memref<16x768xf32, #tpu.memory_space<hbm>>
    %dma_wait3A_800 = arith.constant 0 : i32
    %dma_wait3A_801 = tpu.memref_slice %arg4[%add3A_695, %dma_wait3A_800] : memref<8192x768xf32, #tpu.memory_space<hbm>> -> memref<16x768xf32, #tpu.memory_space<hbm>>
    tpu.wait_dma2 semaphore(%arg25 : memref<!tpu.dma_semaphore, #tpu.memory_space<semaphore_mem>>) src(%dma_wait3A_801 : memref<16x768xf32, #tpu.memory_space<hbm>>) dst(%arg16 : memref<16x768xf32, #tpu.memory_space<vmem>>)
    %dma_wait3A_802 = arith.constant 14 : i32
    %dma_wait3A_803 = arith.constant 0 : i32
    %dma_wait3A_804 = tpu.memref_slice %arg11[%dma_wait3A_802, %dma_wait3A_803] : memref<16x16xi32, #tpu.memory_space<vmem>> -> memref<1x16xi32, #tpu.memory_space<vmem>>
    %dma_wait3A_805 = tpu.memref_squeeze %dma_wait3A_804 : memref<1x16xi32, #tpu.memory_space<vmem>> -> memref<16xi32, #tpu.memory_space<vmem>>
    %dma_wait3A_806 = arith.constant 0 : i32
    %dma_wait3A_807 = arith.constant 0 : i32
    %dma_wait3A_808 = tpu.memref_slice %arg5[%dma_wait3A_806, %dma_wait3A_807] : memref<256x768xf32, #tpu.memory_space<hbm>> -> memref<256x768xf32, #tpu.memory_space<hbm>>
    tpu.wait_indirect_dma semaphore(%arg28 : memref<!tpu.dma_semaphore, #tpu.memory_space<semaphore_mem>>) src(%dma_wait3A_808 : memref<256x768xf32, #tpu.memory_space<hbm>>) dst(%arg19 : memref<16x768xf32, #tpu.memory_space<vmem>>)
    %dma_wait3A_809 = arith.constant 14 : i32
    %dma_wait3A_810 = arith.constant 0 : i32
    %dma_wait3A_811 = tpu.memref_slice %arg12[%dma_wait3A_809, %dma_wait3A_810] : memref<16x16xi32, #tpu.memory_space<vmem>> -> memref<1x16xi32, #tpu.memory_space<vmem>>
    %dma_wait3A_812 = tpu.memref_squeeze %dma_wait3A_811 : memref<1x16xi32, #tpu.memory_space<vmem>> -> memref<16xi32, #tpu.memory_space<vmem>>
    %dma_wait3A_813 = arith.constant 0 : i32
    %dma_wait3A_814 = arith.constant 0 : i32
    %dma_wait3A_815 = tpu.memref_slice %arg6[%dma_wait3A_813, %dma_wait3A_814] : memref<256x768xf32, #tpu.memory_space<hbm>> -> memref<256x768xf32, #tpu.memory_space<hbm>>
    tpu.wait_indirect_dma semaphore(%arg31 : memref<!tpu.dma_semaphore, #tpu.memory_space<semaphore_mem>>) src(%dma_wait3A_815 : memref<256x768xf32, #tpu.memory_space<hbm>>) dst(%arg22 : memref<16x768xf32, #tpu.memory_space<vmem>>)
    %scan3A_816 = arith.constant 0 : i32
    %scan3A_817 = arith.constant 0 : i32
    %scan3A_818 = arith.constant 16 : i32
    %scan3A_819 = arith.addi %scan3A_817, %scan3A_818 : i32
    %scan3A_820 = arith.constant 1 : i32
    scf.for %scan3A_870 = %scan3A_817 to %scan3A_819 step %scan3A_820  : i32 {
      %parallel_loop3A = arith.constant 0 : i32
      %parallel_loop3A_871 = arith.constant 48 : i32
      %parallel_loop3A_872 = arith.constant 1 : i32
      scf.for %parallel_loop3A_873 = %parallel_loop3A to %parallel_loop3A_871 step %parallel_loop3A_872  : i32 {
        %parallel_loop3A_874 = arith.constant 16 : i32
        %parallel_loop3A_875 = arith.muli %parallel_loop3A_873, %parallel_loop3A_874 : i32
        %parallel_loop3A_876 = arith.index_cast %scan3A_870 : i32 to index
        %parallel_loop3A_877 = arith.index_cast %parallel_loop3A_875 : i32 to index
        %parallel_loop3A_878 = tpu.vector_load %arg16[%parallel_loop3A_876, %parallel_loop3A_877] {strides = array<i32>} : memref<16x768xf32, #tpu.memory_space<vmem>>, vector<16xf32>,
        %parallel_loop3A_879 = arith.index_cast %scan3A_870 : i32 to index
        %parallel_loop3A_880 = arith.index_cast %parallel_loop3A_875 : i32 to index
        %parallel_loop3A_881 = tpu.vector_load %arg19[%parallel_loop3A_879, %parallel_loop3A_880] {strides = array<i32>} : memref<16x768xf32, #tpu.memory_space<vmem>>, vector<16xf32>,
        %parallel_loop3A_882 = arith.addf %parallel_loop3A_878, %parallel_loop3A_881 : vector<16xf32>
        %parallel_loop3A_883 = arith.index_cast %scan3A_870 : i32 to index
        %parallel_loop3A_884 = arith.index_cast %parallel_loop3A_875 : i32 to index
        %parallel_loop3A_885 = tpu.vector_load %arg22[%parallel_loop3A_883, %parallel_loop3A_884] {strides = array<i32>} : memref<16x768xf32, #tpu.memory_space<vmem>>, vector<16xf32>,
        %parallel_loop3A_886 = arith.addf %parallel_loop3A_882, %parallel_loop3A_885 : vector<16xf32>
        %parallel_loop3A_887 = arith.index_cast %scan3A_870 : i32 to index
        %parallel_loop3A_888 = arith.index_cast %parallel_loop3A_875 : i32 to index
        %parallel_loop3A_889 = tpu.vector_load %arg16[%parallel_loop3A_887, %parallel_loop3A_888] {strides = array<i32>} : memref<16x768xf32, #tpu.memory_space<vmem>>, vector<16xf32>,
        tpu.vector_store %arg16[%parallel_loop3A_887, %parallel_loop3A_888], %parallel_loop3A_886 {strides = array<i32>} : memref<16x768xf32, #tpu.memory_space<vmem>>, vector<16xf32>,
      } {sc.loop_unroll_factor = 8 : i64, sc.parallel_access}
    }
    %scan3A_821 = arith.constant 16 : i32
    %add3A_822 = arith.constant 224 : i32
    %add3A_823 = arith.addi %mul3A_2, %add3A_822 : i32
    %dma_start3A_824 = arith.constant 0 : i32
    %dma_start3A_825 = tpu.memref_slice %arg8[%add3A_823, %dma_start3A_824] : memref<8192x768xf32, #tpu.memory_space<hbm>> -> memref<16x768xf32, #tpu.memory_space<hbm>>
    %dma_start3A_826 = arith.constant 0 : i32
    %dma_start3A_827 = tpu.memref_slice %arg8[%add3A_823, %dma_start3A_826] : memref<8192x768xf32, #tpu.memory_space<hbm>> -> memref<16x768xf32, #tpu.memory_space<hbm>>
    tpu.enqueue_dma source(%arg16 : memref<16x768xf32, #tpu.memory_space<vmem>>) target(%dma_start3A_827 : memref<16x768xf32, #tpu.memory_space<hbm>>) target_semaphore(%arg34 : memref<!tpu.dma_semaphore, #tpu.memory_space<semaphore_mem>>)
    %dma_wait3A_828 = arith.constant 0 : i32
    %dma_wait3A_829 = tpu.memref_slice %arg4[%add3A_749, %dma_wait3A_828] : memref<8192x768xf32, #tpu.memory_space<hbm>> -> memref<16x768xf32, #tpu.memory_space<hbm>>
    %dma_wait3A_830 = arith.constant 0 : i32
    %dma_wait3A_831 = tpu.memref_slice %arg4[%add3A_749, %dma_wait3A_830] : memref<8192x768xf32, #tpu.memory_space<hbm>> -> memref<16x768xf32, #tpu.memory_space<hbm>>
    tpu.wait_dma2 semaphore(%arg23 : memref<!tpu.dma_semaphore, #tpu.memory_space<semaphore_mem>>) src(%dma_wait3A_831 : memref<16x768xf32, #tpu.memory_space<hbm>>) dst(%arg14 : memref<16x768xf32, #tpu.memory_space<vmem>>)
    %dma_wait3A_832 = arith.constant 15 : i32
    %dma_wait3A_833 = arith.constant 0 : i32
    %dma_wait3A_834 = tpu.memref_slice %arg11[%dma_wait3A_832, %dma_wait3A_833] : memref<16x16xi32, #tpu.memory_space<vmem>> -> memref<1x16xi32, #tpu.memory_space<vmem>>
    %dma_wait3A_835 = tpu.memref_squeeze %dma_wait3A_834 : memref<1x16xi32, #tpu.memory_space<vmem>> -> memref<16xi32, #tpu.memory_space<vmem>>
    %dma_wait3A_836 = arith.constant 0 : i32
    %dma_wait3A_837 = arith.constant 0 : i32
    %dma_wait3A_838 = tpu.memref_slice %arg5[%dma_wait3A_836, %dma_wait3A_837] : memref<256x768xf32, #tpu.memory_space<hbm>> -> memref<256x768xf32, #tpu.memory_space<hbm>>
    tpu.wait_indirect_dma semaphore(%arg26 : memref<!tpu.dma_semaphore, #tpu.memory_space<semaphore_mem>>) src(%dma_wait3A_838 : memref<256x768xf32, #tpu.memory_space<hbm>>) dst(%arg17 : memref<16x768xf32, #tpu.memory_space<vmem>>)
    %dma_wait3A_839 = arith.constant 15 : i32
    %dma_wait3A_840 = arith.constant 0 : i32
    %dma_wait3A_841 = tpu.memref_slice %arg12[%dma_wait3A_839, %dma_wait3A_840] : memref<16x16xi32, #tpu.memory_space<vmem>> -> memref<1x16xi32, #tpu.memory_space<vmem>>
    %dma_wait3A_842 = tpu.memref_squeeze %dma_wait3A_841 : memref<1x16xi32, #tpu.memory_space<vmem>> -> memref<16xi32, #tpu.memory_space<vmem>>
    %dma_wait3A_843 = arith.constant 0 : i32
    %dma_wait3A_844 = arith.constant 0 : i32
    %dma_wait3A_845 = tpu.memref_slice %arg6[%dma_wait3A_843, %dma_wait3A_844] : memref<256x768xf32, #tpu.memory_space<hbm>> -> memref<256x768xf32, #tpu.memory_space<hbm>>
    tpu.wait_indirect_dma semaphore(%arg29 : memref<!tpu.dma_semaphore, #tpu.memory_space<semaphore_mem>>) src(%dma_wait3A_845 : memref<256x768xf32, #tpu.memory_space<hbm>>) dst(%arg20 : memref<16x768xf32, #tpu.memory_space<vmem>>)
    %scan3A_846 = arith.constant 0 : i32
    %scan3A_847 = arith.constant 0 : i32
    %scan3A_848 = arith.constant 16 : i32
    %scan3A_849 = arith.addi %scan3A_847, %scan3A_848 : i32
    %scan3A_850 = arith.constant 1 : i32
    scf.for %scan3A_870 = %scan3A_847 to %scan3A_849 step %scan3A_850  : i32 {
      %parallel_loop3A = arith.constant 0 : i32
      %parallel_loop3A_871 = arith.constant 48 : i32
      %parallel_loop3A_872 = arith.constant 1 : i32
      scf.for %parallel_loop3A_873 = %parallel_loop3A to %parallel_loop3A_871 step %parallel_loop3A_872  : i32 {
        %parallel_loop3A_874 = arith.constant 16 : i32
        %parallel_loop3A_875 = arith.muli %parallel_loop3A_873, %parallel_loop3A_874 : i32
        %parallel_loop3A_876 = arith.index_cast %scan3A_870 : i32 to index
        %parallel_loop3A_877 = arith.index_cast %parallel_loop3A_875 : i32 to index
        %parallel_loop3A_878 = tpu.vector_load %arg14[%parallel_loop3A_876, %parallel_loop3A_877] {strides = array<i32>} : memref<16x768xf32, #tpu.memory_space<vmem>>, vector<16xf32>,
        %parallel_loop3A_879 = arith.index_cast %scan3A_870 : i32 to index
        %parallel_loop3A_880 = arith.index_cast %parallel_loop3A_875 : i32 to index
        %parallel_loop3A_881 = tpu.vector_load %arg17[%parallel_loop3A_879, %parallel_loop3A_880] {strides = array<i32>} : memref<16x768xf32, #tpu.memory_space<vmem>>, vector<16xf32>,
        %parallel_loop3A_882 = arith.addf %parallel_loop3A_878, %parallel_loop3A_881 : vector<16xf32>
        %parallel_loop3A_883 = arith.index_cast %scan3A_870 : i32 to index
        %parallel_loop3A_884 = arith.index_cast %parallel_loop3A_875 : i32 to index
        %parallel_loop3A_885 = tpu.vector_load %arg20[%parallel_loop3A_883, %parallel_loop3A_884] {strides = array<i32>} : memref<16x768xf32, #tpu.memory_space<vmem>>, vector<16xf32>,
        %parallel_loop3A_886 = arith.addf %parallel_loop3A_882, %parallel_loop3A_885 : vector<16xf32>
        %parallel_loop3A_887 = arith.index_cast %scan3A_870 : i32 to index
        %parallel_loop3A_888 = arith.index_cast %parallel_loop3A_875 : i32 to index
        %parallel_loop3A_889 = tpu.vector_load %arg14[%parallel_loop3A_887, %parallel_loop3A_888] {strides = array<i32>} : memref<16x768xf32, #tpu.memory_space<vmem>>, vector<16xf32>,
        tpu.vector_store %arg14[%parallel_loop3A_887, %parallel_loop3A_888], %parallel_loop3A_886 {strides = array<i32>} : memref<16x768xf32, #tpu.memory_space<vmem>>, vector<16xf32>,
      } {sc.loop_unroll_factor = 8 : i64, sc.parallel_access}
    }
    %scan3A_851 = arith.constant 16 : i32
    %add3A_852 = arith.constant 240 : i32
    %add3A_853 = arith.addi %mul3A_2, %add3A_852 : i32
    %dma_start3A_854 = arith.constant 0 : i32
    %dma_start3A_855 = tpu.memref_slice %arg8[%add3A_853, %dma_start3A_854] : memref<8192x768xf32, #tpu.memory_space<hbm>> -> memref<16x768xf32, #tpu.memory_space<hbm>>
    %dma_start3A_856 = arith.constant 0 : i32
    %dma_start3A_857 = tpu.memref_slice %arg8[%add3A_853, %dma_start3A_856] : memref<8192x768xf32, #tpu.memory_space<hbm>> -> memref<16x768xf32, #tpu.memory_space<hbm>>
    tpu.enqueue_dma source(%arg14 : memref<16x768xf32, #tpu.memory_space<vmem>>) target(%dma_start3A_857 : memref<16x768xf32, #tpu.memory_space<hbm>>) target_semaphore(%arg32 : memref<!tpu.dma_semaphore, #tpu.memory_space<semaphore_mem>>)
    %dma_wait3A_858 = arith.constant 0 : i32
    %dma_wait3A_859 = tpu.memref_slice %arg8[%add3A_793, %dma_wait3A_858] : memref<8192x768xf32, #tpu.memory_space<hbm>> -> memref<16x768xf32, #tpu.memory_space<hbm>>
    %dma_wait3A_860 = arith.constant 0 : i32
    %dma_wait3A_861 = tpu.memref_slice %arg8[%add3A_793, %dma_wait3A_860] : memref<8192x768xf32, #tpu.memory_space<hbm>> -> memref<16x768xf32, #tpu.memory_space<hbm>>
    tpu.wait_dma2 semaphore(%arg33 : memref<!tpu.dma_semaphore, #tpu.memory_space<semaphore_mem>>) src(%arg15 : memref<16x768xf32, #tpu.memory_space<vmem>>) dst(%dma_wait3A_861 : memref<16x768xf32, #tpu.memory_space<hbm>>)
    %dma_wait3A_862 = arith.constant 0 : i32
    %dma_wait3A_863 = tpu.memref_slice %arg8[%add3A_823, %dma_wait3A_862] : memref<8192x768xf32, #tpu.memory_space<hbm>> -> memref<16x768xf32, #tpu.memory_space<hbm>>
    %dma_wait3A_864 = arith.constant 0 : i32
    %dma_wait3A_865 = tpu.memref_slice %arg8[%add3A_823, %dma_wait3A_864] : memref<8192x768xf32, #tpu.memory_space<hbm>> -> memref<16x768xf32, #tpu.memory_space<hbm>>
    tpu.wait_dma2 semaphore(%arg34 : memref<!tpu.dma_semaphore, #tpu.memory_space<semaphore_mem>>) src(%arg16 : memref<16x768xf32, #tpu.memory_space<vmem>>) dst(%dma_wait3A_865 : memref<16x768xf32, #tpu.memory_space<hbm>>)
    %dma_wait3A_866 = arith.constant 0 : i32
    %dma_wait3A_867 = tpu.memref_slice %arg8[%add3A_853, %dma_wait3A_866] : memref<8192x768xf32, #tpu.memory_space<hbm>> -> memref<16x768xf32, #tpu.memory_space<hbm>>
    %dma_wait3A_868 = arith.constant 0 : i32
    %dma_wait3A_869 = tpu.memref_slice %arg8[%add3A_853, %dma_wait3A_868] : memref<8192x768xf32, #tpu.memory_space<hbm>> -> memref<16x768xf32, #tpu.memory_space<hbm>>
    tpu.wait_dma2 semaphore(%arg32 : memref<!tpu.dma_semaphore, #tpu.memory_space<semaphore_mem>>) src(%arg14 : memref<16x768xf32, #tpu.memory_space<vmem>>) dst(%dma_wait3A_869 : memref<16x768xf32, #tpu.memory_space<hbm>>)
    return
  }
}

module attributes {stable_mosaic.version = 14 : i64} {
  func.func @_tc_body(%arg0: i32, %arg1: memref<1x2048x768xf32, #tpu.memory_space<vmem>>, %arg2: memref<3x768x256xf32, #tpu.memory_space<vmem>>, %arg3: memref<256xf32, #tpu.memory_space<vmem>>, %arg4: memref<256xf32, #tpu.memory_space<vmem>>, %arg5: memref<256xf32, #tpu.memory_space<vmem>>, %arg6: memref<3x256x256xf32, #tpu.memory_space<vmem>>, %arg7: memref<256xf32, #tpu.memory_space<vmem>>, %arg8: memref<256xf32, #tpu.memory_space<vmem>>, %arg9: memref<256xf32, #tpu.memory_space<vmem>>, %arg10: memref<256x1xf32, #tpu.memory_space<vmem>>, %arg11: memref<1xf32, #tpu.memory_space<vmem>>, %arg12: memref<3x768x256xf32, #tpu.memory_space<vmem>>, %arg13: memref<256xf32, #tpu.memory_space<vmem>>, %arg14: memref<256xf32, #tpu.memory_space<vmem>>, %arg15: memref<256xf32, #tpu.memory_space<vmem>>, %arg16: memref<3x256x256xf32, #tpu.memory_space<vmem>>, %arg17: memref<256xf32, #tpu.memory_space<vmem>>, %arg18: memref<256xf32, #tpu.memory_space<vmem>>, %arg19: memref<256xf32, #tpu.memory_space<vmem>>, %arg20: memref<256x1xf32, #tpu.memory_space<vmem>>, %arg21: memref<1xf32, #tpu.memory_space<vmem>>, %arg22: memref<1x1x2048xf32, #tpu.memory_space<vmem>>, %arg23: memref<1x1x2048xf32, #tpu.memory_space<vmem>>, %arg24: memref<3x768x512xf32, #tpu.memory_space<vmem>>) attributes {dimension_semantics = [#tpu.dimension_semantics<arbitrary>], iteration_bounds = array<i64: 4>, scalar_prefetch = 0 : i64, scratch_operands = 1 : i64, tpu.core_type = #tpu.core_type<tc>, window_params = [{transform_indices = @transform_0, window_bounds = array<i64: 1, 2048, 768>}, {pipeline_mode = #tpu.pipeline_mode<synchronous>, transform_indices = @transform_1, window_bounds = array<i64: 3, 768, 256>}, {pipeline_mode = #tpu.pipeline_mode<synchronous>, transform_indices = @transform_2, window_bounds = array<i64: 256>}, {pipeline_mode = #tpu.pipeline_mode<synchronous>, transform_indices = @transform_3, window_bounds = array<i64: 256>}, {pipeline_mode = #tpu.pipeline_mode<synchronous>, transform_indices = @transform_4, window_bounds = array<i64: 256>}, {pipeline_mode = #tpu.pipeline_mode<synchronous>, transform_indices = @transform_5, window_bounds = array<i64: 3, 256, 256>}, {pipeline_mode = #tpu.pipeline_mode<synchronous>, transform_indices = @transform_6, window_bounds = array<i64: 256>}, {pipeline_mode = #tpu.pipeline_mode<synchronous>, transform_indices = @transform_7, window_bounds = array<i64: 256>}, {pipeline_mode = #tpu.pipeline_mode<synchronous>, transform_indices = @transform_8, window_bounds = array<i64: 256>}, {pipeline_mode = #tpu.pipeline_mode<synchronous>, transform_indices = @transform_9, window_bounds = array<i64: 256, 1>}, {pipeline_mode = #tpu.pipeline_mode<synchronous>, transform_indices = @transform_10, window_bounds = array<i64: 1>}, {pipeline_mode = #tpu.pipeline_mode<synchronous>, transform_indices = @transform_11, window_bounds = array<i64: 3, 768, 256>}, {pipeline_mode = #tpu.pipeline_mode<synchronous>, transform_indices = @transform_12, window_bounds = array<i64: 256>}, {pipeline_mode = #tpu.pipeline_mode<synchronous>, transform_indices = @transform_13, window_bounds = array<i64: 256>}, {pipeline_mode = #tpu.pipeline_mode<synchronous>, transform_indices = @transform_14, window_bounds = array<i64: 256>}, {pipeline_mode = #tpu.pipeline_mode<synchronous>, transform_indices = @transform_15, window_bounds = array<i64: 3, 256, 256>}, {pipeline_mode = #tpu.pipeline_mode<synchronous>, transform_indices = @transform_16, window_bounds = array<i64: 256>}, {pipeline_mode = #tpu.pipeline_mode<synchronous>, transform_indices = @transform_17, window_bounds = array<i64: 256>}, {pipeline_mode = #tpu.pipeline_mode<synchronous>, transform_indices = @transform_18, window_bounds = array<i64: 256>}, {pipeline_mode = #tpu.pipeline_mode<synchronous>, transform_indices = @transform_19, window_bounds = array<i64: 256, 1>}, {pipeline_mode = #tpu.pipeline_mode<synchronous>, transform_indices = @transform_20, window_bounds = array<i64: 1>}, {transform_indices = @transform_21, window_bounds = array<i64: 1, 1, 2048>}, {transform_indices = @transform_22, window_bounds = array<i64: 1, 1, 2048>}]} {
    %eq3A = arith.constant 0 : i32
    %eq3A_0 = arith.cmpi eq, %arg0, %eq3A : i32
    %convert_element_type3A = arith.extui %eq3A_0 : i1 to i32
    %cond3A = arith.constant 0 : i32
    %cond3A_1 = arith.cmpi ne, %convert_element_type3A, %cond3A : i32
    scf.if %cond3A_1 {
      %get3A_273 = arith.constant 0 : index
      %get3A_274 = arith.constant 0 : index
      %get3A_275 = arith.constant 0 : index
      %get3A_276 = vector.load %arg2[%get3A_273, %get3A_274, %get3A_275] : memref<3x768x256xf32, #tpu.memory_space<vmem>>, vector<1x768x256xf32>
      %get3A_277 = vector.shape_cast %get3A_276 : vector<1x768x256xf32> to vector<768x256xf32>
      %swap3A_278 = arith.constant 0 : index
      %swap3A_279 = arith.constant 0 : index
      %swap3A_280 = arith.constant 0 : index
      %swap3A_281 = vector.load %arg24[%swap3A_278, %swap3A_279, %swap3A_280] : memref<3x768x512xf32, #tpu.memory_space<vmem>>, vector<1x768x256xf32>
      %swap3A_282 = vector.shape_cast %swap3A_281 : vector<1x768x256xf32> to vector<768x256xf32>
      %swap3A_283 = vector.shape_cast %get3A_277 : vector<768x256xf32> to vector<1x768x256xf32>
      tpu.vector_store %arg24[%swap3A_278, %swap3A_279, %swap3A_280], %swap3A_283 {strides = array<i32>} : memref<3x768x512xf32, #tpu.memory_space<vmem>>, vector<1x768x256xf32>,
      %get3A_284 = arith.constant 0 : index
      %get3A_285 = arith.constant 0 : index
      %get3A_286 = arith.constant 0 : index
      %get3A_287 = vector.load %arg12[%get3A_284, %get3A_285, %get3A_286] : memref<3x768x256xf32, #tpu.memory_space<vmem>>, vector<1x768x256xf32>
      %get3A_288 = vector.shape_cast %get3A_287 : vector<1x768x256xf32> to vector<768x256xf32>
      %swap3A_289 = arith.constant 0 : index
      %swap3A_290 = arith.constant 0 : index
      %swap3A_291 = arith.constant 256 : index
      %swap3A_292 = vector.load %arg24[%swap3A_289, %swap3A_290, %swap3A_291] : memref<3x768x512xf32, #tpu.memory_space<vmem>>, vector<1x768x256xf32>
      %swap3A_293 = vector.shape_cast %swap3A_292 : vector<1x768x256xf32> to vector<768x256xf32>
      %swap3A_294 = vector.shape_cast %get3A_288 : vector<768x256xf32> to vector<1x768x256xf32>
      tpu.vector_store %arg24[%swap3A_289, %swap3A_290, %swap3A_291], %swap3A_294 {strides = array<i32>} : memref<3x768x512xf32, #tpu.memory_space<vmem>>, vector<1x768x256xf32>,
      %get3A_295 = arith.constant 1 : index
      %get3A_296 = arith.constant 0 : index
      %get3A_297 = arith.constant 0 : index
      %get3A_298 = vector.load %arg2[%get3A_295, %get3A_296, %get3A_297] : memref<3x768x256xf32, #tpu.memory_space<vmem>>, vector<1x768x256xf32>
      %get3A_299 = vector.shape_cast %get3A_298 : vector<1x768x256xf32> to vector<768x256xf32>
      %swap3A_300 = arith.constant 1 : index
      %swap3A_301 = arith.constant 0 : index
      %swap3A_302 = arith.constant 0 : index
      %swap3A_303 = vector.load %arg24[%swap3A_300, %swap3A_301, %swap3A_302] : memref<3x768x512xf32, #tpu.memory_space<vmem>>, vector<1x768x256xf32>
      %swap3A_304 = vector.shape_cast %swap3A_303 : vector<1x768x256xf32> to vector<768x256xf32>
      %swap3A_305 = vector.shape_cast %get3A_299 : vector<768x256xf32> to vector<1x768x256xf32>
      tpu.vector_store %arg24[%swap3A_300, %swap3A_301, %swap3A_302], %swap3A_305 {strides = array<i32>} : memref<3x768x512xf32, #tpu.memory_space<vmem>>, vector<1x768x256xf32>,
      %get3A_306 = arith.constant 1 : index
      %get3A_307 = arith.constant 0 : index
      %get3A_308 = arith.constant 0 : index
      %get3A_309 = vector.load %arg12[%get3A_306, %get3A_307, %get3A_308] : memref<3x768x256xf32, #tpu.memory_space<vmem>>, vector<1x768x256xf32>
      %get3A_310 = vector.shape_cast %get3A_309 : vector<1x768x256xf32> to vector<768x256xf32>
      %swap3A_311 = arith.constant 1 : index
      %swap3A_312 = arith.constant 0 : index
      %swap3A_313 = arith.constant 256 : index
      %swap3A_314 = vector.load %arg24[%swap3A_311, %swap3A_312, %swap3A_313] : memref<3x768x512xf32, #tpu.memory_space<vmem>>, vector<1x768x256xf32>
      %swap3A_315 = vector.shape_cast %swap3A_314 : vector<1x768x256xf32> to vector<768x256xf32>
      %swap3A_316 = vector.shape_cast %get3A_310 : vector<768x256xf32> to vector<1x768x256xf32>
      tpu.vector_store %arg24[%swap3A_311, %swap3A_312, %swap3A_313], %swap3A_316 {strides = array<i32>} : memref<3x768x512xf32, #tpu.memory_space<vmem>>, vector<1x768x256xf32>,
      %get3A_317 = arith.constant 2 : index
      %get3A_318 = arith.constant 0 : index
      %get3A_319 = arith.constant 0 : index
      %get3A_320 = vector.load %arg2[%get3A_317, %get3A_318, %get3A_319] : memref<3x768x256xf32, #tpu.memory_space<vmem>>, vector<1x768x256xf32>
      %get3A_321 = vector.shape_cast %get3A_320 : vector<1x768x256xf32> to vector<768x256xf32>
      %swap3A_322 = arith.constant 2 : index
      %swap3A_323 = arith.constant 0 : index
      %swap3A_324 = arith.constant 0 : index
      %swap3A_325 = vector.load %arg24[%swap3A_322, %swap3A_323, %swap3A_324] : memref<3x768x512xf32, #tpu.memory_space<vmem>>, vector<1x768x256xf32>
      %swap3A_326 = vector.shape_cast %swap3A_325 : vector<1x768x256xf32> to vector<768x256xf32>
      %swap3A_327 = vector.shape_cast %get3A_321 : vector<768x256xf32> to vector<1x768x256xf32>
      tpu.vector_store %arg24[%swap3A_322, %swap3A_323, %swap3A_324], %swap3A_327 {strides = array<i32>} : memref<3x768x512xf32, #tpu.memory_space<vmem>>, vector<1x768x256xf32>,
      %get3A_328 = arith.constant 2 : index
      %get3A_329 = arith.constant 0 : index
      %get3A_330 = arith.constant 0 : index
      %get3A_331 = vector.load %arg12[%get3A_328, %get3A_329, %get3A_330] : memref<3x768x256xf32, #tpu.memory_space<vmem>>, vector<1x768x256xf32>
      %get3A_332 = vector.shape_cast %get3A_331 : vector<1x768x256xf32> to vector<768x256xf32>
      %swap3A_333 = arith.constant 2 : index
      %swap3A_334 = arith.constant 0 : index
      %swap3A_335 = arith.constant 256 : index
      %swap3A_336 = vector.load %arg24[%swap3A_333, %swap3A_334, %swap3A_335] : memref<3x768x512xf32, #tpu.memory_space<vmem>>, vector<1x768x256xf32>
      %swap3A_337 = vector.shape_cast %swap3A_336 : vector<1x768x256xf32> to vector<768x256xf32>
      %swap3A_338 = vector.shape_cast %get3A_332 : vector<768x256xf32> to vector<1x768x256xf32>
      tpu.vector_store %arg24[%swap3A_333, %swap3A_334, %swap3A_335], %swap3A_338 {strides = array<i32>} : memref<3x768x512xf32, #tpu.memory_space<vmem>>, vector<1x768x256xf32>,
    } else {
    }
    %get3A = arith.constant 0 : index
    %get3A_2 = arith.constant 0 : index
    %get3A_3 = arith.constant 0 : index
    %get3A_4 = vector.load %arg1[%get3A, %get3A_2, %get3A_3] : memref<1x2048x768xf32, #tpu.memory_space<vmem>>, vector<1x2048x768xf32>
    %get3A_5 = vector.shape_cast %get3A_4 : vector<1x2048x768xf32> to vector<2048x768xf32>
    %get3A_6 = arith.constant 0 : index
    %get3A_7 = arith.constant 0 : index
    %get3A_8 = arith.constant 0 : index
    %get3A_9 = vector.load %arg24[%get3A_6, %get3A_7, %get3A_8] : memref<3x768x512xf32, #tpu.memory_space<vmem>>, vector<3x768x512xf32>
    %slice3A = vector.extract_strided_slice %get3A_9 {offsets = [0, 0, 0], sizes = [1, 768, 512], strides = [1, 1, 1]} : vector<3x768x512xf32> to vector<1x768x512xf32>
    %squeeze3A = vector.shape_cast %slice3A : vector<1x768x512xf32> to vector<768x512xf32>
    %dot_general3A = arith.constant dense<0.000000e+00> : vector<2048x512xf32>
    %dot_general3A_10 = tpu.matmul %get3A_5, %squeeze3A, %dot_general3A {dimension_numbers = #tpu.dot_dimension_numbers<[1], [0], [0], [1], [0, 0, 1, 1], [], []>, transpose_lhs_hint = false} : vector<2048x768xf32>, vector<768x512xf32>, vector<2048x512xf32> -> vector<2048x512xf32>
    %slice3A_11 = vector.extract_strided_slice %get3A_9 {offsets = [1, 0, 0], sizes = [1, 768, 512], strides = [1, 1, 1]} : vector<3x768x512xf32> to vector<1x768x512xf32>
    %squeeze3A_12 = vector.shape_cast %slice3A_11 : vector<1x768x512xf32> to vector<768x512xf32>
    %dot_general3A_13 = arith.constant dense<0.000000e+00> : vector<2048x512xf32>
    %dot_general3A_14 = tpu.matmul %get3A_5, %squeeze3A_12, %dot_general3A_13 {dimension_numbers = #tpu.dot_dimension_numbers<[1], [0], [0], [1], [0, 0, 1, 1], [], []>, transpose_lhs_hint = false} : vector<2048x768xf32>, vector<768x512xf32>, vector<2048x512xf32> -> vector<2048x512xf32>
    %slice3A_15 = vector.extract_strided_slice %get3A_9 {offsets = [2, 0, 0], sizes = [1, 768, 512], strides = [1, 1, 1]} : vector<3x768x512xf32> to vector<1x768x512xf32>
    %squeeze3A_16 = vector.shape_cast %slice3A_15 : vector<1x768x512xf32> to vector<768x512xf32>
    %dot_general3A_17 = arith.constant dense<0.000000e+00> : vector<2048x512xf32>
    %dot_general3A_18 = tpu.matmul %get3A_5, %squeeze3A_16, %dot_general3A_17 {dimension_numbers = #tpu.dot_dimension_numbers<[1], [0], [0], [1], [0, 0, 1, 1], [], []>, transpose_lhs_hint = false} : vector<2048x768xf32>, vector<768x512xf32>, vector<2048x512xf32> -> vector<2048x512xf32>
    %broadcast_in_dim3A = arith.constant 0.000000e+00 : f32
    %broadcast_in_dim3A_19 = vector.broadcast %broadcast_in_dim3A : f32 to vector<1x512xf32>
    %slice3A_20 = vector.extract_strided_slice %dot_general3A_10 {offsets = [0, 0], sizes = [2047, 512], strides = [1, 1]} : vector<2048x512xf32> to vector<2047x512xf32>
    %concatenate3A = tpu.concatenate %broadcast_in_dim3A_19, %slice3A_20 in 0 : vector<1x512xf32>, vector<2047x512xf32> -> vector<2048x512xf32>
    %add3A = arith.addf %dot_general3A_14, %concatenate3A : vector<2048x512xf32>
    %slice3A_21 = vector.extract_strided_slice %dot_general3A_18 {offsets = [1, 0], sizes = [2047, 512], strides = [1, 1]} : vector<2048x512xf32> to vector<2047x512xf32>
    %concatenate3A_22 = tpu.concatenate %slice3A_21, %broadcast_in_dim3A_19 in 0 : vector<2047x512xf32>, vector<1x512xf32> -> vector<2048x512xf32>
    %add3A_23 = arith.addf %add3A, %concatenate3A_22 : vector<2048x512xf32>
    %get3A_24 = arith.constant 0 : index
    %get3A_25 = vector.load %arg3[%get3A_24] : memref<256xf32, #tpu.memory_space<vmem>>, vector<256xf32>
    %get3A_26 = arith.constant 0 : index
    %get3A_27 = vector.load %arg13[%get3A_26] : memref<256xf32, #tpu.memory_space<vmem>>, vector<256xf32>
    %concatenate3A_28 = tpu.concatenate %get3A_25, %get3A_27 in 0 : vector<256xf32>, vector<256xf32> -> vector<512xf32>
    %broadcast_in_dim3A_29 = vector.shape_cast %concatenate3A_28 : vector<512xf32> to vector<1x512xf32>
    %add3A_30 = vector.broadcast %broadcast_in_dim3A_29 : vector<1x512xf32> to vector<2048x512xf32>
    %add3A_31 = arith.addf %add3A_23, %add3A_30 : vector<2048x512xf32>
    %max3A = arith.constant 0.000000e+00 : f32
    %max3A_32 = vector.broadcast %max3A : f32 to vector<2048x512xf32>
    %max3A_33 = arith.maximumf %add3A_31, %max3A_32 : vector<2048x512xf32>
    %slice3A_34 = vector.extract_strided_slice %max3A_33 {offsets = [0, 0], sizes = [2048, 256], strides = [1, 1]} : vector<2048x512xf32> to vector<2048x256xf32>
    %get3A_35 = arith.constant 0 : index
    %get3A_36 = vector.load %arg4[%get3A_35] : memref<256xf32, #tpu.memory_space<vmem>>, vector<256xf32>
    %broadcast_in_dim3A_37 = vector.shape_cast %get3A_36 : vector<256xf32> to vector<1x256xf32>
    %get3A_38 = arith.constant 0 : index
    %get3A_39 = vector.load %arg5[%get3A_38] : memref<256xf32, #tpu.memory_space<vmem>>, vector<256xf32>
    %broadcast_in_dim3A_40 = vector.shape_cast %get3A_39 : vector<256xf32> to vector<1x256xf32>
    %reduce_sum3A = arith.constant dense<0.000000e+00> : vector<2048xf32>
    %reduce_sum3A_41 = vector.multi_reduction <add>, %slice3A_34, %reduce_sum3A [1] : vector<2048x256xf32> to vector<2048xf32>
    %broadcast_in_dim3A_42 = vector.shape_cast %reduce_sum3A_41 : vector<2048xf32> to vector<2048x1xf32>
    %div3A = arith.constant 2.560000e+02 : f32
    %div3A_43 = vector.broadcast %div3A : f32 to vector<2048x1xf32>
    %div3A_44 = arith.divf %broadcast_in_dim3A_42, %div3A_43 : vector<2048x1xf32>
    %sub3A = vector.broadcast %div3A_44 : vector<2048x1xf32> to vector<2048x256xf32>
    %sub3A_45 = arith.subf %slice3A_34, %sub3A : vector<2048x256xf32>
    %integer_pow3A = arith.mulf %sub3A_45, %sub3A_45 : vector<2048x256xf32>
    %reduce_sum3A_46 = arith.constant dense<0.000000e+00> : vector<2048xf32>
    %reduce_sum3A_47 = vector.multi_reduction <add>, %integer_pow3A, %reduce_sum3A_46 [1] : vector<2048x256xf32> to vector<2048xf32>
    %broadcast_in_dim3A_48 = vector.shape_cast %reduce_sum3A_47 : vector<2048xf32> to vector<2048x1xf32>
    %div3A_49 = arith.constant 2.560000e+02 : f32
    %div3A_50 = vector.broadcast %div3A_49 : f32 to vector<2048x1xf32>
    %div3A_51 = arith.divf %broadcast_in_dim3A_48, %div3A_50 : vector<2048x1xf32>
    %sub3A_52 = vector.broadcast %div3A_44 : vector<2048x1xf32> to vector<2048x256xf32>
    %sub3A_53 = arith.subf %slice3A_34, %sub3A_52 : vector<2048x256xf32>
    %add3A_54 = arith.constant 9.99999974E-6 : f32
    %add3A_55 = vector.broadcast %add3A_54 : f32 to vector<2048x1xf32>
    %add3A_56 = arith.addf %div3A_51, %add3A_55 : vector<2048x1xf32>
    %sqrt3A = math.sqrt %add3A_56 : vector<2048x1xf32>
    %div3A_57 = vector.broadcast %sqrt3A : vector<2048x1xf32> to vector<2048x256xf32>
    %div3A_58 = arith.divf %sub3A_53, %div3A_57 : vector<2048x256xf32>
    %mul3A = vector.broadcast %broadcast_in_dim3A_37 : vector<1x256xf32> to vector<2048x256xf32>
    %mul3A_59 = arith.mulf %div3A_58, %mul3A : vector<2048x256xf32>
    %add3A_60 = vector.broadcast %broadcast_in_dim3A_40 : vector<1x256xf32> to vector<2048x256xf32>
    %add3A_61 = arith.addf %mul3A_59, %add3A_60 : vector<2048x256xf32>
    %slice3A_62 = vector.extract_strided_slice %max3A_33 {offsets = [0, 256], sizes = [2048, 256], strides = [1, 1]} : vector<2048x512xf32> to vector<2048x256xf32>
    %get3A_63 = arith.constant 0 : index
    %get3A_64 = vector.load %arg14[%get3A_63] : memref<256xf32, #tpu.memory_space<vmem>>, vector<256xf32>
    %broadcast_in_dim3A_65 = vector.shape_cast %get3A_64 : vector<256xf32> to vector<1x256xf32>
    %get3A_66 = arith.constant 0 : index
    %get3A_67 = vector.load %arg15[%get3A_66] : memref<256xf32, #tpu.memory_space<vmem>>, vector<256xf32>
    %broadcast_in_dim3A_68 = vector.shape_cast %get3A_67 : vector<256xf32> to vector<1x256xf32>
    %reduce_sum3A_69 = arith.constant dense<0.000000e+00> : vector<2048xf32>
    %reduce_sum3A_70 = vector.multi_reduction <add>, %slice3A_62, %reduce_sum3A_69 [1] : vector<2048x256xf32> to vector<2048xf32>
    %broadcast_in_dim3A_71 = vector.shape_cast %reduce_sum3A_70 : vector<2048xf32> to vector<2048x1xf32>
    %div3A_72 = arith.constant 2.560000e+02 : f32
    %div3A_73 = vector.broadcast %div3A_72 : f32 to vector<2048x1xf32>
    %div3A_74 = arith.divf %broadcast_in_dim3A_71, %div3A_73 : vector<2048x1xf32>
    %sub3A_75 = vector.broadcast %div3A_74 : vector<2048x1xf32> to vector<2048x256xf32>
    %sub3A_76 = arith.subf %slice3A_62, %sub3A_75 : vector<2048x256xf32>
    %integer_pow3A_77 = arith.mulf %sub3A_76, %sub3A_76 : vector<2048x256xf32>
    %reduce_sum3A_78 = arith.constant dense<0.000000e+00> : vector<2048xf32>
    %reduce_sum3A_79 = vector.multi_reduction <add>, %integer_pow3A_77, %reduce_sum3A_78 [1] : vector<2048x256xf32> to vector<2048xf32>
    %broadcast_in_dim3A_80 = vector.shape_cast %reduce_sum3A_79 : vector<2048xf32> to vector<2048x1xf32>
    %div3A_81 = arith.constant 2.560000e+02 : f32
    %div3A_82 = vector.broadcast %div3A_81 : f32 to vector<2048x1xf32>
    %div3A_83 = arith.divf %broadcast_in_dim3A_80, %div3A_82 : vector<2048x1xf32>
    %sub3A_84 = vector.broadcast %div3A_74 : vector<2048x1xf32> to vector<2048x256xf32>
    %sub3A_85 = arith.subf %slice3A_62, %sub3A_84 : vector<2048x256xf32>
    %add3A_86 = arith.constant 9.99999974E-6 : f32
    %add3A_87 = vector.broadcast %add3A_86 : f32 to vector<2048x1xf32>
    %add3A_88 = arith.addf %div3A_83, %add3A_87 : vector<2048x1xf32>
    %sqrt3A_89 = math.sqrt %add3A_88 : vector<2048x1xf32>
    %div3A_90 = vector.broadcast %sqrt3A_89 : vector<2048x1xf32> to vector<2048x256xf32>
    %div3A_91 = arith.divf %sub3A_85, %div3A_90 : vector<2048x256xf32>
    %mul3A_92 = vector.broadcast %broadcast_in_dim3A_65 : vector<1x256xf32> to vector<2048x256xf32>
    %mul3A_93 = arith.mulf %div3A_91, %mul3A_92 : vector<2048x256xf32>
    %add3A_94 = vector.broadcast %broadcast_in_dim3A_68 : vector<1x256xf32> to vector<2048x256xf32>
    %add3A_95 = arith.addf %mul3A_93, %add3A_94 : vector<2048x256xf32>
    %get3A_96 = arith.constant 0 : index
    %get3A_97 = arith.constant 0 : index
    %get3A_98 = arith.constant 0 : index
    %get3A_99 = vector.load %arg6[%get3A_96, %get3A_97, %get3A_98] : memref<3x256x256xf32, #tpu.memory_space<vmem>>, vector<3x256x256xf32>
    %get3A_100 = arith.constant 0 : index
    %get3A_101 = vector.load %arg7[%get3A_100] : memref<256xf32, #tpu.memory_space<vmem>>, vector<256xf32>
    %get3A_102 = arith.constant 0 : index
    %get3A_103 = vector.load %arg8[%get3A_102] : memref<256xf32, #tpu.memory_space<vmem>>, vector<256xf32>
    %get3A_104 = arith.constant 0 : index
    %get3A_105 = vector.load %arg9[%get3A_104] : memref<256xf32, #tpu.memory_space<vmem>>, vector<256xf32>
    %get3A_106 = arith.constant 0 : index
    %get3A_107 = arith.constant 0 : index
    %get3A_108 = vector.load %arg10[%get3A_106, %get3A_107] : memref<256x1xf32, #tpu.memory_space<vmem>>, vector<256x1xf32>
    %get3A_109 = arith.constant 0 : index
    %get3A_110 = vector.load %arg11[%get3A_109] : memref<1xf32, #tpu.memory_space<vmem>>, vector<1xf32>
    %slice3A_111 = vector.extract_strided_slice %get3A_99 {offsets = [0, 0, 0], sizes = [1, 256, 256], strides = [1, 1, 1]} : vector<3x256x256xf32> to vector<1x256x256xf32>
    %squeeze3A_112 = vector.shape_cast %slice3A_111 : vector<1x256x256xf32> to vector<256x256xf32>
    %dot_general3A_113 = arith.constant dense<0.000000e+00> : vector<2048x256xf32>
    %dot_general3A_114 = tpu.matmul %add3A_61, %squeeze3A_112, %dot_general3A_113 {dimension_numbers = #tpu.dot_dimension_numbers<[1], [0], [0], [1], [0, 0, 1, 1], [], []>, transpose_lhs_hint = false} : vector<2048x256xf32>, vector<256x256xf32>, vector<2048x256xf32> -> vector<2048x256xf32>
    %slice3A_115 = vector.extract_strided_slice %get3A_99 {offsets = [1, 0, 0], sizes = [1, 256, 256], strides = [1, 1, 1]} : vector<3x256x256xf32> to vector<1x256x256xf32>
    %squeeze3A_116 = vector.shape_cast %slice3A_115 : vector<1x256x256xf32> to vector<256x256xf32>
    %dot_general3A_117 = arith.constant dense<0.000000e+00> : vector<2048x256xf32>
    %dot_general3A_118 = tpu.matmul %add3A_61, %squeeze3A_116, %dot_general3A_117 {dimension_numbers = #tpu.dot_dimension_numbers<[1], [0], [0], [1], [0, 0, 1, 1], [], []>, transpose_lhs_hint = false} : vector<2048x256xf32>, vector<256x256xf32>, vector<2048x256xf32> -> vector<2048x256xf32>
    %slice3A_119 = vector.extract_strided_slice %get3A_99 {offsets = [2, 0, 0], sizes = [1, 256, 256], strides = [1, 1, 1]} : vector<3x256x256xf32> to vector<1x256x256xf32>
    %squeeze3A_120 = vector.shape_cast %slice3A_119 : vector<1x256x256xf32> to vector<256x256xf32>
    %dot_general3A_121 = arith.constant dense<0.000000e+00> : vector<2048x256xf32>
    %dot_general3A_122 = tpu.matmul %add3A_61, %squeeze3A_120, %dot_general3A_121 {dimension_numbers = #tpu.dot_dimension_numbers<[1], [0], [0], [1], [0, 0, 1, 1], [], []>, transpose_lhs_hint = false} : vector<2048x256xf32>, vector<256x256xf32>, vector<2048x256xf32> -> vector<2048x256xf32>
    %broadcast_in_dim3A_123 = arith.constant 0.000000e+00 : f32
    %broadcast_in_dim3A_124 = vector.broadcast %broadcast_in_dim3A_123 : f32 to vector<1x256xf32>
    %slice3A_125 = vector.extract_strided_slice %dot_general3A_114 {offsets = [0, 0], sizes = [2047, 256], strides = [1, 1]} : vector<2048x256xf32> to vector<2047x256xf32>
    %concatenate3A_126 = tpu.concatenate %broadcast_in_dim3A_124, %slice3A_125 in 0 : vector<1x256xf32>, vector<2047x256xf32> -> vector<2048x256xf32>
    %add3A_127 = arith.addf %dot_general3A_118, %concatenate3A_126 : vector<2048x256xf32>
    %slice3A_128 = vector.extract_strided_slice %dot_general3A_122 {offsets = [1, 0], sizes = [2047, 256], strides = [1, 1]} : vector<2048x256xf32> to vector<2047x256xf32>
    %concatenate3A_129 = tpu.concatenate %slice3A_128, %broadcast_in_dim3A_124 in 0 : vector<2047x256xf32>, vector<1x256xf32> -> vector<2048x256xf32>
    %add3A_130 = arith.addf %add3A_127, %concatenate3A_129 : vector<2048x256xf32>
    %broadcast_in_dim3A_131 = vector.shape_cast %get3A_101 : vector<256xf32> to vector<1x256xf32>
    %add3A_132 = vector.broadcast %broadcast_in_dim3A_131 : vector<1x256xf32> to vector<2048x256xf32>
    %add3A_133 = arith.addf %add3A_130, %add3A_132 : vector<2048x256xf32>
    %max3A_134 = arith.constant 0.000000e+00 : f32
    %max3A_135 = vector.broadcast %max3A_134 : f32 to vector<2048x256xf32>
    %max3A_136 = arith.maximumf %add3A_133, %max3A_135 : vector<2048x256xf32>
    %squeeze3A_137 = vector.shape_cast %get3A_108 : vector<256x1xf32> to vector<256xf32>
    %mul3A_138 = arith.mulf %get3A_103, %squeeze3A_137 : vector<256xf32>
    %broadcast_in_dim3A_139 = vector.shape_cast %mul3A_138 : vector<256xf32> to vector<256x1xf32>
    %dot_general3A_140 = arith.constant dense<0.000000e+00> : vector<2048x1xf32>
    %dot_general3A_141 = tpu.matmul %max3A_136, %broadcast_in_dim3A_139, %dot_general3A_140 {dimension_numbers = #tpu.dot_dimension_numbers<[1], [0], [0], [1], [0, 0, 1, 1], [], []>, transpose_lhs_hint = false} : vector<2048x256xf32>, vector<256x1xf32>, vector<2048x1xf32> -> vector<2048x1xf32>
    %squeeze3A_142 = vector.shape_cast %dot_general3A_141 : vector<2048x1xf32> to vector<2048xf32>
    %reduce_sum3A_143 = arith.constant dense<0.000000e+00> : vector<2048xf32>
    %reduce_sum3A_144 = vector.multi_reduction <add>, %max3A_136, %reduce_sum3A_143 [1] : vector<2048x256xf32> to vector<2048xf32>
    %div3A_145 = arith.constant 2.560000e+02 : f32
    %div3A_146 = vector.broadcast %div3A_145 : f32 to vector<2048xf32>
    %div3A_147 = arith.divf %reduce_sum3A_144, %div3A_146 : vector<2048xf32>
    %mul3A_148 = arith.mulf %max3A_136, %max3A_136 : vector<2048x256xf32>
    %reduce_sum3A_149 = arith.constant dense<0.000000e+00> : vector<2048xf32>
    %reduce_sum3A_150 = vector.multi_reduction <add>, %mul3A_148, %reduce_sum3A_149 [1] : vector<2048x256xf32> to vector<2048xf32>
    %div3A_151 = arith.constant 2.560000e+02 : f32
    %div3A_152 = vector.broadcast %div3A_151 : f32 to vector<2048xf32>
    %div3A_153 = arith.divf %reduce_sum3A_150, %div3A_152 : vector<2048xf32>
    %mul3A_154 = arith.mulf %div3A_147, %div3A_147 : vector<2048xf32>
    %sub3A_155 = arith.subf %div3A_153, %mul3A_154 : vector<2048xf32>
    %reduce_sum3A_156 = vector.shape_cast %mul3A_138 : vector<256xf32> to vector<1x256xf32>
    %reduce_sum3A_157 = arith.constant dense<0.000000e+00> : vector<1xf32>
    %reduce_sum3A_158 = vector.multi_reduction <add>, %reduce_sum3A_156, %reduce_sum3A_157 [1] : vector<1x256xf32> to vector<1xf32>
    %reduce_sum3A_159 = vector.shape_cast %reduce_sum3A_158 : vector<1xf32> to vector<1x1xf32>
    %reduce_sum3A_160 = vector.extract %reduce_sum3A_159[0, 0] : f32 from vector<1x1xf32>
    %mul3A_161 = vector.broadcast %reduce_sum3A_160 : f32 to vector<2048xf32>
    %mul3A_162 = arith.mulf %div3A_147, %mul3A_161 : vector<2048xf32>
    %sub3A_163 = arith.subf %squeeze3A_142, %mul3A_162 : vector<2048xf32>
    %add3A_164 = arith.constant 9.99999974E-6 : f32
    %add3A_165 = vector.broadcast %add3A_164 : f32 to vector<2048xf32>
    %add3A_166 = arith.addf %sub3A_155, %add3A_165 : vector<2048xf32>
    %sqrt3A_167 = math.sqrt %add3A_166 : vector<2048xf32>
    %div3A_168 = arith.divf %sub3A_163, %sqrt3A_167 : vector<2048xf32>
    %mul3A_169 = arith.mulf %get3A_105, %squeeze3A_137 : vector<256xf32>
    %reduce_sum3A_170 = vector.shape_cast %mul3A_169 : vector<256xf32> to vector<1x256xf32>
    %reduce_sum3A_171 = arith.constant dense<0.000000e+00> : vector<1xf32>
    %reduce_sum3A_172 = vector.multi_reduction <add>, %reduce_sum3A_170, %reduce_sum3A_171 [1] : vector<1x256xf32> to vector<1xf32>
    %reduce_sum3A_173 = vector.shape_cast %reduce_sum3A_172 : vector<1xf32> to vector<1x1xf32>
    %reduce_sum3A_174 = vector.extract %reduce_sum3A_173[0, 0] : f32 from vector<1x1xf32>
    %squeeze3A_175 = vector.extract %get3A_110[0] : f32 from vector<1xf32>
    %add3A_176 = arith.addf %reduce_sum3A_174, %squeeze3A_175 : f32
    %add3A_177 = vector.broadcast %add3A_176 : f32 to vector<2048xf32>
    %add3A_178 = arith.addf %div3A_168, %add3A_177 : vector<2048xf32>
    %swap3A = arith.constant 0 : index
    %swap3A_179 = arith.constant 0 : index
    %swap3A_180 = arith.constant 0 : index
    %swap3A_181 = vector.load %arg22[%swap3A, %swap3A_179, %swap3A_180] : memref<1x1x2048xf32, #tpu.memory_space<vmem>>, vector<1x1x2048xf32>
    %swap3A_182 = vector.shape_cast %swap3A_181 : vector<1x1x2048xf32> to vector<2048xf32>
    %swap3A_183 = vector.shape_cast %add3A_178 : vector<2048xf32> to vector<1x1x2048xf32>
    tpu.vector_store %arg22[%swap3A, %swap3A_179, %swap3A_180], %swap3A_183 {strides = array<i32>} : memref<1x1x2048xf32, #tpu.memory_space<vmem>>, vector<1x1x2048xf32>,
    %get3A_184 = arith.constant 0 : index
    %get3A_185 = arith.constant 0 : index
    %get3A_186 = arith.constant 0 : index
    %get3A_187 = vector.load %arg16[%get3A_184, %get3A_185, %get3A_186] : memref<3x256x256xf32, #tpu.memory_space<vmem>>, vector<3x256x256xf32>
    %get3A_188 = arith.constant 0 : index
    %get3A_189 = vector.load %arg17[%get3A_188] : memref<256xf32, #tpu.memory_space<vmem>>, vector<256xf32>
    %get3A_190 = arith.constant 0 : index
    %get3A_191 = vector.load %arg18[%get3A_190] : memref<256xf32, #tpu.memory_space<vmem>>, vector<256xf32>
    %get3A_192 = arith.constant 0 : index
    %get3A_193 = vector.load %arg19[%get3A_192] : memref<256xf32, #tpu.memory_space<vmem>>, vector<256xf32>
    %get3A_194 = arith.constant 0 : index
    %get3A_195 = arith.constant 0 : index
    %get3A_196 = vector.load %arg20[%get3A_194, %get3A_195] : memref<256x1xf32, #tpu.memory_space<vmem>>, vector<256x1xf32>
    %get3A_197 = arith.constant 0 : index
    %get3A_198 = vector.load %arg21[%get3A_197] : memref<1xf32, #tpu.memory_space<vmem>>, vector<1xf32>
    %slice3A_199 = vector.extract_strided_slice %get3A_187 {offsets = [0, 0, 0], sizes = [1, 256, 256], strides = [1, 1, 1]} : vector<3x256x256xf32> to vector<1x256x256xf32>
    %squeeze3A_200 = vector.shape_cast %slice3A_199 : vector<1x256x256xf32> to vector<256x256xf32>
    %dot_general3A_201 = arith.constant dense<0.000000e+00> : vector<2048x256xf32>
    %dot_general3A_202 = tpu.matmul %add3A_95, %squeeze3A_200, %dot_general3A_201 {dimension_numbers = #tpu.dot_dimension_numbers<[1], [0], [0], [1], [0, 0, 1, 1], [], []>, transpose_lhs_hint = false} : vector<2048x256xf32>, vector<256x256xf32>, vector<2048x256xf32> -> vector<2048x256xf32>
    %slice3A_203 = vector.extract_strided_slice %get3A_187 {offsets = [1, 0, 0], sizes = [1, 256, 256], strides = [1, 1, 1]} : vector<3x256x256xf32> to vector<1x256x256xf32>
    %squeeze3A_204 = vector.shape_cast %slice3A_203 : vector<1x256x256xf32> to vector<256x256xf32>
    %dot_general3A_205 = arith.constant dense<0.000000e+00> : vector<2048x256xf32>
    %dot_general3A_206 = tpu.matmul %add3A_95, %squeeze3A_204, %dot_general3A_205 {dimension_numbers = #tpu.dot_dimension_numbers<[1], [0], [0], [1], [0, 0, 1, 1], [], []>, transpose_lhs_hint = false} : vector<2048x256xf32>, vector<256x256xf32>, vector<2048x256xf32> -> vector<2048x256xf32>
    %slice3A_207 = vector.extract_strided_slice %get3A_187 {offsets = [2, 0, 0], sizes = [1, 256, 256], strides = [1, 1, 1]} : vector<3x256x256xf32> to vector<1x256x256xf32>
    %squeeze3A_208 = vector.shape_cast %slice3A_207 : vector<1x256x256xf32> to vector<256x256xf32>
    %dot_general3A_209 = arith.constant dense<0.000000e+00> : vector<2048x256xf32>
    %dot_general3A_210 = tpu.matmul %add3A_95, %squeeze3A_208, %dot_general3A_209 {dimension_numbers = #tpu.dot_dimension_numbers<[1], [0], [0], [1], [0, 0, 1, 1], [], []>, transpose_lhs_hint = false} : vector<2048x256xf32>, vector<256x256xf32>, vector<2048x256xf32> -> vector<2048x256xf32>
    %broadcast_in_dim3A_211 = arith.constant 0.000000e+00 : f32
    %broadcast_in_dim3A_212 = vector.broadcast %broadcast_in_dim3A_211 : f32 to vector<1x256xf32>
    %slice3A_213 = vector.extract_strided_slice %dot_general3A_202 {offsets = [0, 0], sizes = [2047, 256], strides = [1, 1]} : vector<2048x256xf32> to vector<2047x256xf32>
    %concatenate3A_214 = tpu.concatenate %broadcast_in_dim3A_212, %slice3A_213 in 0 : vector<1x256xf32>, vector<2047x256xf32> -> vector<2048x256xf32>
    %add3A_215 = arith.addf %dot_general3A_206, %concatenate3A_214 : vector<2048x256xf32>
    %slice3A_216 = vector.extract_strided_slice %dot_general3A_210 {offsets = [1, 0], sizes = [2047, 256], strides = [1, 1]} : vector<2048x256xf32> to vector<2047x256xf32>
    %concatenate3A_217 = tpu.concatenate %slice3A_216, %broadcast_in_dim3A_212 in 0 : vector<2047x256xf32>, vector<1x256xf32> -> vector<2048x256xf32>
    %add3A_218 = arith.addf %add3A_215, %concatenate3A_217 : vector<2048x256xf32>
    %broadcast_in_dim3A_219 = vector.shape_cast %get3A_189 : vector<256xf32> to vector<1x256xf32>
    %add3A_220 = vector.broadcast %broadcast_in_dim3A_219 : vector<1x256xf32> to vector<2048x256xf32>
    %add3A_221 = arith.addf %add3A_218, %add3A_220 : vector<2048x256xf32>
    %max3A_222 = arith.constant 0.000000e+00 : f32
    %max3A_223 = vector.broadcast %max3A_222 : f32 to vector<2048x256xf32>
    %max3A_224 = arith.maximumf %add3A_221, %max3A_223 : vector<2048x256xf32>
    %squeeze3A_225 = vector.shape_cast %get3A_196 : vector<256x1xf32> to vector<256xf32>
    %mul3A_226 = arith.mulf %get3A_191, %squeeze3A_225 : vector<256xf32>
    %broadcast_in_dim3A_227 = vector.shape_cast %mul3A_226 : vector<256xf32> to vector<256x1xf32>
    %dot_general3A_228 = arith.constant dense<0.000000e+00> : vector<2048x1xf32>
    %dot_general3A_229 = tpu.matmul %max3A_224, %broadcast_in_dim3A_227, %dot_general3A_228 {dimension_numbers = #tpu.dot_dimension_numbers<[1], [0], [0], [1], [0, 0, 1, 1], [], []>, transpose_lhs_hint = false} : vector<2048x256xf32>, vector<256x1xf32>, vector<2048x1xf32> -> vector<2048x1xf32>
    %squeeze3A_230 = vector.shape_cast %dot_general3A_229 : vector<2048x1xf32> to vector<2048xf32>
    %reduce_sum3A_231 = arith.constant dense<0.000000e+00> : vector<2048xf32>
    %reduce_sum3A_232 = vector.multi_reduction <add>, %max3A_224, %reduce_sum3A_231 [1] : vector<2048x256xf32> to vector<2048xf32>
    %div3A_233 = arith.constant 2.560000e+02 : f32
    %div3A_234 = vector.broadcast %div3A_233 : f32 to vector<2048xf32>
    %div3A_235 = arith.divf %reduce_sum3A_232, %div3A_234 : vector<2048xf32>
    %mul3A_236 = arith.mulf %max3A_224, %max3A_224 : vector<2048x256xf32>
    %reduce_sum3A_237 = arith.constant dense<0.000000e+00> : vector<2048xf32>
    %reduce_sum3A_238 = vector.multi_reduction <add>, %mul3A_236, %reduce_sum3A_237 [1] : vector<2048x256xf32> to vector<2048xf32>
    %div3A_239 = arith.constant 2.560000e+02 : f32
    %div3A_240 = vector.broadcast %div3A_239 : f32 to vector<2048xf32>
    %div3A_241 = arith.divf %reduce_sum3A_238, %div3A_240 : vector<2048xf32>
    %mul3A_242 = arith.mulf %div3A_235, %div3A_235 : vector<2048xf32>
    %sub3A_243 = arith.subf %div3A_241, %mul3A_242 : vector<2048xf32>
    %reduce_sum3A_244 = vector.shape_cast %mul3A_226 : vector<256xf32> to vector<1x256xf32>
    %reduce_sum3A_245 = arith.constant dense<0.000000e+00> : vector<1xf32>
    %reduce_sum3A_246 = vector.multi_reduction <add>, %reduce_sum3A_244, %reduce_sum3A_245 [1] : vector<1x256xf32> to vector<1xf32>
    %reduce_sum3A_247 = vector.shape_cast %reduce_sum3A_246 : vector<1xf32> to vector<1x1xf32>
    %reduce_sum3A_248 = vector.extract %reduce_sum3A_247[0, 0] : f32 from vector<1x1xf32>
    %mul3A_249 = vector.broadcast %reduce_sum3A_248 : f32 to vector<2048xf32>
    %mul3A_250 = arith.mulf %div3A_235, %mul3A_249 : vector<2048xf32>
    %sub3A_251 = arith.subf %squeeze3A_230, %mul3A_250 : vector<2048xf32>
    %add3A_252 = arith.constant 9.99999974E-6 : f32
    %add3A_253 = vector.broadcast %add3A_252 : f32 to vector<2048xf32>
    %add3A_254 = arith.addf %sub3A_243, %add3A_253 : vector<2048xf32>
    %sqrt3A_255 = math.sqrt %add3A_254 : vector<2048xf32>
    %div3A_256 = arith.divf %sub3A_251, %sqrt3A_255 : vector<2048xf32>
    %mul3A_257 = arith.mulf %get3A_193, %squeeze3A_225 : vector<256xf32>
    %reduce_sum3A_258 = vector.shape_cast %mul3A_257 : vector<256xf32> to vector<1x256xf32>
    %reduce_sum3A_259 = arith.constant dense<0.000000e+00> : vector<1xf32>
    %reduce_sum3A_260 = vector.multi_reduction <add>, %reduce_sum3A_258, %reduce_sum3A_259 [1] : vector<1x256xf32> to vector<1xf32>
    %reduce_sum3A_261 = vector.shape_cast %reduce_sum3A_260 : vector<1xf32> to vector<1x1xf32>
    %reduce_sum3A_262 = vector.extract %reduce_sum3A_261[0, 0] : f32 from vector<1x1xf32>
    %squeeze3A_263 = vector.extract %get3A_198[0] : f32 from vector<1xf32>
    %add3A_264 = arith.addf %reduce_sum3A_262, %squeeze3A_263 : f32
    %add3A_265 = vector.broadcast %add3A_264 : f32 to vector<2048xf32>
    %add3A_266 = arith.addf %div3A_256, %add3A_265 : vector<2048xf32>
    %swap3A_267 = arith.constant 0 : index
    %swap3A_268 = arith.constant 0 : index
    %swap3A_269 = arith.constant 0 : index
    %swap3A_270 = vector.load %arg23[%swap3A_267, %swap3A_268, %swap3A_269] : memref<1x1x2048xf32, #tpu.memory_space<vmem>>, vector<1x1x2048xf32>
    %swap3A_271 = vector.shape_cast %swap3A_270 : vector<1x1x2048xf32> to vector<2048xf32>
    %swap3A_272 = vector.shape_cast %add3A_266 : vector<2048xf32> to vector<1x1x2048xf32>
    tpu.vector_store %arg23[%swap3A_267, %swap3A_268, %swap3A_269], %swap3A_272 {strides = array<i32>} : memref<1x1x2048xf32, #tpu.memory_space<vmem>>, vector<1x1x2048xf32>,
    return
  }
  func.func @transform_0(%arg0: i32) -> (i32, i32, i32) {
    %c0_i32 = arith.constant 0 : i32
    %c0_i32_0 = arith.constant 0 : i32
    %c0_i32_1 = arith.constant 0 : i32
    return %arg0, %c0_i32, %c0_i32_0 : i32, i32, i32
  }
  func.func @transform_1(%arg0: i32) -> (i32, i32, i32) {
    %c0_i32 = arith.constant 0 : i32
    %c0_i32_0 = arith.constant 0 : i32
    %c0_i32_1 = arith.constant 0 : i32
    %c0_i32_2 = arith.constant 0 : i32
    return %c0_i32, %c0_i32_0, %c0_i32_1 : i32, i32, i32
  }
  func.func @transform_2(%arg0: i32) -> i32 {
    %c0_i32 = arith.constant 0 : i32
    %c0_i32_0 = arith.constant 0 : i32
    return %c0_i32 : i32
  }
  func.func @transform_3(%arg0: i32) -> i32 {
    %c0_i32 = arith.constant 0 : i32
    %c0_i32_0 = arith.constant 0 : i32
    return %c0_i32 : i32
  }
  func.func @transform_4(%arg0: i32) -> i32 {
    %c0_i32 = arith.constant 0 : i32
    %c0_i32_0 = arith.constant 0 : i32
    return %c0_i32 : i32
  }
  func.func @transform_5(%arg0: i32) -> (i32, i32, i32) {
    %c0_i32 = arith.constant 0 : i32
    %c0_i32_0 = arith.constant 0 : i32
    %c0_i32_1 = arith.constant 0 : i32
    %c0_i32_2 = arith.constant 0 : i32
    return %c0_i32, %c0_i32_0, %c0_i32_1 : i32, i32, i32
  }
  func.func @transform_6(%arg0: i32) -> i32 {
    %c0_i32 = arith.constant 0 : i32
    %c0_i32_0 = arith.constant 0 : i32
    return %c0_i32 : i32
  }
  func.func @transform_7(%arg0: i32) -> i32 {
    %c0_i32 = arith.constant 0 : i32
    %c0_i32_0 = arith.constant 0 : i32
    return %c0_i32 : i32
  }
  func.func @transform_8(%arg0: i32) -> i32 {
    %c0_i32 = arith.constant 0 : i32
    %c0_i32_0 = arith.constant 0 : i32
    return %c0_i32 : i32
  }
  func.func @transform_9(%arg0: i32) -> (i32, i32) {
    %c0_i32 = arith.constant 0 : i32
    %c0_i32_0 = arith.constant 0 : i32
    %c0_i32_1 = arith.constant 0 : i32
    return %c0_i32, %c0_i32_0 : i32, i32
  }
  func.func @transform_10(%arg0: i32) -> i32 {
    %c0_i32 = arith.constant 0 : i32
    %c0_i32_0 = arith.constant 0 : i32
    return %c0_i32 : i32
  }
  func.func @transform_11(%arg0: i32) -> (i32, i32, i32) {
    %c0_i32 = arith.constant 0 : i32
    %c0_i32_0 = arith.constant 0 : i32
    %c0_i32_1 = arith.constant 0 : i32
    %c0_i32_2 = arith.constant 0 : i32
    return %c0_i32, %c0_i32_0, %c0_i32_1 : i32, i32, i32
  }
  func.func @transform_12(%arg0: i32) -> i32 {
    %c0_i32 = arith.constant 0 : i32
    %c0_i32_0 = arith.constant 0 : i32
    return %c0_i32 : i32
  }
  func.func @transform_13(%arg0: i32) -> i32 {
    %c0_i32 = arith.constant 0 : i32
    %c0_i32_0 = arith.constant 0 : i32
    return %c0_i32 : i32
  }
  func.func @transform_14(%arg0: i32) -> i32 {
    %c0_i32 = arith.constant 0 : i32
    %c0_i32_0 = arith.constant 0 : i32
    return %c0_i32 : i32
  }
  func.func @transform_15(%arg0: i32) -> (i32, i32, i32) {
    %c0_i32 = arith.constant 0 : i32
    %c0_i32_0 = arith.constant 0 : i32
    %c0_i32_1 = arith.constant 0 : i32
    %c0_i32_2 = arith.constant 0 : i32
    return %c0_i32, %c0_i32_0, %c0_i32_1 : i32, i32, i32
  }
  func.func @transform_16(%arg0: i32) -> i32 {
    %c0_i32 = arith.constant 0 : i32
    %c0_i32_0 = arith.constant 0 : i32
    return %c0_i32 : i32
  }
  func.func @transform_17(%arg0: i32) -> i32 {
    %c0_i32 = arith.constant 0 : i32
    %c0_i32_0 = arith.constant 0 : i32
    return %c0_i32 : i32
  }
  func.func @transform_18(%arg0: i32) -> i32 {
    %c0_i32 = arith.constant 0 : i32
    %c0_i32_0 = arith.constant 0 : i32
    return %c0_i32 : i32
  }
  func.func @transform_19(%arg0: i32) -> (i32, i32) {
    %c0_i32 = arith.constant 0 : i32
    %c0_i32_0 = arith.constant 0 : i32
    %c0_i32_1 = arith.constant 0 : i32
    return %c0_i32, %c0_i32_0 : i32, i32
  }
  func.func @transform_20(%arg0: i32) -> i32 {
    %c0_i32 = arith.constant 0 : i32
    %c0_i32_0 = arith.constant 0 : i32
    return %c0_i32 : i32
  }
  func.func @transform_21(%arg0: i32) -> (i32, i32, i32) {
    %c0_i32 = arith.constant 0 : i32
    %c0_i32_0 = arith.constant 0 : i32
    %c0_i32_1 = arith.constant 0 : i32
    return %arg0, %c0_i32, %c0_i32_0 : i32, i32, i32
  }
  func.func @transform_22(%arg0: i32) -> (i32, i32, i32) {
    %c0_i32 = arith.constant 0 : i32
    %c0_i32_0 = arith.constant 0 : i32
    %c0_i32_1 = arith.constant 0 : i32
    return %arg0, %c0_i32, %c0_i32_0 : i32, i32, i32
  }
}

</mosaic_0001>

<sc_bundles>
// kernel: kernel.4.cloned.1.call-start
scs
__scs_entry_jumppad:
0x0: {  	(pc) =	sbr.rel $0x88, $3  }
0x1: {  	(tag) =	ssettag $0x0;
	lr =	simm.s32 $0x1  }
0x2: {  	[smem:$0x3F88] =	sst lr;
	_ =	strace $0xD0000000  }
0x3: {  	_ = 	snop  }
0x4: {  	_ = 	snop  }
0x5: {  	_ = 	snop  }
0x6: {  	_ = 	snop  }
0x7: {  	_ = 	snop  }
__scs_overlays_trampoline_lowered:
0x8: {  	[smem:$0x3F97] =	sst s0  }
0x9: {  	[smem:$0x3F98] =	sst s1  }
0xa: {  	[smem:$0x3F99] =	sst s2  }
0xb: {  	[smem:$0x3F9A] =	sst s3  }
0xc: {  	[smem:$0x3F9B] =	sst s4  }
0xd: {  	[smem:$0x3F9C] =	sst s5  }
0xe: {  	[smem:$0x3F9D] =	sst s6  }
0xf: {  	[smem:$0x3F9E] =	sst s7  }
0x10: {  	[smem:$0x3F9F] =	sst s8  }
0x11: {  	[smem:$0x3FA0] =	sst s9;
	s0 =	simm.s32 @!p0 $0x0  }
0x12: {  	s1 =	sld [smem:$0x3F86];
	s0 =	simm.s32 @p0 $0x1  }
0x13: {  	[smem:$0x3FA1] =	sst s0;
	s0 =	simm.s32 @!p1 $0x0  }
0x14: {  	s2 =	sld [smem:$0x3F85];
	s0 =	simm.s32 @p1 $0x1  }
0x15: {  	[smem:$0x3FA2] =	sst s0;
	s0 =	simm.s32 @!p2 $0x0  }
0x16: {  	s3 =	sld [smem:$0x3FDB];
	s0 =	simm.s32 @p2 $0x1  }
0x17: {  	s4 =	simm.s32 $0x1BF5;
	[smem:$0x3FA4] =	sst s0  }
0x18: {  	s0 =	sld [smem:$0x3F87];
	_ =	swait.ge [sflag:s4], $0x0  }
0x19: {  	s7 =	sld [smem:$0x3F88]  }
0x1a: {  	s8 =	sadd.s32 $0xFFFFE003, lr  }
0x1b: {  	s9 =	sadd.s32 $0xFFFFFEF7, lr;
	s5 =	simm.s32 $0xFFFFFFFF;
	p2 =	slt.u32 s8, $0xFFFFF086  }
0x1c: {  	p1 =	slt.u32 s9, $0xF7A;
	s5 =	simm.s32 @!p2 $0x0  }
0x1d: {  	s5 =	simm.s32 @p1 $0x1;
	p0 =	seq.s32 s7, s2  }
0x1e: {  	s7 =	smul.u32 @!p0 $0xF7A, s2;
	p2 =	seq.s32 @!p0 s5, $0x0  }
0x1f: {  	s9 =	smul.u32 $0xF7A, s1;
	s8 =	simm.s32 @!p0 $0x1BF5;
	p2 =	por !p2, p0  }
0x20: {  	[sflag:s8] =	ssyncset.s32 @!p0 $0xFFFFF086;
	s6 =	sadd.s32 @!p0 s3, s7;
	s7 =	simm.s32 @!p0 $0x108  }
0x21: {  	s3 =	sadd.s32 s3, s9;
	s6 =	sadd.s32 @!p0 $0x88, s6;
	s7 =	simm.s32 @p2 $0x1082  }
0x22: {  	[simem:s7], [sflag:s8] =	dma.local @!p0 [hbm:s6], $0xF7A  }
0x23: {  	s9 =	sor.u32 $0xD0000000, s2;
	s6 =	simm.s32 $0x108;
	_ =	swait.ge @!p0 [sflag:s8], $0x0  }
0x24: {  	s3 =	sadd.s32 $0x88, s3;
	s6 =	simm.s32 @!p1 $0x1082;
	[sflag:s4] =	ssyncset.s32 $0xFFFFF086  }
0x25: {  	[simem:s6], [sflag:s4] =	dma.local [hbm:s3], $0xF7A  }
0x26: {  	[smem:$0x3F88] =	sst s1;
	(tag) =	ssettag s2;
	_ =	strace s9  }
0x27: {  	s1 =	sld [smem:$0x3F98]  }
0x28: {  	s2 =	sld [smem:$0x3F99]  }
0x29: {  	s4 =	sld [smem:$0x3F9B]  }
0x2a: {  	p0 =	seq.s32 s5, $0x0;
	s5 =	sld [smem:$0x3F9C]  }
0x2b: {  	s6 =	sld [smem:$0x3F9D]  }
0x2c: {  	s7 =	sld [smem:$0x3F9E]  }
0x2d: {  	s3 =	simm.s32 $0x108;
	s8 =	sld [smem:$0x3F9F]  }
0x2e: {  	s3 =	simm.s32 @!p0 $0x1082;
	s9 =	sld [smem:$0x3FA0]  }
0x2f: {  	lr =	sadd.s32 s0, s3;
	s0 =	sld [smem:$0x3F97]  }
0x30: {  	s3 =	sld [smem:$0x3F9A]  }
0x31: {  	[smem:$0x3FA3] =	sst s10  }
0x32: {  	s10 =	sld [smem:$0x3FA1];
	_ =	sdelay $0x3  }
0x33: {  	p0 =	seq.s32 s10, $0x1;
	s10 =	sld [smem:$0x3FA3];
	_ =	sdelay $0x3  }
0x34: {  	[smem:$0x3FA3] =	sst s10  }
0x35: {  	s10 =	sld [smem:$0x3FA2];
	_ =	sdelay $0x3  }
0x36: {  	p1 =	seq.s32 s10, $0x1;
	s10 =	sld [smem:$0x3FA3];
	_ =	sdelay $0x3  }
0x37: {  	[smem:$0x3FA3] =	sst s10  }
0x38: {  	s10 =	sld [smem:$0x3FA4]  }
0x39: {  	_ = 	snop;
	(pc) =	sbr.ind lr, $3  }
0x3a: {  	_ = 	snop  }
0x3b: {  	_ = 	snop  }
0x3c: {  	p2 =	seq.s32 s10, $0x1;
	s10 =	sld [smem:$0x3FA3]  }
0x3d: {  	_ =	shalt  }
0x3e: {  	_ =	shalt  }
0x3f: {  	_ =	shalt  }
0x40: {  	_ =	shalt  }
0x41: {  	_ =	shalt  }
0x42: {  	_ =	shalt  }
0x43: {  	_ =	shalt  }
0x44: {  	_ =	shalt  }
0x45: {  	_ =	shalt  }
0x46: {  	_ =	shalt  }
0x47: {  	_ =	shalt  }
0x48: {  	_ =	shalt  }
0x49: {  	_ =	shalt  }
0x4a: {  	_ =	shalt  }
0x4b: {  	_ =	shalt  }
0x4c: {  	_ =	shalt  }
0x4d: {  	_ =	shalt  }
0x4e: {  	_ =	shalt  }
0x4f: {  	_ =	shalt  }
0x50: {  	_ =	shalt  }
0x51: {  	_ =	shalt  }
0x52: {  	_ =	shalt  }
0x53: {  	_ =	shalt  }
0x54: {  	_ =	shalt  }
0x55: {  	_ =	shalt  }
0x56: {  	_ =	shalt  }
0x57: {  	_ =	shalt  }
0x58: {  	_ =	shalt  }
0x59: {  	_ =	shalt  }
0x5a: {  	_ =	shalt  }
0x5b: {  	_ =	shalt  }
0x5c: {  	_ =	shalt  }
0x5d: {  	_ =	shalt  }
0x5e: {  	_ =	shalt  }
0x5f: {  	_ =	shalt  }
0x60: {  	_ =	shalt  }
0x61: {  	_ =	shalt  }
0x62: {  	_ =	shalt  }
0x63: {  	_ =	shalt  }
0x64: {  	_ =	shalt  }
0x65: {  	_ =	shalt  }
0x66: {  	_ =	shalt  }
0x67: {  	_ =	shalt  }
0x68: {  	_ =	shalt  }
0x69: {  	_ =	shalt  }
0x6a: {  	_ =	shalt  }
0x6b: {  	_ =	shalt  }
0x6c: {  	_ =	shalt  }
0x6d: {  	_ =	shalt  }
0x6e: {  	_ =	shalt  }
0x6f: {  	_ =	shalt  }
0x70: {  	_ =	shalt  }
0x71: {  	_ =	shalt  }
0x72: {  	_ =	shalt  }
0x73: {  	_ =	shalt  }
0x74: {  	_ =	shalt  }
0x75: {  	_ =	shalt  }
0x76: {  	_ =	shalt  }
0x77: {  	_ =	shalt  }
0x78: {  	_ =	shalt  }
0x79: {  	_ =	shalt  }
0x7a: {  	_ =	shalt  }
0x7b: {  	_ =	shalt  }
0x7c: {  	_ =	shalt  }
0x7d: {  	_ =	shalt  }
0x7e: {  	_ =	shalt  }
0x7f: {  	_ =	shalt  }
0x80: {  	_ =	shalt  }
0x81: {  	_ =	shalt  }
0x82: {  	_ =	shalt  }
0x83: {  	_ =	shalt  }
0x84: {  	_ =	shalt  }
0x85: {  	_ =	shalt  }
0x86: {  	_ =	shalt  }
0x87: {  	_ =	shalt  }
.Lfunc_end0:
.L_simem_size_0:
called_computation_lowered:
.L_overlay_start_0:
0x88: {  	s2 =	sld [smem:$0x3FD9]  }
0x89: {  	s3 =	sld [smem:$0x3FFE];
	_ =	sdelay $0x1  }
0x8a: {  	s1 =	srdreg.scid  }
0x8b: {  	s0 =	sand.u32 $0x1, s1  }
0x8c: {  	s14 =	sshll.u32 s0, $0xA;
	s2 =	sadd.s32 s3, s2  }
0x8d: {  	s2 =	sadd.s32 s2, s14  }
0x8e: {  	[smem:$0x3FAF] =	sst s2  }
0x8f: {  	_ = 	snop  }
0x90: {  	s2 =	sld [smem:$0x3FD0]  }
0x91: {  	s15 =	sld [smem:$0x3FC9]  }
0x92: {  	s4 =	sld [smem:$0x3FB2]  }
0x93: {  	s6 =	simm.s32 $0xA;
	s7 =	simm.s32 $0x10;
	s5 =	sld [smem:$0x3FB1]  }
0x94: {  	[smem:s7], [sflag:s6] =	dma.local [hbm:s2], $0x1  }
0x95: {  	_ =	swait.eq [sflag:s6], $0x1  }
0x96: {  	[sflag:s6] =	ssyncset.done $0x0  }
0x97: {  	[sflag:s6] =	ssyncadd.s32 $0xFFFFFFFF  }
0x98: {  	s16 =	sld [smem:$0x10];
	(tm) =	ssettm $0x1  }
0x99: {  	s17 =	sld [smem:$0x3FFB];
	_ =	sdelay $0x3  }
0x9a: {  	_ =	strace s17  }
0x9b: {  	s6 =	sld [smem:$0x3FFC];
	_ =	sdelay $0x3  }
0x9c: {  	_ =	strace s6  }
0x9d: {  	s6 =	sld [smem:$0x3FFD];
	_ =	sdelay $0x3  }
0x9e: {  	_ =	strace s6  }
0x9f: {  	_ =	strace $0x8FFFFFFF  }
0xa0: {  	s18 =	sld [smem:$0x3FDB];
	_ =	sdelay $0x1  }
0xa1: {  	s19 =	simm.s32 $_scs_section_size  }
0xa2: {  	s8 =	simm.s32 $_size__tile_overlayer_lowered;
	s9 =	simm.s32 $_tile_overlayer_lowered  }
0xa3: {  	s22 =	simm.s32 $0x1BFF;
	s21 =	sshll.u32 s9, $0x1;
	s6 =	sadd.s32 s19, s18  }
0xa4: {  	s10 =	simm.s32 $0x0;
	s20 =	sshll.u32 s8, $0x1;
	s8 =	sadd.s32 s21, s6  }
0xa5: {  	[timem:s10], [sflag:s22] =	dma.local [hbm:s8], s20  }
0xa6: {  	_ =	swait.ge [sflag:s22], s20  }
0xa7: {  	s7 =	ssub.s32 $0x0, s20;
	[sflag:s22] =	ssyncset.done $0x0  }
0xa8: {  	[sflag:s22] =	ssyncadd.s32 s7;
	_ =	sdelay $0x1  }
0xa9: {  	s23 =	simm.s32 $0x1B8B  }
0xaa: {  	_ =	swait.ge [sflag:s23], $0x1  }
0xab: {  	[sflag:s23] =	ssyncset.done $0x0  }
0xac: {  	s25 =	simm.s32 $0x1B8E;
	s24 =	sld [smem:$0x3FFE];
	[sflag:s23] =	ssyncadd.s32 $0xFFFFFFFF  }
0xad: {  	s26 =	simm.s32 $execute0_lowered;
	[smem:$0x3FD2] =	sst s25  }
0xae: {  	s8 =	sshll.u32 s26, $0x1;
	_ =	strace $0x80000046;
	[dreg:$0x1] =	wrdreg $0xFFFFFFFF  }
0xaf: {  	s28 =	simm.s32 $_size_execute0_lowered;
	s6 =	sadd.s32 s6, s8;
	[dreg:$0x0] =	wrdreg $0x0  }
0xb0: {  	s8 =	sshll.u32 s28, $0x1;
	[dreg:$0x2] =	wrdreg s6  }
0xb1: {  	[dreg:$0x3] =	wrdreg s8  }
0xb2: {  	[dreg:$0x4] =	wrdreg $0xC0  }
0xb3: {  	_ =	task [dreg:s10], $0x5FFFF  }
0xb4: {  	[dreg:$0x1] =	wrdreg $0xFFFFFFFF  }
0xb5: {  	[dreg:$0x0] =	wrdreg $0x60  }
0xb6: {  	[dreg:$0x2] =	wrdreg s24  }
0xb7: {  	[dreg:$0x3] =	wrdreg s15  }
0xb8: {  	[dreg:$0x4] =	wrdreg s4  }
0xb9: {  	[dreg:$0x5] =	wrdreg s5  }
0xba: {  	[dreg:$0x6] =	wrdreg s16  }
0xbb: {  	[dreg:$0x7] =	wrdreg $0x9  }
0xbc: {  	_ =	task.clear_ibuf [dreg:s10], $0x8FFFF;
	_ =	strace $0x90000046  }
0xbd: {  	s29 =	simm.s32 $0x9;
	_ =	strace $0x80000048  }
0xbe: {  	_ =	swait.ge [sflag:s29], $0x1  }
0xbf: {  	[sflag:s29] =	ssyncadd.s32 $0xFFFFFFFF  }
0xc0: {  	_ =	strace $0x90000048  }
0xc1: {  	_ =	sfence  }
0xc2: {  	s30 =	sld [smem:$0x0];
	_ =	sdelay $0x2  }
0xc3: {  	s31 =	sshll.u32 s1, $0xD;
	s1 =	sshrl.u32 s1, $0x2  }
0xc4: {  	s3 =	sand.u32 $0x4000, s31;
	s1 =	sadd.s32 s1, s30  }
0xc5: {  	s0 =	sor.u32 s3, s0;
	s1 =	sshll.u32 s1, $0x11  }
0xc6: {  	s0 =	sor.u32 s1, s0  }
0xc7: {  	s0 =	sadd.s32 $0x8F2B, s0  }
0xc8: {  	[sflag:s0] =	ssyncadd.remote.s32 $0x1  }
0xc9: {  	_ =	sfence.sel $0xFFFF  }
0xca: {  	[dreg:$0x0] =	wrdreg $0xFFFFFFFF;
	(pc) =	sbr.abs _section_cstart, $3  }
0xcb: {  	[dreg:$0x1] =	wrdreg $0xFFFFFFFF  }
0xcc: {  	_ =	task.clear_ibuf [dreg:s10], $0x2FFFF;
	_ =	strace $0x9FFFFFFF  }
0xcd: {  	(tm) =	ssettm $0x7FFFFFFF  }
tec
execute0_lowered:
.L_overlay_start_1:
0x0: {  	(tag) =	ssettag $0x1  }
0x1: {  	s0 =	srdreg.scid  }
0x2: {  	s2 =	stileid.u32;
	s1 =	sand.u32 $0x1, s0  }
0x3: {  	s11 =	sshll.u32 s2, $0x6;
	s12 =	sshll.u32 s1, $0x5  }
0x4: {  	s4 =	rddreg [dreg:$0x4];
	s0 =	sor.u32 s12, s11  }
0x5: {  	s29 =	rddreg [dreg:$0x2];
	s3 =	smul.u32 $0x300, s0  }
0x6: {  	s22 =	simm.s32 $0x0;
	s2 =	rddreg [dreg:$0x1];
	s1 =	ssub.s32 $0x2, s1  }
0x7: {  	[smem:$0x7FF] =	sst s22;
	s5 =	sshrl.u32 s1, $0x1;
	s6 =	sadd.s32 s2, s3  }
0x8: {  	s13 =	sor.u32 $0x600, s3;
	s9 =	sadd.s32 s4, s3;
	[dreg:$0x6] =	wrdreg s6  }
0x9: {  	s15 =	sor.u32 $0xC00, s3;
	s14 =	sadd.s32 s2, s13;
	[dreg:$0x9] =	wrdreg s9  }
0xa: {  	s16 =	sor.u32 $0x1200, s3;
	s7 =	sadd.s32 s2, s15;
	[dreg:$0x7] =	wrdreg s14  }
0xb: {  	s1 =	ssub.s32 s1, s5;
	s17 =	sadd.s32 s2, s16;
	[dreg:$0x8] =	wrdreg s7  }
0xc: {  	s18 =	sor.u32 $0x1800, s3;
	s5 =	sadd.s32 s4, s13;
	[dreg:$0xa] =	wrdreg s17  }
0xd: {  	s19 =	sadd.s32 s2, s18;
	[dreg:$0xb] =	wrdreg s5  }
0xe: {  	s3 =	sor.u32 $0x1E00, s3;
	s6 =	sadd.s32 s4, s15;
	[dreg:$0xc] =	wrdreg s19  }
0xf: {  	s21 =	sadd.s32 s2, s3;
	[dreg:$0xd] =	wrdreg s6  }
0x10: {  	s8 =	smul.u32 $0x1800, s0;
	s24 =	sadd.s32 s4, s18;
	[dreg:$0xe] =	wrdreg s21  }
0x11: {  	s30 =	simm.s32 $0x4300;
	s3 =	sadd.s32 s4, s3;
	[dreg:$0x11] =	wrdreg s24  }
0x12: {  	s5 =	sshrl.u32 s8, $0x3;
	s7 =	sadd.s32 s4, s16;
	[dreg:$0x13] =	wrdreg s3  }
0x13: {  	s20 =	sadd.s32 $0x2400, s5;
	[dreg:$0xf] =	wrdreg s7;
	s25 =	sadd.s32 $0x2A00, s5  }
0x14: {  	s23 =	sadd.s32 s2, s20;
	s6 =	sadd.s32 s4, s20;
	s20 =	rddreg [dreg:$0x0]  }
0x15: {  	s26 =	sadd.s32 $0x3000, s5;
	s28 =	sadd.s32 s2, s25;
	[dreg:$0x10] =	wrdreg s23  }
0x16: {  	s8 =	simm.s32 $0x8;
	s31 =	sadd.s32 s2, s26;
	[dreg:$0x12] =	wrdreg s28  }
0x17: {  	s9 =	sadd.s32 $0x3600, s5;
	s13 =	sadd.s32 $0x3C00, s5;
	[dreg:$0x14] =	wrdreg s31  }
0x18: {  	s15 =	sadd.s32 $0x4200, s5;
	s10 =	sadd.s32 s4, s25;
	[dreg:$0x15] =	wrdreg s6  }
0x19: {  	s17 =	sadd.s32 $0x4800, s5;
	s11 =	sadd.s32 s4, s26;
	[dreg:$0x16] =	wrdreg s10  }
0x1a: {  	s21 =	sadd.s32 $0x4E00, s5;
	s12 =	sadd.s32 s2, s9;
	[dreg:$0x17] =	wrdreg s11  }
0x1b: {  	s7 =	simm.s32 $0x5;
	s3 =	sadd.s32 s4, s9;
	[dreg:$0x18] =	wrdreg s12  }
0x1c: {  	s14 =	sadd.s32 s2, s13;
	s16 =	sadd.s32 s2, s15;
	[dreg:$0x19] =	wrdreg s3  }
0x1d: {  	s18 =	sadd.s32 s2, s17;
	s19 =	sadd.s32 s4, s17;
	[dreg:$0x1a] =	wrdreg s14  }
0x1e: {  	s24 =	sadd.s32 s2, s21;
	s9 =	simm.s32 $0xB;
	[dreg:$0x1c] =	wrdreg s16  }
0x1f: {  	s17 =	simm.s32 $0x3;
	s6 =	sadd.s32 s4, s13;
	[dreg:$0x1e] =	wrdreg s18  }
0x20: {  	s3 =	sadd.s32 s4, s15;
	[dreg:$0x1f] =	wrdreg s19;
	s23 =	sadd.s32 $0x5400, s5  }
0x21: {  	s5 =	sadd.s32 $0x5A00, s5;
	[smem:$0x7F4] =	sst s24;
	s0 =	sadd.s32 s0, s20  }
0x22: {  	s31 =	smax.u32 s1, $0x1;
	s10 =	sadd.s32 $0x100, s29;
	[dreg:$0x1b] =	wrdreg s6  }
0x23: {  	s11 =	sadd.s32 $0x200, s29;
	[dreg:$0x1d] =	wrdreg s3;
	s25 =	sadd.s32 s2, s23  }
0x24: {  	s14 =	simm.s32 $0x1200;
	s2 =	sadd.s32 s2, s5;
	[smem:$0x7F5] =	sst s25  }
0x25: {  	s15 =	simm.s32 $0xD;
	s16 =	simm.s32 $0x1300;
	[smem:$0x7F6] =	sst s2  }
0x26: {  	s1 =	simm.s32 $0x1;
	s6 =	sadd.s32 s4, s21;
	s2 =	rddreg [dreg:$0x3]  }
0x27: {  	s18 =	simm.s32 $0x6;
	s26 =	sadd.s32 s4, s23;
	[smem:$0x7F7] =	sst s6  }
0x28: {  	s19 =	simm.s32 $0x9;
	s4 =	sadd.s32 s4, s5;
	[smem:$0x7F8] =	sst s26  }
0x29: {  	s3 =	sadd.s32 $0x3400, s20;
	s28 =	sadd.s32 $0x2C00, s0;
	[smem:$0x7F9] =	sst s4  }
0x2a: {  	s0 =	sadd.s32 $0x3000, s0;
	_ =	strace $0x80000047;
	[smem:$0x7FA] =	sst s3  }
0x2b: {  	s5 =	simm.s32 $0x7300;
	s20 =	simm.s32 $0xC;
	[smem:$0x7FB] =	sst s28  }
0x2c: {  	v0 =	vimm.s32 $0x0;
	v4 =	vlaneseq.u32;
	s21 =	simm.s32 $0x0;
	s4 =	simm.s32 $0xA;
	[smem:$0x7FC] =	sst s0  }
0x2d: {  	v1 =	vimm.s32 $0x7F;
	vm0 =	vmmov $0xffff;
	v3 =	vshrl.u32 v4, $0x3;
	s6 =	simm.s32 $0x2;
	[smem:$0x7FD] =	sst s31;
	s12 =	sadd.s32 $0x100, s2  }
0x2e: {  	v2 =	vand.u32 $0x7, v4;
	v4 =	vor.u32 $0x8, v4;
	v3 =	vmul.u32 $0x8, v3;
	s13 =	sadd.s32 $0x200, s2;
	s0 =	simm.s32 $0x4;
	s3 =	simm.s32 $0x7  }
.LBB2_1:
0x2f: {  	s23 =	sld [smem:$0x7FA];
	_ =	sdelay $0x2  }
0x30: {  	[tilespmem:s14], [sflag:$0xD] =	stream.linear.gather [hbm4b:s23+s22], $0x100, $0x38;
	[tilespmem:$0x1C300] =	vst v63  }
0x31: {  	_ =	swait.ge [sflag:s15], $0x100  }
0x32: {  	s28 =	sld [smem:$0x7FB]  }
0x33: {  	[sflag:s15] =	ssyncset.done $0x0  }
0x34: {  	[sflag:s15] =	ssyncadd.s32 $0xFFFFFF00  }
0x35: {  	[tilespmem:s22], [sflag:$0xD] =	stream.linear.gather [hbm4b:s28+s22], $0x100, $0x38;
	[tilespmem:$0x1C300] =	vst v63  }
0x36: {  	_ =	swait.ge [sflag:s15], $0x100  }
0x37: {  	s31 =	sld [smem:$0x7FC]  }
0x38: {  	[sflag:s15] =	ssyncset.done $0x0  }
0x39: {  	s24 =	simm.s32 $0x100;
	[sflag:s15] =	ssyncadd.s32 $0xFFFFFF00  }
0x3a: {  	[tilespmem:s24], [sflag:$0xD] =	stream.linear.gather [hbm4b:s31+s22], $0x100, $0x38;
	[tilespmem:$0x1C300] =	vst v63  }
0x3b: {  	s25 =	simm.s32 $0x10;
	_ =	swait.ge [sflag:s15], $0x100  }
0x3c: {  	s26 =	simm.s32 $0x110;
	s23 =	simm.s32 $0x280;
	[sflag:s15] =	ssyncset.done $0x0  }
0x3d: {  	s22 =	simm.s32 $0xFFFFFFFE;
	s24 =	simm.s32 $0xA80;
	[sflag:s15] =	ssyncadd.s32 $0xFFFFFF00  }
.LBB2_2:
0x3e: {  	v5 =	vld [tilespmem:s26+$0xFFFFFFF0];
	_ =	sdelay $0x3  }
0x3f: {  	v6 =	vld.idx.msk [tilespmem:v1+s14+$0x0], $0xffff  }
0x40: {  	v5 =	vadd.f32 $1.000000000e+00, v5;
	_ =	sdelay $0x1  }
0x41: {  	v5 =	vadd.f32 $1.000000000e+00, v5;
	_ =	sdelay $0x1  }
0x42: {  	vm1 =	vlt.f32 v6, v5  }
0x43: {  	v6 =	vsel vm1, $0x80, v0  }
0x44: {  	v7 =	vor.u32 $0x3F, v6;
	_ =	sdelay $0x4  }
0x45: {  	v7 =	vld.idx.msk [tilespmem:v7+s14+$0x0], $0xffff;
	_ =	sdelay $0x4  }
0x46: {  	vm1 =	vlt.f32 v7, v5;
	v7 =	vor.u32 $0x40, v6  }
0x47: {  	v7 =	vsel vm1, v7, v6  }
0x48: {  	v8 =	vand.u32 $0x40, v7  }
0x49: {  	v6 =	vor.u32 v8, v6  }
0x4a: {  	v6 =	vor.u32 $0x1F, v6;
	_ =	sdelay $0x4  }
0x4b: {  	v6 =	vld.idx.msk [tilespmem:v6+s14+$0x0], $0xffff;
	_ =	sdelay $0x4  }
0x4c: {  	vm1 =	vlt.f32 v6, v5;
	v6 =	vor.u32 $0x20, v7  }
0x4d: {  	v6 =	vsel vm1, v6, v7  }
0x4e: {  	v7 =	vor.u32 $0xF, v6;
	_ =	sdelay $0x4  }
0x4f: {  	v7 =	vld.idx.msk [tilespmem:v7+s14+$0x0], $0xffff;
	_ =	sdelay $0x4  }
0x50: {  	vm1 =	vlt.f32 v7, v5;
	v7 =	vor.u32 $0x10, v6  }
0x51: {  	v6 =	vsel vm1, v7, v6  }
0x52: {  	v7 =	vadd.s32 $0x7, v6;
	_ =	sdelay $0x4  }
0x53: {  	v7 =	vld.idx.msk [tilespmem:v7+s14+$0x0], $0xffff;
	_ =	sdelay $0x4  }
0x54: {  	vm1 =	vlt.f32 v7, v5;
	v7 =	vadd.s32 $0x8, v6  }
0x55: {  	v6 =	vsel vm1, v7, v6  }
0x56: {  	v7 =	vadd.s32 $0x3, v6;
	_ =	sdelay $0x4  }
0x57: {  	v7 =	vld.idx.msk [tilespmem:v7+s14+$0x0], $0xffff;
	_ =	sdelay $0x4  }
0x58: {  	vm1 =	vlt.f32 v7, v5;
	v7 =	vadd.s32 $0x4, v6  }
0x59: {  	v6 =	vsel vm1, v7, v6  }
0x5a: {  	v7 =	vadd.s32 $0x1, v6  }
0x5b: {  	v57 =	vld [tilespmem:s25+$0xFFFFFFF0];
	_ =	sdelay $0x3  }
0x5c: {  	v7 =	vld.idx.msk [tilespmem:v7+s14+$0x0], $0xffff  }
0x5d: {  	v8 =	vadd.f32 $1.000000000e+00, v57;
	_ =	sdelay $0x1  }
0x5e: {  	v8 =	vmul.f32 $1.280000000e+02, v8;
	_ =	sdelay $0x1  }
0x5f: {  	v8 =	vadd.f32 $5.000000000e-01, v8;
	vm1 =	vlt.f32 v7, v5;
	v7 =	vadd.s32 $0x2, v6  }
0x60: {  	v6 =	vsel vm1, v7, v6  }
0x61: {  	v7 =	vtrunc.f32 v8  }
0x62: {  	v9 =	vcvt.f32.s32 v7;
	_ =	sdelay $0x1  }
0x63: {  	v10 =	vand.u32 $0x1, v9  }
0x64: {  	vm1 =	veq.f32 v8, v7;
	vm2 =	veq.s32 v10, $0x1;
	v7 =	vld.idx.msk [tilespmem:v6+s14+$0x0], $0xffff  }
0x65: {  	vm1 =	vmand vm1, vm2  }
0x66: {  	v58 =	vsel vm1, $0xFFFFFFFF, v0  }
0x67: {  	v8 =	vadd.s32 v9, v58  }
0x68: {  	vm1 =	vgt.s32 v8, $0x0  }
0x69: {  	v8 =	vnsel vm1, $0x0, v8;
	vm1 =	vlt.f32 v7, v5  }
0x6a: {  	v5 =	vmin.u32 v8, $0xFF;
	v7 =	vsel vm1, $0x1, v0  }
0x6b: {  	[tilespmem:s23+$0xFFFFFF80] =	vst v5;
	v6 =	vadd.s32 v7, v6  }
0x6c: {  	[tilespmem:s24+$0xFFFFFF80] =	vst v6  }
0x6d: {  	v5 =	vld [tilespmem:s26+$0x0];
	_ =	sdelay $0x3  }
0x6e: {  	v6 =	vld.idx.msk [tilespmem:v1+s14+$0x0], $0xffff  }
0x6f: {  	v5 =	vadd.f32 $1.000000000e+00, v5;
	_ =	sdelay $0x1  }
0x70: {  	v5 =	vadd.f32 $1.000000000e+00, v5;
	_ =	sdelay $0x1  }
0x71: {  	vm1 =	vlt.f32 v6, v5  }
0x72: {  	v6 =	vsel vm1, $0x80, v0  }
0x73: {  	v7 =	vor.u32 $0x3F, v6;
	_ =	sdelay $0x4  }
0x74: {  	v7 =	vld.idx.msk [tilespmem:v7+s14+$0x0], $0xffff;
	_ =	sdelay $0x4  }
0x75: {  	vm1 =	vlt.f32 v7, v5;
	v7 =	vor.u32 $0x40, v6  }
0x76: {  	v7 =	vsel vm1, v7, v6  }
0x77: {  	v59 =	vand.u32 $0x40, v7  }
0x78: {  	v6 =	vor.u32 v59, v6  }
0x79: {  	v6 =	vor.u32 $0x1F, v6;
	_ =	sdelay $0x4  }
0x7a: {  	v6 =	vld.idx.msk [tilespmem:v6+s14+$0x0], $0xffff;
	_ =	sdelay $0x4  }
0x7b: {  	vm1 =	vlt.f32 v6, v5;
	v6 =	vor.u32 $0x20, v7  }
0x7c: {  	v6 =	vsel vm1, v6, v7  }
0x7d: {  	v7 =	vor.u32 $0xF, v6;
	_ =	sdelay $0x4  }
0x7e: {  	v7 =	vld.idx.msk [tilespmem:v7+s14+$0x0], $0xffff;
	_ =	sdelay $0x4  }
0x7f: {  	vm1 =	vlt.f32 v7, v5;
	v7 =	vor.u32 $0x10, v6  }
0x80: {  	v6 =	vsel vm1, v7, v6  }
0x81: {  	v7 =	vadd.s32 $0x7, v6;
	_ =	sdelay $0x4  }
0x82: {  	v7 =	vld.idx.msk [tilespmem:v7+s14+$0x0], $0xffff;
	_ =	sdelay $0x4  }
0x83: {  	vm1 =	vlt.f32 v7, v5;
	v7 =	vadd.s32 $0x8, v6  }
0x84: {  	v6 =	vsel vm1, v7, v6  }
0x85: {  	v7 =	vadd.s32 $0x3, v6;
	_ =	sdelay $0x4  }
0x86: {  	v7 =	vld.idx.msk [tilespmem:v7+s14+$0x0], $0xffff;
	_ =	sdelay $0x4  }
0x87: {  	vm1 =	vlt.f32 v7, v5;
	v7 =	vadd.s32 $0x4, v6  }
0x88: {  	v6 =	vsel vm1, v7, v6  }
0x89: {  	v7 =	vadd.s32 $0x1, v6  }
0x8a: {  	v60 =	vld [tilespmem:s25+$0x0];
	_ =	sdelay $0x3  }
0x8b: {  	v7 =	vld.idx.msk [tilespmem:v7+s14+$0x0], $0xffff  }
0x8c: {  	v8 =	vadd.f32 $1.000000000e+00, v60;
	_ =	sdelay $0x1  }
0x8d: {  	v8 =	vmul.f32 $1.280000000e+02, v8;
	_ =	sdelay $0x1  }
0x8e: {  	v8 =	vadd.f32 $5.000000000e-01, v8;
	vm1 =	vlt.f32 v7, v5;
	v7 =	vadd.s32 $0x2, v6  }
0x8f: {  	v6 =	vsel vm1, v7, v6  }
0x90: {  	v7 =	vtrunc.f32 v8  }
0x91: {  	v61 =	vcvt.f32.s32 v7;
	_ =	sdelay $0x1  }
0x92: {  	v62 =	vand.u32 $0x1, v61  }
0x93: {  	vm1 =	veq.f32 v8, v7;
	vm2 =	veq.s32 v62, $0x1;
	v7 =	vld.idx.msk [tilespmem:v6+s14+$0x0], $0xffff  }
0x94: {  	vm1 =	vmand vm1, vm2  }
0x95: {  	s22 =	sadd.s32 $0x2, s22;
	v63 =	vsel vm1, $0xFFFFFFFF, v0  }
0x96: {  	p0 =	slt.u32 s22, $0xE;
	v8 =	vadd.s32 v61, v63  }
.Ltmp0:
0x97: {  	vm1 =	vgt.s32 v8, $0x0;
	(pc) =	sbr.rel @p0 .LBB2_2-.Ltmp0, $4  }
0x98: {  	v8 =	vnsel vm1, $0x0, v8;
	vm1 =	vlt.f32 v7, v5  }
0x99: {  	v5 =	vmin.u32 v8, $0xFF;
	v7 =	vsel vm1, $0x1, v0  }
0x9a: {  	s25 =	sadd.s32 $0x20, s25;
	[tilespmem:s23+$0x0] =	vst v5;
	v6 =	vadd.s32 v7, v6  }
0x9b: {  	s26 =	sadd.s32 $0x20, s26;
	s23 =	sadd.s32 $0x100, s23;
	[tilespmem:s24+$0x0] =	vst v6;
	s24 =	sadd.s32 $0x100, s24  }
0x9c: {  	s22 =	simm.s32 $0x0;
	s23 =	rddreg [dreg:$0x6]  }
0x9d: {  	[tilespmem:s16], [sflag:$0x1] =	stream.linear.gather [hbm4b:s23+s22], $0x3000, $0x38;
	[tilespmem:$0x1C300] =	vst v63  }
0x9e: {  	v5 =	vld [tilespmem:$0x200];
	_ =	sdelay $0x4  }
0x9f: {  	v6 =	vshrl.u32 v5, $0x3  }
0xa0: {  	v6 =	vmul.u32 $0x30, v6  }
0xa1: {  	v5 =	vand.u32 $0x7, v5  }
0xa2: {  	v5 =	vor.u32 v5, v6  }
0xa3: {  	v6 =	vperm.xlane v5, v2;
	_ =	sdelay $0x1  }
0xa4: {  	v6 =	vadd.s32 v3, v6;
	_ =	sdelay $0x3  }
0xa5: {  	s26 =	simm.s32 $0xA300;
	v5 =	vperm.xlane v5, v4  }
0xa6: {  	[tilespmem:s26], [sflag:$0x4] =	stream.indirect_vreg.gather [hbm4b:s29+s22], $0x80, v6, vm0, $0xb8;
	[tilespmem:$0x1C300] =	vst v63  }
0xa7: {  	s28 =	simm.s32 $0xAB00;
	v5 =	vadd.s32 v3, v5  }
0xa8: {  	[tilespmem:s28], [sflag:$0x4] =	stream.indirect_vreg.gather [hbm4b:s10+s22], $0x80, v6, vm0, $0xb8;
	[tilespmem:$0x1C300] =	vst v63  }
0xa9: {  	s31 =	simm.s32 $0xB300  }
0xaa: {  	[tilespmem:s31], [sflag:$0x4] =	stream.indirect_vreg.gather [hbm4b:s11+s22], $0x80, v6, vm0, $0xb8;
	[tilespmem:$0x1C300] =	vst v63  }
0xab: {  	s24 =	simm.s32 $0xBB00  }
0xac: {  	[tilespmem:s24], [sflag:$0x4] =	stream.indirect_vreg.gather [hbm4b:s29+s22], $0x80, v5, vm0, $0xb8;
	[tilespmem:$0x1C300] =	vst v63  }
0xad: {  	s25 =	simm.s32 $0xC300  }
0xae: {  	[tilespmem:s25], [sflag:$0x4] =	stream.indirect_vreg.gather [hbm4b:s10+s22], $0x80, v5, vm0, $0xb8;
	[tilespmem:$0x1C300] =	vst v63  }
0xaf: {  	s26 =	simm.s32 $0xCB00  }
0xb0: {  	[tilespmem:s26], [sflag:$0x4] =	stream.indirect_vreg.gather [hbm4b:s11+s22], $0x80, v5, vm0, $0xb8;
	[tilespmem:$0x1C300] =	vst v63  }
0xb1: {  	v5 =	vld [tilespmem:$0xA00];
	_ =	sdelay $0x4  }
0xb2: {  	v6 =	vshrl.u32 v5, $0x3  }
0xb3: {  	v6 =	vmul.u32 $0x30, v6  }
0xb4: {  	v5 =	vand.u32 $0x7, v5  }
0xb5: {  	v5 =	vor.u32 v5, v6  }
0xb6: {  	v6 =	vperm.xlane v5, v2;
	_ =	sdelay $0x1  }
0xb7: {  	v6 =	vadd.s32 v3, v6;
	_ =	sdelay $0x3  }
0xb8: {  	s28 =	simm.s32 $0x13300;
	v5 =	vperm.xlane v5, v4  }
0xb9: {  	[tilespmem:s28], [sflag:$0x7] =	stream.indirect_vreg.gather [hbm4b:s2+s22], $0x80, v6, vm0, $0xb8;
	[tilespmem:$0x1C300] =	vst v63  }
0xba: {  	s31 =	simm.s32 $0x13B00;
	v5 =	vadd.s32 v3, v5  }
0xbb: {  	[tilespmem:s31], [sflag:$0x7] =	stream.indirect_vreg.gather [hbm4b:s12+s22], $0x80, v6, vm0, $0xb8;
	[tilespmem:$0x1C300] =	vst v63  }
0xbc: {  	s24 =	simm.s32 $0x14300  }
0xbd: {  	[tilespmem:s24], [sflag:$0x7] =	stream.indirect_vreg.gather [hbm4b:s13+s22], $0x80, v6, vm0, $0xb8;
	[tilespmem:$0x1C300] =	vst v63  }
0xbe: {  	s25 =	simm.s32 $0x14B00  }
0xbf: {  	[tilespmem:s25], [sflag:$0x7] =	stream.indirect_vreg.gather [hbm4b:s2+s22], $0x80, v5, vm0, $0xb8;
	[tilespmem:$0x1C300] =	vst v63  }
0xc0: {  	s26 =	simm.s32 $0x15300  }
0xc1: {  	[tilespmem:s26], [sflag:$0x7] =	stream.indirect_vreg.gather [hbm4b:s12+s22], $0x80, v5, vm0, $0xb8;
	[tilespmem:$0x1C300] =	vst v63  }
0xc2: {  	s28 =	simm.s32 $0x15B00  }
0xc3: {  	[tilespmem:s28], [sflag:$0x7] =	stream.indirect_vreg.gather [hbm4b:s13+s22], $0x80, v5, vm0, $0xb8;
	[tilespmem:$0x1C300] =	vst v63  }
0xc4: {  	s31 =	rddreg [dreg:$0x7]  }
0xc5: {  	[tilespmem:s30], [sflag:$0x2] =	stream.linear.gather [hbm4b:s31+s22], $0x3000, $0x38;
	[tilespmem:$0x1C300] =	vst v63  }
0xc6: {  	v5 =	vld [tilespmem:$0x280];
	_ =	sdelay $0x4  }
0xc7: {  	v6 =	vshrl.u32 v5, $0x3  }
0xc8: {  	v6 =	vmul.u32 $0x30, v6  }
0xc9: {  	v5 =	vand.u32 $0x7, v5  }
0xca: {  	v5 =	vor.u32 v5, v6  }
0xcb: {  	v6 =	vperm.xlane v5, v2;
	_ =	sdelay $0x1  }
0xcc: {  	v6 =	vadd.s32 v3, v6;
	_ =	sdelay $0x3  }
0xcd: {  	s24 =	simm.s32 $0xD300;
	v5 =	vperm.xlane v5, v4  }
0xce: {  	[tilespmem:s24], [sflag:$0x5] =	stream.indirect_vreg.gather [hbm4b:s29+s22], $0x80, v6, vm0, $0xb8;
	[tilespmem:$0x1C300] =	vst v63  }
0xcf: {  	s25 =	simm.s32 $0xDB00;
	v5 =	vadd.s32 v3, v5  }
0xd0: {  	[tilespmem:s25], [sflag:$0x5] =	stream.indirect_vreg.gather [hbm4b:s10+s22], $0x80, v6, vm0, $0xb8;
	[tilespmem:$0x1C300] =	vst v63  }
0xd1: {  	s26 =	simm.s32 $0xE300  }
0xd2: {  	[tilespmem:s26], [sflag:$0x5] =	stream.indirect_vreg.gather [hbm4b:s11+s22], $0x80, v6, vm0, $0xb8;
	[tilespmem:$0x1C300] =	vst v63  }
0xd3: {  	s28 =	simm.s32 $0xEB00  }
0xd4: {  	[tilespmem:s28], [sflag:$0x5] =	stream.indirect_vreg.gather [hbm4b:s29+s22], $0x80, v5, vm0, $0xb8;
	[tilespmem:$0x1C300] =	vst v63  }
0xd5: {  	s31 =	simm.s32 $0xF300  }
0xd6: {  	[tilespmem:s31], [sflag:$0x5] =	stream.indirect_vreg.gather [hbm4b:s10+s22], $0x80, v5, vm0, $0xb8;
	[tilespmem:$0x1C300] =	vst v63  }
0xd7: {  	s24 =	simm.s32 $0xFB00  }
0xd8: {  	[tilespmem:s24], [sflag:$0x5] =	stream.indirect_vreg.gather [hbm4b:s11+s22], $0x80, v5, vm0, $0xb8;
	[tilespmem:$0x1C300] =	vst v63  }
0xd9: {  	v5 =	vld [tilespmem:$0xA80];
	_ =	sdelay $0x4  }
0xda: {  	v6 =	vshrl.u32 v5, $0x3  }
0xdb: {  	v6 =	vmul.u32 $0x30, v6  }
0xdc: {  	v5 =	vand.u32 $0x7, v5  }
0xdd: {  	v5 =	vor.u32 v5, v6  }
0xde: {  	v6 =	vperm.xlane v5, v2;
	_ =	sdelay $0x1  }
0xdf: {  	v6 =	vadd.s32 v3, v6;
	_ =	sdelay $0x3  }
0xe0: {  	s25 =	simm.s32 $0x16300;
	v5 =	vperm.xlane v5, v4  }
0xe1: {  	[tilespmem:s25], [sflag:$0x8] =	stream.indirect_vreg.gather [hbm4b:s2+s22], $0x80, v6, vm0, $0xb8;
	[tilespmem:$0x1C300] =	vst v63  }
0xe2: {  	s26 =	simm.s32 $0x16B00;
	v5 =	vadd.s32 v3, v5  }
0xe3: {  	[tilespmem:s26], [sflag:$0x8] =	stream.indirect_vreg.gather [hbm4b:s12+s22], $0x80, v6, vm0, $0xb8;
	[tilespmem:$0x1C300] =	vst v63  }
0xe4: {  	s28 =	simm.s32 $0x17300  }
0xe5: {  	[tilespmem:s28], [sflag:$0x8] =	stream.indirect_vreg.gather [hbm4b:s13+s22], $0x80, v6, vm0, $0xb8;
	[tilespmem:$0x1C300] =	vst v63  }
0xe6: {  	s31 =	simm.s32 $0x17B00  }
0xe7: {  	[tilespmem:s31], [sflag:$0x8] =	stream.indirect_vreg.gather [hbm4b:s2+s22], $0x80, v5, vm0, $0xb8;
	[tilespmem:$0x1C300] =	vst v63  }
0xe8: {  	s24 =	simm.s32 $0x18300  }
0xe9: {  	[tilespmem:s24], [sflag:$0x8] =	stream.indirect_vreg.gather [hbm4b:s12+s22], $0x80, v5, vm0, $0xb8;
	[tilespmem:$0x1C300] =	vst v63  }
0xea: {  	s25 =	simm.s32 $0x18B00  }
0xeb: {  	[tilespmem:s25], [sflag:$0x8] =	stream.indirect_vreg.gather [hbm4b:s13+s22], $0x80, v5, vm0, $0xb8;
	[tilespmem:$0x1C300] =	vst v63  }
0xec: {  	s26 =	rddreg [dreg:$0x8]  }
0xed: {  	[tilespmem:s5], [sflag:$0x3] =	stream.linear.gather [hbm4b:s26+s22], $0x3000, $0x38;
	[tilespmem:$0x1C300] =	vst v63  }
0xee: {  	v5 =	vld [tilespmem:$0x300];
	_ =	sdelay $0x4  }
0xef: {  	v6 =	vshrl.u32 v5, $0x3  }
0xf0: {  	v6 =	vmul.u32 $0x30, v6  }
0xf1: {  	v5 =	vand.u32 $0x7, v5  }
0xf2: {  	v5 =	vor.u32 v5, v6  }
0xf3: {  	v6 =	vperm.xlane v5, v2;
	_ =	sdelay $0x1  }
0xf4: {  	v6 =	vadd.s32 v3, v6;
	_ =	sdelay $0x3  }
0xf5: {  	s28 =	simm.s32 $0x10300;
	v5 =	vperm.xlane v5, v4  }
0xf6: {  	[tilespmem:s28], [sflag:$0x6] =	stream.indirect_vreg.gather [hbm4b:s29+s22], $0x80, v6, vm0, $0xb8;
	[tilespmem:$0x1C300] =	vst v63  }
0xf7: {  	s31 =	simm.s32 $0x10B00;
	v5 =	vadd.s32 v3, v5  }
0xf8: {  	[tilespmem:s31], [sflag:$0x6] =	stream.indirect_vreg.gather [hbm4b:s10+s22], $0x80, v6, vm0, $0xb8;
	[tilespmem:$0x1C300] =	vst v63  }
0xf9: {  	s24 =	simm.s32 $0x11300  }
0xfa: {  	[tilespmem:s24], [sflag:$0x6] =	stream.indirect_vreg.gather [hbm4b:s11+s22], $0x80, v6, vm0, $0xb8;
	[tilespmem:$0x1C300] =	vst v63  }
0xfb: {  	s25 =	simm.s32 $0x11B00  }
0xfc: {  	[tilespmem:s25], [sflag:$0x6] =	stream.indirect_vreg.gather [hbm4b:s29+s22], $0x80, v5, vm0, $0xb8;
	[tilespmem:$0x1C300] =	vst v63  }
0xfd: {  	s26 =	simm.s32 $0x12300  }
0xfe: {  	[tilespmem:s26], [sflag:$0x6] =	stream.indirect_vreg.gather [hbm4b:s10+s22], $0x80, v5, vm0, $0xb8;
	[tilespmem:$0x1C300] =	vst v63  }
0xff: {  	s28 =	simm.s32 $0x12B00  }
0x100: {  	[tilespmem:s28], [sflag:$0x6] =	stream.indirect_vreg.gather [hbm4b:s11+s22], $0x80, v5, vm0, $0xb8;
	[tilespmem:$0x1C300] =	vst v63  }
0x101: {  	v5 =	vld [tilespmem:$0xB00];
	_ =	sdelay $0x4  }
0x102: {  	v6 =	vshrl.u32 v5, $0x3  }
0x103: {  	v6 =	vmul.u32 $0x30, v6  }
0x104: {  	v5 =	vand.u32 $0x7, v5  }
0x105: {  	v5 =	vor.u32 v5, v6  }
0x106: {  	v6 =	vperm.xlane v5, v2;
	_ =	sdelay $0x1  }
0x107: {  	v6 =	vadd.s32 v3, v6;
	_ =	sdelay $0x3  }
0x108: {  	s31 =	simm.s32 $0x19300;
	v5 =	vperm.xlane v5, v4  }
0x109: {  	[tilespmem:s31], [sflag:$0x9] =	stream.indirect_vreg.gather [hbm4b:s2+s22], $0x80, v6, vm0, $0xb8;
	[tilespmem:$0x1C300] =	vst v63  }
0x10a: {  	s24 =	simm.s32 $0x19B00;
	v5 =	vadd.s32 v3, v5  }
0x10b: {  	[tilespmem:s24], [sflag:$0x9] =	stream.indirect_vreg.gather [hbm4b:s12+s22], $0x80, v6, vm0, $0xb8;
	[tilespmem:$0x1C300] =	vst v63  }
0x10c: {  	s25 =	simm.s32 $0x1A300  }
0x10d: {  	[tilespmem:s25], [sflag:$0x9] =	stream.indirect_vreg.gather [hbm4b:s13+s22], $0x80, v6, vm0, $0xb8;
	[tilespmem:$0x1C300] =	vst v63  }
0x10e: {  	s26 =	simm.s32 $0x1AB00  }
0x10f: {  	[tilespmem:s26], [sflag:$0x9] =	stream.indirect_vreg.gather [hbm4b:s2+s22], $0x80, v5, vm0, $0xb8;
	[tilespmem:$0x1C300] =	vst v63  }
0x110: {  	s28 =	simm.s32 $0x1B300  }
0x111: {  	[tilespmem:s28], [sflag:$0x9] =	stream.indirect_vreg.gather [hbm4b:s12+s22], $0x80, v5, vm0, $0xb8;
	[tilespmem:$0x1C300] =	vst v63  }
0x112: {  	s31 =	simm.s32 $0x1BB00  }
0x113: {  	[tilespmem:s31], [sflag:$0x9] =	stream.indirect_vreg.gather [hbm4b:s13+s22], $0x80, v5, vm0, $0xb8;
	[tilespmem:$0x1C300] =	vst v63  }
0x114: {  	_ =	swait.ge [sflag:s1], $0x3000  }
0x115: {  	[sflag:s1] =	ssyncset.done $0x0  }
0x116: {  	[sflag:s1] =	ssyncadd.s32 $0xFFFFD000  }
0x117: {  	_ =	swait.ge [sflag:s0], $0x3000  }
0x118: {  	[sflag:s0] =	ssyncset.done $0x0  }
0x119: {  	[sflag:s0] =	ssyncadd.s32 $0xFFFFD000  }
0x11a: {  	_ =	swait.ge [sflag:s3], $0x3000  }
0x11b: {  	[sflag:s3] =	ssyncset.done $0x0  }
0x11c: {  	s23 =	simm.s32 $0x0;
	[sflag:s3] =	ssyncadd.s32 $0xFFFFD000  }
.LBB2_4:
0x11d: {  	s24 =	sshrl.u32 s23, $0x3  }
0x11e: {  	s25 =	sand.u32 $0x7, s22;
	s24 =	smul.u32 $0x6000, s24  }
0x11f: {  	s25 =	sshll.u32 s25, $0x9  }
0x120: {  	s24 =	sor.u32 s25, s24  }
0x121: {  	s26 =	sshra.s32 s24, $0x2  }
0x122: {  	s24 =	sadd.s32 $0x1340, s26  }
0x123: {  	s25 =	sadd.s32 $0xA340, s26;
	v5 =	vld [tilespmem:s24+$0x30]  }
0x124: {  	v6 =	vld [tilespmem:s25+$0x30]  }
0x125: {  	s26 =	sadd.s32 $0x13340, s26;
	v8 =	vld [tilespmem:s25+$0xFFFFFFC0]  }
0x126: {  	v7 =	vld [tilespmem:s26+$0x30]  }
0x127: {  	v9 =	vld [tilespmem:s24+$0xFFFFFFD0]  }
0x128: {  	v10 =	vld [tilespmem:s25+$0xFFFFFFD0]  }
0x129: {  	v11 =	vld [tilespmem:s24+$0xFFFFFFE0]  }
0x12a: {  	v12 =	vld [tilespmem:s25+$0xFFFFFFE0]  }
0x12b: {  	v13 =	vld [tilespmem:s24+$0xFFFFFFF0]  }
0x12c: {  	v15 =	vld [tilespmem:s25+$0xFFFFFFF0]  }
0x12d: {  	v16 =	vld [tilespmem:s24+$0x0]  }
0x12e: {  	v17 =	vld [tilespmem:s25+$0x0]  }
0x12f: {  	v18 =	vld [tilespmem:s24+$0x10]  }
0x130: {  	v19 =	vld [tilespmem:s25+$0x10]  }
0x131: {  	v20 =	vld [tilespmem:s24+$0x20]  }
0x132: {  	v21 =	vld [tilespmem:s25+$0x20]  }
0x133: {  	v22 =	vld [tilespmem:s24+$0xFFFFFFC0]  }
0x134: {  	v23 =	vld [tilespmem:s26+$0xFFFFFFC0]  }
0x135: {  	v24 =	vld [tilespmem:s26+$0xFFFFFFD0];
	v5 =	vadd.f32 v6, v5  }
0x136: {  	v14 =	vld [tilespmem:s26+$0xFFFFFFE0];
	v26 =	vadd.f32 v10, v9;
	v6 =	vadd.f32 v17, v16  }
0x137: {  	v25 =	vadd.f32 v7, v5;
	v7 =	vadd.f32 v12, v11;
	v11 =	vld [tilespmem:s26+$0xFFFFFFF0]  }
0x138: {  	v5 =	vadd.f32 v15, v13;
	v13 =	vadd.f32 v8, v22;
	v12 =	vld [tilespmem:s26+$0x0]  }
0x139: {  	v9 =	vadd.f32 v21, v20;
	v10 =	vld [tilespmem:s26+$0x10];
	v8 =	vadd.f32 v19, v18  }
0x13a: {  	s28 =	simm.s32 $0x0;
	s31 =	sadd.s32 $0x400, s24;
	v15 =	vadd.f32 v24, v26;
	[tilespmem:s24+$0x30] =	vst v25;
	v16 =	vadd.f32 v23, v13;
	v13 =	vld [tilespmem:s26+$0x20]  }
.LBB2_5:
0x13b: {  	v17 =	vld [tilespmem:s31+$0x30];
	v7 =	vadd.f32 v14, v7;
	s25 =	sadd.s32 $0x400, s25  }
0x13c: {  	s28 =	sadd.s32 $0x8, s28;
	v14 =	vld [tilespmem:s25+$0x30];
	[tilespmem:s24+$0xFFFFFFC0] =	vst v16;
	v5 =	vadd.f32 v11, v5  }
0x13d: {  	s26 =	sadd.s32 $0x400, s26;
	p0 =	slt.u32 s28, $0x28;
	v16 =	vld [tilespmem:s25+$0xFFFFFFC0];
	[tilespmem:s24+$0xFFFFFFD0] =	vst v15;
	v6 =	vadd.f32 v12, v6  }
0x13e: {  	v11 =	vld [tilespmem:s26+$0x30];
	[tilespmem:s24+$0xFFFFFFE0] =	vst v7;
	v7 =	vadd.f32 v10, v8  }
0x13f: {  	v8 =	vld [tilespmem:s31+$0xFFFFFFD0];
	[tilespmem:s24+$0xFFFFFFF0] =	vst v5;
	v5 =	vadd.f32 v13, v9  }
0x140: {  	v9 =	vld [tilespmem:s25+$0xFFFFFFD0];
	[tilespmem:s24+$0x0] =	vst v6  }
0x141: {  	v6 =	vld [tilespmem:s31+$0xFFFFFFE0];
	v10 =	vadd.f32 v14, v17;
	[tilespmem:s24+$0x10] =	vst v7  }
0x142: {  	v7 =	vld [tilespmem:s25+$0xFFFFFFE0];
	[tilespmem:s24+$0x20] =	vst v5;
	s24 =	smov.u32 s31  }
0x143: {  	v5 =	vld [tilespmem:s31+$0xFFFFFFF0];
	v10 =	vadd.f32 v11, v10  }
0x144: {  	v11 =	vld [tilespmem:s25+$0xFFFFFFF0]  }
0x145: {  	v13 =	vadd.f32 v9, v8;
	v8 =	vld [tilespmem:s31+$0x0];
	[tilespmem:s31+$0x30] =	vst v10  }
0x146: {  	v9 =	vld [tilespmem:s25+$0x0]  }
0x147: {  	v7 =	vadd.f32 v7, v6;
	v10 =	vld [tilespmem:s31+$0x10]  }
0x148: {  	v12 =	vld [tilespmem:s25+$0x10]  }
0x149: {  	v5 =	vadd.f32 v11, v5;
	v15 =	vld [tilespmem:s31+$0x20]  }
0x14a: {  	v17 =	vld [tilespmem:s25+$0x20]  }
0x14b: {  	v18 =	vld [tilespmem:s31+$0xFFFFFFC0];
	v6 =	vadd.f32 v9, v8  }
0x14c: {  	v19 =	vld [tilespmem:s26+$0xFFFFFFC0]  }
0x14d: {  	v20 =	vld [tilespmem:s26+$0xFFFFFFD0];
	v8 =	vadd.f32 v12, v10  }
.Ltmp1:
0x14e: {  	v14 =	vld [tilespmem:s26+$0xFFFFFFE0];
	(pc) =	sbr.rel @p0 .LBB2_5-.Ltmp1, $4  }
0x14f: {  	v11 =	vld [tilespmem:s26+$0xFFFFFFF0];
	v9 =	vadd.f32 v17, v15  }
0x150: {  	v15 =	vadd.f32 v16, v18;
	v12 =	vld [tilespmem:s26+$0x0]  }
0x151: {  	v10 =	vld [tilespmem:s26+$0x10]  }
0x152: {  	s31 =	sadd.s32 $0x400, s31;
	v16 =	vadd.f32 v19, v15;
	v15 =	vadd.f32 v20, v13;
	v13 =	vld [tilespmem:s26+$0x20]  }
0x153: {  	_ = 	snop  }
0x154: {  	v7 =	vadd.f32 v14, v7;
	s23 =	sadd.s32 $0x1, s23;
	[tilespmem:s24+$0xFFFFFFC0] =	vst v16  }
0x155: {  	v5 =	vadd.f32 v11, v5;
	[tilespmem:s24+$0xFFFFFFD0] =	vst v15;
	p0 =	sne.s32 s23, $0x10  }
.Ltmp2:
0x156: {  	v6 =	vadd.f32 v12, v6;
	[tilespmem:s24+$0xFFFFFFE0] =	vst v7;
	(pc) =	sbr.rel @p0 .LBB2_4-.Ltmp2, $4  }
0x157: {  	v7 =	vadd.f32 v10, v8;
	[tilespmem:s24+$0xFFFFFFF0] =	vst v5  }
0x158: {  	v5 =	vadd.f32 v13, v9;
	[tilespmem:s24+$0x0] =	vst v6  }
0x159: {  	[tilespmem:s24+$0x10] =	vst v7  }
0x15a: {  	s22 =	sadd.s32 $0x1, s22;
	[tilespmem:s24+$0x20] =	vst v5  }
0x15b: {  	s22 =	simm.s32 $0x0;
	s23 =	rddreg [dreg:$0x9]  }
0x15c: {  	[hbm4b:s23+s22] =	stream.linear.scatter [tilespmem:s16], [sflag:$0xA], $0x3000, $0x38;
	[tilespmem:$0x1C300] =	vst v63  }
0x15d: {  	_ =	swait.ge [sflag:s4], $0x3000  }
0x15e: {  	[sflag:s4] =	ssyncset.done $0x0  }
0x15f: {  	s26 =	rddreg [dreg:$0xa];
	[sflag:s4] =	ssyncadd.s32 $0xFFFFD000  }
0x160: {  	[tilespmem:s16], [sflag:$0x1] =	stream.linear.gather [hbm4b:s26+s22], $0x3000, $0x38;
	[tilespmem:$0x1C300] =	vst v63  }
0x161: {  	v5 =	vld [tilespmem:$0x380];
	_ =	sdelay $0x4  }
0x162: {  	v6 =	vshrl.u32 v5, $0x3  }
0x163: {  	v6 =	vmul.u32 $0x30, v6  }
0x164: {  	v5 =	vand.u32 $0x7, v5  }
0x165: {  	v5 =	vor.u32 v5, v6  }
0x166: {  	v6 =	vperm.xlane v5, v2;
	_ =	sdelay $0x1  }
0x167: {  	v6 =	vadd.s32 v3, v6;
	_ =	sdelay $0x3  }
0x168: {  	s28 =	simm.s32 $0xA300;
	v5 =	vperm.xlane v5, v4  }
0x169: {  	[tilespmem:s28], [sflag:$0x4] =	stream.indirect_vreg.gather [hbm4b:s29+s22], $0x80, v6, vm0, $0xb8;
	[tilespmem:$0x1C300] =	vst v63  }
0x16a: {  	s31 =	simm.s32 $0xAB00;
	v5 =	vadd.s32 v3, v5  }
0x16b: {  	[tilespmem:s31], [sflag:$0x4] =	stream.indirect_vreg.gather [hbm4b:s10+s22], $0x80, v6, vm0, $0xb8;
	[tilespmem:$0x1C300] =	vst v63  }
0x16c: {  	s24 =	simm.s32 $0xB300  }
0x16d: {  	[tilespmem:s24], [sflag:$0x4] =	stream.indirect_vreg.gather [hbm4b:s11+s22], $0x80, v6, vm0, $0xb8;
	[tilespmem:$0x1C300] =	vst v63  }
0x16e: {  	s25 =	simm.s32 $0xBB00  }
0x16f: {  	[tilespmem:s25], [sflag:$0x4] =	stream.indirect_vreg.gather [hbm4b:s29+s22], $0x80, v5, vm0, $0xb8;
	[tilespmem:$0x1C300] =	vst v63  }
0x170: {  	s26 =	simm.s32 $0xC300  }
0x171: {  	[tilespmem:s26], [sflag:$0x4] =	stream.indirect_vreg.gather [hbm4b:s10+s22], $0x80, v5, vm0, $0xb8;
	[tilespmem:$0x1C300] =	vst v63  }
0x172: {  	s28 =	simm.s32 $0xCB00  }
0x173: {  	[tilespmem:s28], [sflag:$0x4] =	stream.indirect_vreg.gather [hbm4b:s11+s22], $0x80, v5, vm0, $0xb8;
	[tilespmem:$0x1C300] =	vst v63  }
0x174: {  	v5 =	vld [tilespmem:$0xB80];
	_ =	sdelay $0x4  }
0x175: {  	v6 =	vshrl.u32 v5, $0x3  }
0x176: {  	v6 =	vmul.u32 $0x30, v6  }
0x177: {  	v5 =	vand.u32 $0x7, v5  }
0x178: {  	v5 =	vor.u32 v5, v6  }
0x179: {  	v6 =	vperm.xlane v5, v2;
	_ =	sdelay $0x1  }
0x17a: {  	v6 =	vadd.s32 v3, v6;
	_ =	sdelay $0x3  }
0x17b: {  	s31 =	simm.s32 $0x13300;
	v5 =	vperm.xlane v5, v4  }
0x17c: {  	[tilespmem:s31], [sflag:$0x7] =	stream.indirect_vreg.gather [hbm4b:s2+s22], $0x80, v6, vm0, $0xb8;
	[tilespmem:$0x1C300] =	vst v63  }
0x17d: {  	s24 =	simm.s32 $0x13B00;
	v5 =	vadd.s32 v3, v5  }
0x17e: {  	[tilespmem:s24], [sflag:$0x7] =	stream.indirect_vreg.gather [hbm4b:s12+s22], $0x80, v6, vm0, $0xb8;
	[tilespmem:$0x1C300] =	vst v63  }
0x17f: {  	s25 =	simm.s32 $0x14300  }
0x180: {  	[tilespmem:s25], [sflag:$0x7] =	stream.indirect_vreg.gather [hbm4b:s13+s22], $0x80, v6, vm0, $0xb8;
	[tilespmem:$0x1C300] =	vst v63  }
0x181: {  	s26 =	simm.s32 $0x14B00  }
0x182: {  	[tilespmem:s26], [sflag:$0x7] =	stream.indirect_vreg.gather [hbm4b:s2+s22], $0x80, v5, vm0, $0xb8;
	[tilespmem:$0x1C300] =	vst v63  }
0x183: {  	s28 =	simm.s32 $0x15300  }
0x184: {  	[tilespmem:s28], [sflag:$0x7] =	stream.indirect_vreg.gather [hbm4b:s12+s22], $0x80, v5, vm0, $0xb8;
	[tilespmem:$0x1C300] =	vst v63  }
0x185: {  	s31 =	simm.s32 $0x15B00  }
0x186: {  	[tilespmem:s31], [sflag:$0x7] =	stream.indirect_vreg.gather [hbm4b:s13+s22], $0x80, v5, vm0, $0xb8;
	[tilespmem:$0x1C300] =	vst v63  }
0x187: {  	_ =	swait.ge [sflag:s6], $0x3000  }
0x188: {  	[sflag:s6] =	ssyncset.done $0x0  }
0x189: {  	[sflag:s6] =	ssyncadd.s32 $0xFFFFD000  }
0x18a: {  	_ =	swait.ge [sflag:s7], $0x3000  }
0x18b: {  	[sflag:s7] =	ssyncset.done $0x0  }
0x18c: {  	[sflag:s7] =	ssyncadd.s32 $0xFFFFD000  }
0x18d: {  	_ =	swait.ge [sflag:s8], $0x3000  }
0x18e: {  	[sflag:s8] =	ssyncset.done $0x0  }
0x18f: {  	s23 =	simm.s32 $0x0;
	[sflag:s8] =	ssyncadd.s32 $0xFFFFD000  }
.LBB2_8:
0x190: {  	s24 =	sshrl.u32 s23, $0x3  }
0x191: {  	s25 =	sand.u32 $0x7, s22;
	s24 =	smul.u32 $0x6000, s24  }
0x192: {  	s25 =	sshll.u32 s25, $0x9  }
0x193: {  	s24 =	sor.u32 s25, s24  }
0x194: {  	s26 =	sshra.s32 s24, $0x2  }
0x195: {  	s24 =	sadd.s32 $0x4340, s26  }
0x196: {  	s25 =	sadd.s32 $0xD340, s26;
	v5 =	vld [tilespmem:s24+$0x30]  }
0x197: {  	v6 =	vld [tilespmem:s25+$0x30]  }
0x198: {  	s26 =	sadd.s32 $0x16340, s26;
	v8 =	vld [tilespmem:s25+$0xFFFFFFC0]  }
0x199: {  	v7 =	vld [tilespmem:s26+$0x30]  }
0x19a: {  	v9 =	vld [tilespmem:s24+$0xFFFFFFD0]  }
0x19b: {  	v10 =	vld [tilespmem:s25+$0xFFFFFFD0]  }
0x19c: {  	v11 =	vld [tilespmem:s24+$0xFFFFFFE0]  }
0x19d: {  	v12 =	vld [tilespmem:s25+$0xFFFFFFE0]  }
0x19e: {  	v13 =	vld [tilespmem:s24+$0xFFFFFFF0]  }
0x19f: {  	v15 =	vld [tilespmem:s25+$0xFFFFFFF0]  }
0x1a0: {  	v16 =	vld [tilespmem:s24+$0x0]  }
0x1a1: {  	v17 =	vld [tilespmem:s25+$0x0]  }
0x1a2: {  	v18 =	vld [tilespmem:s24+$0x10]  }
0x1a3: {  	v19 =	vld [tilespmem:s25+$0x10]  }
0x1a4: {  	v20 =	vld [tilespmem:s24+$0x20]  }
0x1a5: {  	v21 =	vld [tilespmem:s25+$0x20]  }
0x1a6: {  	v22 =	vld [tilespmem:s24+$0xFFFFFFC0]  }
0x1a7: {  	v23 =	vld [tilespmem:s26+$0xFFFFFFC0]  }
0x1a8: {  	v24 =	vld [tilespmem:s26+$0xFFFFFFD0];
	v5 =	vadd.f32 v6, v5  }
0x1a9: {  	v14 =	vld [tilespmem:s26+$0xFFFFFFE0];
	v26 =	vadd.f32 v10, v9;
	v6 =	vadd.f32 v17, v16  }
0x1aa: {  	v25 =	vadd.f32 v7, v5;
	v7 =	vadd.f32 v12, v11;
	v11 =	vld [tilespmem:s26+$0xFFFFFFF0]  }
0x1ab: {  	v5 =	vadd.f32 v15, v13;
	v13 =	vadd.f32 v8, v22;
	v12 =	vld [tilespmem:s26+$0x0]  }
0x1ac: {  	v9 =	vadd.f32 v21, v20;
	v10 =	vld [tilespmem:s26+$0x10];
	v8 =	vadd.f32 v19, v18  }
0x1ad: {  	s28 =	simm.s32 $0x0;
	s31 =	sadd.s32 $0x400, s24;
	v15 =	vadd.f32 v24, v26;
	[tilespmem:s24+$0x30] =	vst v25;
	v16 =	vadd.f32 v23, v13;
	v13 =	vld [tilespmem:s26+$0x20]  }
.LBB2_9:
0x1ae: {  	v17 =	vld [tilespmem:s31+$0x30];
	v7 =	vadd.f32 v14, v7;
	s25 =	sadd.s32 $0x400, s25  }
0x1af: {  	s28 =	sadd.s32 $0x8, s28;
	v14 =	vld [tilespmem:s25+$0x30];
	[tilespmem:s24+$0xFFFFFFC0] =	vst v16;
	v5 =	vadd.f32 v11, v5  }
0x1b0: {  	s26 =	sadd.s32 $0x400, s26;
	p0 =	slt.u32 s28, $0x28;
	v16 =	vld [tilespmem:s25+$0xFFFFFFC0];
	[tilespmem:s24+$0xFFFFFFD0] =	vst v15;
	v6 =	vadd.f32 v12, v6  }
0x1b1: {  	v11 =	vld [tilespmem:s26+$0x30];
	[tilespmem:s24+$0xFFFFFFE0] =	vst v7;
	v7 =	vadd.f32 v10, v8  }
0x1b2: {  	v8 =	vld [tilespmem:s31+$0xFFFFFFD0];
	[tilespmem:s24+$0xFFFFFFF0] =	vst v5;
	v5 =	vadd.f32 v13, v9  }
0x1b3: {  	v9 =	vld [tilespmem:s25+$0xFFFFFFD0];
	[tilespmem:s24+$0x0] =	vst v6  }
0x1b4: {  	v6 =	vld [tilespmem:s31+$0xFFFFFFE0];
	v10 =	vadd.f32 v14, v17;
	[tilespmem:s24+$0x10] =	vst v7  }
0x1b5: {  	v7 =	vld [tilespmem:s25+$0xFFFFFFE0];
	[tilespmem:s24+$0x20] =	vst v5;
	s24 =	smov.u32 s31  }
0x1b6: {  	v5 =	vld [tilespmem:s31+$0xFFFFFFF0];
	v10 =	vadd.f32 v11, v10  }
0x1b7: {  	v11 =	vld [tilespmem:s25+$0xFFFFFFF0]  }
0x1b8: {  	v13 =	vadd.f32 v9, v8;
	v8 =	vld [tilespmem:s31+$0x0];
	[tilespmem:s31+$0x30] =	vst v10  }
0x1b9: {  	v9 =	vld [tilespmem:s25+$0x0]  }
0x1ba: {  	v7 =	vadd.f32 v7, v6;
	v10 =	vld [tilespmem:s31+$0x10]  }
0x1bb: {  	v12 =	vld [tilespmem:s25+$0x10]  }
0x1bc: {  	v5 =	vadd.f32 v11, v5;
	v15 =	vld [tilespmem:s31+$0x20]  }
0x1bd: {  	v17 =	vld [tilespmem:s25+$0x20]  }
0x1be: {  	v18 =	vld [tilespmem:s31+$0xFFFFFFC0];
	v6 =	vadd.f32 v9, v8  }
0x1bf: {  	v19 =	vld [tilespmem:s26+$0xFFFFFFC0]  }
0x1c0: {  	v20 =	vld [tilespmem:s26+$0xFFFFFFD0];
	v8 =	vadd.f32 v12, v10  }
.Ltmp3:
0x1c1: {  	v14 =	vld [tilespmem:s26+$0xFFFFFFE0];
	(pc) =	sbr.rel @p0 .LBB2_9-.Ltmp3, $4  }
0x1c2: {  	v11 =	vld [tilespmem:s26+$0xFFFFFFF0];
	v9 =	vadd.f32 v17, v15  }
0x1c3: {  	v15 =	vadd.f32 v16, v18;
	v12 =	vld [tilespmem:s26+$0x0]  }
0x1c4: {  	v10 =	vld [tilespmem:s26+$0x10]  }
0x1c5: {  	s31 =	sadd.s32 $0x400, s31;
	v16 =	vadd.f32 v19, v15;
	v15 =	vadd.f32 v20, v13;
	v13 =	vld [tilespmem:s26+$0x20]  }
0x1c6: {  	_ = 	snop  }
0x1c7: {  	v7 =	vadd.f32 v14, v7;
	s23 =	sadd.s32 $0x1, s23;
	[tilespmem:s24+$0xFFFFFFC0] =	vst v16  }
0x1c8: {  	v5 =	vadd.f32 v11, v5;
	[tilespmem:s24+$0xFFFFFFD0] =	vst v15;
	p0 =	sne.s32 s23, $0x10  }
.Ltmp4:
0x1c9: {  	v6 =	vadd.f32 v12, v6;
	[tilespmem:s24+$0xFFFFFFE0] =	vst v7;
	(pc) =	sbr.rel @p0 .LBB2_8-.Ltmp4, $4  }
0x1ca: {  	v7 =	vadd.f32 v10, v8;
	[tilespmem:s24+$0xFFFFFFF0] =	vst v5  }
0x1cb: {  	v5 =	vadd.f32 v13, v9;
	[tilespmem:s24+$0x0] =	vst v6  }
0x1cc: {  	[tilespmem:s24+$0x10] =	vst v7  }
0x1cd: {  	s22 =	sadd.s32 $0x1, s22;
	[tilespmem:s24+$0x20] =	vst v5  }
0x1ce: {  	s22 =	simm.s32 $0x0;
	s23 =	rddreg [dreg:$0xb]  }
0x1cf: {  	[hbm4b:s23+s22] =	stream.linear.scatter [tilespmem:s30], [sflag:$0xB], $0x3000, $0x38;
	[tilespmem:$0x1C300] =	vst v63  }
0x1d0: {  	_ =	swait.ge [sflag:s9], $0x3000  }
0x1d1: {  	[sflag:s9] =	ssyncset.done $0x0  }
0x1d2: {  	s26 =	rddreg [dreg:$0xc];
	[sflag:s9] =	ssyncadd.s32 $0xFFFFD000  }
0x1d3: {  	[tilespmem:s30], [sflag:$0x2] =	stream.linear.gather [hbm4b:s26+s22], $0x3000, $0x38;
	[tilespmem:$0x1C300] =	vst v63  }
0x1d4: {  	v5 =	vld [tilespmem:$0x400];
	_ =	sdelay $0x4  }
0x1d5: {  	v6 =	vshrl.u32 v5, $0x3  }
0x1d6: {  	v6 =	vmul.u32 $0x30, v6  }
0x1d7: {  	v5 =	vand.u32 $0x7, v5  }
0x1d8: {  	v5 =	vor.u32 v5, v6  }
0x1d9: {  	v6 =	vperm.xlane v5, v2;
	_ =	sdelay $0x1  }
0x1da: {  	v6 =	vadd.s32 v3, v6;
	_ =	sdelay $0x3  }
0x1db: {  	s28 =	simm.s32 $0xD300;
	v5 =	vperm.xlane v5, v4  }
0x1dc: {  	[tilespmem:s28], [sflag:$0x5] =	stream.indirect_vreg.gather [hbm4b:s29+s22], $0x80, v6, vm0, $0xb8;
	[tilespmem:$0x1C300] =	vst v63  }
0x1dd: {  	s31 =	simm.s32 $0xDB00;
	v5 =	vadd.s32 v3, v5  }
0x1de: {  	[tilespmem:s31], [sflag:$0x5] =	stream.indirect_vreg.gather [hbm4b:s10+s22], $0x80, v6, vm0, $0xb8;
	[tilespmem:$0x1C300] =	vst v63  }
0x1df: {  	s24 =	simm.s32 $0xE300  }
0x1e0: {  	[tilespmem:s24], [sflag:$0x5] =	stream.indirect_vreg.gather [hbm4b:s11+s22], $0x80, v6, vm0, $0xb8;
	[tilespmem:$0x1C300] =	vst v63  }
0x1e1: {  	s25 =	simm.s32 $0xEB00  }
0x1e2: {  	[tilespmem:s25], [sflag:$0x5] =	stream.indirect_vreg.gather [hbm4b:s29+s22], $0x80, v5, vm0, $0xb8;
	[tilespmem:$0x1C300] =	vst v63  }
0x1e3: {  	s26 =	simm.s32 $0xF300  }
0x1e4: {  	[tilespmem:s26], [sflag:$0x5] =	stream.indirect_vreg.gather [hbm4b:s10+s22], $0x80, v5, vm0, $0xb8;
	[tilespmem:$0x1C300] =	vst v63  }
0x1e5: {  	s28 =	simm.s32 $0xFB00  }
0x1e6: {  	[tilespmem:s28], [sflag:$0x5] =	stream.indirect_vreg.gather [hbm4b:s11+s22], $0x80, v5, vm0, $0xb8;
	[tilespmem:$0x1C300] =	vst v63  }
0x1e7: {  	v5 =	vld [tilespmem:$0xC00];
	_ =	sdelay $0x4  }
0x1e8: {  	v6 =	vshrl.u32 v5, $0x3  }
0x1e9: {  	v6 =	vmul.u32 $0x30, v6  }
0x1ea: {  	v5 =	vand.u32 $0x7, v5  }
0x1eb: {  	v5 =	vor.u32 v5, v6  }
0x1ec: {  	v6 =	vperm.xlane v5, v2;
	_ =	sdelay $0x1  }
0x1ed: {  	v6 =	vadd.s32 v3, v6;
	_ =	sdelay $0x3  }
0x1ee: {  	s31 =	simm.s32 $0x16300;
	v5 =	vperm.xlane v5, v4  }
0x1ef: {  	[tilespmem:s31], [sflag:$0x8] =	stream.indirect_vreg.gather [hbm4b:s2+s22], $0x80, v6, vm0, $0xb8;
	[tilespmem:$0x1C300] =	vst v63  }
0x1f0: {  	s24 =	simm.s32 $0x16B00;
	v5 =	vadd.s32 v3, v5  }
0x1f1: {  	[tilespmem:s24], [sflag:$0x8] =	stream.indirect_vreg.gather [hbm4b:s12+s22], $0x80, v6, vm0, $0xb8;
	[tilespmem:$0x1C300] =	vst v63  }
0x1f2: {  	s25 =	simm.s32 $0x17300  }
0x1f3: {  	[tilespmem:s25], [sflag:$0x8] =	stream.indirect_vreg.gather [hbm4b:s13+s22], $0x80, v6, vm0, $0xb8;
	[tilespmem:$0x1C300] =	vst v63  }
0x1f4: {  	s26 =	simm.s32 $0x17B00  }
0x1f5: {  	[tilespmem:s26], [sflag:$0x8] =	stream.indirect_vreg.gather [hbm4b:s2+s22], $0x80, v5, vm0, $0xb8;
	[tilespmem:$0x1C300] =	vst v63  }
0x1f6: {  	s28 =	simm.s32 $0x18300  }
0x1f7: {  	[tilespmem:s28], [sflag:$0x8] =	stream.indirect_vreg.gather [hbm4b:s12+s22], $0x80, v5, vm0, $0xb8;
	[tilespmem:$0x1C300] =	vst v63  }
0x1f8: {  	s31 =	simm.s32 $0x18B00  }
0x1f9: {  	[tilespmem:s31], [sflag:$0x8] =	stream.indirect_vreg.gather [hbm4b:s13+s22], $0x80, v5, vm0, $0xb8;
	[tilespmem:$0x1C300] =	vst v63  }
0x1fa: {  	_ =	swait.ge [sflag:s17], $0x3000  }
0x1fb: {  	[sflag:s17] =	ssyncset.done $0x0  }
0x1fc: {  	[sflag:s17] =	ssyncadd.s32 $0xFFFFD000  }
0x1fd: {  	_ =	swait.ge [sflag:s18], $0x3000  }
0x1fe: {  	[sflag:s18] =	ssyncset.done $0x0  }
0x1ff: {  	[sflag:s18] =	ssyncadd.s32 $0xFFFFD000  }
0x200: {  	_ =	swait.ge [sflag:s19], $0x3000  }
0x201: {  	[sflag:s19] =	ssyncset.done $0x0  }
0x202: {  	s23 =	simm.s32 $0x0;
	[sflag:s19] =	ssyncadd.s32 $0xFFFFD000  }
.LBB2_12:
0x203: {  	s24 =	sshrl.u32 s23, $0x3  }
0x204: {  	s25 =	sand.u32 $0x7, s22;
	s24 =	smul.u32 $0x6000, s24  }
0x205: {  	s25 =	sshll.u32 s25, $0x9  }
0x206: {  	s24 =	sor.u32 s25, s24  }
0x207: {  	s26 =	sshra.s32 s24, $0x2  }
0x208: {  	s24 =	sadd.s32 $0x7340, s26  }
0x209: {  	s25 =	sadd.s32 $0x10340, s26;
	v5 =	vld [tilespmem:s24+$0x30]  }
0x20a: {  	v6 =	vld [tilespmem:s25+$0x30]  }
0x20b: {  	s26 =	sadd.s32 $0x19340, s26;
	v8 =	vld [tilespmem:s25+$0xFFFFFFC0]  }
0x20c: {  	v7 =	vld [tilespmem:s26+$0x30]  }
0x20d: {  	v9 =	vld [tilespmem:s24+$0xFFFFFFD0]  }
0x20e: {  	v10 =	vld [tilespmem:s25+$0xFFFFFFD0]  }
0x20f: {  	v11 =	vld [tilespmem:s24+$0xFFFFFFE0]  }
0x210: {  	v12 =	vld [tilespmem:s25+$0xFFFFFFE0]  }
0x211: {  	v13 =	vld [tilespmem:s24+$0xFFFFFFF0]  }
0x212: {  	v15 =	vld [tilespmem:s25+$0xFFFFFFF0]  }
0x213: {  	v16 =	vld [tilespmem:s24+$0x0]  }
0x214: {  	v17 =	vld [tilespmem:s25+$0x0]  }
0x215: {  	v18 =	vld [tilespmem:s24+$0x10]  }
0x216: {  	v19 =	vld [tilespmem:s25+$0x10]  }
0x217: {  	v20 =	vld [tilespmem:s24+$0x20]  }
0x218: {  	v21 =	vld [tilespmem:s25+$0x20]  }
0x219: {  	v22 =	vld [tilespmem:s24+$0xFFFFFFC0]  }
0x21a: {  	v23 =	vld [tilespmem:s26+$0xFFFFFFC0]  }
0x21b: {  	v24 =	vld [tilespmem:s26+$0xFFFFFFD0];
	v5 =	vadd.f32 v6, v5  }
0x21c: {  	v14 =	vld [tilespmem:s26+$0xFFFFFFE0];
	v26 =	vadd.f32 v10, v9;
	v6 =	vadd.f32 v17, v16  }
0x21d: {  	v25 =	vadd.f32 v7, v5;
	v7 =	vadd.f32 v12, v11;
	v11 =	vld [tilespmem:s26+$0xFFFFFFF0]  }
0x21e: {  	v5 =	vadd.f32 v15, v13;
	v13 =	vadd.f32 v8, v22;
	v12 =	vld [tilespmem:s26+$0x0]  }
0x21f: {  	v9 =	vadd.f32 v21, v20;
	v10 =	vld [tilespmem:s26+$0x10];
	v8 =	vadd.f32 v19, v18  }
0x220: {  	s28 =	simm.s32 $0x0;
	s31 =	sadd.s32 $0x400, s24;
	v15 =	vadd.f32 v24, v26;
	[tilespmem:s24+$0x30] =	vst v25;
	v16 =	vadd.f32 v23, v13;
	v13 =	vld [tilespmem:s26+$0x20]  }
.LBB2_13:
0x221: {  	v17 =	vld [tilespmem:s31+$0x30];
	v7 =	vadd.f32 v14, v7;
	s25 =	sadd.s32 $0x400, s25  }
0x222: {  	s28 =	sadd.s32 $0x8, s28;
	v14 =	vld [tilespmem:s25+$0x30];
	[tilespmem:s24+$0xFFFFFFC0] =	vst v16;
	v5 =	vadd.f32 v11, v5  }
0x223: {  	s26 =	sadd.s32 $0x400, s26;
	p0 =	slt.u32 s28, $0x28;
	v16 =	vld [tilespmem:s25+$0xFFFFFFC0];
	[tilespmem:s24+$0xFFFFFFD0] =	vst v15;
	v6 =	vadd.f32 v12, v6  }
0x224: {  	v11 =	vld [tilespmem:s26+$0x30];
	[tilespmem:s24+$0xFFFFFFE0] =	vst v7;
	v7 =	vadd.f32 v10, v8  }
0x225: {  	v8 =	vld [tilespmem:s31+$0xFFFFFFD0];
	[tilespmem:s24+$0xFFFFFFF0] =	vst v5;
	v5 =	vadd.f32 v13, v9  }
0x226: {  	v9 =	vld [tilespmem:s25+$0xFFFFFFD0];
	[tilespmem:s24+$0x0] =	vst v6  }
0x227: {  	v6 =	vld [tilespmem:s31+$0xFFFFFFE0];
	v10 =	vadd.f32 v14, v17;
	[tilespmem:s24+$0x10] =	vst v7  }
0x228: {  	v7 =	vld [tilespmem:s25+$0xFFFFFFE0];
	[tilespmem:s24+$0x20] =	vst v5;
	s24 =	smov.u32 s31  }
0x229: {  	v5 =	vld [tilespmem:s31+$0xFFFFFFF0];
	v10 =	vadd.f32 v11, v10  }
0x22a: {  	v11 =	vld [tilespmem:s25+$0xFFFFFFF0]  }
0x22b: {  	v13 =	vadd.f32 v9, v8;
	v8 =	vld [tilespmem:s31+$0x0];
	[tilespmem:s31+$0x30] =	vst v10  }
0x22c: {  	v9 =	vld [tilespmem:s25+$0x0]  }
0x22d: {  	v7 =	vadd.f32 v7, v6;
	v10 =	vld [tilespmem:s31+$0x10]  }
0x22e: {  	v12 =	vld [tilespmem:s25+$0x10]  }
0x22f: {  	v5 =	vadd.f32 v11, v5;
	v15 =	vld [tilespmem:s31+$0x20]  }
0x230: {  	v17 =	vld [tilespmem:s25+$0x20]  }
0x231: {  	v18 =	vld [tilespmem:s31+$0xFFFFFFC0];
	v6 =	vadd.f32 v9, v8  }
0x232: {  	v19 =	vld [tilespmem:s26+$0xFFFFFFC0]  }
0x233: {  	v20 =	vld [tilespmem:s26+$0xFFFFFFD0];
	v8 =	vadd.f32 v12, v10  }
.Ltmp5:
0x234: {  	v14 =	vld [tilespmem:s26+$0xFFFFFFE0];
	(pc) =	sbr.rel @p0 .LBB2_13-.Ltmp5, $4  }
0x235: {  	v11 =	vld [tilespmem:s26+$0xFFFFFFF0];
	v9 =	vadd.f32 v17, v15  }
0x236: {  	v15 =	vadd.f32 v16, v18;
	v12 =	vld [tilespmem:s26+$0x0]  }
0x237: {  	v10 =	vld [tilespmem:s26+$0x10]  }
0x238: {  	s31 =	sadd.s32 $0x400, s31;
	v16 =	vadd.f32 v19, v15;
	v15 =	vadd.f32 v20, v13;
	v13 =	vld [tilespmem:s26+$0x20]  }
0x239: {  	_ = 	snop  }
0x23a: {  	v7 =	vadd.f32 v14, v7;
	s23 =	sadd.s32 $0x1, s23;
	[tilespmem:s24+$0xFFFFFFC0] =	vst v16  }
0x23b: {  	v5 =	vadd.f32 v11, v5;
	[tilespmem:s24+$0xFFFFFFD0] =	vst v15;
	p0 =	sne.s32 s23, $0x10  }
.Ltmp6:
0x23c: {  	v6 =	vadd.f32 v12, v6;
	[tilespmem:s24+$0xFFFFFFE0] =	vst v7;
	(pc) =	sbr.rel @p0 .LBB2_12-.Ltmp6, $4  }
0x23d: {  	v7 =	vadd.f32 v10, v8;
	[tilespmem:s24+$0xFFFFFFF0] =	vst v5  }
0x23e: {  	v5 =	vadd.f32 v13, v9;
	[tilespmem:s24+$0x0] =	vst v6  }
0x23f: {  	[tilespmem:s24+$0x10] =	vst v7  }
0x240: {  	s22 =	sadd.s32 $0x1, s22;
	[tilespmem:s24+$0x20] =	vst v5  }
0x241: {  	s22 =	simm.s32 $0x0;
	s23 =	rddreg [dreg:$0xd]  }
0x242: {  	[hbm4b:s23+s22] =	stream.linear.scatter [tilespmem:s5], [sflag:$0xC], $0x3000, $0x38;
	[tilespmem:$0x1C300] =	vst v63  }
0x243: {  	_ =	swait.ge [sflag:s20], $0x3000  }
0x244: {  	[sflag:s20] =	ssyncset.done $0x0  }
0x245: {  	s26 =	rddreg [dreg:$0xe];
	[sflag:s20] =	ssyncadd.s32 $0xFFFFD000  }
0x246: {  	[tilespmem:s5], [sflag:$0x3] =	stream.linear.gather [hbm4b:s26+s22], $0x3000, $0x38;
	[tilespmem:$0x1C300] =	vst v63  }
0x247: {  	v5 =	vld [tilespmem:$0x480];
	_ =	sdelay $0x4  }
0x248: {  	v6 =	vshrl.u32 v5, $0x3  }
0x249: {  	v6 =	vmul.u32 $0x30, v6  }
0x24a: {  	v5 =	vand.u32 $0x7, v5  }
0x24b: {  	v5 =	vor.u32 v5, v6  }
0x24c: {  	v6 =	vperm.xlane v5, v2;
	_ =	sdelay $0x1  }
0x24d: {  	v6 =	vadd.s32 v3, v6;
	_ =	sdelay $0x3  }
0x24e: {  	s28 =	simm.s32 $0x10300;
	v5 =	vperm.xlane v5, v4  }
0x24f: {  	[tilespmem:s28], [sflag:$0x6] =	stream.indirect_vreg.gather [hbm4b:s29+s22], $0x80, v6, vm0, $0xb8;
	[tilespmem:$0x1C300] =	vst v63  }
0x250: {  	s31 =	simm.s32 $0x10B00;
	v5 =	vadd.s32 v3, v5  }
0x251: {  	[tilespmem:s31], [sflag:$0x6] =	stream.indirect_vreg.gather [hbm4b:s10+s22], $0x80, v6, vm0, $0xb8;
	[tilespmem:$0x1C300] =	vst v63  }
0x252: {  	s24 =	simm.s32 $0x11300  }
0x253: {  	[tilespmem:s24], [sflag:$0x6] =	stream.indirect_vreg.gather [hbm4b:s11+s22], $0x80, v6, vm0, $0xb8;
	[tilespmem:$0x1C300] =	vst v63  }
0x254: {  	s25 =	simm.s32 $0x11B00  }
0x255: {  	[tilespmem:s25], [sflag:$0x6] =	stream.indirect_vreg.gather [hbm4b:s29+s22], $0x80, v5, vm0, $0xb8;
	[tilespmem:$0x1C300] =	vst v63  }
0x256: {  	s26 =	simm.s32 $0x12300  }
0x257: {  	[tilespmem:s26], [sflag:$0x6] =	stream.indirect_vreg.gather [hbm4b:s10+s22], $0x80, v5, vm0, $0xb8;
	[tilespmem:$0x1C300] =	vst v63  }
0x258: {  	s28 =	simm.s32 $0x12B00  }
0x259: {  	[tilespmem:s28], [sflag:$0x6] =	stream.indirect_vreg.gather [hbm4b:s11+s22], $0x80, v5, vm0, $0xb8;
	[tilespmem:$0x1C300] =	vst v63  }
0x25a: {  	v5 =	vld [tilespmem:$0xC80];
	_ =	sdelay $0x4  }
0x25b: {  	v6 =	vshrl.u32 v5, $0x3  }
0x25c: {  	v6 =	vmul.u32 $0x30, v6  }
0x25d: {  	v5 =	vand.u32 $0x7, v5  }
0x25e: {  	v5 =	vor.u32 v5, v6  }
0x25f: {  	v6 =	vperm.xlane v5, v2;
	_ =	sdelay $0x1  }
0x260: {  	v6 =	vadd.s32 v3, v6;
	_ =	sdelay $0x3  }
0x261: {  	s31 =	simm.s32 $0x19300;
	v5 =	vperm.xlane v5, v4  }
0x262: {  	[tilespmem:s31], [sflag:$0x9] =	stream.indirect_vreg.gather [hbm4b:s2+s22], $0x80, v6, vm0, $0xb8;
	[tilespmem:$0x1C300] =	vst v63  }
0x263: {  	s24 =	simm.s32 $0x19B00;
	v5 =	vadd.s32 v3, v5  }
0x264: {  	[tilespmem:s24], [sflag:$0x9] =	stream.indirect_vreg.gather [hbm4b:s12+s22], $0x80, v6, vm0, $0xb8;
	[tilespmem:$0x1C300] =	vst v63  }
0x265: {  	s25 =	simm.s32 $0x1A300  }
0x266: {  	[tilespmem:s25], [sflag:$0x9] =	stream.indirect_vreg.gather [hbm4b:s13+s22], $0x80, v6, vm0, $0xb8;
	[tilespmem:$0x1C300] =	vst v63  }
0x267: {  	s26 =	simm.s32 $0x1AB00  }
0x268: {  	[tilespmem:s26], [sflag:$0x9] =	stream.indirect_vreg.gather [hbm4b:s2+s22], $0x80, v5, vm0, $0xb8;
	[tilespmem:$0x1C300] =	vst v63  }
0x269: {  	s28 =	simm.s32 $0x1B300  }
0x26a: {  	[tilespmem:s28], [sflag:$0x9] =	stream.indirect_vreg.gather [hbm4b:s12+s22], $0x80, v5, vm0, $0xb8;
	[tilespmem:$0x1C300] =	vst v63  }
0x26b: {  	s31 =	simm.s32 $0x1BB00  }
0x26c: {  	[tilespmem:s31], [sflag:$0x9] =	stream.indirect_vreg.gather [hbm4b:s13+s22], $0x80, v5, vm0, $0xb8;
	[tilespmem:$0x1C300] =	vst v63  }
0x26d: {  	_ =	swait.ge [sflag:s1], $0x3000  }
0x26e: {  	[sflag:s1] =	ssyncset.done $0x0  }
0x26f: {  	[sflag:s1] =	ssyncadd.s32 $0xFFFFD000  }
0x270: {  	_ =	swait.ge [sflag:s0], $0x3000  }
0x271: {  	[sflag:s0] =	ssyncset.done $0x0  }
0x272: {  	[sflag:s0] =	ssyncadd.s32 $0xFFFFD000  }
0x273: {  	_ =	swait.ge [sflag:s3], $0x3000  }
0x274: {  	[sflag:s3] =	ssyncset.done $0x0  }
0x275: {  	s23 =	simm.s32 $0x0;
	[sflag:s3] =	ssyncadd.s32 $0xFFFFD000  }
.LBB2_16:
0x276: {  	s24 =	sshrl.u32 s23, $0x3  }
0x277: {  	s25 =	sand.u32 $0x7, s22;
	s24 =	smul.u32 $0x6000, s24  }
0x278: {  	s25 =	sshll.u32 s25, $0x9  }
0x279: {  	s24 =	sor.u32 s25, s24  }
0x27a: {  	s26 =	sshra.s32 s24, $0x2  }
0x27b: {  	s24 =	sadd.s32 $0x1340, s26  }
0x27c: {  	s25 =	sadd.s32 $0xA340, s26;
	v5 =	vld [tilespmem:s24+$0x30]  }
0x27d: {  	v6 =	vld [tilespmem:s25+$0x30]  }
0x27e: {  	s26 =	sadd.s32 $0x13340, s26;
	v8 =	vld [tilespmem:s25+$0xFFFFFFC0]  }
0x27f: {  	v7 =	vld [tilespmem:s26+$0x30]  }
0x280: {  	v9 =	vld [tilespmem:s24+$0xFFFFFFD0]  }
0x281: {  	v10 =	vld [tilespmem:s25+$0xFFFFFFD0]  }
0x282: {  	v11 =	vld [tilespmem:s24+$0xFFFFFFE0]  }
0x283: {  	v12 =	vld [tilespmem:s25+$0xFFFFFFE0]  }
0x284: {  	v13 =	vld [tilespmem:s24+$0xFFFFFFF0]  }
0x285: {  	v15 =	vld [tilespmem:s25+$0xFFFFFFF0]  }
0x286: {  	v16 =	vld [tilespmem:s24+$0x0]  }
0x287: {  	v17 =	vld [tilespmem:s25+$0x0]  }
0x288: {  	v18 =	vld [tilespmem:s24+$0x10]  }
0x289: {  	v19 =	vld [tilespmem:s25+$0x10]  }
0x28a: {  	v20 =	vld [tilespmem:s24+$0x20]  }
0x28b: {  	v21 =	vld [tilespmem:s25+$0x20]  }
0x28c: {  	v22 =	vld [tilespmem:s24+$0xFFFFFFC0]  }
0x28d: {  	v23 =	vld [tilespmem:s26+$0xFFFFFFC0]  }
0x28e: {  	v24 =	vld [tilespmem:s26+$0xFFFFFFD0];
	v5 =	vadd.f32 v6, v5  }
0x28f: {  	v14 =	vld [tilespmem:s26+$0xFFFFFFE0];
	v26 =	vadd.f32 v10, v9;
	v6 =	vadd.f32 v17, v16  }
0x290: {  	v25 =	vadd.f32 v7, v5;
	v7 =	vadd.f32 v12, v11;
	v11 =	vld [tilespmem:s26+$0xFFFFFFF0]  }
0x291: {  	v5 =	vadd.f32 v15, v13;
	v13 =	vadd.f32 v8, v22;
	v12 =	vld [tilespmem:s26+$0x0]  }
0x292: {  	v9 =	vadd.f32 v21, v20;
	v10 =	vld [tilespmem:s26+$0x10];
	v8 =	vadd.f32 v19, v18  }
0x293: {  	s28 =	simm.s32 $0x0;
	s31 =	sadd.s32 $0x400, s24;
	v15 =	vadd.f32 v24, v26;
	[tilespmem:s24+$0x30] =	vst v25;
	v16 =	vadd.f32 v23, v13;
	v13 =	vld [tilespmem:s26+$0x20]  }
.LBB2_17:
0x294: {  	v17 =	vld [tilespmem:s31+$0x30];
	v7 =	vadd.f32 v14, v7;
	s25 =	sadd.s32 $0x400, s25  }
0x295: {  	s28 =	sadd.s32 $0x8, s28;
	v14 =	vld [tilespmem:s25+$0x30];
	[tilespmem:s24+$0xFFFFFFC0] =	vst v16;
	v5 =	vadd.f32 v11, v5  }
0x296: {  	s26 =	sadd.s32 $0x400, s26;
	p0 =	slt.u32 s28, $0x28;
	v16 =	vld [tilespmem:s25+$0xFFFFFFC0];
	[tilespmem:s24+$0xFFFFFFD0] =	vst v15;
	v6 =	vadd.f32 v12, v6  }
0x297: {  	v11 =	vld [tilespmem:s26+$0x30];
	[tilespmem:s24+$0xFFFFFFE0] =	vst v7;
	v7 =	vadd.f32 v10, v8  }
0x298: {  	v8 =	vld [tilespmem:s31+$0xFFFFFFD0];
	[tilespmem:s24+$0xFFFFFFF0] =	vst v5;
	v5 =	vadd.f32 v13, v9  }
0x299: {  	v9 =	vld [tilespmem:s25+$0xFFFFFFD0];
	[tilespmem:s24+$0x0] =	vst v6  }
0x29a: {  	v6 =	vld [tilespmem:s31+$0xFFFFFFE0];
	v10 =	vadd.f32 v14, v17;
	[tilespmem:s24+$0x10] =	vst v7  }
0x29b: {  	v7 =	vld [tilespmem:s25+$0xFFFFFFE0];
	[tilespmem:s24+$0x20] =	vst v5;
	s24 =	smov.u32 s31  }
0x29c: {  	v5 =	vld [tilespmem:s31+$0xFFFFFFF0];
	v10 =	vadd.f32 v11, v10  }
0x29d: {  	v11 =	vld [tilespmem:s25+$0xFFFFFFF0]  }
0x29e: {  	v13 =	vadd.f32 v9, v8;
	v8 =	vld [tilespmem:s31+$0x0];
	[tilespmem:s31+$0x30] =	vst v10  }
0x29f: {  	v9 =	vld [tilespmem:s25+$0x0]  }
0x2a0: {  	v7 =	vadd.f32 v7, v6;
	v10 =	vld [tilespmem:s31+$0x10]  }
0x2a1: {  	v12 =	vld [tilespmem:s25+$0x10]  }
0x2a2: {  	v5 =	vadd.f32 v11, v5;
	v15 =	vld [tilespmem:s31+$0x20]  }
0x2a3: {  	v17 =	vld [tilespmem:s25+$0x20]  }
0x2a4: {  	v18 =	vld [tilespmem:s31+$0xFFFFFFC0];
	v6 =	vadd.f32 v9, v8  }
0x2a5: {  	v19 =	vld [tilespmem:s26+$0xFFFFFFC0]  }
0x2a6: {  	v20 =	vld [tilespmem:s26+$0xFFFFFFD0];
	v8 =	vadd.f32 v12, v10  }
.Ltmp7:
0x2a7: {  	v14 =	vld [tilespmem:s26+$0xFFFFFFE0];
	(pc) =	sbr.rel @p0 .LBB2_17-.Ltmp7, $4  }
0x2a8: {  	v11 =	vld [tilespmem:s26+$0xFFFFFFF0];
	v9 =	vadd.f32 v17, v15  }
0x2a9: {  	v15 =	vadd.f32 v16, v18;
	v12 =	vld [tilespmem:s26+$0x0]  }
0x2aa: {  	v10 =	vld [tilespmem:s26+$0x10]  }
0x2ab: {  	s31 =	sadd.s32 $0x400, s31;
	v16 =	vadd.f32 v19, v15;
	v15 =	vadd.f32 v20, v13;
	v13 =	vld [tilespmem:s26+$0x20]  }
0x2ac: {  	_ = 	snop  }
0x2ad: {  	v7 =	vadd.f32 v14, v7;
	s23 =	sadd.s32 $0x1, s23;
	[tilespmem:s24+$0xFFFFFFC0] =	vst v16  }
0x2ae: {  	v5 =	vadd.f32 v11, v5;
	[tilespmem:s24+$0xFFFFFFD0] =	vst v15;
	p0 =	sne.s32 s23, $0x10  }
.Ltmp8:
0x2af: {  	v6 =	vadd.f32 v12, v6;
	[tilespmem:s24+$0xFFFFFFE0] =	vst v7;
	(pc) =	sbr.rel @p0 .LBB2_16-.Ltmp8, $4  }
0x2b0: {  	v7 =	vadd.f32 v10, v8;
	[tilespmem:s24+$0xFFFFFFF0] =	vst v5  }
0x2b1: {  	v5 =	vadd.f32 v13, v9;
	[tilespmem:s24+$0x0] =	vst v6  }
0x2b2: {  	[tilespmem:s24+$0x10] =	vst v7  }
0x2b3: {  	s22 =	sadd.s32 $0x1, s22;
	[tilespmem:s24+$0x20] =	vst v5  }
0x2b4: {  	s22 =	simm.s32 $0x0;
	s23 =	rddreg [dreg:$0xf]  }
0x2b5: {  	[hbm4b:s23+s22] =	stream.linear.scatter [tilespmem:s16], [sflag:$0xA], $0x3000, $0x38;
	[tilespmem:$0x1C300] =	vst v63  }
0x2b6: {  	_ =	swait.ge [sflag:s4], $0x3000  }
0x2b7: {  	[sflag:s4] =	ssyncset.done $0x0  }
0x2b8: {  	s26 =	rddreg [dreg:$0x10];
	[sflag:s4] =	ssyncadd.s32 $0xFFFFD000  }
0x2b9: {  	[tilespmem:s16], [sflag:$0x1] =	stream.linear.gather [hbm4b:s26+s22], $0x3000, $0x38;
	[tilespmem:$0x1C300] =	vst v63  }
0x2ba: {  	v5 =	vld [tilespmem:$0x500];
	_ =	sdelay $0x4  }
0x2bb: {  	v6 =	vshrl.u32 v5, $0x3  }
0x2bc: {  	v6 =	vmul.u32 $0x30, v6  }
0x2bd: {  	v5 =	vand.u32 $0x7, v5  }
0x2be: {  	v5 =	vor.u32 v5, v6  }
0x2bf: {  	v6 =	vperm.xlane v5, v2;
	_ =	sdelay $0x1  }
0x2c0: {  	v6 =	vadd.s32 v3, v6;
	_ =	sdelay $0x3  }
0x2c1: {  	s28 =	simm.s32 $0xA300;
	v5 =	vperm.xlane v5, v4  }
0x2c2: {  	[tilespmem:s28], [sflag:$0x4] =	stream.indirect_vreg.gather [hbm4b:s29+s22], $0x80, v6, vm0, $0xb8;
	[tilespmem:$0x1C300] =	vst v63  }
0x2c3: {  	s31 =	simm.s32 $0xAB00;
	v5 =	vadd.s32 v3, v5  }
0x2c4: {  	[tilespmem:s31], [sflag:$0x4] =	stream.indirect_vreg.gather [hbm4b:s10+s22], $0x80, v6, vm0, $0xb8;
	[tilespmem:$0x1C300] =	vst v63  }
0x2c5: {  	s24 =	simm.s32 $0xB300  }
0x2c6: {  	[tilespmem:s24], [sflag:$0x4] =	stream.indirect_vreg.gather [hbm4b:s11+s22], $0x80, v6, vm0, $0xb8;
	[tilespmem:$0x1C300] =	vst v63  }
0x2c7: {  	s25 =	simm.s32 $0xBB00  }
0x2c8: {  	[tilespmem:s25], [sflag:$0x4] =	stream.indirect_vreg.gather [hbm4b:s29+s22], $0x80, v5, vm0, $0xb8;
	[tilespmem:$0x1C300] =	vst v63  }
0x2c9: {  	s26 =	simm.s32 $0xC300  }
0x2ca: {  	[tilespmem:s26], [sflag:$0x4] =	stream.indirect_vreg.gather [hbm4b:s10+s22], $0x80, v5, vm0, $0xb8;
	[tilespmem:$0x1C300] =	vst v63  }
0x2cb: {  	s28 =	simm.s32 $0xCB00  }
0x2cc: {  	[tilespmem:s28], [sflag:$0x4] =	stream.indirect_vreg.gather [hbm4b:s11+s22], $0x80, v5, vm0, $0xb8;
	[tilespmem:$0x1C300] =	vst v63  }
0x2cd: {  	v5 =	vld [tilespmem:$0xD00];
	_ =	sdelay $0x4  }
0x2ce: {  	v6 =	vshrl.u32 v5, $0x3  }
0x2cf: {  	v6 =	vmul.u32 $0x30, v6  }
0x2d0: {  	v5 =	vand.u32 $0x7, v5  }
0x2d1: {  	v5 =	vor.u32 v5, v6  }
0x2d2: {  	v6 =	vperm.xlane v5, v2;
	_ =	sdelay $0x1  }
0x2d3: {  	v6 =	vadd.s32 v3, v6;
	_ =	sdelay $0x3  }
0x2d4: {  	s31 =	simm.s32 $0x13300;
	v5 =	vperm.xlane v5, v4  }
0x2d5: {  	[tilespmem:s31], [sflag:$0x7] =	stream.indirect_vreg.gather [hbm4b:s2+s22], $0x80, v6, vm0, $0xb8;
	[tilespmem:$0x1C300] =	vst v63  }
0x2d6: {  	s24 =	simm.s32 $0x13B00;
	v5 =	vadd.s32 v3, v5  }
0x2d7: {  	[tilespmem:s24], [sflag:$0x7] =	stream.indirect_vreg.gather [hbm4b:s12+s22], $0x80, v6, vm0, $0xb8;
	[tilespmem:$0x1C300] =	vst v63  }
0x2d8: {  	s25 =	simm.s32 $0x14300  }
0x2d9: {  	[tilespmem:s25], [sflag:$0x7] =	stream.indirect_vreg.gather [hbm4b:s13+s22], $0x80, v6, vm0, $0xb8;
	[tilespmem:$0x1C300] =	vst v63  }
0x2da: {  	s26 =	simm.s32 $0x14B00  }
0x2db: {  	[tilespmem:s26], [sflag:$0x7] =	stream.indirect_vreg.gather [hbm4b:s2+s22], $0x80, v5, vm0, $0xb8;
	[tilespmem:$0x1C300] =	vst v63  }
0x2dc: {  	s28 =	simm.s32 $0x15300  }
0x2dd: {  	[tilespmem:s28], [sflag:$0x7] =	stream.indirect_vreg.gather [hbm4b:s12+s22], $0x80, v5, vm0, $0xb8;
	[tilespmem:$0x1C300] =	vst v63  }
0x2de: {  	s31 =	simm.s32 $0x15B00  }
0x2df: {  	[tilespmem:s31], [sflag:$0x7] =	stream.indirect_vreg.gather [hbm4b:s13+s22], $0x80, v5, vm0, $0xb8;
	[tilespmem:$0x1C300] =	vst v63  }
0x2e0: {  	_ =	swait.ge [sflag:s6], $0x3000  }
0x2e1: {  	[sflag:s6] =	ssyncset.done $0x0  }
0x2e2: {  	[sflag:s6] =	ssyncadd.s32 $0xFFFFD000  }
0x2e3: {  	_ =	swait.ge [sflag:s7], $0x3000  }
0x2e4: {  	[sflag:s7] =	ssyncset.done $0x0  }
0x2e5: {  	[sflag:s7] =	ssyncadd.s32 $0xFFFFD000  }
0x2e6: {  	_ =	swait.ge [sflag:s8], $0x3000  }
0x2e7: {  	[sflag:s8] =	ssyncset.done $0x0  }
0x2e8: {  	s23 =	simm.s32 $0x0;
	[sflag:s8] =	ssyncadd.s32 $0xFFFFD000  }
.LBB2_20:
0x2e9: {  	s24 =	sshrl.u32 s23, $0x3  }
0x2ea: {  	s25 =	sand.u32 $0x7, s22;
	s24 =	smul.u32 $0x6000, s24  }
0x2eb: {  	s25 =	sshll.u32 s25, $0x9  }
0x2ec: {  	s24 =	sor.u32 s25, s24  }
0x2ed: {  	s26 =	sshra.s32 s24, $0x2  }
0x2ee: {  	s24 =	sadd.s32 $0x4340, s26  }
0x2ef: {  	s25 =	sadd.s32 $0xD340, s26;
	v5 =	vld [tilespmem:s24+$0x30]  }
0x2f0: {  	v6 =	vld [tilespmem:s25+$0x30]  }
0x2f1: {  	s26 =	sadd.s32 $0x16340, s26;
	v8 =	vld [tilespmem:s25+$0xFFFFFFC0]  }
0x2f2: {  	v7 =	vld [tilespmem:s26+$0x30]  }
0x2f3: {  	v9 =	vld [tilespmem:s24+$0xFFFFFFD0]  }
0x2f4: {  	v10 =	vld [tilespmem:s25+$0xFFFFFFD0]  }
0x2f5: {  	v11 =	vld [tilespmem:s24+$0xFFFFFFE0]  }
0x2f6: {  	v12 =	vld [tilespmem:s25+$0xFFFFFFE0]  }
0x2f7: {  	v13 =	vld [tilespmem:s24+$0xFFFFFFF0]  }
0x2f8: {  	v15 =	vld [tilespmem:s25+$0xFFFFFFF0]  }
0x2f9: {  	v16 =	vld [tilespmem:s24+$0x0]  }
0x2fa: {  	v17 =	vld [tilespmem:s25+$0x0]  }
0x2fb: {  	v18 =	vld [tilespmem:s24+$0x10]  }
0x2fc: {  	v19 =	vld [tilespmem:s25+$0x10]  }
0x2fd: {  	v20 =	vld [tilespmem:s24+$0x20]  }
0x2fe: {  	v21 =	vld [tilespmem:s25+$0x20]  }
0x2ff: {  	v22 =	vld [tilespmem:s24+$0xFFFFFFC0]  }
0x300: {  	v23 =	vld [tilespmem:s26+$0xFFFFFFC0]  }
0x301: {  	v24 =	vld [tilespmem:s26+$0xFFFFFFD0];
	v5 =	vadd.f32 v6, v5  }
0x302: {  	v14 =	vld [tilespmem:s26+$0xFFFFFFE0];
	v26 =	vadd.f32 v10, v9;
	v6 =	vadd.f32 v17, v16  }
0x303: {  	v25 =	vadd.f32 v7, v5;
	v7 =	vadd.f32 v12, v11;
	v11 =	vld [tilespmem:s26+$0xFFFFFFF0]  }
0x304: {  	v5 =	vadd.f32 v15, v13;
	v13 =	vadd.f32 v8, v22;
	v12 =	vld [tilespmem:s26+$0x0]  }
0x305: {  	v9 =	vadd.f32 v21, v20;
	v10 =	vld [tilespmem:s26+$0x10];
	v8 =	vadd.f32 v19, v18  }
0x306: {  	s28 =	simm.s32 $0x0;
	s31 =	sadd.s32 $0x400, s24;
	v15 =	vadd.f32 v24, v26;
	[tilespmem:s24+$0x30] =	vst v25;
	v16 =	vadd.f32 v23, v13;
	v13 =	vld [tilespmem:s26+$0x20]  }
.LBB2_21:
0x307: {  	v17 =	vld [tilespmem:s31+$0x30];
	v7 =	vadd.f32 v14, v7;
	s25 =	sadd.s32 $0x400, s25  }
0x308: {  	s28 =	sadd.s32 $0x8, s28;
	v14 =	vld [tilespmem:s25+$0x30];
	[tilespmem:s24+$0xFFFFFFC0] =	vst v16;
	v5 =	vadd.f32 v11, v5  }
0x309: {  	s26 =	sadd.s32 $0x400, s26;
	p0 =	slt.u32 s28, $0x28;
	v16 =	vld [tilespmem:s25+$0xFFFFFFC0];
	[tilespmem:s24+$0xFFFFFFD0] =	vst v15;
	v6 =	vadd.f32 v12, v6  }
0x30a: {  	v11 =	vld [tilespmem:s26+$0x30];
	[tilespmem:s24+$0xFFFFFFE0] =	vst v7;
	v7 =	vadd.f32 v10, v8  }
0x30b: {  	v8 =	vld [tilespmem:s31+$0xFFFFFFD0];
	[tilespmem:s24+$0xFFFFFFF0] =	vst v5;
	v5 =	vadd.f32 v13, v9  }
0x30c: {  	v9 =	vld [tilespmem:s25+$0xFFFFFFD0];
	[tilespmem:s24+$0x0] =	vst v6  }
0x30d: {  	v6 =	vld [tilespmem:s31+$0xFFFFFFE0];
	v10 =	vadd.f32 v14, v17;
	[tilespmem:s24+$0x10] =	vst v7  }
0x30e: {  	v7 =	vld [tilespmem:s25+$0xFFFFFFE0];
	[tilespmem:s24+$0x20] =	vst v5;
	s24 =	smov.u32 s31  }
0x30f: {  	v5 =	vld [tilespmem:s31+$0xFFFFFFF0];
	v10 =	vadd.f32 v11, v10  }
0x310: {  	v11 =	vld [tilespmem:s25+$0xFFFFFFF0]  }
0x311: {  	v13 =	vadd.f32 v9, v8;
	v8 =	vld [tilespmem:s31+$0x0];
	[tilespmem:s31+$0x30] =	vst v10  }
0x312: {  	v9 =	vld [tilespmem:s25+$0x0]  }
0x313: {  	v7 =	vadd.f32 v7, v6;
	v10 =	vld [tilespmem:s31+$0x10]  }
0x314: {  	v12 =	vld [tilespmem:s25+$0x10]  }
0x315: {  	v5 =	vadd.f32 v11, v5;
	v15 =	vld [tilespmem:s31+$0x20]  }
0x316: {  	v17 =	vld [tilespmem:s25+$0x20]  }
0x317: {  	v18 =	vld [tilespmem:s31+$0xFFFFFFC0];
	v6 =	vadd.f32 v9, v8  }
0x318: {  	v19 =	vld [tilespmem:s26+$0xFFFFFFC0]  }
0x319: {  	v20 =	vld [tilespmem:s26+$0xFFFFFFD0];
	v8 =	vadd.f32 v12, v10  }
.Ltmp9:
0x31a: {  	v14 =	vld [tilespmem:s26+$0xFFFFFFE0];
	(pc) =	sbr.rel @p0 .LBB2_21-.Ltmp9, $4  }
0x31b: {  	v11 =	vld [tilespmem:s26+$0xFFFFFFF0];
	v9 =	vadd.f32 v17, v15  }
0x31c: {  	v15 =	vadd.f32 v16, v18;
	v12 =	vld [tilespmem:s26+$0x0]  }
0x31d: {  	v10 =	vld [tilespmem:s26+$0x10]  }
0x31e: {  	s31 =	sadd.s32 $0x400, s31;
	v16 =	vadd.f32 v19, v15;
	v15 =	vadd.f32 v20, v13;
	v13 =	vld [tilespmem:s26+$0x20]  }
0x31f: {  	_ = 	snop  }
0x320: {  	v7 =	vadd.f32 v14, v7;
	s23 =	sadd.s32 $0x1, s23;
	[tilespmem:s24+$0xFFFFFFC0] =	vst v16  }
0x321: {  	v5 =	vadd.f32 v11, v5;
	[tilespmem:s24+$0xFFFFFFD0] =	vst v15;
	p0 =	sne.s32 s23, $0x10  }
.Ltmp10:
0x322: {  	v6 =	vadd.f32 v12, v6;
	[tilespmem:s24+$0xFFFFFFE0] =	vst v7;
	(pc) =	sbr.rel @p0 .LBB2_20-.Ltmp10, $4  }
0x323: {  	v7 =	vadd.f32 v10, v8;
	[tilespmem:s24+$0xFFFFFFF0] =	vst v5  }
0x324: {  	v5 =	vadd.f32 v13, v9;
	[tilespmem:s24+$0x0] =	vst v6  }
0x325: {  	[tilespmem:s24+$0x10] =	vst v7  }
0x326: {  	s22 =	sadd.s32 $0x1, s22;
	[tilespmem:s24+$0x20] =	vst v5  }
0x327: {  	s22 =	simm.s32 $0x0;
	s23 =	rddreg [dreg:$0x11]  }
0x328: {  	[hbm4b:s23+s22] =	stream.linear.scatter [tilespmem:s30], [sflag:$0xB], $0x3000, $0x38;
	[tilespmem:$0x1C300] =	vst v63  }
0x329: {  	_ =	swait.ge [sflag:s9], $0x3000  }
0x32a: {  	[sflag:s9] =	ssyncset.done $0x0  }
0x32b: {  	s26 =	rddreg [dreg:$0x12];
	[sflag:s9] =	ssyncadd.s32 $0xFFFFD000  }
0x32c: {  	[tilespmem:s30], [sflag:$0x2] =	stream.linear.gather [hbm4b:s26+s22], $0x3000, $0x38;
	[tilespmem:$0x1C300] =	vst v63  }
0x32d: {  	v5 =	vld [tilespmem:$0x580];
	_ =	sdelay $0x4  }
0x32e: {  	v6 =	vshrl.u32 v5, $0x3  }
0x32f: {  	v6 =	vmul.u32 $0x30, v6  }
0x330: {  	v5 =	vand.u32 $0x7, v5  }
0x331: {  	v5 =	vor.u32 v5, v6  }
0x332: {  	v6 =	vperm.xlane v5, v2;
	_ =	sdelay $0x1  }
0x333: {  	v6 =	vadd.s32 v3, v6;
	_ =	sdelay $0x3  }
0x334: {  	s28 =	simm.s32 $0xD300;
	v5 =	vperm.xlane v5, v4  }
0x335: {  	[tilespmem:s28], [sflag:$0x5] =	stream.indirect_vreg.gather [hbm4b:s29+s22], $0x80, v6, vm0, $0xb8;
	[tilespmem:$0x1C300] =	vst v63  }
0x336: {  	s31 =	simm.s32 $0xDB00;
	v5 =	vadd.s32 v3, v5  }
0x337: {  	[tilespmem:s31], [sflag:$0x5] =	stream.indirect_vreg.gather [hbm4b:s10+s22], $0x80, v6, vm0, $0xb8;
	[tilespmem:$0x1C300] =	vst v63  }
0x338: {  	s24 =	simm.s32 $0xE300  }
0x339: {  	[tilespmem:s24], [sflag:$0x5] =	stream.indirect_vreg.gather [hbm4b:s11+s22], $0x80, v6, vm0, $0xb8;
	[tilespmem:$0x1C300] =	vst v63  }
0x33a: {  	s25 =	simm.s32 $0xEB00  }
0x33b: {  	[tilespmem:s25], [sflag:$0x5] =	stream.indirect_vreg.gather [hbm4b:s29+s22], $0x80, v5, vm0, $0xb8;
	[tilespmem:$0x1C300] =	vst v63  }
0x33c: {  	s26 =	simm.s32 $0xF300  }
0x33d: {  	[tilespmem:s26], [sflag:$0x5] =	stream.indirect_vreg.gather [hbm4b:s10+s22], $0x80, v5, vm0, $0xb8;
	[tilespmem:$0x1C300] =	vst v63  }
0x33e: {  	s28 =	simm.s32 $0xFB00  }
0x33f: {  	[tilespmem:s28], [sflag:$0x5] =	stream.indirect_vreg.gather [hbm4b:s11+s22], $0x80, v5, vm0, $0xb8;
	[tilespmem:$0x1C300] =	vst v63  }
0x340: {  	v5 =	vld [tilespmem:$0xD80];
	_ =	sdelay $0x4  }
0x341: {  	v6 =	vshrl.u32 v5, $0x3  }
0x342: {  	v6 =	vmul.u32 $0x30, v6  }
0x343: {  	v5 =	vand.u32 $0x7, v5  }
0x344: {  	v5 =	vor.u32 v5, v6  }
0x345: {  	v6 =	vperm.xlane v5, v2;
	_ =	sdelay $0x1  }
0x346: {  	v6 =	vadd.s32 v3, v6;
	_ =	sdelay $0x3  }
0x347: {  	s31 =	simm.s32 $0x16300;
	v5 =	vperm.xlane v5, v4  }
0x348: {  	[tilespmem:s31], [sflag:$0x8] =	stream.indirect_vreg.gather [hbm4b:s2+s22], $0x80, v6, vm0, $0xb8;
	[tilespmem:$0x1C300] =	vst v63  }
0x349: {  	s24 =	simm.s32 $0x16B00;
	v5 =	vadd.s32 v3, v5  }
0x34a: {  	[tilespmem:s24], [sflag:$0x8] =	stream.indirect_vreg.gather [hbm4b:s12+s22], $0x80, v6, vm0, $0xb8;
	[tilespmem:$0x1C300] =	vst v63  }
0x34b: {  	s25 =	simm.s32 $0x17300  }
0x34c: {  	[tilespmem:s25], [sflag:$0x8] =	stream.indirect_vreg.gather [hbm4b:s13+s22], $0x80, v6, vm0, $0xb8;
	[tilespmem:$0x1C300] =	vst v63  }
0x34d: {  	s26 =	simm.s32 $0x17B00  }
0x34e: {  	[tilespmem:s26], [sflag:$0x8] =	stream.indirect_vreg.gather [hbm4b:s2+s22], $0x80, v5, vm0, $0xb8;
	[tilespmem:$0x1C300] =	vst v63  }
0x34f: {  	s28 =	simm.s32 $0x18300  }
0x350: {  	[tilespmem:s28], [sflag:$0x8] =	stream.indirect_vreg.gather [hbm4b:s12+s22], $0x80, v5, vm0, $0xb8;
	[tilespmem:$0x1C300] =	vst v63  }
0x351: {  	s31 =	simm.s32 $0x18B00  }
0x352: {  	[tilespmem:s31], [sflag:$0x8] =	stream.indirect_vreg.gather [hbm4b:s13+s22], $0x80, v5, vm0, $0xb8;
	[tilespmem:$0x1C300] =	vst v63  }
0x353: {  	_ =	swait.ge [sflag:s17], $0x3000  }
0x354: {  	[sflag:s17] =	ssyncset.done $0x0  }
0x355: {  	[sflag:s17] =	ssyncadd.s32 $0xFFFFD000  }
0x356: {  	_ =	swait.ge [sflag:s18], $0x3000  }
0x357: {  	[sflag:s18] =	ssyncset.done $0x0  }
0x358: {  	[sflag:s18] =	ssyncadd.s32 $0xFFFFD000  }
0x359: {  	_ =	swait.ge [sflag:s19], $0x3000  }
0x35a: {  	[sflag:s19] =	ssyncset.done $0x0  }
0x35b: {  	s23 =	simm.s32 $0x0;
	[sflag:s19] =	ssyncadd.s32 $0xFFFFD000  }
.LBB2_24:
0x35c: {  	s24 =	sshrl.u32 s23, $0x3  }
0x35d: {  	s25 =	sand.u32 $0x7, s22;
	s24 =	smul.u32 $0x6000, s24  }
0x35e: {  	s25 =	sshll.u32 s25, $0x9  }
0x35f: {  	s24 =	sor.u32 s25, s24  }
0x360: {  	s26 =	sshra.s32 s24, $0x2  }
0x361: {  	s24 =	sadd.s32 $0x7340, s26  }
0x362: {  	s25 =	sadd.s32 $0x10340, s26;
	v5 =	vld [tilespmem:s24+$0x30]  }
0x363: {  	v6 =	vld [tilespmem:s25+$0x30]  }
0x364: {  	s26 =	sadd.s32 $0x19340, s26;
	v8 =	vld [tilespmem:s25+$0xFFFFFFC0]  }
0x365: {  	v7 =	vld [tilespmem:s26+$0x30]  }
0x366: {  	v9 =	vld [tilespmem:s24+$0xFFFFFFD0]  }
0x367: {  	v10 =	vld [tilespmem:s25+$0xFFFFFFD0]  }
0x368: {  	v11 =	vld [tilespmem:s24+$0xFFFFFFE0]  }
0x369: {  	v12 =	vld [tilespmem:s25+$0xFFFFFFE0]  }
0x36a: {  	v13 =	vld [tilespmem:s24+$0xFFFFFFF0]  }
0x36b: {  	v15 =	vld [tilespmem:s25+$0xFFFFFFF0]  }
0x36c: {  	v16 =	vld [tilespmem:s24+$0x0]  }
0x36d: {  	v17 =	vld [tilespmem:s25+$0x0]  }
0x36e: {  	v18 =	vld [tilespmem:s24+$0x10]  }
0x36f: {  	v19 =	vld [tilespmem:s25+$0x10]  }
0x370: {  	v20 =	vld [tilespmem:s24+$0x20]  }
0x371: {  	v21 =	vld [tilespmem:s25+$0x20]  }
0x372: {  	v22 =	vld [tilespmem:s24+$0xFFFFFFC0]  }
0x373: {  	v23 =	vld [tilespmem:s26+$0xFFFFFFC0]  }
0x374: {  	v24 =	vld [tilespmem:s26+$0xFFFFFFD0];
	v5 =	vadd.f32 v6, v5  }
0x375: {  	v14 =	vld [tilespmem:s26+$0xFFFFFFE0];
	v26 =	vadd.f32 v10, v9;
	v6 =	vadd.f32 v17, v16  }
0x376: {  	v25 =	vadd.f32 v7, v5;
	v7 =	vadd.f32 v12, v11;
	v11 =	vld [tilespmem:s26+$0xFFFFFFF0]  }
0x377: {  	v5 =	vadd.f32 v15, v13;
	v13 =	vadd.f32 v8, v22;
	v12 =	vld [tilespmem:s26+$0x0]  }
0x378: {  	v9 =	vadd.f32 v21, v20;
	v10 =	vld [tilespmem:s26+$0x10];
	v8 =	vadd.f32 v19, v18  }
0x379: {  	s28 =	simm.s32 $0x0;
	s31 =	sadd.s32 $0x400, s24;
	v15 =	vadd.f32 v24, v26;
	[tilespmem:s24+$0x30] =	vst v25;
	v16 =	vadd.f32 v23, v13;
	v13 =	vld [tilespmem:s26+$0x20]  }
.LBB2_25:
0x37a: {  	v17 =	vld [tilespmem:s31+$0x30];
	v7 =	vadd.f32 v14, v7;
	s25 =	sadd.s32 $0x400, s25  }
0x37b: {  	s28 =	sadd.s32 $0x8, s28;
	v14 =	vld [tilespmem:s25+$0x30];
	[tilespmem:s24+$0xFFFFFFC0] =	vst v16;
	v5 =	vadd.f32 v11, v5  }
0x37c: {  	s26 =	sadd.s32 $0x400, s26;
	p0 =	slt.u32 s28, $0x28;
	v16 =	vld [tilespmem:s25+$0xFFFFFFC0];
	[tilespmem:s24+$0xFFFFFFD0] =	vst v15;
	v6 =	vadd.f32 v12, v6  }
0x37d: {  	v11 =	vld [tilespmem:s26+$0x30];
	[tilespmem:s24+$0xFFFFFFE0] =	vst v7;
	v7 =	vadd.f32 v10, v8  }
0x37e: {  	v8 =	vld [tilespmem:s31+$0xFFFFFFD0];
	[tilespmem:s24+$0xFFFFFFF0] =	vst v5;
	v5 =	vadd.f32 v13, v9  }
0x37f: {  	v9 =	vld [tilespmem:s25+$0xFFFFFFD0];
	[tilespmem:s24+$0x0] =	vst v6  }
0x380: {  	v6 =	vld [tilespmem:s31+$0xFFFFFFE0];
	v10 =	vadd.f32 v14, v17;
	[tilespmem:s24+$0x10] =	vst v7  }
0x381: {  	v7 =	vld [tilespmem:s25+$0xFFFFFFE0];
	[tilespmem:s24+$0x20] =	vst v5;
	s24 =	smov.u32 s31  }
0x382: {  	v5 =	vld [tilespmem:s31+$0xFFFFFFF0];
	v10 =	vadd.f32 v11, v10  }
0x383: {  	v11 =	vld [tilespmem:s25+$0xFFFFFFF0]  }
0x384: {  	v13 =	vadd.f32 v9, v8;
	v8 =	vld [tilespmem:s31+$0x0];
	[tilespmem:s31+$0x30] =	vst v10  }
0x385: {  	v9 =	vld [tilespmem:s25+$0x0]  }
0x386: {  	v7 =	vadd.f32 v7, v6;
	v10 =	vld [tilespmem:s31+$0x10]  }
0x387: {  	v12 =	vld [tilespmem:s25+$0x10]  }
0x388: {  	v5 =	vadd.f32 v11, v5;
	v15 =	vld [tilespmem:s31+$0x20]  }
0x389: {  	v17 =	vld [tilespmem:s25+$0x20]  }
0x38a: {  	v18 =	vld [tilespmem:s31+$0xFFFFFFC0];
	v6 =	vadd.f32 v9, v8  }
0x38b: {  	v19 =	vld [tilespmem:s26+$0xFFFFFFC0]  }
0x38c: {  	v20 =	vld [tilespmem:s26+$0xFFFFFFD0];
	v8 =	vadd.f32 v12, v10  }
.Ltmp11:
0x38d: {  	v14 =	vld [tilespmem:s26+$0xFFFFFFE0];
	(pc) =	sbr.rel @p0 .LBB2_25-.Ltmp11, $4  }
0x38e: {  	v11 =	vld [tilespmem:s26+$0xFFFFFFF0];
	v9 =	vadd.f32 v17, v15  }
0x38f: {  	v15 =	vadd.f32 v16, v18;
	v12 =	vld [tilespmem:s26+$0x0]  }
0x390: {  	v10 =	vld [tilespmem:s26+$0x10]  }
0x391: {  	s31 =	sadd.s32 $0x400, s31;
	v16 =	vadd.f32 v19, v15;
	v15 =	vadd.f32 v20, v13;
	v13 =	vld [tilespmem:s26+$0x20]  }
0x392: {  	_ = 	snop  }
0x393: {  	v7 =	vadd.f32 v14, v7;
	s23 =	sadd.s32 $0x1, s23;
	[tilespmem:s24+$0xFFFFFFC0] =	vst v16  }
0x394: {  	v5 =	vadd.f32 v11, v5;
	[tilespmem:s24+$0xFFFFFFD0] =	vst v15;
	p0 =	sne.s32 s23, $0x10  }
.Ltmp12:
0x395: {  	v6 =	vadd.f32 v12, v6;
	[tilespmem:s24+$0xFFFFFFE0] =	vst v7;
	(pc) =	sbr.rel @p0 .LBB2_24-.Ltmp12, $4  }
0x396: {  	v7 =	vadd.f32 v10, v8;
	[tilespmem:s24+$0xFFFFFFF0] =	vst v5  }
0x397: {  	v5 =	vadd.f32 v13, v9;
	[tilespmem:s24+$0x0] =	vst v6  }
0x398: {  	[tilespmem:s24+$0x10] =	vst v7  }
0x399: {  	s22 =	sadd.s32 $0x1, s22;
	[tilespmem:s24+$0x20] =	vst v5  }
0x39a: {  	s22 =	simm.s32 $0x0;
	s23 =	rddreg [dreg:$0x13]  }
0x39b: {  	[hbm4b:s23+s22] =	stream.linear.scatter [tilespmem:s5], [sflag:$0xC], $0x3000, $0x38;
	[tilespmem:$0x1C300] =	vst v63  }
0x39c: {  	_ =	swait.ge [sflag:s20], $0x3000  }
0x39d: {  	[sflag:s20] =	ssyncset.done $0x0  }
0x39e: {  	s26 =	rddreg [dreg:$0x14];
	[sflag:s20] =	ssyncadd.s32 $0xFFFFD000  }
0x39f: {  	[tilespmem:s5], [sflag:$0x3] =	stream.linear.gather [hbm4b:s26+s22], $0x3000, $0x38;
	[tilespmem:$0x1C300] =	vst v63  }
0x3a0: {  	v5 =	vld [tilespmem:$0x600];
	_ =	sdelay $0x4  }
0x3a1: {  	v6 =	vshrl.u32 v5, $0x3  }
0x3a2: {  	v6 =	vmul.u32 $0x30, v6  }
0x3a3: {  	v5 =	vand.u32 $0x7, v5  }
0x3a4: {  	v5 =	vor.u32 v5, v6  }
0x3a5: {  	v6 =	vperm.xlane v5, v2;
	_ =	sdelay $0x1  }
0x3a6: {  	v6 =	vadd.s32 v3, v6;
	_ =	sdelay $0x3  }
0x3a7: {  	s28 =	simm.s32 $0x10300;
	v5 =	vperm.xlane v5, v4  }
0x3a8: {  	[tilespmem:s28], [sflag:$0x6] =	stream.indirect_vreg.gather [hbm4b:s29+s22], $0x80, v6, vm0, $0xb8;
	[tilespmem:$0x1C300] =	vst v63  }
0x3a9: {  	s31 =	simm.s32 $0x10B00;
	v5 =	vadd.s32 v3, v5  }
0x3aa: {  	[tilespmem:s31], [sflag:$0x6] =	stream.indirect_vreg.gather [hbm4b:s10+s22], $0x80, v6, vm0, $0xb8;
	[tilespmem:$0x1C300] =	vst v63  }
0x3ab: {  	s24 =	simm.s32 $0x11300  }
0x3ac: {  	[tilespmem:s24], [sflag:$0x6] =	stream.indirect_vreg.gather [hbm4b:s11+s22], $0x80, v6, vm0, $0xb8;
	[tilespmem:$0x1C300] =	vst v63  }
0x3ad: {  	s25 =	simm.s32 $0x11B00  }
0x3ae: {  	[tilespmem:s25], [sflag:$0x6] =	stream.indirect_vreg.gather [hbm4b:s29+s22], $0x80, v5, vm0, $0xb8;
	[tilespmem:$0x1C300] =	vst v63  }
0x3af: {  	s26 =	simm.s32 $0x12300  }
0x3b0: {  	[tilespmem:s26], [sflag:$0x6] =	stream.indirect_vreg.gather [hbm4b:s10+s22], $0x80, v5, vm0, $0xb8;
	[tilespmem:$0x1C300] =	vst v63  }
0x3b1: {  	s28 =	simm.s32 $0x12B00  }
0x3b2: {  	[tilespmem:s28], [sflag:$0x6] =	stream.indirect_vreg.gather [hbm4b:s11+s22], $0x80, v5, vm0, $0xb8;
	[tilespmem:$0x1C300] =	vst v63  }
0x3b3: {  	v5 =	vld [tilespmem:$0xE00];
	_ =	sdelay $0x4  }
0x3b4: {  	v6 =	vshrl.u32 v5, $0x3  }
0x3b5: {  	v6 =	vmul.u32 $0x30, v6  }
0x3b6: {  	v5 =	vand.u32 $0x7, v5  }
0x3b7: {  	v5 =	vor.u32 v5, v6  }
0x3b8: {  	v6 =	vperm.xlane v5, v2;
	_ =	sdelay $0x1  }
0x3b9: {  	v6 =	vadd.s32 v3, v6;
	_ =	sdelay $0x3  }
0x3ba: {  	s31 =	simm.s32 $0x19300;
	v5 =	vperm.xlane v5, v4  }
0x3bb: {  	[tilespmem:s31], [sflag:$0x9] =	stream.indirect_vreg.gather [hbm4b:s2+s22], $0x80, v6, vm0, $0xb8;
	[tilespmem:$0x1C300] =	vst v63  }
0x3bc: {  	s24 =	simm.s32 $0x19B00;
	v5 =	vadd.s32 v3, v5  }
0x3bd: {  	[tilespmem:s24], [sflag:$0x9] =	stream.indirect_vreg.gather [hbm4b:s12+s22], $0x80, v6, vm0, $0xb8;
	[tilespmem:$0x1C300] =	vst v63  }
0x3be: {  	s25 =	simm.s32 $0x1A300  }
0x3bf: {  	[tilespmem:s25], [sflag:$0x9] =	stream.indirect_vreg.gather [hbm4b:s13+s22], $0x80, v6, vm0, $0xb8;
	[tilespmem:$0x1C300] =	vst v63  }
0x3c0: {  	s26 =	simm.s32 $0x1AB00  }
0x3c1: {  	[tilespmem:s26], [sflag:$0x9] =	stream.indirect_vreg.gather [hbm4b:s2+s22], $0x80, v5, vm0, $0xb8;
	[tilespmem:$0x1C300] =	vst v63  }
0x3c2: {  	s28 =	simm.s32 $0x1B300  }
0x3c3: {  	[tilespmem:s28], [sflag:$0x9] =	stream.indirect_vreg.gather [hbm4b:s12+s22], $0x80, v5, vm0, $0xb8;
	[tilespmem:$0x1C300] =	vst v63  }
0x3c4: {  	s31 =	simm.s32 $0x1BB00  }
0x3c5: {  	[tilespmem:s31], [sflag:$0x9] =	stream.indirect_vreg.gather [hbm4b:s13+s22], $0x80, v5, vm0, $0xb8;
	[tilespmem:$0x1C300] =	vst v63  }
0x3c6: {  	_ =	swait.ge [sflag:s1], $0x3000  }
0x3c7: {  	[sflag:s1] =	ssyncset.done $0x0  }
0x3c8: {  	[sflag:s1] =	ssyncadd.s32 $0xFFFFD000  }
0x3c9: {  	_ =	swait.ge [sflag:s0], $0x3000  }
0x3ca: {  	[sflag:s0] =	ssyncset.done $0x0  }
0x3cb: {  	[sflag:s0] =	ssyncadd.s32 $0xFFFFD000  }
0x3cc: {  	_ =	swait.ge [sflag:s3], $0x3000  }
0x3cd: {  	[sflag:s3] =	ssyncset.done $0x0  }
0x3ce: {  	s23 =	simm.s32 $0x0;
	[sflag:s3] =	ssyncadd.s32 $0xFFFFD000  }
.LBB2_28:
0x3cf: {  	s24 =	sshrl.u32 s23, $0x3  }
0x3d0: {  	s25 =	sand.u32 $0x7, s22;
	s24 =	smul.u32 $0x6000, s24  }
0x3d1: {  	s25 =	sshll.u32 s25, $0x9  }
0x3d2: {  	s24 =	sor.u32 s25, s24  }
0x3d3: {  	s26 =	sshra.s32 s24, $0x2  }
0x3d4: {  	s24 =	sadd.s32 $0x1340, s26  }
0x3d5: {  	s25 =	sadd.s32 $0xA340, s26;
	v5 =	vld [tilespmem:s24+$0x30]  }
0x3d6: {  	v6 =	vld [tilespmem:s25+$0x30]  }
0x3d7: {  	s26 =	sadd.s32 $0x13340, s26;
	v8 =	vld [tilespmem:s25+$0xFFFFFFC0]  }
0x3d8: {  	v7 =	vld [tilespmem:s26+$0x30]  }
0x3d9: {  	v9 =	vld [tilespmem:s24+$0xFFFFFFD0]  }
0x3da: {  	v10 =	vld [tilespmem:s25+$0xFFFFFFD0]  }
0x3db: {  	v11 =	vld [tilespmem:s24+$0xFFFFFFE0]  }
0x3dc: {  	v12 =	vld [tilespmem:s25+$0xFFFFFFE0]  }
0x3dd: {  	v13 =	vld [tilespmem:s24+$0xFFFFFFF0]  }
0x3de: {  	v15 =	vld [tilespmem:s25+$0xFFFFFFF0]  }
0x3df: {  	v16 =	vld [tilespmem:s24+$0x0]  }
0x3e0: {  	v17 =	vld [tilespmem:s25+$0x0]  }
0x3e1: {  	v18 =	vld [tilespmem:s24+$0x10]  }
0x3e2: {  	v19 =	vld [tilespmem:s25+$0x10]  }
0x3e3: {  	v20 =	vld [tilespmem:s24+$0x20]  }
0x3e4: {  	v21 =	vld [tilespmem:s25+$0x20]  }
0x3e5: {  	v22 =	vld [tilespmem:s24+$0xFFFFFFC0]  }
0x3e6: {  	v23 =	vld [tilespmem:s26+$0xFFFFFFC0]  }
0x3e7: {  	v24 =	vld [tilespmem:s26+$0xFFFFFFD0];
	v5 =	vadd.f32 v6, v5  }
0x3e8: {  	v14 =	vld [tilespmem:s26+$0xFFFFFFE0];
	v26 =	vadd.f32 v10, v9;
	v6 =	vadd.f32 v17, v16  }
0x3e9: {  	v25 =	vadd.f32 v7, v5;
	v7 =	vadd.f32 v12, v11;
	v11 =	vld [tilespmem:s26+$0xFFFFFFF0]  }
0x3ea: {  	v5 =	vadd.f32 v15, v13;
	v13 =	vadd.f32 v8, v22;
	v12 =	vld [tilespmem:s26+$0x0]  }
0x3eb: {  	v9 =	vadd.f32 v21, v20;
	v10 =	vld [tilespmem:s26+$0x10];
	v8 =	vadd.f32 v19, v18  }
0x3ec: {  	s28 =	simm.s32 $0x0;
	s31 =	sadd.s32 $0x400, s24;
	v15 =	vadd.f32 v24, v26;
	[tilespmem:s24+$0x30] =	vst v25;
	v16 =	vadd.f32 v23, v13;
	v13 =	vld [tilespmem:s26+$0x20]  }
.LBB2_29:
0x3ed: {  	v17 =	vld [tilespmem:s31+$0x30];
	v7 =	vadd.f32 v14, v7;
	s25 =	sadd.s32 $0x400, s25  }
0x3ee: {  	s28 =	sadd.s32 $0x8, s28;
	v14 =	vld [tilespmem:s25+$0x30];
	[tilespmem:s24+$0xFFFFFFC0] =	vst v16;
	v5 =	vadd.f32 v11, v5  }
0x3ef: {  	s26 =	sadd.s32 $0x400, s26;
	p0 =	slt.u32 s28, $0x28;
	v16 =	vld [tilespmem:s25+$0xFFFFFFC0];
	[tilespmem:s24+$0xFFFFFFD0] =	vst v15;
	v6 =	vadd.f32 v12, v6  }
0x3f0: {  	v11 =	vld [tilespmem:s26+$0x30];
	[tilespmem:s24+$0xFFFFFFE0] =	vst v7;
	v7 =	vadd.f32 v10, v8  }
0x3f1: {  	v8 =	vld [tilespmem:s31+$0xFFFFFFD0];
	[tilespmem:s24+$0xFFFFFFF0] =	vst v5;
	v5 =	vadd.f32 v13, v9  }
0x3f2: {  	v9 =	vld [tilespmem:s25+$0xFFFFFFD0];
	[tilespmem:s24+$0x0] =	vst v6  }
0x3f3: {  	v6 =	vld [tilespmem:s31+$0xFFFFFFE0];
	v10 =	vadd.f32 v14, v17;
	[tilespmem:s24+$0x10] =	vst v7  }
0x3f4: {  	v7 =	vld [tilespmem:s25+$0xFFFFFFE0];
	[tilespmem:s24+$0x20] =	vst v5;
	s24 =	smov.u32 s31  }
0x3f5: {  	v5 =	vld [tilespmem:s31+$0xFFFFFFF0];
	v10 =	vadd.f32 v11, v10  }
0x3f6: {  	v11 =	vld [tilespmem:s25+$0xFFFFFFF0]  }
0x3f7: {  	v13 =	vadd.f32 v9, v8;
	v8 =	vld [tilespmem:s31+$0x0];
	[tilespmem:s31+$0x30] =	vst v10  }
0x3f8: {  	v9 =	vld [tilespmem:s25+$0x0]  }
0x3f9: {  	v7 =	vadd.f32 v7, v6;
	v10 =	vld [tilespmem:s31+$0x10]  }
0x3fa: {  	v12 =	vld [tilespmem:s25+$0x10]  }
0x3fb: {  	v5 =	vadd.f32 v11, v5;
	v15 =	vld [tilespmem:s31+$0x20]  }
0x3fc: {  	v17 =	vld [tilespmem:s25+$0x20]  }
0x3fd: {  	v18 =	vld [tilespmem:s31+$0xFFFFFFC0];
	v6 =	vadd.f32 v9, v8  }
0x3fe: {  	v19 =	vld [tilespmem:s26+$0xFFFFFFC0]  }
0x3ff: {  	v20 =	vld [tilespmem:s26+$0xFFFFFFD0];
	v8 =	vadd.f32 v12, v10  }
.Ltmp13:
0x400: {  	v14 =	vld [tilespmem:s26+$0xFFFFFFE0];
	(pc) =	sbr.rel @p0 .LBB2_29-.Ltmp13, $4  }
0x401: {  	v11 =	vld [tilespmem:s26+$0xFFFFFFF0];
	v9 =	vadd.f32 v17, v15  }
0x402: {  	v15 =	vadd.f32 v16, v18;
	v12 =	vld [tilespmem:s26+$0x0]  }
0x403: {  	v10 =	vld [tilespmem:s26+$0x10]  }
0x404: {  	s31 =	sadd.s32 $0x400, s31;
	v16 =	vadd.f32 v19, v15;
	v15 =	vadd.f32 v20, v13;
	v13 =	vld [tilespmem:s26+$0x20]  }
0x405: {  	_ = 	snop  }
0x406: {  	v7 =	vadd.f32 v14, v7;
	s23 =	sadd.s32 $0x1, s23;
	[tilespmem:s24+$0xFFFFFFC0] =	vst v16  }
0x407: {  	v5 =	vadd.f32 v11, v5;
	[tilespmem:s24+$0xFFFFFFD0] =	vst v15;
	p0 =	sne.s32 s23, $0x10  }
.Ltmp14:
0x408: {  	v6 =	vadd.f32 v12, v6;
	[tilespmem:s24+$0xFFFFFFE0] =	vst v7;
	(pc) =	sbr.rel @p0 .LBB2_28-.Ltmp14, $4  }
0x409: {  	v7 =	vadd.f32 v10, v8;
	[tilespmem:s24+$0xFFFFFFF0] =	vst v5  }
0x40a: {  	v5 =	vadd.f32 v13, v9;
	[tilespmem:s24+$0x0] =	vst v6  }
0x40b: {  	[tilespmem:s24+$0x10] =	vst v7  }
0x40c: {  	s22 =	sadd.s32 $0x1, s22;
	[tilespmem:s24+$0x20] =	vst v5  }
0x40d: {  	s22 =	simm.s32 $0x0;
	s23 =	rddreg [dreg:$0x15]  }
0x40e: {  	[hbm4b:s23+s22] =	stream.linear.scatter [tilespmem:s16], [sflag:$0xA], $0x3000, $0x38;
	[tilespmem:$0x1C300] =	vst v63  }
0x40f: {  	_ =	swait.ge [sflag:s4], $0x3000  }
0x410: {  	[sflag:s4] =	ssyncset.done $0x0  }
0x411: {  	s26 =	rddreg [dreg:$0x18];
	[sflag:s4] =	ssyncadd.s32 $0xFFFFD000  }
0x412: {  	[tilespmem:s16], [sflag:$0x1] =	stream.linear.gather [hbm4b:s26+s22], $0x3000, $0x38;
	[tilespmem:$0x1C300] =	vst v63  }
0x413: {  	v5 =	vld [tilespmem:$0x680];
	_ =	sdelay $0x4  }
0x414: {  	v6 =	vshrl.u32 v5, $0x3  }
0x415: {  	v6 =	vmul.u32 $0x30, v6  }
0x416: {  	v5 =	vand.u32 $0x7, v5  }
0x417: {  	v5 =	vor.u32 v5, v6  }
0x418: {  	v6 =	vperm.xlane v5, v2;
	_ =	sdelay $0x1  }
0x419: {  	v6 =	vadd.s32 v3, v6;
	_ =	sdelay $0x3  }
0x41a: {  	s28 =	simm.s32 $0xA300;
	v5 =	vperm.xlane v5, v4  }
0x41b: {  	[tilespmem:s28], [sflag:$0x4] =	stream.indirect_vreg.gather [hbm4b:s29+s22], $0x80, v6, vm0, $0xb8;
	[tilespmem:$0x1C300] =	vst v63  }
0x41c: {  	s31 =	simm.s32 $0xAB00;
	v5 =	vadd.s32 v3, v5  }
0x41d: {  	[tilespmem:s31], [sflag:$0x4] =	stream.indirect_vreg.gather [hbm4b:s10+s22], $0x80, v6, vm0, $0xb8;
	[tilespmem:$0x1C300] =	vst v63  }
0x41e: {  	s24 =	simm.s32 $0xB300  }
0x41f: {  	[tilespmem:s24], [sflag:$0x4] =	stream.indirect_vreg.gather [hbm4b:s11+s22], $0x80, v6, vm0, $0xb8;
	[tilespmem:$0x1C300] =	vst v63  }
0x420: {  	s25 =	simm.s32 $0xBB00  }
0x421: {  	[tilespmem:s25], [sflag:$0x4] =	stream.indirect_vreg.gather [hbm4b:s29+s22], $0x80, v5, vm0, $0xb8;
	[tilespmem:$0x1C300] =	vst v63  }
0x422: {  	s26 =	simm.s32 $0xC300  }
0x423: {  	[tilespmem:s26], [sflag:$0x4] =	stream.indirect_vreg.gather [hbm4b:s10+s22], $0x80, v5, vm0, $0xb8;
	[tilespmem:$0x1C300] =	vst v63  }
0x424: {  	s28 =	simm.s32 $0xCB00  }
0x425: {  	[tilespmem:s28], [sflag:$0x4] =	stream.indirect_vreg.gather [hbm4b:s11+s22], $0x80, v5, vm0, $0xb8;
	[tilespmem:$0x1C300] =	vst v63  }
0x426: {  	v5 =	vld [tilespmem:$0xE80];
	_ =	sdelay $0x4  }
0x427: {  	v6 =	vshrl.u32 v5, $0x3  }
0x428: {  	v6 =	vmul.u32 $0x30, v6  }
0x429: {  	v5 =	vand.u32 $0x7, v5  }
0x42a: {  	v5 =	vor.u32 v5, v6  }
0x42b: {  	v6 =	vperm.xlane v5, v2;
	_ =	sdelay $0x1  }
0x42c: {  	v6 =	vadd.s32 v3, v6;
	_ =	sdelay $0x3  }
0x42d: {  	s31 =	simm.s32 $0x13300;
	v5 =	vperm.xlane v5, v4  }
0x42e: {  	[tilespmem:s31], [sflag:$0x7] =	stream.indirect_vreg.gather [hbm4b:s2+s22], $0x80, v6, vm0, $0xb8;
	[tilespmem:$0x1C300] =	vst v63  }
0x42f: {  	s24 =	simm.s32 $0x13B00;
	v5 =	vadd.s32 v3, v5  }
0x430: {  	[tilespmem:s24], [sflag:$0x7] =	stream.indirect_vreg.gather [hbm4b:s12+s22], $0x80, v6, vm0, $0xb8;
	[tilespmem:$0x1C300] =	vst v63  }
0x431: {  	s25 =	simm.s32 $0x14300  }
0x432: {  	[tilespmem:s25], [sflag:$0x7] =	stream.indirect_vreg.gather [hbm4b:s13+s22], $0x80, v6, vm0, $0xb8;
	[tilespmem:$0x1C300] =	vst v63  }
0x433: {  	s26 =	simm.s32 $0x14B00  }
0x434: {  	[tilespmem:s26], [sflag:$0x7] =	stream.indirect_vreg.gather [hbm4b:s2+s22], $0x80, v5, vm0, $0xb8;
	[tilespmem:$0x1C300] =	vst v63  }
0x435: {  	s28 =	simm.s32 $0x15300  }
0x436: {  	[tilespmem:s28], [sflag:$0x7] =	stream.indirect_vreg.gather [hbm4b:s12+s22], $0x80, v5, vm0, $0xb8;
	[tilespmem:$0x1C300] =	vst v63  }
0x437: {  	s31 =	simm.s32 $0x15B00  }
0x438: {  	[tilespmem:s31], [sflag:$0x7] =	stream.indirect_vreg.gather [hbm4b:s13+s22], $0x80, v5, vm0, $0xb8;
	[tilespmem:$0x1C300] =	vst v63  }
0x439: {  	_ =	swait.ge [sflag:s6], $0x3000  }
0x43a: {  	[sflag:s6] =	ssyncset.done $0x0  }
0x43b: {  	[sflag:s6] =	ssyncadd.s32 $0xFFFFD000  }
0x43c: {  	_ =	swait.ge [sflag:s7], $0x3000  }
0x43d: {  	[sflag:s7] =	ssyncset.done $0x0  }
0x43e: {  	[sflag:s7] =	ssyncadd.s32 $0xFFFFD000  }
0x43f: {  	_ =	swait.ge [sflag:s8], $0x3000  }
0x440: {  	[sflag:s8] =	ssyncset.done $0x0  }
0x441: {  	s23 =	simm.s32 $0x0;
	[sflag:s8] =	ssyncadd.s32 $0xFFFFD000  }
.LBB2_32:
0x442: {  	s24 =	sshrl.u32 s23, $0x3  }
0x443: {  	s25 =	sand.u32 $0x7, s22;
	s24 =	smul.u32 $0x6000, s24  }
0x444: {  	s25 =	sshll.u32 s25, $0x9  }
0x445: {  	s24 =	sor.u32 s25, s24  }
0x446: {  	s26 =	sshra.s32 s24, $0x2  }
0x447: {  	s24 =	sadd.s32 $0x4340, s26  }
0x448: {  	s25 =	sadd.s32 $0xD340, s26;
	v5 =	vld [tilespmem:s24+$0x30]  }
0x449: {  	v6 =	vld [tilespmem:s25+$0x30]  }
0x44a: {  	s26 =	sadd.s32 $0x16340, s26;
	v8 =	vld [tilespmem:s25+$0xFFFFFFC0]  }
0x44b: {  	v7 =	vld [tilespmem:s26+$0x30]  }
0x44c: {  	v9 =	vld [tilespmem:s24+$0xFFFFFFD0]  }
0x44d: {  	v10 =	vld [tilespmem:s25+$0xFFFFFFD0]  }
0x44e: {  	v11 =	vld [tilespmem:s24+$0xFFFFFFE0]  }
0x44f: {  	v12 =	vld [tilespmem:s25+$0xFFFFFFE0]  }
0x450: {  	v13 =	vld [tilespmem:s24+$0xFFFFFFF0]  }
0x451: {  	v15 =	vld [tilespmem:s25+$0xFFFFFFF0]  }
0x452: {  	v16 =	vld [tilespmem:s24+$0x0]  }
0x453: {  	v17 =	vld [tilespmem:s25+$0x0]  }
0x454: {  	v18 =	vld [tilespmem:s24+$0x10]  }
0x455: {  	v19 =	vld [tilespmem:s25+$0x10]  }
0x456: {  	v20 =	vld [tilespmem:s24+$0x20]  }
0x457: {  	v21 =	vld [tilespmem:s25+$0x20]  }
0x458: {  	v22 =	vld [tilespmem:s24+$0xFFFFFFC0]  }
0x459: {  	v23 =	vld [tilespmem:s26+$0xFFFFFFC0]  }
0x45a: {  	v24 =	vld [tilespmem:s26+$0xFFFFFFD0];
	v5 =	vadd.f32 v6, v5  }
0x45b: {  	v14 =	vld [tilespmem:s26+$0xFFFFFFE0];
	v26 =	vadd.f32 v10, v9;
	v6 =	vadd.f32 v17, v16  }
0x45c: {  	v25 =	vadd.f32 v7, v5;
	v7 =	vadd.f32 v12, v11;
	v11 =	vld [tilespmem:s26+$0xFFFFFFF0]  }
0x45d: {  	v5 =	vadd.f32 v15, v13;
	v13 =	vadd.f32 v8, v22;
	v12 =	vld [tilespmem:s26+$0x0]  }
0x45e: {  	v9 =	vadd.f32 v21, v20;
	v10 =	vld [tilespmem:s26+$0x10];
	v8 =	vadd.f32 v19, v18  }
0x45f: {  	s28 =	simm.s32 $0x0;
	s31 =	sadd.s32 $0x400, s24;
	v15 =	vadd.f32 v24, v26;
	[tilespmem:s24+$0x30] =	vst v25;
	v16 =	vadd.f32 v23, v13;
	v13 =	vld [tilespmem:s26+$0x20]  }
.LBB2_33:
0x460: {  	v17 =	vld [tilespmem:s31+$0x30];
	v7 =	vadd.f32 v14, v7;
	s25 =	sadd.s32 $0x400, s25  }
0x461: {  	s28 =	sadd.s32 $0x8, s28;
	v14 =	vld [tilespmem:s25+$0x30];
	[tilespmem:s24+$0xFFFFFFC0] =	vst v16;
	v5 =	vadd.f32 v11, v5  }
0x462: {  	s26 =	sadd.s32 $0x400, s26;
	p0 =	slt.u32 s28, $0x28;
	v16 =	vld [tilespmem:s25+$0xFFFFFFC0];
	[tilespmem:s24+$0xFFFFFFD0] =	vst v15;
	v6 =	vadd.f32 v12, v6  }
0x463: {  	v11 =	vld [tilespmem:s26+$0x30];
	[tilespmem:s24+$0xFFFFFFE0] =	vst v7;
	v7 =	vadd.f32 v10, v8  }
0x464: {  	v8 =	vld [tilespmem:s31+$0xFFFFFFD0];
	[tilespmem:s24+$0xFFFFFFF0] =	vst v5;
	v5 =	vadd.f32 v13, v9  }
0x465: {  	v9 =	vld [tilespmem:s25+$0xFFFFFFD0];
	[tilespmem:s24+$0x0] =	vst v6  }
0x466: {  	v6 =	vld [tilespmem:s31+$0xFFFFFFE0];
	v10 =	vadd.f32 v14, v17;
	[tilespmem:s24+$0x10] =	vst v7  }
0x467: {  	v7 =	vld [tilespmem:s25+$0xFFFFFFE0];
	[tilespmem:s24+$0x20] =	vst v5;
	s24 =	smov.u32 s31  }
0x468: {  	v5 =	vld [tilespmem:s31+$0xFFFFFFF0];
	v10 =	vadd.f32 v11, v10  }
0x469: {  	v11 =	vld [tilespmem:s25+$0xFFFFFFF0]  }
0x46a: {  	v13 =	vadd.f32 v9, v8;
	v8 =	vld [tilespmem:s31+$0x0];
	[tilespmem:s31+$0x30] =	vst v10  }
0x46b: {  	v9 =	vld [tilespmem:s25+$0x0]  }
0x46c: {  	v7 =	vadd.f32 v7, v6;
	v10 =	vld [tilespmem:s31+$0x10]  }
0x46d: {  	v12 =	vld [tilespmem:s25+$0x10]  }
0x46e: {  	v5 =	vadd.f32 v11, v5;
	v15 =	vld [tilespmem:s31+$0x20]  }
0x46f: {  	v17 =	vld [tilespmem:s25+$0x20]  }
0x470: {  	v18 =	vld [tilespmem:s31+$0xFFFFFFC0];
	v6 =	vadd.f32 v9, v8  }
0x471: {  	v19 =	vld [tilespmem:s26+$0xFFFFFFC0]  }
0x472: {  	v20 =	vld [tilespmem:s26+$0xFFFFFFD0];
	v8 =	vadd.f32 v12, v10  }
.Ltmp15:
0x473: {  	v14 =	vld [tilespmem:s26+$0xFFFFFFE0];
	(pc) =	sbr.rel @p0 .LBB2_33-.Ltmp15, $4  }
0x474: {  	v11 =	vld [tilespmem:s26+$0xFFFFFFF0];
	v9 =	vadd.f32 v17, v15  }
0x475: {  	v15 =	vadd.f32 v16, v18;
	v12 =	vld [tilespmem:s26+$0x0]  }
0x476: {  	v10 =	vld [tilespmem:s26+$0x10]  }
0x477: {  	s31 =	sadd.s32 $0x400, s31;
	v16 =	vadd.f32 v19, v15;
	v15 =	vadd.f32 v20, v13;
	v13 =	vld [tilespmem:s26+$0x20]  }
0x478: {  	_ = 	snop  }
0x479: {  	v7 =	vadd.f32 v14, v7;
	s23 =	sadd.s32 $0x1, s23;
	[tilespmem:s24+$0xFFFFFFC0] =	vst v16  }
0x47a: {  	v5 =	vadd.f32 v11, v5;
	[tilespmem:s24+$0xFFFFFFD0] =	vst v15;
	p0 =	sne.s32 s23, $0x10  }
.Ltmp16:
0x47b: {  	v6 =	vadd.f32 v12, v6;
	[tilespmem:s24+$0xFFFFFFE0] =	vst v7;
	(pc) =	sbr.rel @p0 .LBB2_32-.Ltmp16, $4  }
0x47c: {  	v7 =	vadd.f32 v10, v8;
	[tilespmem:s24+$0xFFFFFFF0] =	vst v5  }
0x47d: {  	v5 =	vadd.f32 v13, v9;
	[tilespmem:s24+$0x0] =	vst v6  }
0x47e: {  	[tilespmem:s24+$0x10] =	vst v7  }
0x47f: {  	s22 =	sadd.s32 $0x1, s22;
	[tilespmem:s24+$0x20] =	vst v5  }
0x480: {  	s22 =	simm.s32 $0x0;
	s23 =	rddreg [dreg:$0x16]  }
0x481: {  	[hbm4b:s23+s22] =	stream.linear.scatter [tilespmem:s30], [sflag:$0xB], $0x3000, $0x38;
	[tilespmem:$0x1C300] =	vst v63  }
0x482: {  	_ =	swait.ge [sflag:s9], $0x3000  }
0x483: {  	[sflag:s9] =	ssyncset.done $0x0  }
0x484: {  	s26 =	rddreg [dreg:$0x1a];
	[sflag:s9] =	ssyncadd.s32 $0xFFFFD000  }
0x485: {  	[tilespmem:s30], [sflag:$0x2] =	stream.linear.gather [hbm4b:s26+s22], $0x3000, $0x38;
	[tilespmem:$0x1C300] =	vst v63  }
0x486: {  	v5 =	vld [tilespmem:$0x700];
	_ =	sdelay $0x4  }
0x487: {  	v6 =	vshrl.u32 v5, $0x3  }
0x488: {  	v6 =	vmul.u32 $0x30, v6  }
0x489: {  	v5 =	vand.u32 $0x7, v5  }
0x48a: {  	v5 =	vor.u32 v5, v6  }
0x48b: {  	v6 =	vperm.xlane v5, v2;
	_ =	sdelay $0x1  }
0x48c: {  	v6 =	vadd.s32 v3, v6;
	_ =	sdelay $0x3  }
0x48d: {  	s28 =	simm.s32 $0xD300;
	v5 =	vperm.xlane v5, v4  }
0x48e: {  	[tilespmem:s28], [sflag:$0x5] =	stream.indirect_vreg.gather [hbm4b:s29+s22], $0x80, v6, vm0, $0xb8;
	[tilespmem:$0x1C300] =	vst v63  }
0x48f: {  	s31 =	simm.s32 $0xDB00;
	v5 =	vadd.s32 v3, v5  }
0x490: {  	[tilespmem:s31], [sflag:$0x5] =	stream.indirect_vreg.gather [hbm4b:s10+s22], $0x80, v6, vm0, $0xb8;
	[tilespmem:$0x1C300] =	vst v63  }
0x491: {  	s24 =	simm.s32 $0xE300  }
0x492: {  	[tilespmem:s24], [sflag:$0x5] =	stream.indirect_vreg.gather [hbm4b:s11+s22], $0x80, v6, vm0, $0xb8;
	[tilespmem:$0x1C300] =	vst v63  }
0x493: {  	s25 =	simm.s32 $0xEB00  }
0x494: {  	[tilespmem:s25], [sflag:$0x5] =	stream.indirect_vreg.gather [hbm4b:s29+s22], $0x80, v5, vm0, $0xb8;
	[tilespmem:$0x1C300] =	vst v63  }
0x495: {  	s26 =	simm.s32 $0xF300  }
0x496: {  	[tilespmem:s26], [sflag:$0x5] =	stream.indirect_vreg.gather [hbm4b:s10+s22], $0x80, v5, vm0, $0xb8;
	[tilespmem:$0x1C300] =	vst v63  }
0x497: {  	s28 =	simm.s32 $0xFB00  }
0x498: {  	[tilespmem:s28], [sflag:$0x5] =	stream.indirect_vreg.gather [hbm4b:s11+s22], $0x80, v5, vm0, $0xb8;
	[tilespmem:$0x1C300] =	vst v63  }
0x499: {  	v5 =	vld [tilespmem:$0xF00];
	_ =	sdelay $0x4  }
0x49a: {  	v6 =	vshrl.u32 v5, $0x3  }
0x49b: {  	v6 =	vmul.u32 $0x30, v6  }
0x49c: {  	v5 =	vand.u32 $0x7, v5  }
0x49d: {  	v5 =	vor.u32 v5, v6  }
0x49e: {  	v6 =	vperm.xlane v5, v2;
	_ =	sdelay $0x1  }
0x49f: {  	v6 =	vadd.s32 v3, v6;
	_ =	sdelay $0x3  }
0x4a0: {  	s31 =	simm.s32 $0x16300;
	v5 =	vperm.xlane v5, v4  }
0x4a1: {  	[tilespmem:s31], [sflag:$0x8] =	stream.indirect_vreg.gather [hbm4b:s2+s22], $0x80, v6, vm0, $0xb8;
	[tilespmem:$0x1C300] =	vst v63  }
0x4a2: {  	s24 =	simm.s32 $0x16B00;
	v5 =	vadd.s32 v3, v5  }
0x4a3: {  	[tilespmem:s24], [sflag:$0x8] =	stream.indirect_vreg.gather [hbm4b:s12+s22], $0x80, v6, vm0, $0xb8;
	[tilespmem:$0x1C300] =	vst v63  }
0x4a4: {  	s25 =	simm.s32 $0x17300  }
0x4a5: {  	[tilespmem:s25], [sflag:$0x8] =	stream.indirect_vreg.gather [hbm4b:s13+s22], $0x80, v6, vm0, $0xb8;
	[tilespmem:$0x1C300] =	vst v63  }
0x4a6: {  	s26 =	simm.s32 $0x17B00  }
0x4a7: {  	[tilespmem:s26], [sflag:$0x8] =	stream.indirect_vreg.gather [hbm4b:s2+s22], $0x80, v5, vm0, $0xb8;
	[tilespmem:$0x1C300] =	vst v63  }
0x4a8: {  	s28 =	simm.s32 $0x18300  }
0x4a9: {  	[tilespmem:s28], [sflag:$0x8] =	stream.indirect_vreg.gather [hbm4b:s12+s22], $0x80, v5, vm0, $0xb8;
	[tilespmem:$0x1C300] =	vst v63  }
0x4aa: {  	s31 =	simm.s32 $0x18B00  }
0x4ab: {  	[tilespmem:s31], [sflag:$0x8] =	stream.indirect_vreg.gather [hbm4b:s13+s22], $0x80, v5, vm0, $0xb8;
	[tilespmem:$0x1C300] =	vst v63  }
0x4ac: {  	_ =	swait.ge [sflag:s17], $0x3000  }
0x4ad: {  	[sflag:s17] =	ssyncset.done $0x0  }
0x4ae: {  	[sflag:s17] =	ssyncadd.s32 $0xFFFFD000  }
0x4af: {  	_ =	swait.ge [sflag:s18], $0x3000  }
0x4b0: {  	[sflag:s18] =	ssyncset.done $0x0  }
0x4b1: {  	[sflag:s18] =	ssyncadd.s32 $0xFFFFD000  }
0x4b2: {  	_ =	swait.ge [sflag:s19], $0x3000  }
0x4b3: {  	[sflag:s19] =	ssyncset.done $0x0  }
0x4b4: {  	s23 =	simm.s32 $0x0;
	[sflag:s19] =	ssyncadd.s32 $0xFFFFD000  }
.LBB2_36:
0x4b5: {  	s24 =	sshrl.u32 s23, $0x3  }
0x4b6: {  	s25 =	sand.u32 $0x7, s22;
	s24 =	smul.u32 $0x6000, s24  }
0x4b7: {  	s25 =	sshll.u32 s25, $0x9  }
0x4b8: {  	s24 =	sor.u32 s25, s24  }
0x4b9: {  	s26 =	sshra.s32 s24, $0x2  }
0x4ba: {  	s24 =	sadd.s32 $0x7340, s26  }
0x4bb: {  	s25 =	sadd.s32 $0x10340, s26;
	v5 =	vld [tilespmem:s24+$0x30]  }
0x4bc: {  	v6 =	vld [tilespmem:s25+$0x30]  }
0x4bd: {  	s26 =	sadd.s32 $0x19340, s26;
	v8 =	vld [tilespmem:s25+$0xFFFFFFC0]  }
0x4be: {  	v7 =	vld [tilespmem:s26+$0x30]  }
0x4bf: {  	v9 =	vld [tilespmem:s24+$0xFFFFFFD0]  }
0x4c0: {  	v10 =	vld [tilespmem:s25+$0xFFFFFFD0]  }
0x4c1: {  	v11 =	vld [tilespmem:s24+$0xFFFFFFE0]  }
0x4c2: {  	v12 =	vld [tilespmem:s25+$0xFFFFFFE0]  }
0x4c3: {  	v13 =	vld [tilespmem:s24+$0xFFFFFFF0]  }
0x4c4: {  	v15 =	vld [tilespmem:s25+$0xFFFFFFF0]  }
0x4c5: {  	v16 =	vld [tilespmem:s24+$0x0]  }
0x4c6: {  	v17 =	vld [tilespmem:s25+$0x0]  }
0x4c7: {  	v18 =	vld [tilespmem:s24+$0x10]  }
0x4c8: {  	v19 =	vld [tilespmem:s25+$0x10]  }
0x4c9: {  	v20 =	vld [tilespmem:s24+$0x20]  }
0x4ca: {  	v21 =	vld [tilespmem:s25+$0x20]  }
0x4cb: {  	v22 =	vld [tilespmem:s24+$0xFFFFFFC0]  }
0x4cc: {  	v23 =	vld [tilespmem:s26+$0xFFFFFFC0]  }
0x4cd: {  	v24 =	vld [tilespmem:s26+$0xFFFFFFD0];
	v5 =	vadd.f32 v6, v5  }
0x4ce: {  	v14 =	vld [tilespmem:s26+$0xFFFFFFE0];
	v26 =	vadd.f32 v10, v9;
	v6 =	vadd.f32 v17, v16  }
0x4cf: {  	v25 =	vadd.f32 v7, v5;
	v7 =	vadd.f32 v12, v11;
	v11 =	vld [tilespmem:s26+$0xFFFFFFF0]  }
0x4d0: {  	v5 =	vadd.f32 v15, v13;
	v13 =	vadd.f32 v8, v22;
	v12 =	vld [tilespmem:s26+$0x0]  }
0x4d1: {  	v9 =	vadd.f32 v21, v20;
	v10 =	vld [tilespmem:s26+$0x10];
	v8 =	vadd.f32 v19, v18  }
0x4d2: {  	s28 =	simm.s32 $0x0;
	s31 =	sadd.s32 $0x400, s24;
	v15 =	vadd.f32 v24, v26;
	[tilespmem:s24+$0x30] =	vst v25;
	v16 =	vadd.f32 v23, v13;
	v13 =	vld [tilespmem:s26+$0x20]  }
.LBB2_37:
0x4d3: {  	v17 =	vld [tilespmem:s31+$0x30];
	v7 =	vadd.f32 v14, v7;
	s25 =	sadd.s32 $0x400, s25  }
0x4d4: {  	s28 =	sadd.s32 $0x8, s28;
	v14 =	vld [tilespmem:s25+$0x30];
	[tilespmem:s24+$0xFFFFFFC0] =	vst v16;
	v5 =	vadd.f32 v11, v5  }
0x4d5: {  	s26 =	sadd.s32 $0x400, s26;
	p0 =	slt.u32 s28, $0x28;
	v16 =	vld [tilespmem:s25+$0xFFFFFFC0];
	[tilespmem:s24+$0xFFFFFFD0] =	vst v15;
	v6 =	vadd.f32 v12, v6  }
0x4d6: {  	v11 =	vld [tilespmem:s26+$0x30];
	[tilespmem:s24+$0xFFFFFFE0] =	vst v7;
	v7 =	vadd.f32 v10, v8  }
0x4d7: {  	v8 =	vld [tilespmem:s31+$0xFFFFFFD0];
	[tilespmem:s24+$0xFFFFFFF0] =	vst v5;
	v5 =	vadd.f32 v13, v9  }
0x4d8: {  	v9 =	vld [tilespmem:s25+$0xFFFFFFD0];
	[tilespmem:s24+$0x0] =	vst v6  }
0x4d9: {  	v6 =	vld [tilespmem:s31+$0xFFFFFFE0];
	v10 =	vadd.f32 v14, v17;
	[tilespmem:s24+$0x10] =	vst v7  }
0x4da: {  	v7 =	vld [tilespmem:s25+$0xFFFFFFE0];
	[tilespmem:s24+$0x20] =	vst v5;
	s24 =	smov.u32 s31  }
0x4db: {  	v5 =	vld [tilespmem:s31+$0xFFFFFFF0];
	v10 =	vadd.f32 v11, v10  }
0x4dc: {  	v11 =	vld [tilespmem:s25+$0xFFFFFFF0]  }
0x4dd: {  	v13 =	vadd.f32 v9, v8;
	v8 =	vld [tilespmem:s31+$0x0];
	[tilespmem:s31+$0x30] =	vst v10  }
0x4de: {  	v9 =	vld [tilespmem:s25+$0x0]  }
0x4df: {  	v7 =	vadd.f32 v7, v6;
	v10 =	vld [tilespmem:s31+$0x10]  }
0x4e0: {  	v12 =	vld [tilespmem:s25+$0x10]  }
0x4e1: {  	v5 =	vadd.f32 v11, v5;
	v15 =	vld [tilespmem:s31+$0x20]  }
0x4e2: {  	v17 =	vld [tilespmem:s25+$0x20]  }
0x4e3: {  	v18 =	vld [tilespmem:s31+$0xFFFFFFC0];
	v6 =	vadd.f32 v9, v8  }
0x4e4: {  	v19 =	vld [tilespmem:s26+$0xFFFFFFC0]  }
0x4e5: {  	v20 =	vld [tilespmem:s26+$0xFFFFFFD0];
	v8 =	vadd.f32 v12, v10  }
.Ltmp17:
0x4e6: {  	v14 =	vld [tilespmem:s26+$0xFFFFFFE0];
	(pc) =	sbr.rel @p0 .LBB2_37-.Ltmp17, $4  }
0x4e7: {  	v11 =	vld [tilespmem:s26+$0xFFFFFFF0];
	v9 =	vadd.f32 v17, v15  }
0x4e8: {  	v15 =	vadd.f32 v16, v18;
	v12 =	vld [tilespmem:s26+$0x0]  }
0x4e9: {  	v10 =	vld [tilespmem:s26+$0x10]  }
0x4ea: {  	s31 =	sadd.s32 $0x400, s31;
	v16 =	vadd.f32 v19, v15;
	v15 =	vadd.f32 v20, v13;
	v13 =	vld [tilespmem:s26+$0x20]  }
0x4eb: {  	_ = 	snop  }
0x4ec: {  	v7 =	vadd.f32 v14, v7;
	s23 =	sadd.s32 $0x1, s23;
	[tilespmem:s24+$0xFFFFFFC0] =	vst v16  }
0x4ed: {  	v5 =	vadd.f32 v11, v5;
	[tilespmem:s24+$0xFFFFFFD0] =	vst v15;
	p0 =	sne.s32 s23, $0x10  }
.Ltmp18:
0x4ee: {  	v6 =	vadd.f32 v12, v6;
	[tilespmem:s24+$0xFFFFFFE0] =	vst v7;
	(pc) =	sbr.rel @p0 .LBB2_36-.Ltmp18, $4  }
0x4ef: {  	v7 =	vadd.f32 v10, v8;
	[tilespmem:s24+$0xFFFFFFF0] =	vst v5  }
0x4f0: {  	v5 =	vadd.f32 v13, v9;
	[tilespmem:s24+$0x0] =	vst v6  }
0x4f1: {  	[tilespmem:s24+$0x10] =	vst v7  }
0x4f2: {  	s22 =	sadd.s32 $0x1, s22;
	[tilespmem:s24+$0x20] =	vst v5  }
0x4f3: {  	s22 =	simm.s32 $0x0;
	s23 =	rddreg [dreg:$0x17]  }
0x4f4: {  	[hbm4b:s23+s22] =	stream.linear.scatter [tilespmem:s5], [sflag:$0xC], $0x3000, $0x38;
	[tilespmem:$0x1C300] =	vst v63  }
0x4f5: {  	_ =	swait.ge [sflag:s20], $0x3000  }
0x4f6: {  	[sflag:s20] =	ssyncset.done $0x0  }
0x4f7: {  	s26 =	rddreg [dreg:$0x1c];
	[sflag:s20] =	ssyncadd.s32 $0xFFFFD000  }
0x4f8: {  	[tilespmem:s5], [sflag:$0x3] =	stream.linear.gather [hbm4b:s26+s22], $0x3000, $0x38;
	[tilespmem:$0x1C300] =	vst v63  }
0x4f9: {  	v5 =	vld [tilespmem:$0x780];
	_ =	sdelay $0x4  }
0x4fa: {  	v6 =	vshrl.u32 v5, $0x3  }
0x4fb: {  	v6 =	vmul.u32 $0x30, v6  }
0x4fc: {  	v5 =	vand.u32 $0x7, v5  }
0x4fd: {  	v5 =	vor.u32 v5, v6  }
0x4fe: {  	v6 =	vperm.xlane v5, v2;
	_ =	sdelay $0x1  }
0x4ff: {  	v6 =	vadd.s32 v3, v6;
	_ =	sdelay $0x3  }
0x500: {  	s28 =	simm.s32 $0x10300;
	v5 =	vperm.xlane v5, v4  }
0x501: {  	[tilespmem:s28], [sflag:$0x6] =	stream.indirect_vreg.gather [hbm4b:s29+s22], $0x80, v6, vm0, $0xb8;
	[tilespmem:$0x1C300] =	vst v63  }
0x502: {  	s31 =	simm.s32 $0x10B00;
	v5 =	vadd.s32 v3, v5  }
0x503: {  	[tilespmem:s31], [sflag:$0x6] =	stream.indirect_vreg.gather [hbm4b:s10+s22], $0x80, v6, vm0, $0xb8;
	[tilespmem:$0x1C300] =	vst v63  }
0x504: {  	s24 =	simm.s32 $0x11300  }
0x505: {  	[tilespmem:s24], [sflag:$0x6] =	stream.indirect_vreg.gather [hbm4b:s11+s22], $0x80, v6, vm0, $0xb8;
	[tilespmem:$0x1C300] =	vst v63  }
0x506: {  	s25 =	simm.s32 $0x11B00  }
0x507: {  	[tilespmem:s25], [sflag:$0x6] =	stream.indirect_vreg.gather [hbm4b:s29+s22], $0x80, v5, vm0, $0xb8;
	[tilespmem:$0x1C300] =	vst v63  }
0x508: {  	s26 =	simm.s32 $0x12300  }
0x509: {  	[tilespmem:s26], [sflag:$0x6] =	stream.indirect_vreg.gather [hbm4b:s10+s22], $0x80, v5, vm0, $0xb8;
	[tilespmem:$0x1C300] =	vst v63  }
0x50a: {  	s28 =	simm.s32 $0x12B00  }
0x50b: {  	[tilespmem:s28], [sflag:$0x6] =	stream.indirect_vreg.gather [hbm4b:s11+s22], $0x80, v5, vm0, $0xb8;
	[tilespmem:$0x1C300] =	vst v63  }
0x50c: {  	v5 =	vld [tilespmem:$0xF80];
	_ =	sdelay $0x4  }
0x50d: {  	v6 =	vshrl.u32 v5, $0x3  }
0x50e: {  	v6 =	vmul.u32 $0x30, v6  }
0x50f: {  	v5 =	vand.u32 $0x7, v5  }
0x510: {  	v5 =	vor.u32 v5, v6  }
0x511: {  	v6 =	vperm.xlane v5, v2;
	_ =	sdelay $0x1  }
0x512: {  	v6 =	vadd.s32 v3, v6;
	_ =	sdelay $0x3  }
0x513: {  	s31 =	simm.s32 $0x19300;
	v5 =	vperm.xlane v5, v4  }
0x514: {  	[tilespmem:s31], [sflag:$0x9] =	stream.indirect_vreg.gather [hbm4b:s2+s22], $0x80, v6, vm0, $0xb8;
	[tilespmem:$0x1C300] =	vst v63  }
0x515: {  	s24 =	simm.s32 $0x19B00;
	v5 =	vadd.s32 v3, v5  }
0x516: {  	[tilespmem:s24], [sflag:$0x9] =	stream.indirect_vreg.gather [hbm4b:s12+s22], $0x80, v6, vm0, $0xb8;
	[tilespmem:$0x1C300] =	vst v63  }
0x517: {  	s25 =	simm.s32 $0x1A300  }
0x518: {  	[tilespmem:s25], [sflag:$0x9] =	stream.indirect_vreg.gather [hbm4b:s13+s22], $0x80, v6, vm0, $0xb8;
	[tilespmem:$0x1C300] =	vst v63  }
0x519: {  	s26 =	simm.s32 $0x1AB00  }
0x51a: {  	[tilespmem:s26], [sflag:$0x9] =	stream.indirect_vreg.gather [hbm4b:s2+s22], $0x80, v5, vm0, $0xb8;
	[tilespmem:$0x1C300] =	vst v63  }
0x51b: {  	s28 =	simm.s32 $0x1B300  }
0x51c: {  	[tilespmem:s28], [sflag:$0x9] =	stream.indirect_vreg.gather [hbm4b:s12+s22], $0x80, v5, vm0, $0xb8;
	[tilespmem:$0x1C300] =	vst v63  }
0x51d: {  	s31 =	simm.s32 $0x1BB00  }
0x51e: {  	[tilespmem:s31], [sflag:$0x9] =	stream.indirect_vreg.gather [hbm4b:s13+s22], $0x80, v5, vm0, $0xb8;
	[tilespmem:$0x1C300] =	vst v63  }
0x51f: {  	_ =	swait.ge [sflag:s1], $0x3000  }
0x520: {  	[sflag:s1] =	ssyncset.done $0x0  }
0x521: {  	[sflag:s1] =	ssyncadd.s32 $0xFFFFD000  }
0x522: {  	_ =	swait.ge [sflag:s0], $0x3000  }
0x523: {  	[sflag:s0] =	ssyncset.done $0x0  }
0x524: {  	[sflag:s0] =	ssyncadd.s32 $0xFFFFD000  }
0x525: {  	_ =	swait.ge [sflag:s3], $0x3000  }
0x526: {  	[sflag:s3] =	ssyncset.done $0x0  }
0x527: {  	s23 =	simm.s32 $0x0;
	[sflag:s3] =	ssyncadd.s32 $0xFFFFD000  }
.LBB2_40:
0x528: {  	s24 =	sshrl.u32 s23, $0x3  }
0x529: {  	s25 =	sand.u32 $0x7, s22;
	s24 =	smul.u32 $0x6000, s24  }
0x52a: {  	s25 =	sshll.u32 s25, $0x9  }
0x52b: {  	s24 =	sor.u32 s25, s24  }
0x52c: {  	s26 =	sshra.s32 s24, $0x2  }
0x52d: {  	s24 =	sadd.s32 $0x1340, s26  }
0x52e: {  	s25 =	sadd.s32 $0xA340, s26;
	v5 =	vld [tilespmem:s24+$0x30]  }
0x52f: {  	v6 =	vld [tilespmem:s25+$0x30]  }
0x530: {  	s26 =	sadd.s32 $0x13340, s26;
	v8 =	vld [tilespmem:s25+$0xFFFFFFC0]  }
0x531: {  	v7 =	vld [tilespmem:s26+$0x30]  }
0x532: {  	v9 =	vld [tilespmem:s24+$0xFFFFFFD0]  }
0x533: {  	v10 =	vld [tilespmem:s25+$0xFFFFFFD0]  }
0x534: {  	v11 =	vld [tilespmem:s24+$0xFFFFFFE0]  }
0x535: {  	v12 =	vld [tilespmem:s25+$0xFFFFFFE0]  }
0x536: {  	v13 =	vld [tilespmem:s24+$0xFFFFFFF0]  }
0x537: {  	v15 =	vld [tilespmem:s25+$0xFFFFFFF0]  }
0x538: {  	v16 =	vld [tilespmem:s24+$0x0]  }
0x539: {  	v17 =	vld [tilespmem:s25+$0x0]  }
0x53a: {  	v18 =	vld [tilespmem:s24+$0x10]  }
0x53b: {  	v19 =	vld [tilespmem:s25+$0x10]  }
0x53c: {  	v20 =	vld [tilespmem:s24+$0x20]  }
0x53d: {  	v21 =	vld [tilespmem:s25+$0x20]  }
0x53e: {  	v22 =	vld [tilespmem:s24+$0xFFFFFFC0]  }
0x53f: {  	v23 =	vld [tilespmem:s26+$0xFFFFFFC0]  }
0x540: {  	v24 =	vld [tilespmem:s26+$0xFFFFFFD0];
	v5 =	vadd.f32 v6, v5  }
0x541: {  	v14 =	vld [tilespmem:s26+$0xFFFFFFE0];
	v26 =	vadd.f32 v10, v9;
	v6 =	vadd.f32 v17, v16  }
0x542: {  	v25 =	vadd.f32 v7, v5;
	v7 =	vadd.f32 v12, v11;
	v11 =	vld [tilespmem:s26+$0xFFFFFFF0]  }
0x543: {  	v5 =	vadd.f32 v15, v13;
	v13 =	vadd.f32 v8, v22;
	v12 =	vld [tilespmem:s26+$0x0]  }
0x544: {  	v9 =	vadd.f32 v21, v20;
	v10 =	vld [tilespmem:s26+$0x10];
	v8 =	vadd.f32 v19, v18  }
0x545: {  	s28 =	simm.s32 $0x0;
	s31 =	sadd.s32 $0x400, s24;
	v15 =	vadd.f32 v24, v26;
	[tilespmem:s24+$0x30] =	vst v25;
	v16 =	vadd.f32 v23, v13;
	v13 =	vld [tilespmem:s26+$0x20]  }
.LBB2_41:
0x546: {  	v17 =	vld [tilespmem:s31+$0x30];
	v7 =	vadd.f32 v14, v7;
	s25 =	sadd.s32 $0x400, s25  }
0x547: {  	s28 =	sadd.s32 $0x8, s28;
	v14 =	vld [tilespmem:s25+$0x30];
	[tilespmem:s24+$0xFFFFFFC0] =	vst v16;
	v5 =	vadd.f32 v11, v5  }
0x548: {  	s26 =	sadd.s32 $0x400, s26;
	p0 =	slt.u32 s28, $0x28;
	v16 =	vld [tilespmem:s25+$0xFFFFFFC0];
	[tilespmem:s24+$0xFFFFFFD0] =	vst v15;
	v6 =	vadd.f32 v12, v6  }
0x549: {  	v11 =	vld [tilespmem:s26+$0x30];
	[tilespmem:s24+$0xFFFFFFE0] =	vst v7;
	v7 =	vadd.f32 v10, v8  }
0x54a: {  	v8 =	vld [tilespmem:s31+$0xFFFFFFD0];
	[tilespmem:s24+$0xFFFFFFF0] =	vst v5;
	v5 =	vadd.f32 v13, v9  }
0x54b: {  	v9 =	vld [tilespmem:s25+$0xFFFFFFD0];
	[tilespmem:s24+$0x0] =	vst v6  }
0x54c: {  	v6 =	vld [tilespmem:s31+$0xFFFFFFE0];
	v10 =	vadd.f32 v14, v17;
	[tilespmem:s24+$0x10] =	vst v7  }
0x54d: {  	v7 =	vld [tilespmem:s25+$0xFFFFFFE0];
	[tilespmem:s24+$0x20] =	vst v5;
	s24 =	smov.u32 s31  }
0x54e: {  	v5 =	vld [tilespmem:s31+$0xFFFFFFF0];
	v10 =	vadd.f32 v11, v10  }
0x54f: {  	v11 =	vld [tilespmem:s25+$0xFFFFFFF0]  }
0x550: {  	v13 =	vadd.f32 v9, v8;
	v8 =	vld [tilespmem:s31+$0x0];
	[tilespmem:s31+$0x30] =	vst v10  }
0x551: {  	v9 =	vld [tilespmem:s25+$0x0]  }
0x552: {  	v7 =	vadd.f32 v7, v6;
	v10 =	vld [tilespmem:s31+$0x10]  }
0x553: {  	v12 =	vld [tilespmem:s25+$0x10]  }
0x554: {  	v5 =	vadd.f32 v11, v5;
	v15 =	vld [tilespmem:s31+$0x20]  }
0x555: {  	v17 =	vld [tilespmem:s25+$0x20]  }
0x556: {  	v18 =	vld [tilespmem:s31+$0xFFFFFFC0];
	v6 =	vadd.f32 v9, v8  }
0x557: {  	v19 =	vld [tilespmem:s26+$0xFFFFFFC0]  }
0x558: {  	v20 =	vld [tilespmem:s26+$0xFFFFFFD0];
	v8 =	vadd.f32 v12, v10  }
.Ltmp19:
0x559: {  	v14 =	vld [tilespmem:s26+$0xFFFFFFE0];
	(pc) =	sbr.rel @p0 .LBB2_41-.Ltmp19, $4  }
0x55a: {  	v11 =	vld [tilespmem:s26+$0xFFFFFFF0];
	v9 =	vadd.f32 v17, v15  }
0x55b: {  	v15 =	vadd.f32 v16, v18;
	v12 =	vld [tilespmem:s26+$0x0]  }
0x55c: {  	v10 =	vld [tilespmem:s26+$0x10]  }
0x55d: {  	s31 =	sadd.s32 $0x400, s31;
	v16 =	vadd.f32 v19, v15;
	v15 =	vadd.f32 v20, v13;
	v13 =	vld [tilespmem:s26+$0x20]  }
0x55e: {  	_ = 	snop  }
0x55f: {  	v7 =	vadd.f32 v14, v7;
	s23 =	sadd.s32 $0x1, s23;
	[tilespmem:s24+$0xFFFFFFC0] =	vst v16  }
0x560: {  	v5 =	vadd.f32 v11, v5;
	[tilespmem:s24+$0xFFFFFFD0] =	vst v15;
	p0 =	sne.s32 s23, $0x10  }
.Ltmp20:
0x561: {  	v6 =	vadd.f32 v12, v6;
	[tilespmem:s24+$0xFFFFFFE0] =	vst v7;
	(pc) =	sbr.rel @p0 .LBB2_40-.Ltmp20, $4  }
0x562: {  	v7 =	vadd.f32 v10, v8;
	[tilespmem:s24+$0xFFFFFFF0] =	vst v5  }
0x563: {  	v5 =	vadd.f32 v13, v9;
	[tilespmem:s24+$0x0] =	vst v6  }
0x564: {  	[tilespmem:s24+$0x10] =	vst v7  }
0x565: {  	s22 =	sadd.s32 $0x1, s22;
	[tilespmem:s24+$0x20] =	vst v5  }
0x566: {  	s22 =	simm.s32 $0x0;
	s23 =	rddreg [dreg:$0x19]  }
0x567: {  	[hbm4b:s23+s22] =	stream.linear.scatter [tilespmem:s16], [sflag:$0xA], $0x3000, $0x38;
	[tilespmem:$0x1C300] =	vst v63  }
0x568: {  	_ =	swait.ge [sflag:s4], $0x3000  }
0x569: {  	[sflag:s4] =	ssyncset.done $0x0  }
0x56a: {  	s26 =	rddreg [dreg:$0x1e];
	[sflag:s4] =	ssyncadd.s32 $0xFFFFD000  }
0x56b: {  	[tilespmem:s16], [sflag:$0x1] =	stream.linear.gather [hbm4b:s26+s22], $0x3000, $0x38;
	[tilespmem:$0x1C300] =	vst v63  }
0x56c: {  	v5 =	vld [tilespmem:$0x800];
	_ =	sdelay $0x4  }
0x56d: {  	v6 =	vshrl.u32 v5, $0x3  }
0x56e: {  	v6 =	vmul.u32 $0x30, v6  }
0x56f: {  	v5 =	vand.u32 $0x7, v5  }
0x570: {  	v5 =	vor.u32 v5, v6  }
0x571: {  	v6 =	vperm.xlane v5, v2;
	_ =	sdelay $0x1  }
0x572: {  	v6 =	vadd.s32 v3, v6;
	_ =	sdelay $0x3  }
0x573: {  	s28 =	simm.s32 $0xA300;
	v5 =	vperm.xlane v5, v4  }
0x574: {  	[tilespmem:s28], [sflag:$0x4] =	stream.indirect_vreg.gather [hbm4b:s29+s22], $0x80, v6, vm0, $0xb8;
	[tilespmem:$0x1C300] =	vst v63  }
0x575: {  	s31 =	simm.s32 $0xAB00;
	v5 =	vadd.s32 v3, v5  }
0x576: {  	[tilespmem:s31], [sflag:$0x4] =	stream.indirect_vreg.gather [hbm4b:s10+s22], $0x80, v6, vm0, $0xb8;
	[tilespmem:$0x1C300] =	vst v63  }
0x577: {  	s24 =	simm.s32 $0xB300  }
0x578: {  	[tilespmem:s24], [sflag:$0x4] =	stream.indirect_vreg.gather [hbm4b:s11+s22], $0x80, v6, vm0, $0xb8;
	[tilespmem:$0x1C300] =	vst v63  }
0x579: {  	s25 =	simm.s32 $0xBB00  }
0x57a: {  	[tilespmem:s25], [sflag:$0x4] =	stream.indirect_vreg.gather [hbm4b:s29+s22], $0x80, v5, vm0, $0xb8;
	[tilespmem:$0x1C300] =	vst v63  }
0x57b: {  	s26 =	simm.s32 $0xC300  }
0x57c: {  	[tilespmem:s26], [sflag:$0x4] =	stream.indirect_vreg.gather [hbm4b:s10+s22], $0x80, v5, vm0, $0xb8;
	[tilespmem:$0x1C300] =	vst v63  }
0x57d: {  	s28 =	simm.s32 $0xCB00  }
0x57e: {  	[tilespmem:s28], [sflag:$0x4] =	stream.indirect_vreg.gather [hbm4b:s11+s22], $0x80, v5, vm0, $0xb8;
	[tilespmem:$0x1C300] =	vst v63  }
0x57f: {  	v5 =	vld [tilespmem:$0x1000];
	_ =	sdelay $0x4  }
0x580: {  	v6 =	vshrl.u32 v5, $0x3  }
0x581: {  	v6 =	vmul.u32 $0x30, v6  }
0x582: {  	v5 =	vand.u32 $0x7, v5  }
0x583: {  	v5 =	vor.u32 v5, v6  }
0x584: {  	v6 =	vperm.xlane v5, v2;
	_ =	sdelay $0x1  }
0x585: {  	v6 =	vadd.s32 v3, v6;
	_ =	sdelay $0x3  }
0x586: {  	s31 =	simm.s32 $0x13300;
	v5 =	vperm.xlane v5, v4  }
0x587: {  	[tilespmem:s31], [sflag:$0x7] =	stream.indirect_vreg.gather [hbm4b:s2+s22], $0x80, v6, vm0, $0xb8;
	[tilespmem:$0x1C300] =	vst v63  }
0x588: {  	s24 =	simm.s32 $0x13B00;
	v5 =	vadd.s32 v3, v5  }
0x589: {  	[tilespmem:s24], [sflag:$0x7] =	stream.indirect_vreg.gather [hbm4b:s12+s22], $0x80, v6, vm0, $0xb8;
	[tilespmem:$0x1C300] =	vst v63  }
0x58a: {  	s25 =	simm.s32 $0x14300  }
0x58b: {  	[tilespmem:s25], [sflag:$0x7] =	stream.indirect_vreg.gather [hbm4b:s13+s22], $0x80, v6, vm0, $0xb8;
	[tilespmem:$0x1C300] =	vst v63  }
0x58c: {  	s26 =	simm.s32 $0x14B00  }
0x58d: {  	[tilespmem:s26], [sflag:$0x7] =	stream.indirect_vreg.gather [hbm4b:s2+s22], $0x80, v5, vm0, $0xb8;
	[tilespmem:$0x1C300] =	vst v63  }
0x58e: {  	s28 =	simm.s32 $0x15300  }
0x58f: {  	[tilespmem:s28], [sflag:$0x7] =	stream.indirect_vreg.gather [hbm4b:s12+s22], $0x80, v5, vm0, $0xb8;
	[tilespmem:$0x1C300] =	vst v63  }
0x590: {  	s31 =	simm.s32 $0x15B00  }
0x591: {  	[tilespmem:s31], [sflag:$0x7] =	stream.indirect_vreg.gather [hbm4b:s13+s22], $0x80, v5, vm0, $0xb8;
	[tilespmem:$0x1C300] =	vst v63  }
0x592: {  	_ =	swait.ge [sflag:s6], $0x3000  }
0x593: {  	[sflag:s6] =	ssyncset.done $0x0  }
0x594: {  	[sflag:s6] =	ssyncadd.s32 $0xFFFFD000  }
0x595: {  	_ =	swait.ge [sflag:s7], $0x3000  }
0x596: {  	[sflag:s7] =	ssyncset.done $0x0  }
0x597: {  	[sflag:s7] =	ssyncadd.s32 $0xFFFFD000  }
0x598: {  	_ =	swait.ge [sflag:s8], $0x3000  }
0x599: {  	[sflag:s8] =	ssyncset.done $0x0  }
0x59a: {  	s23 =	simm.s32 $0x0;
	[sflag:s8] =	ssyncadd.s32 $0xFFFFD000  }
.LBB2_44:
0x59b: {  	s24 =	sshrl.u32 s23, $0x3  }
0x59c: {  	s25 =	sand.u32 $0x7, s22;
	s24 =	smul.u32 $0x6000, s24  }
0x59d: {  	s25 =	sshll.u32 s25, $0x9  }
0x59e: {  	s24 =	sor.u32 s25, s24  }
0x59f: {  	s26 =	sshra.s32 s24, $0x2  }
0x5a0: {  	s24 =	sadd.s32 $0x4340, s26  }
0x5a1: {  	s25 =	sadd.s32 $0xD340, s26;
	v5 =	vld [tilespmem:s24+$0x30]  }
0x5a2: {  	v6 =	vld [tilespmem:s25+$0x30]  }
0x5a3: {  	s26 =	sadd.s32 $0x16340, s26;
	v8 =	vld [tilespmem:s25+$0xFFFFFFC0]  }
0x5a4: {  	v7 =	vld [tilespmem:s26+$0x30]  }
0x5a5: {  	v9 =	vld [tilespmem:s24+$0xFFFFFFD0]  }
0x5a6: {  	v10 =	vld [tilespmem:s25+$0xFFFFFFD0]  }
0x5a7: {  	v11 =	vld [tilespmem:s24+$0xFFFFFFE0]  }
0x5a8: {  	v12 =	vld [tilespmem:s25+$0xFFFFFFE0]  }
0x5a9: {  	v13 =	vld [tilespmem:s24+$0xFFFFFFF0]  }
0x5aa: {  	v15 =	vld [tilespmem:s25+$0xFFFFFFF0]  }
0x5ab: {  	v16 =	vld [tilespmem:s24+$0x0]  }
0x5ac: {  	v17 =	vld [tilespmem:s25+$0x0]  }
0x5ad: {  	v18 =	vld [tilespmem:s24+$0x10]  }
0x5ae: {  	v19 =	vld [tilespmem:s25+$0x10]  }
0x5af: {  	v20 =	vld [tilespmem:s24+$0x20]  }
0x5b0: {  	v21 =	vld [tilespmem:s25+$0x20]  }
0x5b1: {  	v22 =	vld [tilespmem:s24+$0xFFFFFFC0]  }
0x5b2: {  	v23 =	vld [tilespmem:s26+$0xFFFFFFC0]  }
0x5b3: {  	v24 =	vld [tilespmem:s26+$0xFFFFFFD0];
	v5 =	vadd.f32 v6, v5  }
0x5b4: {  	v14 =	vld [tilespmem:s26+$0xFFFFFFE0];
	v26 =	vadd.f32 v10, v9;
	v6 =	vadd.f32 v17, v16  }
0x5b5: {  	v25 =	vadd.f32 v7, v5;
	v7 =	vadd.f32 v12, v11;
	v11 =	vld [tilespmem:s26+$0xFFFFFFF0]  }
0x5b6: {  	v5 =	vadd.f32 v15, v13;
	v13 =	vadd.f32 v8, v22;
	v12 =	vld [tilespmem:s26+$0x0]  }
0x5b7: {  	v9 =	vadd.f32 v21, v20;
	v10 =	vld [tilespmem:s26+$0x10];
	v8 =	vadd.f32 v19, v18  }
0x5b8: {  	s28 =	simm.s32 $0x0;
	s31 =	sadd.s32 $0x400, s24;
	v15 =	vadd.f32 v24, v26;
	[tilespmem:s24+$0x30] =	vst v25;
	v16 =	vadd.f32 v23, v13;
	v13 =	vld [tilespmem:s26+$0x20]  }
.LBB2_45:
0x5b9: {  	v17 =	vld [tilespmem:s31+$0x30];
	v7 =	vadd.f32 v14, v7;
	s25 =	sadd.s32 $0x400, s25  }
0x5ba: {  	s28 =	sadd.s32 $0x8, s28;
	v14 =	vld [tilespmem:s25+$0x30];
	[tilespmem:s24+$0xFFFFFFC0] =	vst v16;
	v5 =	vadd.f32 v11, v5  }
0x5bb: {  	s26 =	sadd.s32 $0x400, s26;
	p0 =	slt.u32 s28, $0x28;
	v16 =	vld [tilespmem:s25+$0xFFFFFFC0];
	[tilespmem:s24+$0xFFFFFFD0] =	vst v15;
	v6 =	vadd.f32 v12, v6  }
0x5bc: {  	v11 =	vld [tilespmem:s26+$0x30];
	[tilespmem:s24+$0xFFFFFFE0] =	vst v7;
	v7 =	vadd.f32 v10, v8  }
0x5bd: {  	v8 =	vld [tilespmem:s31+$0xFFFFFFD0];
	[tilespmem:s24+$0xFFFFFFF0] =	vst v5;
	v5 =	vadd.f32 v13, v9  }
0x5be: {  	v9 =	vld [tilespmem:s25+$0xFFFFFFD0];
	[tilespmem:s24+$0x0] =	vst v6  }
0x5bf: {  	v6 =	vld [tilespmem:s31+$0xFFFFFFE0];
	v10 =	vadd.f32 v14, v17;
	[tilespmem:s24+$0x10] =	vst v7  }
0x5c0: {  	v7 =	vld [tilespmem:s25+$0xFFFFFFE0];
	[tilespmem:s24+$0x20] =	vst v5;
	s24 =	smov.u32 s31  }
0x5c1: {  	v5 =	vld [tilespmem:s31+$0xFFFFFFF0];
	v10 =	vadd.f32 v11, v10  }
0x5c2: {  	v11 =	vld [tilespmem:s25+$0xFFFFFFF0]  }
0x5c3: {  	v13 =	vadd.f32 v9, v8;
	v8 =	vld [tilespmem:s31+$0x0];
	[tilespmem:s31+$0x30] =	vst v10  }
0x5c4: {  	v9 =	vld [tilespmem:s25+$0x0]  }
0x5c5: {  	v7 =	vadd.f32 v7, v6;
	v10 =	vld [tilespmem:s31+$0x10]  }
0x5c6: {  	v12 =	vld [tilespmem:s25+$0x10]  }
0x5c7: {  	v5 =	vadd.f32 v11, v5;
	v15 =	vld [tilespmem:s31+$0x20]  }
0x5c8: {  	v17 =	vld [tilespmem:s25+$0x20]  }
0x5c9: {  	v18 =	vld [tilespmem:s31+$0xFFFFFFC0];
	v6 =	vadd.f32 v9, v8  }
0x5ca: {  	v19 =	vld [tilespmem:s26+$0xFFFFFFC0]  }
0x5cb: {  	v20 =	vld [tilespmem:s26+$0xFFFFFFD0];
	v8 =	vadd.f32 v12, v10  }
.Ltmp21:
0x5cc: {  	v14 =	vld [tilespmem:s26+$0xFFFFFFE0];
	(pc) =	sbr.rel @p0 .LBB2_45-.Ltmp21, $4  }
0x5cd: {  	v11 =	vld [tilespmem:s26+$0xFFFFFFF0];
	v9 =	vadd.f32 v17, v15  }
0x5ce: {  	v15 =	vadd.f32 v16, v18;
	v12 =	vld [tilespmem:s26+$0x0]  }
0x5cf: {  	v10 =	vld [tilespmem:s26+$0x10]  }
0x5d0: {  	s31 =	sadd.s32 $0x400, s31;
	v16 =	vadd.f32 v19, v15;
	v15 =	vadd.f32 v20, v13;
	v13 =	vld [tilespmem:s26+$0x20]  }
0x5d1: {  	_ = 	snop  }
0x5d2: {  	v7 =	vadd.f32 v14, v7;
	s23 =	sadd.s32 $0x1, s23;
	[tilespmem:s24+$0xFFFFFFC0] =	vst v16  }
0x5d3: {  	v5 =	vadd.f32 v11, v5;
	[tilespmem:s24+$0xFFFFFFD0] =	vst v15;
	p0 =	sne.s32 s23, $0x10  }
.Ltmp22:
0x5d4: {  	v6 =	vadd.f32 v12, v6;
	[tilespmem:s24+$0xFFFFFFE0] =	vst v7;
	(pc) =	sbr.rel @p0 .LBB2_44-.Ltmp22, $4  }
0x5d5: {  	v7 =	vadd.f32 v10, v8;
	[tilespmem:s24+$0xFFFFFFF0] =	vst v5  }
0x5d6: {  	v5 =	vadd.f32 v13, v9;
	[tilespmem:s24+$0x0] =	vst v6  }
0x5d7: {  	[tilespmem:s24+$0x10] =	vst v7  }
0x5d8: {  	s22 =	sadd.s32 $0x1, s22;
	[tilespmem:s24+$0x20] =	vst v5  }
0x5d9: {  	s22 =	simm.s32 $0x0;
	s23 =	rddreg [dreg:$0x1b]  }
0x5da: {  	[hbm4b:s23+s22] =	stream.linear.scatter [tilespmem:s30], [sflag:$0xB], $0x3000, $0x38;
	[tilespmem:$0x1C300] =	vst v63  }
0x5db: {  	_ =	swait.ge [sflag:s9], $0x3000  }
0x5dc: {  	s26 =	sld [smem:$0x7F4]  }
0x5dd: {  	[sflag:s9] =	ssyncset.done $0x0  }
0x5de: {  	[sflag:s9] =	ssyncadd.s32 $0xFFFFD000  }
0x5df: {  	[tilespmem:s30], [sflag:$0x2] =	stream.linear.gather [hbm4b:s26+s22], $0x3000, $0x38;
	[tilespmem:$0x1C300] =	vst v63  }
0x5e0: {  	v5 =	vld [tilespmem:$0x880];
	_ =	sdelay $0x4  }
0x5e1: {  	v6 =	vshrl.u32 v5, $0x3  }
0x5e2: {  	v6 =	vmul.u32 $0x30, v6  }
0x5e3: {  	v5 =	vand.u32 $0x7, v5  }
0x5e4: {  	v5 =	vor.u32 v5, v6  }
0x5e5: {  	v6 =	vperm.xlane v5, v2;
	_ =	sdelay $0x1  }
0x5e6: {  	v6 =	vadd.s32 v3, v6;
	_ =	sdelay $0x3  }
0x5e7: {  	s28 =	simm.s32 $0xD300;
	v5 =	vperm.xlane v5, v4  }
0x5e8: {  	[tilespmem:s28], [sflag:$0x5] =	stream.indirect_vreg.gather [hbm4b:s29+s22], $0x80, v6, vm0, $0xb8;
	[tilespmem:$0x1C300] =	vst v63  }
0x5e9: {  	s31 =	simm.s32 $0xDB00;
	v5 =	vadd.s32 v3, v5  }
0x5ea: {  	[tilespmem:s31], [sflag:$0x5] =	stream.indirect_vreg.gather [hbm4b:s10+s22], $0x80, v6, vm0, $0xb8;
	[tilespmem:$0x1C300] =	vst v63  }
0x5eb: {  	s24 =	simm.s32 $0xE300  }
0x5ec: {  	[tilespmem:s24], [sflag:$0x5] =	stream.indirect_vreg.gather [hbm4b:s11+s22], $0x80, v6, vm0, $0xb8;
	[tilespmem:$0x1C300] =	vst v63  }
0x5ed: {  	s25 =	simm.s32 $0xEB00  }
0x5ee: {  	[tilespmem:s25], [sflag:$0x5] =	stream.indirect_vreg.gather [hbm4b:s29+s22], $0x80, v5, vm0, $0xb8;
	[tilespmem:$0x1C300] =	vst v63  }
0x5ef: {  	s26 =	simm.s32 $0xF300  }
0x5f0: {  	[tilespmem:s26], [sflag:$0x5] =	stream.indirect_vreg.gather [hbm4b:s10+s22], $0x80, v5, vm0, $0xb8;
	[tilespmem:$0x1C300] =	vst v63  }
0x5f1: {  	s28 =	simm.s32 $0xFB00  }
0x5f2: {  	[tilespmem:s28], [sflag:$0x5] =	stream.indirect_vreg.gather [hbm4b:s11+s22], $0x80, v5, vm0, $0xb8;
	[tilespmem:$0x1C300] =	vst v63  }
0x5f3: {  	v5 =	vld [tilespmem:$0x1080];
	_ =	sdelay $0x4  }
0x5f4: {  	v6 =	vshrl.u32 v5, $0x3  }
0x5f5: {  	v6 =	vmul.u32 $0x30, v6  }
0x5f6: {  	v5 =	vand.u32 $0x7, v5  }
0x5f7: {  	v5 =	vor.u32 v5, v6  }
0x5f8: {  	v6 =	vperm.xlane v5, v2;
	_ =	sdelay $0x1  }
0x5f9: {  	v6 =	vadd.s32 v3, v6;
	_ =	sdelay $0x3  }
0x5fa: {  	s31 =	simm.s32 $0x16300;
	v5 =	vperm.xlane v5, v4  }
0x5fb: {  	[tilespmem:s31], [sflag:$0x8] =	stream.indirect_vreg.gather [hbm4b:s2+s22], $0x80, v6, vm0, $0xb8;
	[tilespmem:$0x1C300] =	vst v63  }
0x5fc: {  	s24 =	simm.s32 $0x16B00;
	v5 =	vadd.s32 v3, v5  }
0x5fd: {  	[tilespmem:s24], [sflag:$0x8] =	stream.indirect_vreg.gather [hbm4b:s12+s22], $0x80, v6, vm0, $0xb8;
	[tilespmem:$0x1C300] =	vst v63  }
0x5fe: {  	s25 =	simm.s32 $0x17300  }
0x5ff: {  	[tilespmem:s25], [sflag:$0x8] =	stream.indirect_vreg.gather [hbm4b:s13+s22], $0x80, v6, vm0, $0xb8;
	[tilespmem:$0x1C300] =	vst v63  }
0x600: {  	s26 =	simm.s32 $0x17B00  }
0x601: {  	[tilespmem:s26], [sflag:$0x8] =	stream.indirect_vreg.gather [hbm4b:s2+s22], $0x80, v5, vm0, $0xb8;
	[tilespmem:$0x1C300] =	vst v63  }
0x602: {  	s28 =	simm.s32 $0x18300  }
0x603: {  	[tilespmem:s28], [sflag:$0x8] =	stream.indirect_vreg.gather [hbm4b:s12+s22], $0x80, v5, vm0, $0xb8;
	[tilespmem:$0x1C300] =	vst v63  }
0x604: {  	s31 =	simm.s32 $0x18B00  }
0x605: {  	[tilespmem:s31], [sflag:$0x8] =	stream.indirect_vreg.gather [hbm4b:s13+s22], $0x80, v5, vm0, $0xb8;
	[tilespmem:$0x1C300] =	vst v63  }
0x606: {  	_ =	swait.ge [sflag:s17], $0x3000  }
0x607: {  	[sflag:s17] =	ssyncset.done $0x0  }
0x608: {  	[sflag:s17] =	ssyncadd.s32 $0xFFFFD000  }
0x609: {  	_ =	swait.ge [sflag:s18], $0x3000  }
0x60a: {  	[sflag:s18] =	ssyncset.done $0x0  }
0x60b: {  	[sflag:s18] =	ssyncadd.s32 $0xFFFFD000  }
0x60c: {  	_ =	swait.ge [sflag:s19], $0x3000  }
0x60d: {  	[sflag:s19] =	ssyncset.done $0x0  }
0x60e: {  	s23 =	simm.s32 $0x0;
	[sflag:s19] =	ssyncadd.s32 $0xFFFFD000  }
.LBB2_48:
0x60f: {  	s24 =	sshrl.u32 s23, $0x3  }
0x610: {  	s25 =	sand.u32 $0x7, s22;
	s24 =	smul.u32 $0x6000, s24  }
0x611: {  	s25 =	sshll.u32 s25, $0x9  }
0x612: {  	s24 =	sor.u32 s25, s24  }
0x613: {  	s26 =	sshra.s32 s24, $0x2  }
0x614: {  	s24 =	sadd.s32 $0x7340, s26  }
0x615: {  	s25 =	sadd.s32 $0x10340, s26;
	v5 =	vld [tilespmem:s24+$0x30]  }
0x616: {  	v6 =	vld [tilespmem:s25+$0x30]  }
0x617: {  	s26 =	sadd.s32 $0x19340, s26;
	v8 =	vld [tilespmem:s25+$0xFFFFFFC0]  }
0x618: {  	v7 =	vld [tilespmem:s26+$0x30]  }
0x619: {  	v9 =	vld [tilespmem:s24+$0xFFFFFFD0]  }
0x61a: {  	v10 =	vld [tilespmem:s25+$0xFFFFFFD0]  }
0x61b: {  	v11 =	vld [tilespmem:s24+$0xFFFFFFE0]  }
0x61c: {  	v12 =	vld [tilespmem:s25+$0xFFFFFFE0]  }
0x61d: {  	v13 =	vld [tilespmem:s24+$0xFFFFFFF0]  }
0x61e: {  	v15 =	vld [tilespmem:s25+$0xFFFFFFF0]  }
0x61f: {  	v16 =	vld [tilespmem:s24+$0x0]  }
0x620: {  	v17 =	vld [tilespmem:s25+$0x0]  }
0x621: {  	v18 =	vld [tilespmem:s24+$0x10]  }
0x622: {  	v19 =	vld [tilespmem:s25+$0x10]  }
0x623: {  	v20 =	vld [tilespmem:s24+$0x20]  }
0x624: {  	v21 =	vld [tilespmem:s25+$0x20]  }
0x625: {  	v22 =	vld [tilespmem:s24+$0xFFFFFFC0]  }
0x626: {  	v23 =	vld [tilespmem:s26+$0xFFFFFFC0]  }
0x627: {  	v24 =	vld [tilespmem:s26+$0xFFFFFFD0];
	v5 =	vadd.f32 v6, v5  }
0x628: {  	v14 =	vld [tilespmem:s26+$0xFFFFFFE0];
	v26 =	vadd.f32 v10, v9;
	v6 =	vadd.f32 v17, v16  }
0x629: {  	v25 =	vadd.f32 v7, v5;
	v7 =	vadd.f32 v12, v11;
	v11 =	vld [tilespmem:s26+$0xFFFFFFF0]  }
0x62a: {  	v5 =	vadd.f32 v15, v13;
	v13 =	vadd.f32 v8, v22;
	v12 =	vld [tilespmem:s26+$0x0]  }
0x62b: {  	v9 =	vadd.f32 v21, v20;
	v10 =	vld [tilespmem:s26+$0x10];
	v8 =	vadd.f32 v19, v18  }
0x62c: {  	s28 =	simm.s32 $0x0;
	s31 =	sadd.s32 $0x400, s24;
	v15 =	vadd.f32 v24, v26;
	[tilespmem:s24+$0x30] =	vst v25;
	v16 =	vadd.f32 v23, v13;
	v13 =	vld [tilespmem:s26+$0x20]  }
.LBB2_49:
0x62d: {  	v17 =	vld [tilespmem:s31+$0x30];
	v7 =	vadd.f32 v14, v7;
	s25 =	sadd.s32 $0x400, s25  }
0x62e: {  	s28 =	sadd.s32 $0x8, s28;
	v14 =	vld [tilespmem:s25+$0x30];
	[tilespmem:s24+$0xFFFFFFC0] =	vst v16;
	v5 =	vadd.f32 v11, v5  }
0x62f: {  	s26 =	sadd.s32 $0x400, s26;
	p0 =	slt.u32 s28, $0x28;
	v16 =	vld [tilespmem:s25+$0xFFFFFFC0];
	[tilespmem:s24+$0xFFFFFFD0] =	vst v15;
	v6 =	vadd.f32 v12, v6  }
0x630: {  	v11 =	vld [tilespmem:s26+$0x30];
	[tilespmem:s24+$0xFFFFFFE0] =	vst v7;
	v7 =	vadd.f32 v10, v8  }
0x631: {  	v8 =	vld [tilespmem:s31+$0xFFFFFFD0];
	[tilespmem:s24+$0xFFFFFFF0] =	vst v5;
	v5 =	vadd.f32 v13, v9  }
0x632: {  	v9 =	vld [tilespmem:s25+$0xFFFFFFD0];
	[tilespmem:s24+$0x0] =	vst v6  }
0x633: {  	v6 =	vld [tilespmem:s31+$0xFFFFFFE0];
	v10 =	vadd.f32 v14, v17;
	[tilespmem:s24+$0x10] =	vst v7  }
0x634: {  	v7 =	vld [tilespmem:s25+$0xFFFFFFE0];
	[tilespmem:s24+$0x20] =	vst v5;
	s24 =	smov.u32 s31  }
0x635: {  	v5 =	vld [tilespmem:s31+$0xFFFFFFF0];
	v10 =	vadd.f32 v11, v10  }
0x636: {  	v11 =	vld [tilespmem:s25+$0xFFFFFFF0]  }
0x637: {  	v13 =	vadd.f32 v9, v8;
	v8 =	vld [tilespmem:s31+$0x0];
	[tilespmem:s31+$0x30] =	vst v10  }
0x638: {  	v9 =	vld [tilespmem:s25+$0x0]  }
0x639: {  	v7 =	vadd.f32 v7, v6;
	v10 =	vld [tilespmem:s31+$0x10]  }
0x63a: {  	v12 =	vld [tilespmem:s25+$0x10]  }
0x63b: {  	v5 =	vadd.f32 v11, v5;
	v15 =	vld [tilespmem:s31+$0x20]  }
0x63c: {  	v17 =	vld [tilespmem:s25+$0x20]  }
0x63d: {  	v18 =	vld [tilespmem:s31+$0xFFFFFFC0];
	v6 =	vadd.f32 v9, v8  }
0x63e: {  	v19 =	vld [tilespmem:s26+$0xFFFFFFC0]  }
0x63f: {  	v20 =	vld [tilespmem:s26+$0xFFFFFFD0];
	v8 =	vadd.f32 v12, v10  }
.Ltmp23:
0x640: {  	v14 =	vld [tilespmem:s26+$0xFFFFFFE0];
	(pc) =	sbr.rel @p0 .LBB2_49-.Ltmp23, $4  }
0x641: {  	v11 =	vld [tilespmem:s26+$0xFFFFFFF0];
	v9 =	vadd.f32 v17, v15  }
0x642: {  	v15 =	vadd.f32 v16, v18;
	v12 =	vld [tilespmem:s26+$0x0]  }
0x643: {  	v10 =	vld [tilespmem:s26+$0x10]  }
0x644: {  	s31 =	sadd.s32 $0x400, s31;
	v16 =	vadd.f32 v19, v15;
	v15 =	vadd.f32 v20, v13;
	v13 =	vld [tilespmem:s26+$0x20]  }
0x645: {  	_ = 	snop  }
0x646: {  	v7 =	vadd.f32 v14, v7;
	s23 =	sadd.s32 $0x1, s23;
	[tilespmem:s24+$0xFFFFFFC0] =	vst v16  }
0x647: {  	v5 =	vadd.f32 v11, v5;
	[tilespmem:s24+$0xFFFFFFD0] =	vst v15;
	p0 =	sne.s32 s23, $0x10  }
.Ltmp24:
0x648: {  	v6 =	vadd.f32 v12, v6;
	[tilespmem:s24+$0xFFFFFFE0] =	vst v7;
	(pc) =	sbr.rel @p0 .LBB2_48-.Ltmp24, $4  }
0x649: {  	v7 =	vadd.f32 v10, v8;
	[tilespmem:s24+$0xFFFFFFF0] =	vst v5  }
0x64a: {  	v5 =	vadd.f32 v13, v9;
	[tilespmem:s24+$0x0] =	vst v6  }
0x64b: {  	[tilespmem:s24+$0x10] =	vst v7  }
0x64c: {  	s22 =	sadd.s32 $0x1, s22;
	[tilespmem:s24+$0x20] =	vst v5  }
0x64d: {  	s22 =	simm.s32 $0x0;
	s23 =	rddreg [dreg:$0x1d]  }
0x64e: {  	[hbm4b:s23+s22] =	stream.linear.scatter [tilespmem:s5], [sflag:$0xC], $0x3000, $0x38;
	[tilespmem:$0x1C300] =	vst v63  }
0x64f: {  	_ =	swait.ge [sflag:s20], $0x3000  }
0x650: {  	s26 =	sld [smem:$0x7F5]  }
0x651: {  	[sflag:s20] =	ssyncset.done $0x0  }
0x652: {  	[sflag:s20] =	ssyncadd.s32 $0xFFFFD000  }
0x653: {  	[tilespmem:s5], [sflag:$0x3] =	stream.linear.gather [hbm4b:s26+s22], $0x3000, $0x38;
	[tilespmem:$0x1C300] =	vst v63  }
0x654: {  	v5 =	vld [tilespmem:$0x900];
	_ =	sdelay $0x4  }
0x655: {  	v6 =	vshrl.u32 v5, $0x3  }
0x656: {  	v6 =	vmul.u32 $0x30, v6  }
0x657: {  	v5 =	vand.u32 $0x7, v5  }
0x658: {  	v5 =	vor.u32 v5, v6  }
0x659: {  	v6 =	vperm.xlane v5, v2;
	_ =	sdelay $0x1  }
0x65a: {  	v6 =	vadd.s32 v3, v6;
	_ =	sdelay $0x3  }
0x65b: {  	s28 =	simm.s32 $0x10300;
	v5 =	vperm.xlane v5, v4  }
0x65c: {  	[tilespmem:s28], [sflag:$0x6] =	stream.indirect_vreg.gather [hbm4b:s29+s22], $0x80, v6, vm0, $0xb8;
	[tilespmem:$0x1C300] =	vst v63  }
0x65d: {  	s31 =	simm.s32 $0x10B00;
	v5 =	vadd.s32 v3, v5  }
0x65e: {  	[tilespmem:s31], [sflag:$0x6] =	stream.indirect_vreg.gather [hbm4b:s10+s22], $0x80, v6, vm0, $0xb8;
	[tilespmem:$0x1C300] =	vst v63  }
0x65f: {  	s24 =	simm.s32 $0x11300  }
0x660: {  	[tilespmem:s24], [sflag:$0x6] =	stream.indirect_vreg.gather [hbm4b:s11+s22], $0x80, v6, vm0, $0xb8;
	[tilespmem:$0x1C300] =	vst v63  }
0x661: {  	s25 =	simm.s32 $0x11B00  }
0x662: {  	[tilespmem:s25], [sflag:$0x6] =	stream.indirect_vreg.gather [hbm4b:s29+s22], $0x80, v5, vm0, $0xb8;
	[tilespmem:$0x1C300] =	vst v63  }
0x663: {  	s26 =	simm.s32 $0x12300  }
0x664: {  	[tilespmem:s26], [sflag:$0x6] =	stream.indirect_vreg.gather [hbm4b:s10+s22], $0x80, v5, vm0, $0xb8;
	[tilespmem:$0x1C300] =	vst v63  }
0x665: {  	s28 =	simm.s32 $0x12B00  }
0x666: {  	[tilespmem:s28], [sflag:$0x6] =	stream.indirect_vreg.gather [hbm4b:s11+s22], $0x80, v5, vm0, $0xb8;
	[tilespmem:$0x1C300] =	vst v63  }
0x667: {  	v5 =	vld [tilespmem:$0x1100];
	_ =	sdelay $0x4  }
0x668: {  	v6 =	vshrl.u32 v5, $0x3  }
0x669: {  	v6 =	vmul.u32 $0x30, v6  }
0x66a: {  	v5 =	vand.u32 $0x7, v5  }
0x66b: {  	v5 =	vor.u32 v5, v6  }
0x66c: {  	v6 =	vperm.xlane v5, v2;
	_ =	sdelay $0x1  }
0x66d: {  	v6 =	vadd.s32 v3, v6;
	_ =	sdelay $0x3  }
0x66e: {  	s31 =	simm.s32 $0x19300;
	v5 =	vperm.xlane v5, v4  }
0x66f: {  	[tilespmem:s31], [sflag:$0x9] =	stream.indirect_vreg.gather [hbm4b:s2+s22], $0x80, v6, vm0, $0xb8;
	[tilespmem:$0x1C300] =	vst v63  }
0x670: {  	s24 =	simm.s32 $0x19B00;
	v5 =	vadd.s32 v3, v5  }
0x671: {  	[tilespmem:s24], [sflag:$0x9] =	stream.indirect_vreg.gather [hbm4b:s12+s22], $0x80, v6, vm0, $0xb8;
	[tilespmem:$0x1C300] =	vst v63  }
0x672: {  	s25 =	simm.s32 $0x1A300  }
0x673: {  	[tilespmem:s25], [sflag:$0x9] =	stream.indirect_vreg.gather [hbm4b:s13+s22], $0x80, v6, vm0, $0xb8;
	[tilespmem:$0x1C300] =	vst v63  }
0x674: {  	s26 =	simm.s32 $0x1AB00  }
0x675: {  	[tilespmem:s26], [sflag:$0x9] =	stream.indirect_vreg.gather [hbm4b:s2+s22], $0x80, v5, vm0, $0xb8;
	[tilespmem:$0x1C300] =	vst v63  }
0x676: {  	s28 =	simm.s32 $0x1B300  }
0x677: {  	[tilespmem:s28], [sflag:$0x9] =	stream.indirect_vreg.gather [hbm4b:s12+s22], $0x80, v5, vm0, $0xb8;
	[tilespmem:$0x1C300] =	vst v63  }
0x678: {  	s31 =	simm.s32 $0x1BB00  }
0x679: {  	[tilespmem:s31], [sflag:$0x9] =	stream.indirect_vreg.gather [hbm4b:s13+s22], $0x80, v5, vm0, $0xb8;
	[tilespmem:$0x1C300] =	vst v63  }
0x67a: {  	_ =	swait.ge [sflag:s1], $0x3000  }
0x67b: {  	[sflag:s1] =	ssyncset.done $0x0  }
0x67c: {  	[sflag:s1] =	ssyncadd.s32 $0xFFFFD000  }
0x67d: {  	_ =	swait.ge [sflag:s0], $0x3000  }
0x67e: {  	[sflag:s0] =	ssyncset.done $0x0  }
0x67f: {  	[sflag:s0] =	ssyncadd.s32 $0xFFFFD000  }
0x680: {  	_ =	swait.ge [sflag:s3], $0x3000  }
0x681: {  	[sflag:s3] =	ssyncset.done $0x0  }
0x682: {  	s23 =	simm.s32 $0x0;
	[sflag:s3] =	ssyncadd.s32 $0xFFFFD000  }
.LBB2_52:
0x683: {  	s24 =	sshrl.u32 s23, $0x3  }
0x684: {  	s25 =	sand.u32 $0x7, s22;
	s24 =	smul.u32 $0x6000, s24  }
0x685: {  	s25 =	sshll.u32 s25, $0x9  }
0x686: {  	s24 =	sor.u32 s25, s24  }
0x687: {  	s26 =	sshra.s32 s24, $0x2  }
0x688: {  	s24 =	sadd.s32 $0x1340, s26  }
0x689: {  	s25 =	sadd.s32 $0xA340, s26;
	v5 =	vld [tilespmem:s24+$0x30]  }
0x68a: {  	v6 =	vld [tilespmem:s25+$0x30]  }
0x68b: {  	s26 =	sadd.s32 $0x13340, s26;
	v8 =	vld [tilespmem:s25+$0xFFFFFFC0]  }
0x68c: {  	v7 =	vld [tilespmem:s26+$0x30]  }
0x68d: {  	v9 =	vld [tilespmem:s24+$0xFFFFFFD0]  }
0x68e: {  	v10 =	vld [tilespmem:s25+$0xFFFFFFD0]  }
0x68f: {  	v11 =	vld [tilespmem:s24+$0xFFFFFFE0]  }
0x690: {  	v12 =	vld [tilespmem:s25+$0xFFFFFFE0]  }
0x691: {  	v13 =	vld [tilespmem:s24+$0xFFFFFFF0]  }
0x692: {  	v15 =	vld [tilespmem:s25+$0xFFFFFFF0]  }
0x693: {  	v16 =	vld [tilespmem:s24+$0x0]  }
0x694: {  	v17 =	vld [tilespmem:s25+$0x0]  }
0x695: {  	v18 =	vld [tilespmem:s24+$0x10]  }
0x696: {  	v19 =	vld [tilespmem:s25+$0x10]  }
0x697: {  	v20 =	vld [tilespmem:s24+$0x20]  }
0x698: {  	v21 =	vld [tilespmem:s25+$0x20]  }
0x699: {  	v22 =	vld [tilespmem:s24+$0xFFFFFFC0]  }
0x69a: {  	v23 =	vld [tilespmem:s26+$0xFFFFFFC0]  }
0x69b: {  	v24 =	vld [tilespmem:s26+$0xFFFFFFD0];
	v5 =	vadd.f32 v6, v5  }
0x69c: {  	v14 =	vld [tilespmem:s26+$0xFFFFFFE0];
	v26 =	vadd.f32 v10, v9;
	v6 =	vadd.f32 v17, v16  }
0x69d: {  	v25 =	vadd.f32 v7, v5;
	v7 =	vadd.f32 v12, v11;
	v11 =	vld [tilespmem:s26+$0xFFFFFFF0]  }
0x69e: {  	v5 =	vadd.f32 v15, v13;
	v13 =	vadd.f32 v8, v22;
	v12 =	vld [tilespmem:s26+$0x0]  }
0x69f: {  	v9 =	vadd.f32 v21, v20;
	v10 =	vld [tilespmem:s26+$0x10];
	v8 =	vadd.f32 v19, v18  }
0x6a0: {  	s28 =	simm.s32 $0x0;
	s31 =	sadd.s32 $0x400, s24;
	v15 =	vadd.f32 v24, v26;
	[tilespmem:s24+$0x30] =	vst v25;
	v16 =	vadd.f32 v23, v13;
	v13 =	vld [tilespmem:s26+$0x20]  }
.LBB2_53:
0x6a1: {  	v17 =	vld [tilespmem:s31+$0x30];
	v7 =	vadd.f32 v14, v7;
	s25 =	sadd.s32 $0x400, s25  }
0x6a2: {  	s28 =	sadd.s32 $0x8, s28;
	v14 =	vld [tilespmem:s25+$0x30];
	[tilespmem:s24+$0xFFFFFFC0] =	vst v16;
	v5 =	vadd.f32 v11, v5  }
0x6a3: {  	s26 =	sadd.s32 $0x400, s26;
	p0 =	slt.u32 s28, $0x28;
	v16 =	vld [tilespmem:s25+$0xFFFFFFC0];
	[tilespmem:s24+$0xFFFFFFD0] =	vst v15;
	v6 =	vadd.f32 v12, v6  }
0x6a4: {  	v11 =	vld [tilespmem:s26+$0x30];
	[tilespmem:s24+$0xFFFFFFE0] =	vst v7;
	v7 =	vadd.f32 v10, v8  }
0x6a5: {  	v8 =	vld [tilespmem:s31+$0xFFFFFFD0];
	[tilespmem:s24+$0xFFFFFFF0] =	vst v5;
	v5 =	vadd.f32 v13, v9  }
0x6a6: {  	v9 =	vld [tilespmem:s25+$0xFFFFFFD0];
	[tilespmem:s24+$0x0] =	vst v6  }
0x6a7: {  	v6 =	vld [tilespmem:s31+$0xFFFFFFE0];
	v10 =	vadd.f32 v14, v17;
	[tilespmem:s24+$0x10] =	vst v7  }
0x6a8: {  	v7 =	vld [tilespmem:s25+$0xFFFFFFE0];
	[tilespmem:s24+$0x20] =	vst v5;
	s24 =	smov.u32 s31  }
0x6a9: {  	v5 =	vld [tilespmem:s31+$0xFFFFFFF0];
	v10 =	vadd.f32 v11, v10  }
0x6aa: {  	v11 =	vld [tilespmem:s25+$0xFFFFFFF0]  }
0x6ab: {  	v13 =	vadd.f32 v9, v8;
	v8 =	vld [tilespmem:s31+$0x0];
	[tilespmem:s31+$0x30] =	vst v10  }
0x6ac: {  	v9 =	vld [tilespmem:s25+$0x0]  }
0x6ad: {  	v7 =	vadd.f32 v7, v6;
	v10 =	vld [tilespmem:s31+$0x10]  }
0x6ae: {  	v12 =	vld [tilespmem:s25+$0x10]  }
0x6af: {  	v5 =	vadd.f32 v11, v5;
	v15 =	vld [tilespmem:s31+$0x20]  }
0x6b0: {  	v17 =	vld [tilespmem:s25+$0x20]  }
0x6b1: {  	v18 =	vld [tilespmem:s31+$0xFFFFFFC0];
	v6 =	vadd.f32 v9, v8  }
0x6b2: {  	v19 =	vld [tilespmem:s26+$0xFFFFFFC0]  }
0x6b3: {  	v20 =	vld [tilespmem:s26+$0xFFFFFFD0];
	v8 =	vadd.f32 v12, v10  }
.Ltmp25:
0x6b4: {  	v14 =	vld [tilespmem:s26+$0xFFFFFFE0];
	(pc) =	sbr.rel @p0 .LBB2_53-.Ltmp25, $4  }
0x6b5: {  	v11 =	vld [tilespmem:s26+$0xFFFFFFF0];
	v9 =	vadd.f32 v17, v15  }
0x6b6: {  	v15 =	vadd.f32 v16, v18;
	v12 =	vld [tilespmem:s26+$0x0]  }
0x6b7: {  	v10 =	vld [tilespmem:s26+$0x10]  }
0x6b8: {  	s31 =	sadd.s32 $0x400, s31;
	v16 =	vadd.f32 v19, v15;
	v15 =	vadd.f32 v20, v13;
	v13 =	vld [tilespmem:s26+$0x20]  }
0x6b9: {  	_ = 	snop  }
0x6ba: {  	v7 =	vadd.f32 v14, v7;
	s23 =	sadd.s32 $0x1, s23;
	[tilespmem:s24+$0xFFFFFFC0] =	vst v16  }
0x6bb: {  	v5 =	vadd.f32 v11, v5;
	[tilespmem:s24+$0xFFFFFFD0] =	vst v15;
	p0 =	sne.s32 s23, $0x10  }
.Ltmp26:
0x6bc: {  	v6 =	vadd.f32 v12, v6;
	[tilespmem:s24+$0xFFFFFFE0] =	vst v7;
	(pc) =	sbr.rel @p0 .LBB2_52-.Ltmp26, $4  }
0x6bd: {  	v7 =	vadd.f32 v10, v8;
	[tilespmem:s24+$0xFFFFFFF0] =	vst v5  }
0x6be: {  	v5 =	vadd.f32 v13, v9;
	[tilespmem:s24+$0x0] =	vst v6  }
0x6bf: {  	[tilespmem:s24+$0x10] =	vst v7  }
0x6c0: {  	s22 =	sadd.s32 $0x1, s22;
	[tilespmem:s24+$0x20] =	vst v5  }
0x6c1: {  	s22 =	simm.s32 $0x0;
	s23 =	rddreg [dreg:$0x1f]  }
0x6c2: {  	[hbm4b:s23+s22] =	stream.linear.scatter [tilespmem:s16], [sflag:$0xA], $0x3000, $0x38;
	[tilespmem:$0x1C300] =	vst v63  }
0x6c3: {  	_ =	swait.ge [sflag:s4], $0x3000  }
0x6c4: {  	s26 =	sld [smem:$0x7F6]  }
0x6c5: {  	[sflag:s4] =	ssyncset.done $0x0  }
0x6c6: {  	[sflag:s4] =	ssyncadd.s32 $0xFFFFD000  }
0x6c7: {  	[tilespmem:s16], [sflag:$0x1] =	stream.linear.gather [hbm4b:s26+s22], $0x3000, $0x38;
	[tilespmem:$0x1C300] =	vst v63  }
0x6c8: {  	v5 =	vld [tilespmem:$0x980];
	_ =	sdelay $0x4  }
0x6c9: {  	v6 =	vshrl.u32 v5, $0x3  }
0x6ca: {  	v6 =	vmul.u32 $0x30, v6  }
0x6cb: {  	v5 =	vand.u32 $0x7, v5  }
0x6cc: {  	v5 =	vor.u32 v5, v6  }
0x6cd: {  	v6 =	vperm.xlane v5, v2;
	_ =	sdelay $0x1  }
0x6ce: {  	v6 =	vadd.s32 v3, v6;
	_ =	sdelay $0x3  }
0x6cf: {  	s28 =	simm.s32 $0xA300;
	v5 =	vperm.xlane v5, v4  }
0x6d0: {  	[tilespmem:s28], [sflag:$0x4] =	stream.indirect_vreg.gather [hbm4b:s29+s22], $0x80, v6, vm0, $0xb8;
	[tilespmem:$0x1C300] =	vst v63  }
0x6d1: {  	s31 =	simm.s32 $0xAB00;
	v5 =	vadd.s32 v3, v5  }
0x6d2: {  	[tilespmem:s31], [sflag:$0x4] =	stream.indirect_vreg.gather [hbm4b:s10+s22], $0x80, v6, vm0, $0xb8;
	[tilespmem:$0x1C300] =	vst v63  }
0x6d3: {  	s24 =	simm.s32 $0xB300  }
0x6d4: {  	[tilespmem:s24], [sflag:$0x4] =	stream.indirect_vreg.gather [hbm4b:s11+s22], $0x80, v6, vm0, $0xb8;
	[tilespmem:$0x1C300] =	vst v63  }
0x6d5: {  	s25 =	simm.s32 $0xBB00  }
0x6d6: {  	[tilespmem:s25], [sflag:$0x4] =	stream.indirect_vreg.gather [hbm4b:s29+s22], $0x80, v5, vm0, $0xb8;
	[tilespmem:$0x1C300] =	vst v63  }
0x6d7: {  	s26 =	simm.s32 $0xC300  }
0x6d8: {  	[tilespmem:s26], [sflag:$0x4] =	stream.indirect_vreg.gather [hbm4b:s10+s22], $0x80, v5, vm0, $0xb8;
	[tilespmem:$0x1C300] =	vst v63  }
0x6d9: {  	s28 =	simm.s32 $0xCB00  }
0x6da: {  	[tilespmem:s28], [sflag:$0x4] =	stream.indirect_vreg.gather [hbm4b:s11+s22], $0x80, v5, vm0, $0xb8;
	[tilespmem:$0x1C300] =	vst v63  }
0x6db: {  	v5 =	vld [tilespmem:$0x1180];
	_ =	sdelay $0x4  }
0x6dc: {  	v6 =	vshrl.u32 v5, $0x3  }
0x6dd: {  	v6 =	vmul.u32 $0x30, v6  }
0x6de: {  	v5 =	vand.u32 $0x7, v5  }
0x6df: {  	v5 =	vor.u32 v5, v6  }
0x6e0: {  	v6 =	vperm.xlane v5, v2;
	_ =	sdelay $0x1  }
0x6e1: {  	v6 =	vadd.s32 v3, v6;
	_ =	sdelay $0x3  }
0x6e2: {  	s31 =	simm.s32 $0x13300;
	v5 =	vperm.xlane v5, v4  }
0x6e3: {  	[tilespmem:s31], [sflag:$0x7] =	stream.indirect_vreg.gather [hbm4b:s2+s22], $0x80, v6, vm0, $0xb8;
	[tilespmem:$0x1C300] =	vst v63  }
0x6e4: {  	s24 =	simm.s32 $0x13B00;
	v5 =	vadd.s32 v3, v5  }
0x6e5: {  	[tilespmem:s24], [sflag:$0x7] =	stream.indirect_vreg.gather [hbm4b:s12+s22], $0x80, v6, vm0, $0xb8;
	[tilespmem:$0x1C300] =	vst v63  }
0x6e6: {  	s25 =	simm.s32 $0x14300  }
0x6e7: {  	[tilespmem:s25], [sflag:$0x7] =	stream.indirect_vreg.gather [hbm4b:s13+s22], $0x80, v6, vm0, $0xb8;
	[tilespmem:$0x1C300] =	vst v63  }
0x6e8: {  	s26 =	simm.s32 $0x14B00  }
0x6e9: {  	[tilespmem:s26], [sflag:$0x7] =	stream.indirect_vreg.gather [hbm4b:s2+s22], $0x80, v5, vm0, $0xb8;
	[tilespmem:$0x1C300] =	vst v63  }
0x6ea: {  	s28 =	simm.s32 $0x15300  }
0x6eb: {  	[tilespmem:s28], [sflag:$0x7] =	stream.indirect_vreg.gather [hbm4b:s12+s22], $0x80, v5, vm0, $0xb8;
	[tilespmem:$0x1C300] =	vst v63  }
0x6ec: {  	s31 =	simm.s32 $0x15B00  }
0x6ed: {  	[tilespmem:s31], [sflag:$0x7] =	stream.indirect_vreg.gather [hbm4b:s13+s22], $0x80, v5, vm0, $0xb8;
	[tilespmem:$0x1C300] =	vst v63  }
0x6ee: {  	_ =	swait.ge [sflag:s6], $0x3000  }
0x6ef: {  	[sflag:s6] =	ssyncset.done $0x0  }
0x6f0: {  	[sflag:s6] =	ssyncadd.s32 $0xFFFFD000  }
0x6f1: {  	_ =	swait.ge [sflag:s7], $0x3000  }
0x6f2: {  	[sflag:s7] =	ssyncset.done $0x0  }
0x6f3: {  	[sflag:s7] =	ssyncadd.s32 $0xFFFFD000  }
0x6f4: {  	_ =	swait.ge [sflag:s8], $0x3000  }
0x6f5: {  	[sflag:s8] =	ssyncset.done $0x0  }
0x6f6: {  	s23 =	simm.s32 $0x0;
	[sflag:s8] =	ssyncadd.s32 $0xFFFFD000  }
.LBB2_56:
0x6f7: {  	s24 =	sshrl.u32 s23, $0x3  }
0x6f8: {  	s25 =	sand.u32 $0x7, s22;
	s24 =	smul.u32 $0x6000, s24  }
0x6f9: {  	s25 =	sshll.u32 s25, $0x9  }
0x6fa: {  	s24 =	sor.u32 s25, s24  }
0x6fb: {  	s26 =	sshra.s32 s24, $0x2  }
0x6fc: {  	s24 =	sadd.s32 $0x4340, s26  }
0x6fd: {  	s25 =	sadd.s32 $0xD340, s26;
	v5 =	vld [tilespmem:s24+$0x30]  }
0x6fe: {  	v6 =	vld [tilespmem:s25+$0x30]  }
0x6ff: {  	s26 =	sadd.s32 $0x16340, s26;
	v8 =	vld [tilespmem:s25+$0xFFFFFFC0]  }
0x700: {  	v7 =	vld [tilespmem:s26+$0x30]  }
0x701: {  	v9 =	vld [tilespmem:s24+$0xFFFFFFD0]  }
0x702: {  	v10 =	vld [tilespmem:s25+$0xFFFFFFD0]  }
0x703: {  	v11 =	vld [tilespmem:s24+$0xFFFFFFE0]  }
0x704: {  	v12 =	vld [tilespmem:s25+$0xFFFFFFE0]  }
0x705: {  	v13 =	vld [tilespmem:s24+$0xFFFFFFF0]  }
0x706: {  	v15 =	vld [tilespmem:s25+$0xFFFFFFF0]  }
0x707: {  	v16 =	vld [tilespmem:s24+$0x0]  }
0x708: {  	v17 =	vld [tilespmem:s25+$0x0]  }
0x709: {  	v18 =	vld [tilespmem:s24+$0x10]  }
0x70a: {  	v19 =	vld [tilespmem:s25+$0x10]  }
0x70b: {  	v20 =	vld [tilespmem:s24+$0x20]  }
0x70c: {  	v21 =	vld [tilespmem:s25+$0x20]  }
0x70d: {  	v22 =	vld [tilespmem:s24+$0xFFFFFFC0]  }
0x70e: {  	v23 =	vld [tilespmem:s26+$0xFFFFFFC0]  }
0x70f: {  	v24 =	vld [tilespmem:s26+$0xFFFFFFD0];
	v5 =	vadd.f32 v6, v5  }
0x710: {  	v14 =	vld [tilespmem:s26+$0xFFFFFFE0];
	v26 =	vadd.f32 v10, v9;
	v6 =	vadd.f32 v17, v16  }
0x711: {  	v25 =	vadd.f32 v7, v5;
	v7 =	vadd.f32 v12, v11;
	v11 =	vld [tilespmem:s26+$0xFFFFFFF0]  }
0x712: {  	v5 =	vadd.f32 v15, v13;
	v13 =	vadd.f32 v8, v22;
	v12 =	vld [tilespmem:s26+$0x0]  }
0x713: {  	v9 =	vadd.f32 v21, v20;
	v10 =	vld [tilespmem:s26+$0x10];
	v8 =	vadd.f32 v19, v18  }
0x714: {  	s28 =	simm.s32 $0x0;
	s31 =	sadd.s32 $0x400, s24;
	v15 =	vadd.f32 v24, v26;
	[tilespmem:s24+$0x30] =	vst v25;
	v16 =	vadd.f32 v23, v13;
	v13 =	vld [tilespmem:s26+$0x20]  }
.LBB2_57:
0x715: {  	v17 =	vld [tilespmem:s31+$0x30];
	v7 =	vadd.f32 v14, v7;
	s25 =	sadd.s32 $0x400, s25  }
0x716: {  	s28 =	sadd.s32 $0x8, s28;
	v14 =	vld [tilespmem:s25+$0x30];
	[tilespmem:s24+$0xFFFFFFC0] =	vst v16;
	v5 =	vadd.f32 v11, v5  }
0x717: {  	s26 =	sadd.s32 $0x400, s26;
	p0 =	slt.u32 s28, $0x28;
	v16 =	vld [tilespmem:s25+$0xFFFFFFC0];
	[tilespmem:s24+$0xFFFFFFD0] =	vst v15;
	v6 =	vadd.f32 v12, v6  }
0x718: {  	v11 =	vld [tilespmem:s26+$0x30];
	[tilespmem:s24+$0xFFFFFFE0] =	vst v7;
	v7 =	vadd.f32 v10, v8  }
0x719: {  	v8 =	vld [tilespmem:s31+$0xFFFFFFD0];
	[tilespmem:s24+$0xFFFFFFF0] =	vst v5;
	v5 =	vadd.f32 v13, v9  }
0x71a: {  	v9 =	vld [tilespmem:s25+$0xFFFFFFD0];
	[tilespmem:s24+$0x0] =	vst v6  }
0x71b: {  	v6 =	vld [tilespmem:s31+$0xFFFFFFE0];
	v10 =	vadd.f32 v14, v17;
	[tilespmem:s24+$0x10] =	vst v7  }
0x71c: {  	v7 =	vld [tilespmem:s25+$0xFFFFFFE0];
	[tilespmem:s24+$0x20] =	vst v5;
	s24 =	smov.u32 s31  }
0x71d: {  	v5 =	vld [tilespmem:s31+$0xFFFFFFF0];
	v10 =	vadd.f32 v11, v10  }
0x71e: {  	v11 =	vld [tilespmem:s25+$0xFFFFFFF0]  }
0x71f: {  	v13 =	vadd.f32 v9, v8;
	v8 =	vld [tilespmem:s31+$0x0];
	[tilespmem:s31+$0x30] =	vst v10  }
0x720: {  	v9 =	vld [tilespmem:s25+$0x0]  }
0x721: {  	v7 =	vadd.f32 v7, v6;
	v10 =	vld [tilespmem:s31+$0x10]  }
0x722: {  	v12 =	vld [tilespmem:s25+$0x10]  }
0x723: {  	v5 =	vadd.f32 v11, v5;
	v15 =	vld [tilespmem:s31+$0x20]  }
0x724: {  	v17 =	vld [tilespmem:s25+$0x20]  }
0x725: {  	v18 =	vld [tilespmem:s31+$0xFFFFFFC0];
	v6 =	vadd.f32 v9, v8  }
0x726: {  	v19 =	vld [tilespmem:s26+$0xFFFFFFC0]  }
0x727: {  	v20 =	vld [tilespmem:s26+$0xFFFFFFD0];
	v8 =	vadd.f32 v12, v10  }
.Ltmp27:
0x728: {  	v14 =	vld [tilespmem:s26+$0xFFFFFFE0];
	(pc) =	sbr.rel @p0 .LBB2_57-.Ltmp27, $4  }
0x729: {  	v11 =	vld [tilespmem:s26+$0xFFFFFFF0];
	v9 =	vadd.f32 v17, v15  }
0x72a: {  	v15 =	vadd.f32 v16, v18;
	v12 =	vld [tilespmem:s26+$0x0]  }
0x72b: {  	v10 =	vld [tilespmem:s26+$0x10]  }
0x72c: {  	s31 =	sadd.s32 $0x400, s31;
	v16 =	vadd.f32 v19, v15;
	v15 =	vadd.f32 v20, v13;
	v13 =	vld [tilespmem:s26+$0x20]  }
0x72d: {  	_ = 	snop  }
0x72e: {  	v7 =	vadd.f32 v14, v7;
	s23 =	sadd.s32 $0x1, s23;
	[tilespmem:s24+$0xFFFFFFC0] =	vst v16  }
0x72f: {  	v5 =	vadd.f32 v11, v5;
	[tilespmem:s24+$0xFFFFFFD0] =	vst v15;
	p0 =	sne.s32 s23, $0x10  }
.Ltmp28:
0x730: {  	v6 =	vadd.f32 v12, v6;
	[tilespmem:s24+$0xFFFFFFE0] =	vst v7;
	(pc) =	sbr.rel @p0 .LBB2_56-.Ltmp28, $4  }
0x731: {  	v7 =	vadd.f32 v10, v8;
	[tilespmem:s24+$0xFFFFFFF0] =	vst v5  }
0x732: {  	v5 =	vadd.f32 v13, v9;
	[tilespmem:s24+$0x0] =	vst v6  }
0x733: {  	[tilespmem:s24+$0x10] =	vst v7  }
0x734: {  	s22 =	sadd.s32 $0x1, s22;
	[tilespmem:s24+$0x20] =	vst v5  }
0x735: {  	s23 =	sld [smem:$0x7F7];
	_ =	sdelay $0x1  }
0x736: {  	s22 =	simm.s32 $0x0  }
0x737: {  	[hbm4b:s23+s22] =	stream.linear.scatter [tilespmem:s30], [sflag:$0xB], $0x3000, $0x38;
	[tilespmem:$0x1C300] =	vst v63  }
0x738: {  	_ =	swait.ge [sflag:s17], $0x3000  }
0x739: {  	[sflag:s17] =	ssyncset.done $0x0  }
0x73a: {  	[sflag:s17] =	ssyncadd.s32 $0xFFFFD000  }
0x73b: {  	_ =	swait.ge [sflag:s18], $0x3000  }
0x73c: {  	[sflag:s18] =	ssyncset.done $0x0  }
0x73d: {  	[sflag:s18] =	ssyncadd.s32 $0xFFFFD000  }
0x73e: {  	_ =	swait.ge [sflag:s19], $0x3000  }
0x73f: {  	[sflag:s19] =	ssyncset.done $0x0  }
0x740: {  	s23 =	simm.s32 $0x0;
	[sflag:s19] =	ssyncadd.s32 $0xFFFFD000  }
.LBB2_60:
0x741: {  	s24 =	sshrl.u32 s23, $0x3  }
0x742: {  	s25 =	sand.u32 $0x7, s22;
	s24 =	smul.u32 $0x6000, s24  }
0x743: {  	s25 =	sshll.u32 s25, $0x9  }
0x744: {  	s24 =	sor.u32 s25, s24  }
0x745: {  	s26 =	sshra.s32 s24, $0x2  }
0x746: {  	s24 =	sadd.s32 $0x7340, s26  }
0x747: {  	s25 =	sadd.s32 $0x10340, s26;
	v5 =	vld [tilespmem:s24+$0x30]  }
0x748: {  	v6 =	vld [tilespmem:s25+$0x30]  }
0x749: {  	s26 =	sadd.s32 $0x19340, s26;
	v8 =	vld [tilespmem:s25+$0xFFFFFFC0]  }
0x74a: {  	v7 =	vld [tilespmem:s26+$0x30]  }
0x74b: {  	v9 =	vld [tilespmem:s24+$0xFFFFFFD0]  }
0x74c: {  	v10 =	vld [tilespmem:s25+$0xFFFFFFD0]  }
0x74d: {  	v11 =	vld [tilespmem:s24+$0xFFFFFFE0]  }
0x74e: {  	v12 =	vld [tilespmem:s25+$0xFFFFFFE0]  }
0x74f: {  	v13 =	vld [tilespmem:s24+$0xFFFFFFF0]  }
0x750: {  	v15 =	vld [tilespmem:s25+$0xFFFFFFF0]  }
0x751: {  	v16 =	vld [tilespmem:s24+$0x0]  }
0x752: {  	v17 =	vld [tilespmem:s25+$0x0]  }
0x753: {  	v18 =	vld [tilespmem:s24+$0x10]  }
0x754: {  	v19 =	vld [tilespmem:s25+$0x10]  }
0x755: {  	v20 =	vld [tilespmem:s24+$0x20]  }
0x756: {  	v21 =	vld [tilespmem:s25+$0x20]  }
0x757: {  	v22 =	vld [tilespmem:s24+$0xFFFFFFC0]  }
0x758: {  	v23 =	vld [tilespmem:s26+$0xFFFFFFC0]  }
0x759: {  	v24 =	vld [tilespmem:s26+$0xFFFFFFD0];
	v5 =	vadd.f32 v6, v5  }
0x75a: {  	v14 =	vld [tilespmem:s26+$0xFFFFFFE0];
	v26 =	vadd.f32 v10, v9;
	v6 =	vadd.f32 v17, v16  }
0x75b: {  	v25 =	vadd.f32 v7, v5;
	v7 =	vadd.f32 v12, v11;
	v11 =	vld [tilespmem:s26+$0xFFFFFFF0]  }
0x75c: {  	v5 =	vadd.f32 v15, v13;
	v13 =	vadd.f32 v8, v22;
	v12 =	vld [tilespmem:s26+$0x0]  }
0x75d: {  	v9 =	vadd.f32 v21, v20;
	v10 =	vld [tilespmem:s26+$0x10];
	v8 =	vadd.f32 v19, v18  }
0x75e: {  	s28 =	simm.s32 $0x0;
	s31 =	sadd.s32 $0x400, s24;
	v15 =	vadd.f32 v24, v26;
	[tilespmem:s24+$0x30] =	vst v25;
	v16 =	vadd.f32 v23, v13;
	v13 =	vld [tilespmem:s26+$0x20]  }
.LBB2_61:
0x75f: {  	v17 =	vld [tilespmem:s31+$0x30];
	v7 =	vadd.f32 v14, v7;
	s25 =	sadd.s32 $0x400, s25  }
0x760: {  	s28 =	sadd.s32 $0x8, s28;
	v14 =	vld [tilespmem:s25+$0x30];
	[tilespmem:s24+$0xFFFFFFC0] =	vst v16;
	v5 =	vadd.f32 v11, v5  }
0x761: {  	s26 =	sadd.s32 $0x400, s26;
	p0 =	slt.u32 s28, $0x28;
	v16 =	vld [tilespmem:s25+$0xFFFFFFC0];
	[tilespmem:s24+$0xFFFFFFD0] =	vst v15;
	v6 =	vadd.f32 v12, v6  }
0x762: {  	v11 =	vld [tilespmem:s26+$0x30];
	[tilespmem:s24+$0xFFFFFFE0] =	vst v7;
	v7 =	vadd.f32 v10, v8  }
0x763: {  	v8 =	vld [tilespmem:s31+$0xFFFFFFD0];
	[tilespmem:s24+$0xFFFFFFF0] =	vst v5;
	v5 =	vadd.f32 v13, v9  }
0x764: {  	v9 =	vld [tilespmem:s25+$0xFFFFFFD0];
	[tilespmem:s24+$0x0] =	vst v6  }
0x765: {  	v6 =	vld [tilespmem:s31+$0xFFFFFFE0];
	v10 =	vadd.f32 v14, v17;
	[tilespmem:s24+$0x10] =	vst v7  }
0x766: {  	v7 =	vld [tilespmem:s25+$0xFFFFFFE0];
	[tilespmem:s24+$0x20] =	vst v5;
	s24 =	smov.u32 s31  }
0x767: {  	v5 =	vld [tilespmem:s31+$0xFFFFFFF0];
	v10 =	vadd.f32 v11, v10  }
0x768: {  	v11 =	vld [tilespmem:s25+$0xFFFFFFF0]  }
0x769: {  	v13 =	vadd.f32 v9, v8;
	v8 =	vld [tilespmem:s31+$0x0];
	[tilespmem:s31+$0x30] =	vst v10  }
0x76a: {  	v9 =	vld [tilespmem:s25+$0x0]  }
0x76b: {  	v7 =	vadd.f32 v7, v6;
	v10 =	vld [tilespmem:s31+$0x10]  }
0x76c: {  	v12 =	vld [tilespmem:s25+$0x10]  }
0x76d: {  	v5 =	vadd.f32 v11, v5;
	v15 =	vld [tilespmem:s31+$0x20]  }
0x76e: {  	v17 =	vld [tilespmem:s25+$0x20]  }
0x76f: {  	v18 =	vld [tilespmem:s31+$0xFFFFFFC0];
	v6 =	vadd.f32 v9, v8  }
0x770: {  	v19 =	vld [tilespmem:s26+$0xFFFFFFC0]  }
0x771: {  	v20 =	vld [tilespmem:s26+$0xFFFFFFD0];
	v8 =	vadd.f32 v12, v10  }
.Ltmp29:
0x772: {  	v14 =	vld [tilespmem:s26+$0xFFFFFFE0];
	(pc) =	sbr.rel @p0 .LBB2_61-.Ltmp29, $4  }
0x773: {  	v11 =	vld [tilespmem:s26+$0xFFFFFFF0];
	v9 =	vadd.f32 v17, v15  }
0x774: {  	v15 =	vadd.f32 v16, v18;
	v12 =	vld [tilespmem:s26+$0x0]  }
0x775: {  	v10 =	vld [tilespmem:s26+$0x10]  }
0x776: {  	s31 =	sadd.s32 $0x400, s31;
	v16 =	vadd.f32 v19, v15;
	v15 =	vadd.f32 v20, v13;
	v13 =	vld [tilespmem:s26+$0x20]  }
0x777: {  	_ = 	snop  }
0x778: {  	v7 =	vadd.f32 v14, v7;
	s23 =	sadd.s32 $0x1, s23;
	[tilespmem:s24+$0xFFFFFFC0] =	vst v16  }
0x779: {  	v5 =	vadd.f32 v11, v5;
	[tilespmem:s24+$0xFFFFFFD0] =	vst v15;
	p0 =	sne.s32 s23, $0x10  }
.Ltmp30:
0x77a: {  	v6 =	vadd.f32 v12, v6;
	[tilespmem:s24+$0xFFFFFFE0] =	vst v7;
	(pc) =	sbr.rel @p0 .LBB2_60-.Ltmp30, $4  }
0x77b: {  	v7 =	vadd.f32 v10, v8;
	[tilespmem:s24+$0xFFFFFFF0] =	vst v5  }
0x77c: {  	v5 =	vadd.f32 v13, v9;
	[tilespmem:s24+$0x0] =	vst v6  }
0x77d: {  	[tilespmem:s24+$0x10] =	vst v7  }
0x77e: {  	s22 =	sadd.s32 $0x1, s22;
	[tilespmem:s24+$0x20] =	vst v5  }
0x77f: {  	s23 =	sld [smem:$0x7F8];
	_ =	sdelay $0x1  }
0x780: {  	s22 =	simm.s32 $0x0  }
0x781: {  	[hbm4b:s23+s22] =	stream.linear.scatter [tilespmem:s5], [sflag:$0xC], $0x3000, $0x38;
	[tilespmem:$0x1C300] =	vst v63  }
0x782: {  	_ =	swait.ge [sflag:s1], $0x3000  }
0x783: {  	[sflag:s1] =	ssyncset.done $0x0  }
0x784: {  	[sflag:s1] =	ssyncadd.s32 $0xFFFFD000  }
0x785: {  	_ =	swait.ge [sflag:s0], $0x3000  }
0x786: {  	[sflag:s0] =	ssyncset.done $0x0  }
0x787: {  	[sflag:s0] =	ssyncadd.s32 $0xFFFFD000  }
0x788: {  	_ =	swait.ge [sflag:s3], $0x3000  }
0x789: {  	[sflag:s3] =	ssyncset.done $0x0  }
0x78a: {  	s23 =	simm.s32 $0x0;
	[sflag:s3] =	ssyncadd.s32 $0xFFFFD000  }
.LBB2_64:
0x78b: {  	s24 =	sshrl.u32 s23, $0x3  }
0x78c: {  	s25 =	sand.u32 $0x7, s22;
	s24 =	smul.u32 $0x6000, s24  }
0x78d: {  	s25 =	sshll.u32 s25, $0x9  }
0x78e: {  	s24 =	sor.u32 s25, s24  }
0x78f: {  	s26 =	sshra.s32 s24, $0x2  }
0x790: {  	s24 =	sadd.s32 $0x1340, s26  }
0x791: {  	s25 =	sadd.s32 $0xA340, s26;
	v5 =	vld [tilespmem:s24+$0x30]  }
0x792: {  	v6 =	vld [tilespmem:s25+$0x30]  }
0x793: {  	s26 =	sadd.s32 $0x13340, s26;
	v8 =	vld [tilespmem:s25+$0xFFFFFFC0]  }
0x794: {  	v7 =	vld [tilespmem:s26+$0x30]  }
0x795: {  	v9 =	vld [tilespmem:s24+$0xFFFFFFD0]  }
0x796: {  	v10 =	vld [tilespmem:s25+$0xFFFFFFD0]  }
0x797: {  	v11 =	vld [tilespmem:s24+$0xFFFFFFE0]  }
0x798: {  	v12 =	vld [tilespmem:s25+$0xFFFFFFE0]  }
0x799: {  	v13 =	vld [tilespmem:s24+$0xFFFFFFF0]  }
0x79a: {  	v15 =	vld [tilespmem:s25+$0xFFFFFFF0]  }
0x79b: {  	v16 =	vld [tilespmem:s24+$0x0]  }
0x79c: {  	v17 =	vld [tilespmem:s25+$0x0]  }
0x79d: {  	v18 =	vld [tilespmem:s24+$0x10]  }
0x79e: {  	v19 =	vld [tilespmem:s25+$0x10]  }
0x79f: {  	v20 =	vld [tilespmem:s24+$0x20]  }
0x7a0: {  	v21 =	vld [tilespmem:s25+$0x20]  }
0x7a1: {  	v22 =	vld [tilespmem:s24+$0xFFFFFFC0]  }
0x7a2: {  	v23 =	vld [tilespmem:s26+$0xFFFFFFC0]  }
0x7a3: {  	v24 =	vld [tilespmem:s26+$0xFFFFFFD0];
	v5 =	vadd.f32 v6, v5  }
0x7a4: {  	v14 =	vld [tilespmem:s26+$0xFFFFFFE0];
	v26 =	vadd.f32 v10, v9;
	v6 =	vadd.f32 v17, v16  }
0x7a5: {  	v25 =	vadd.f32 v7, v5;
	v7 =	vadd.f32 v12, v11;
	v11 =	vld [tilespmem:s26+$0xFFFFFFF0]  }
0x7a6: {  	v5 =	vadd.f32 v15, v13;
	v13 =	vadd.f32 v8, v22;
	v12 =	vld [tilespmem:s26+$0x0]  }
0x7a7: {  	v9 =	vadd.f32 v21, v20;
	v10 =	vld [tilespmem:s26+$0x10];
	v8 =	vadd.f32 v19, v18  }
0x7a8: {  	s28 =	simm.s32 $0x0;
	s31 =	sadd.s32 $0x400, s24;
	v15 =	vadd.f32 v24, v26;
	[tilespmem:s24+$0x30] =	vst v25;
	v16 =	vadd.f32 v23, v13;
	v13 =	vld [tilespmem:s26+$0x20]  }
.LBB2_65:
0x7a9: {  	v17 =	vld [tilespmem:s31+$0x30];
	v7 =	vadd.f32 v14, v7;
	s25 =	sadd.s32 $0x400, s25  }
0x7aa: {  	s28 =	sadd.s32 $0x8, s28;
	v14 =	vld [tilespmem:s25+$0x30];
	[tilespmem:s24+$0xFFFFFFC0] =	vst v16;
	v5 =	vadd.f32 v11, v5  }
0x7ab: {  	s26 =	sadd.s32 $0x400, s26;
	p0 =	slt.u32 s28, $0x28;
	v16 =	vld [tilespmem:s25+$0xFFFFFFC0];
	[tilespmem:s24+$0xFFFFFFD0] =	vst v15;
	v6 =	vadd.f32 v12, v6  }
0x7ac: {  	v11 =	vld [tilespmem:s26+$0x30];
	[tilespmem:s24+$0xFFFFFFE0] =	vst v7;
	v7 =	vadd.f32 v10, v8  }
0x7ad: {  	v8 =	vld [tilespmem:s31+$0xFFFFFFD0];
	[tilespmem:s24+$0xFFFFFFF0] =	vst v5;
	v5 =	vadd.f32 v13, v9  }
0x7ae: {  	v9 =	vld [tilespmem:s25+$0xFFFFFFD0];
	[tilespmem:s24+$0x0] =	vst v6  }
0x7af: {  	v6 =	vld [tilespmem:s31+$0xFFFFFFE0];
	v10 =	vadd.f32 v14, v17;
	[tilespmem:s24+$0x10] =	vst v7  }
0x7b0: {  	v7 =	vld [tilespmem:s25+$0xFFFFFFE0];
	[tilespmem:s24+$0x20] =	vst v5;
	s24 =	smov.u32 s31  }
0x7b1: {  	v5 =	vld [tilespmem:s31+$0xFFFFFFF0];
	v10 =	vadd.f32 v11, v10  }
0x7b2: {  	v11 =	vld [tilespmem:s25+$0xFFFFFFF0]  }
0x7b3: {  	v13 =	vadd.f32 v9, v8;
	v8 =	vld [tilespmem:s31+$0x0];
	[tilespmem:s31+$0x30] =	vst v10  }
0x7b4: {  	v9 =	vld [tilespmem:s25+$0x0]  }
0x7b5: {  	v7 =	vadd.f32 v7, v6;
	v10 =	vld [tilespmem:s31+$0x10]  }
0x7b6: {  	v12 =	vld [tilespmem:s25+$0x10]  }
0x7b7: {  	v5 =	vadd.f32 v11, v5;
	v15 =	vld [tilespmem:s31+$0x20]  }
0x7b8: {  	v17 =	vld [tilespmem:s25+$0x20]  }
0x7b9: {  	v18 =	vld [tilespmem:s31+$0xFFFFFFC0];
	v6 =	vadd.f32 v9, v8  }
0x7ba: {  	v19 =	vld [tilespmem:s26+$0xFFFFFFC0]  }
0x7bb: {  	v20 =	vld [tilespmem:s26+$0xFFFFFFD0];
	v8 =	vadd.f32 v12, v10  }
.Ltmp31:
0x7bc: {  	v14 =	vld [tilespmem:s26+$0xFFFFFFE0];
	(pc) =	sbr.rel @p0 .LBB2_65-.Ltmp31, $4  }
0x7bd: {  	v11 =	vld [tilespmem:s26+$0xFFFFFFF0];
	v9 =	vadd.f32 v17, v15  }
0x7be: {  	v15 =	vadd.f32 v16, v18;
	v12 =	vld [tilespmem:s26+$0x0]  }
0x7bf: {  	v10 =	vld [tilespmem:s26+$0x10]  }
0x7c0: {  	s31 =	sadd.s32 $0x400, s31;
	v16 =	vadd.f32 v19, v15;
	v15 =	vadd.f32 v20, v13;
	v13 =	vld [tilespmem:s26+$0x20]  }
0x7c1: {  	_ = 	snop  }
0x7c2: {  	v7 =	vadd.f32 v14, v7;
	s23 =	sadd.s32 $0x1, s23;
	[tilespmem:s24+$0xFFFFFFC0] =	vst v16  }
0x7c3: {  	v5 =	vadd.f32 v11, v5;
	[tilespmem:s24+$0xFFFFFFD0] =	vst v15;
	p0 =	sne.s32 s23, $0x10  }
.Ltmp32:
0x7c4: {  	v6 =	vadd.f32 v12, v6;
	[tilespmem:s24+$0xFFFFFFE0] =	vst v7;
	(pc) =	sbr.rel @p0 .LBB2_64-.Ltmp32, $4  }
0x7c5: {  	v7 =	vadd.f32 v10, v8;
	[tilespmem:s24+$0xFFFFFFF0] =	vst v5  }
0x7c6: {  	v5 =	vadd.f32 v13, v9;
	[tilespmem:s24+$0x0] =	vst v6  }
0x7c7: {  	[tilespmem:s24+$0x10] =	vst v7  }
0x7c8: {  	s22 =	sadd.s32 $0x1, s22;
	[tilespmem:s24+$0x20] =	vst v5  }
0x7c9: {  	s23 =	sld [smem:$0x7F9];
	_ =	sdelay $0x1  }
0x7ca: {  	s22 =	simm.s32 $0x0  }
0x7cb: {  	[hbm4b:s23+s22] =	stream.linear.scatter [tilespmem:s16], [sflag:$0xA], $0x3000, $0x38;
	[tilespmem:$0x1C300] =	vst v63  }
0x7cc: {  	_ =	swait.ge [sflag:s9], $0x3000  }
0x7cd: {  	[sflag:s9] =	ssyncset.done $0x0  }
0x7ce: {  	[sflag:s9] =	ssyncadd.s32 $0xFFFFD000  }
0x7cf: {  	_ =	swait.ge [sflag:s20], $0x3000  }
0x7d0: {  	[sflag:s20] =	ssyncset.done $0x0  }
0x7d1: {  	[sflag:s20] =	ssyncadd.s32 $0xFFFFD000  }
0x7d2: {  	_ =	swait.ge [sflag:s4], $0x3000  }
0x7d3: {  	s31 =	sld [smem:$0x7FD];
	_ =	sdelay $0x1  }
0x7d4: {  	s21 =	sadd.s32 $0x1, s21  }
0x7d5: {  	p0 =	sne.s32 s21, s31  }
.Ltmp33:
0x7d6: {  	_ = 	snop;
	(pc) =	sbr.rel @p0 .LBB2_1-.Ltmp33, $3  }
0x7d7: {  	_ =	sdelay $0x1  }
0x7d8: {  	[sflag:s4] =	ssyncset.done $0x0  }
0x7d9: {  	[sflag:s4] =	ssyncadd.s32 $0xFFFFD000  }
0x7da: {  	_ =	sfence.sel $0x180000  }
0x7db: {  	[bflag:$0x0] =	sbarrier.arrive $0xFFFF  }
0x7dc: {  	_ =	strace $0x90000047  }
0x7dd: {  	s0 =	stileid.u32;
	[bflag:$0x2] =	sbarrier.arrive $0xFFFF  }
0x7de: {  	p0 =	sne.s32 s0, $0x0;
	s0 =	rddreg [dreg:$0x5]  }
0x7df: {  	s0 =	sadd.s32 @!p0 $0x100000, s0  }
0x7e0: {  	[sflag:s0] =	ssyncadd.tile.s32 @!p0 $0x1;
	_ =	shalt  }
.Lfunc_end2:
_tile_overlayer_lowered:
.L_overlay_start_2:
0x7e1: {  	(tag) =	ssettag $0x2  }
0x7e2: {  	s0 =	rddreg [dreg:$0x0];
	s2 =	stileid.u32  }
0x7e3: {  	s1 =	rddreg [dreg:$0x1];
	p0 =	sne.s32 s2, $0x0  }
0x7e4: {  	s3 =	rddreg [dreg:$0x2];
	[bflag:$0x3] =	sbarrier.arrive $0xFFFF;
	s2 =	simm.s32 @!p0 $0x1C0D  }
0x7e5: {  	[timem:s3], [sflag:s2] =	dma.local @!p0 [hbm:s0], s1  }
0x7e6: {  	s0 =	simm.s32 @!p0 $0xD  }
0x7e7: {  	_ =	swait.ge @!p0 [sflag:s0], s1  }
0x7e8: {  	s1 =	ssub.s32 @!p0 $0x0, s1;
	[sflag:s0] =	ssyncset.done @!p0 $0x0  }
0x7e9: {  	[sflag:s0] =	ssyncadd.s32 @!p0 s1  }
0x7ea: {  	[bflag:$0x3] =	sbarrier.arrive $0xFFFF  }
0x7eb: {  	_ =	shalt  }

</sc_bundles>
